<compile_context>
chip_gen: v7x
topology: tpu7x:2x2x1
jax: 0.10.2.dev20260603
libtpu: 0.0.44.dev20260713+nightly
codegen_flags: <defaults>
</compile_context>

<pallas_src>
import functools

import jax
import jax.numpy as jnp
from jax import lax
from jax.experimental import pallas as pl
from jax.experimental.pallas import tpu as pltpu
from jax.experimental.pallas import tpu_sc as plsc

N = 10000
E = 320000
D = 128
NPAD = 10240

NC = 2
NS = 16
NW = NC * NS
EPW = E // NW
CH = 125
NCHUNK = EPW // CH
PCH = 40
BUF = 128
RPT = NPAD // NS

_MESH = plsc.VectorSubcoreMesh(
    core_axis_name="c", subcore_axis_name="s", num_cores=NC, num_subcores=NS
)


def _zero_vmem_rows(ref, nrows, ncols):
    zvec = jnp.zeros((16,), jnp.float32)

    def zrow(i, carry):
        for j in range(ncols // 16):
            ref[i, pl.ds(j * 16, 16)] = zvec
        return carry

    lax.fori_loop(0, nrows, zrow, 0)


def _sc_agg_body(src2_hbm, dst2_hbm, h_hbm, acc_out, sidx_v, didx_v,
                 buf0, buf1, acc_s, gsem0, gsem1):
    c = lax.axis_index("c")
    s = lax.axis_index("s")
    wid = s * NC + c
    r0 = s * RPT
    bufs = (buf0, buf1)
    gsems = (gsem0, gsem1)

    _zero_vmem_rows(buf0, BUF, D)
    for j in range(RPT // BUF):
        pltpu.sync_copy(buf0, acc_s.at[pl.ds(r0 + j * BUF, BUF)])
    plsc.subcore_barrier()

    for ph in range(NCHUNK // PCH):
        base_row = wid * NCHUNK + ph * PCH
        pltpu.sync_copy(src2_hbm.at[pl.ds(base_row, PCH)], sidx_v)
        pltpu.sync_copy(dst2_hbm.at[pl.ds(base_row, PCH)], didx_v)
        pltpu.async_copy(h_hbm.at[sidx_v.at[0]], buf0.at[pl.ds(0, CH)], gsem0)

        def step(g, carry):
            for b in range(2):
                i = g * 2 + b
                nb = 1 - b

                @pl.when(i + 1 < PCH)
                def _():
                    pltpu.async_copy(h_hbm.at[sidx_v.at[i + 1]],
                                     bufs[nb].at[pl.ds(0, CH)], gsems[nb])

                pltpu.make_async_copy(h_hbm.at[sidx_v.at[i]],
                                      bufs[b].at[pl.ds(0, CH)], gsems[b]).wait()
                pltpu.sync_copy(bufs[b].at[pl.ds(0, CH)],
                                acc_s.at[didx_v.at[i]], add=True)
            return carry

        lax.fori_loop(0, PCH // 2, step, 0)
    plsc.subcore_barrier()

    pltpu.sync_copy(acc_s.at[pl.ds(r0, RPT)], acc_out.at[c, pl.ds(r0, RPT)])


_sc_agg = pl.kernel(
    _sc_agg_body,
    out_type=[jax.ShapeDtypeStruct((NC, NPAD, D), jnp.float32)],
    mesh=_MESH,
    scratch_types=[
        pltpu.VMEM((PCH, CH), jnp.int32),
        pltpu.VMEM((PCH, CH), jnp.int32),
        pltpu.VMEM((BUF, D), jnp.float32),
        pltpu.VMEM((BUF, D), jnp.float32),
        pltpu.VMEM_SHARED((NPAD, D), jnp.float32),
        pltpu.SemaphoreType.DMA,
        pltpu.SemaphoreType.DMA,
    ],
)


def _sc_agg_deg_body(src2_hbm, dst2_hbm, h_hbm, acc_out, deg_out, sidx_v,
                     didx_v, buf0, buf1, acc_s, gsem0, gsem1, dsem):
    c = lax.axis_index("c")
    s = lax.axis_index("s")
    wid = s * NC + c
    r0 = s * RPT
    bufs = (buf0, buf1)
    gsems = (gsem0, gsem1)

    _zero_vmem_rows(buf0, BUF, D)
    for j in range(RPT // BUF):
        pltpu.sync_copy(buf0, acc_s.at[pl.ds(r0 + j * BUF, BUF)])
    plsc.subcore_barrier()

    for ph in range(NCHUNK // PCH):
        base_row = wid * NCHUNK + ph * PCH
        pltpu.sync_copy(src2_hbm.at[pl.ds(base_row, PCH)], sidx_v)
        pltpu.sync_copy(dst2_hbm.at[pl.ds(base_row, PCH)], didx_v)
        pltpu.async_copy(h_hbm.at[sidx_v.at[0]], buf0.at[pl.ds(0, CH)], gsem0)

        def step(g, carry):
            for b in range(2):
                i = g * 2 + b
                nb = 1 - b

                @pl.when(i + 1 < PCH)
                def _():
                    pltpu.async_copy(h_hbm.at[sidx_v.at[i + 1]],
                                     bufs[nb].at[pl.ds(0, CH)], gsems[nb])

                pltpu.make_async_copy(h_hbm.at[sidx_v.at[i]],
                                      bufs[b].at[pl.ds(0, CH)], gsems[b]).wait()
                pltpu.sync_copy(bufs[b].at[pl.ds(0, CH)],
                                acc_s.at[didx_v.at[i]], add=True)
            return carry

        lax.fori_loop(0, PCH // 2, step, 0)
    plsc.subcore_barrier()

    pltpu.sync_copy(acc_s.at[pl.ds(r0, RPT)], acc_out.at[c, pl.ds(r0, RPT)])

    _zero_vmem_rows(buf0, BUF, D)
    for j in range(RPT // BUF):
        pltpu.sync_copy(buf0, acc_s.at[pl.ds(r0 + j * BUF, BUF)])
    onevec = jnp.full((16,), 1.0, jnp.float32)

    def orow(i, carry):
        for j in range(D // 16):
            buf0[i, pl.ds(j * 16, 16)] = onevec
        return carry

    lax.fori_loop(0, BUF, orow, 0)
    plsc.subcore_barrier()

    DK = 8
    for ph in range(NCHUNK // PCH):
        pltpu.sync_copy(dst2_hbm.at[pl.ds(wid * NCHUNK + ph * PCH, PCH)],
                        didx_v)

        def dbody(gg, carry):
            for k in range(DK):
                pltpu.async_copy(buf0.at[pl.ds(0, CH)],
                                 acc_s.at[didx_v.at[gg * DK + k]], dsem,
                                 add=True)
            for k in range(DK):
                pltpu.make_async_copy(buf0.at[pl.ds(0, CH)],
                                      acc_s.at[didx_v.at[gg * DK + k]],
                                      dsem).wait()
            return carry

        lax.fori_loop(0, PCH // DK, dbody, 0)
    plsc.subcore_barrier()

    pltpu.sync_copy(acc_s.at[pl.ds(r0, RPT)], deg_out.at[c, pl.ds(r0, RPT)])


_sc_agg_deg = pl.kernel(
    _sc_agg_deg_body,
    out_type=[
        jax.ShapeDtypeStruct((NC, NPAD, D), jnp.float32),
        jax.ShapeDtypeStruct((NC, NPAD, D), jnp.float32),
    ],
    mesh=_MESH,
    scratch_types=[
        pltpu.VMEM((PCH, CH), jnp.int32),
        pltpu.VMEM((PCH, CH), jnp.int32),
        pltpu.VMEM((BUF, D), jnp.float32),
        pltpu.VMEM((BUF, D), jnp.float32),
        pltpu.VMEM_SHARED((NPAD, D), jnp.float32),
        pltpu.SemaphoreType.DMA,
        pltpu.SemaphoreType.DMA,
        pltpu.SemaphoreType.DMA,
    ],
)


def _inv_body(deg_ref, out_ref):
    d = deg_ref[0, :, 0:1] + deg_ref[1, :, 0:1]
    out_ref[...] = 1.0 / jnp.maximum(d, 1.0)


_IRB = 512


def _inv_deg(deg):
    return pl.pallas_call(
        _inv_body,
        grid=(NPAD // _IRB,),
        in_specs=[pl.BlockSpec((NC, _IRB, D), lambda i: (0, i, 0))],
        out_specs=pl.BlockSpec((_IRB, 1), lambda i: (i, 0)),
        out_shape=jax.ShapeDtypeStruct((NPAD, 1), jnp.float32),
    )(deg)


_RB = 400


def _layer_body(relu, fc, *refs):
    if fc:
        acc, inv, h, Wl, bl, Wr, Wfc, bfc, out = refs
    else:
        acc, inv, h, Wl, bl, Wr, out = refs
    agg = (acc[0] + acc[1]) * inv[...]
    y = (jnp.dot(agg, Wl[...], preferred_element_type=jnp.float32)
         + jnp.dot(h[...], Wr[...], preferred_element_type=jnp.float32)
         + bl[...])
    if relu:
        y = jnp.maximum(y, 0.0)
    if fc:
        y = jnp.dot(y, Wfc[...], preferred_element_type=jnp.float32) + bfc[...]
    out[...] = y


def _tc_layer(acc, inv, h, Wl, bl, Wr, Wfc=None, bfc=None, relu=True):
    fc = Wfc is not None
    in_specs = [
        pl.BlockSpec((NC, _RB, D), lambda i: (0, i, 0)),
        pl.BlockSpec((_RB, 1), lambda i: (i, 0)),
        pl.BlockSpec((_RB, D), lambda i: (i, 0)),
        pl.BlockSpec((D, D), lambda i: (0, 0)),
        pl.BlockSpec((1, D), lambda i: (0, 0)),
        pl.BlockSpec((D, D), lambda i: (0, 0)),
    ]
    args = [acc, inv, h, Wl, bl.reshape(1, D), Wr]
    if fc:
        in_specs += [
            pl.BlockSpec((D, D), lambda i: (0, 0)),
            pl.BlockSpec((1, D), lambda i: (0, 0)),
        ]
        args += [Wfc, bfc]
    return pl.pallas_call(
        functools.partial(_layer_body, relu, fc),
        grid=(N // _RB,),
        in_specs=in_specs,
        out_specs=pl.BlockSpec((_RB, D), lambda i: (i, 0)),
        out_shape=jax.ShapeDtypeStruct((N, D), jnp.float32),
    )(*args)


def kernel(x, edge_index, W1l, b1l, W1r, W2l, b2l, W2r, W3l, b3l, W3r, Wfc, bfc):
    src = edge_index[0].reshape(NW * NCHUNK, CH)
    dst = edge_index[1].reshape(NW * NCHUNK, CH)

    acc1, deg = _sc_agg_deg(src, dst, x)
    inv = _inv_deg(deg)
    h1 = _tc_layer(acc1, inv, x, W1l, b1l, W1r)
    (acc2,) = _sc_agg(src, dst, h1)
    h2 = _tc_layer(acc2, inv, h1, W2l, b2l, W2r)
    (acc3,) = _sc_agg(src, dst, h2)
    Wfc_p = jnp.zeros((D, D), jnp.float32).at[:, : Wfc.shape[1]].set(Wfc)
    bfc_p = jnp.zeros((1, D), jnp.float32).at[0, : bfc.shape[0]].set(bfc)
    pre = _tc_layer(acc3, inv, h2, W3l, b3l, W3r, Wfc_p, bfc_p, relu=False)
    return pre[:, : Wfc.shape[1]]

# --- scband reference (transcript-rebuilt; emitter-appended) ---
"""Pipeline reference for scband-sage-17248588661531 (READ-ONLY COPY).

The authoritative reference and input builder live on the scoring server;
editing this copy changes nothing except your own understanding.
"""

import jax, jax.numpy as jnp
import numpy as np

N = 10000
E = 320000
D = 128
H = 128
C = 40


def _init_linear(key, fan_in, fan_out):
    bound = 1.0 / np.sqrt(fan_in)
    return jax.random.uniform(key, (fan_in, fan_out), jnp.float32, -bound, bound)


def setup_inputs(seed: int = 0) -> dict:
    key = jax.random.key(seed)
    ks = jax.random.split(key, 16)
    x = jax.random.normal(ks[0], (N, D), jnp.float32)
    edge_index = jax.random.randint(ks[1], (2, E), 0, N, dtype=jnp.int32)
    inp = {"x": x, "edge_index": edge_index}
    # SAGEConv layer 1: D -> H
    inp["W1l"] = _init_linear(ks[2], D, H)
    inp["b1l"] = jnp.zeros((H,), jnp.float32)
    inp["W1r"] = _init_linear(ks[3], D, H)
    # SAGEConv layer 2: H -> H
    inp["W2l"] = _init_linear(ks[4], H, H)
    inp["b2l"] = jnp.zeros((H,), jnp.float32)
    inp["W2r"] = _init_linear(ks[5], H, H)
    # SAGEConv layer 3: H -> n_classes (=H here so fc dims line up, as the torch code requires)
    inp["W3l"] = _init_linear(ks[6], H, H)
    inp["b3l"] = jnp.zeros((H,), jnp.float32)
    inp["W3r"] = _init_linear(ks[7], H, H)
    # fc: n_hidden -> classes
    inp["Wfc"] = _init_linear(ks[8], H, C)
    inp["bfc"] = jnp.zeros((C,), jnp.float32)
    return inp


def _sage_conv(x, src, dst, Wl, bl, Wr):
    # PyG SAGEConv with aggr='mean', normalize=False:
    #   out = lin_l(mean_{j in N(i)} x_j) + lin_r(x_i)
    msgs = x[src]  # gather: [E, d]
    agg = jax.ops.segment_sum(msgs, dst, num_segments=N)
    deg = jax.ops.segment_sum(jnp.ones((msgs.shape[0], 1), x.dtype), dst, num_segments=N)
    agg = agg / jnp.maximum(deg, 1.0)
    return agg @ Wl + bl + x @ Wr


def reference(x, edge_index, W1l, b1l, W1r, W2l, b2l, W2r, W3l, b3l, W3r, Wfc, bfc):
    src = edge_index[0]
    dst = edge_index[1]
    # dropout(p) in eval mode is identity; omitted for determinism
    h = _sage_conv(x, src, dst, W1l, b1l, W1r)
    h = jax.nn.relu(h)
    h = _sage_conv(h, src, dst, W2l, b2l, W2r)
    h = jax.nn.relu(h)
    h = _sage_conv(h, src, dst, W3l, b3l, W3r)
    pre = h @ Wfc + bfc
    return pre

if __name__ == "__main__":
    import jax
    _d = setup_inputs()
    print(jax.jit(kernel)(*tuple(_d.values())))

</pallas_src>

<mosaic_0001>
#map = affine_map<(d0, d1) -> (0, 0)>
#map1 = affine_map<(d0, d1) -> (0, 0, 0)>
module attributes {stable_mosaic.version = 14 : i64} {
  func.func @_sc_agg_deg_body(%arg0: i32, %arg1: i32, %arg2: memref<2560x125xi32, #tpu.memory_space<hbm>>, %arg3: memref<2560x125xi32, #tpu.memory_space<hbm>>, %arg4: memref<10000x128xf32, #tpu.memory_space<hbm>>, %arg5: memref<2x10240x128xf32, #tpu.memory_space<hbm>>, %arg6: memref<2x10240x128xf32, #tpu.memory_space<hbm>>, %arg7: memref<40x125xi32, #tpu.memory_space<vmem>>, %arg8: memref<40x125xi32, #tpu.memory_space<vmem>>, %arg9: memref<128x128xf32, #tpu.memory_space<vmem>>, %arg10: memref<128x128xf32, #tpu.memory_space<vmem>>, %arg11: memref<10240x128xf32, #tpu.memory_space<vmem_shared>>, %arg12: memref<!tpu.dma_semaphore, #tpu.memory_space<semaphore_mem>>, %arg13: memref<!tpu.dma_semaphore, #tpu.memory_space<semaphore_mem>>, %arg14: memref<!tpu.dma_semaphore, #tpu.memory_space<semaphore_mem>>) attributes {dimension_semantics = [#tpu.dimension_semantics<core_parallel>, #tpu.dimension_semantics<subcore_parallel>], iteration_bounds = array<i64: 2, 16>, scalar_prefetch = 0 : i64, scratch_operands = 8 : i64, tpu.core_type = #tpu.core_type<sc_vector_subcore>, window_params = [{transform_indices = #map}, {transform_indices = #map}, {transform_indices = #map}, {transform_indices = #map1}, {transform_indices = #map1}]} {
    %mul3A = arith.constant 2 : i32
    %mul3A_0 = arith.muli %arg1, %mul3A : i32
    %add3A = arith.addi %mul3A_0, %arg0 : i32
    %mul3A_1 = arith.constant 640 : i32
    %mul3A_2 = arith.muli %arg1, %mul3A_1 : i32
    %broadcast_in_dim3A = arith.constant 0.000000e+00 : f32
    %broadcast_in_dim3A_3 = vector.broadcast %broadcast_in_dim3A : f32 to vector<16xf32>
    %scan3A = arith.constant 0 : i32
    %scan3A_4 = arith.constant 0 : i32
    %scan3A_5 = arith.constant 128 : i32
    %scan3A_6 = arith.addi %scan3A_4, %scan3A_5 : i32
    %scan3A_7 = arith.constant 1 : i32
    scf.for %scan3A_107 = %scan3A_4 to %scan3A_6 step %scan3A_7  : i32 {
      %swap3A = arith.index_cast %scan3A_107 : i32 to index
      %swap3A_108 = arith.constant 0 : index
      %swap3A_109 = tpu.vector_load %arg9[%swap3A, %swap3A_108] {strides = array<i32>} : memref<128x128xf32, #tpu.memory_space<vmem>>, vector<1x16xf32>,
      %swap3A_110 = vector.shape_cast %swap3A_109 : vector<1x16xf32> to vector<16xf32>
      %swap3A_111 = vector.shape_cast %broadcast_in_dim3A_3 : vector<16xf32> to vector<1x16xf32>
      tpu.vector_store %arg9[%swap3A, %swap3A_108], %swap3A_111 {strides = array<i32>} : memref<128x128xf32, #tpu.memory_space<vmem>>, vector<1x16xf32>,
      %swap3A_112 = arith.index_cast %scan3A_107 : i32 to index
      %swap3A_113 = arith.constant 16 : index
      %swap3A_114 = tpu.vector_load %arg9[%swap3A_112, %swap3A_113] {strides = array<i32>} : memref<128x128xf32, #tpu.memory_space<vmem>>, vector<1x16xf32>,
      %swap3A_115 = vector.shape_cast %swap3A_114 : vector<1x16xf32> to vector<16xf32>
      %swap3A_116 = vector.shape_cast %broadcast_in_dim3A_3 : vector<16xf32> to vector<1x16xf32>
      tpu.vector_store %arg9[%swap3A_112, %swap3A_113], %swap3A_116 {strides = array<i32>} : memref<128x128xf32, #tpu.memory_space<vmem>>, vector<1x16xf32>,
      %swap3A_117 = arith.index_cast %scan3A_107 : i32 to index
      %swap3A_118 = arith.constant 32 : index
      %swap3A_119 = tpu.vector_load %arg9[%swap3A_117, %swap3A_118] {strides = array<i32>} : memref<128x128xf32, #tpu.memory_space<vmem>>, vector<1x16xf32>,
      %swap3A_120 = vector.shape_cast %swap3A_119 : vector<1x16xf32> to vector<16xf32>
      %swap3A_121 = vector.shape_cast %broadcast_in_dim3A_3 : vector<16xf32> to vector<1x16xf32>
      tpu.vector_store %arg9[%swap3A_117, %swap3A_118], %swap3A_121 {strides = array<i32>} : memref<128x128xf32, #tpu.memory_space<vmem>>, vector<1x16xf32>,
      %swap3A_122 = arith.index_cast %scan3A_107 : i32 to index
      %swap3A_123 = arith.constant 48 : index
      %swap3A_124 = tpu.vector_load %arg9[%swap3A_122, %swap3A_123] {strides = array<i32>} : memref<128x128xf32, #tpu.memory_space<vmem>>, vector<1x16xf32>,
      %swap3A_125 = vector.shape_cast %swap3A_124 : vector<1x16xf32> to vector<16xf32>
      %swap3A_126 = vector.shape_cast %broadcast_in_dim3A_3 : vector<16xf32> to vector<1x16xf32>
      tpu.vector_store %arg9[%swap3A_122, %swap3A_123], %swap3A_126 {strides = array<i32>} : memref<128x128xf32, #tpu.memory_space<vmem>>, vector<1x16xf32>,
      %swap3A_127 = arith.index_cast %scan3A_107 : i32 to index
      %swap3A_128 = arith.constant 64 : index
      %swap3A_129 = tpu.vector_load %arg9[%swap3A_127, %swap3A_128] {strides = array<i32>} : memref<128x128xf32, #tpu.memory_space<vmem>>, vector<1x16xf32>,
      %swap3A_130 = vector.shape_cast %swap3A_129 : vector<1x16xf32> to vector<16xf32>
      %swap3A_131 = vector.shape_cast %broadcast_in_dim3A_3 : vector<16xf32> to vector<1x16xf32>
      tpu.vector_store %arg9[%swap3A_127, %swap3A_128], %swap3A_131 {strides = array<i32>} : memref<128x128xf32, #tpu.memory_space<vmem>>, vector<1x16xf32>,
      %swap3A_132 = arith.index_cast %scan3A_107 : i32 to index
      %swap3A_133 = arith.constant 80 : index
      %swap3A_134 = tpu.vector_load %arg9[%swap3A_132, %swap3A_133] {strides = array<i32>} : memref<128x128xf32, #tpu.memory_space<vmem>>, vector<1x16xf32>,
      %swap3A_135 = vector.shape_cast %swap3A_134 : vector<1x16xf32> to vector<16xf32>
      %swap3A_136 = vector.shape_cast %broadcast_in_dim3A_3 : vector<16xf32> to vector<1x16xf32>
      tpu.vector_store %arg9[%swap3A_132, %swap3A_133], %swap3A_136 {strides = array<i32>} : memref<128x128xf32, #tpu.memory_space<vmem>>, vector<1x16xf32>,
      %swap3A_137 = arith.index_cast %scan3A_107 : i32 to index
      %swap3A_138 = arith.constant 96 : index
      %swap3A_139 = tpu.vector_load %arg9[%swap3A_137, %swap3A_138] {strides = array<i32>} : memref<128x128xf32, #tpu.memory_space<vmem>>, vector<1x16xf32>,
      %swap3A_140 = vector.shape_cast %swap3A_139 : vector<1x16xf32> to vector<16xf32>
      %swap3A_141 = vector.shape_cast %broadcast_in_dim3A_3 : vector<16xf32> to vector<1x16xf32>
      tpu.vector_store %arg9[%swap3A_137, %swap3A_138], %swap3A_141 {strides = array<i32>} : memref<128x128xf32, #tpu.memory_space<vmem>>, vector<1x16xf32>,
      %swap3A_142 = arith.index_cast %scan3A_107 : i32 to index
      %swap3A_143 = arith.constant 112 : index
      %swap3A_144 = tpu.vector_load %arg9[%swap3A_142, %swap3A_143] {strides = array<i32>} : memref<128x128xf32, #tpu.memory_space<vmem>>, vector<1x16xf32>,
      %swap3A_145 = vector.shape_cast %swap3A_144 : vector<1x16xf32> to vector<16xf32>
      %swap3A_146 = vector.shape_cast %broadcast_in_dim3A_3 : vector<16xf32> to vector<1x16xf32>
      tpu.vector_store %arg9[%swap3A_142, %swap3A_143], %swap3A_146 {strides = array<i32>} : memref<128x128xf32, #tpu.memory_space<vmem>>, vector<1x16xf32>,
    }
    %scan3A_8 = arith.constant 128 : i32
    %add3A_9 = arith.constant 0 : i32
    %add3A_10 = arith.addi %mul3A_2, %add3A_9 : i32
    "tpu.region"() ({
      %run_scoped3A = tpu.sem_alloc : memref<!tpu.dma_semaphore, #tpu.memory_space<semaphore_mem>>
      %dma_start3A_107 = arith.constant 0 : i32
      %dma_start3A_108 = tpu.memref_slice %arg11[%add3A_10, %dma_start3A_107] : memref<10240x128xf32, #tpu.memory_space<vmem_shared>> -> memref<128x128xf32, #tpu.memory_space<vmem_shared>>
      %dma_start3A_109 = arith.constant 0 : i32
      %dma_start3A_110 = tpu.memref_slice %arg11[%add3A_10, %dma_start3A_109] : memref<10240x128xf32, #tpu.memory_space<vmem_shared>> -> memref<128x128xf32, #tpu.memory_space<vmem_shared>>
      tpu.enqueue_dma source(%arg9 : memref<128x128xf32, #tpu.memory_space<vmem>>) target(%dma_start3A_110 : memref<128x128xf32, #tpu.memory_space<vmem_shared>>) target_semaphore(%run_scoped3A : memref<!tpu.dma_semaphore, #tpu.memory_space<semaphore_mem>>)
      %dma_wait3A = arith.constant 0 : i32
      %dma_wait3A_111 = tpu.memref_slice %arg11[%add3A_10, %dma_wait3A] : memref<10240x128xf32, #tpu.memory_space<vmem_shared>> -> memref<128x128xf32, #tpu.memory_space<vmem_shared>>
      %dma_wait3A_112 = arith.constant 0 : i32
      %dma_wait3A_113 = tpu.memref_slice %arg11[%add3A_10, %dma_wait3A_112] : memref<10240x128xf32, #tpu.memory_space<vmem_shared>> -> memref<128x128xf32, #tpu.memory_space<vmem_shared>>
      tpu.wait_dma2 semaphore(%run_scoped3A : memref<!tpu.dma_semaphore, #tpu.memory_space<semaphore_mem>>) src(%arg9 : memref<128x128xf32, #tpu.memory_space<vmem>>) dst(%dma_wait3A_113 : memref<128x128xf32, #tpu.memory_space<vmem_shared>>)
      tpu.yield
    }) : () -> ()
    %add3A_11 = arith.constant 128 : i32
    %add3A_12 = arith.addi %mul3A_2, %add3A_11 : i32
    "tpu.region"() ({
      %run_scoped3A = tpu.sem_alloc : memref<!tpu.dma_semaphore, #tpu.memory_space<semaphore_mem>>
      %dma_start3A_107 = arith.constant 0 : i32
      %dma_start3A_108 = tpu.memref_slice %arg11[%add3A_12, %dma_start3A_107] : memref<10240x128xf32, #tpu.memory_space<vmem_shared>> -> memref<128x128xf32, #tpu.memory_space<vmem_shared>>
      %dma_start3A_109 = arith.constant 0 : i32
      %dma_start3A_110 = tpu.memref_slice %arg11[%add3A_12, %dma_start3A_109] : memref<10240x128xf32, #tpu.memory_space<vmem_shared>> -> memref<128x128xf32, #tpu.memory_space<vmem_shared>>
      tpu.enqueue_dma source(%arg9 : memref<128x128xf32, #tpu.memory_space<vmem>>) target(%dma_start3A_110 : memref<128x128xf32, #tpu.memory_space<vmem_shared>>) target_semaphore(%run_scoped3A : memref<!tpu.dma_semaphore, #tpu.memory_space<semaphore_mem>>)
      %dma_wait3A = arith.constant 0 : i32
      %dma_wait3A_111 = tpu.memref_slice %arg11[%add3A_12, %dma_wait3A] : memref<10240x128xf32, #tpu.memory_space<vmem_shared>> -> memref<128x128xf32, #tpu.memory_space<vmem_shared>>
      %dma_wait3A_112 = arith.constant 0 : i32
      %dma_wait3A_113 = tpu.memref_slice %arg11[%add3A_12, %dma_wait3A_112] : memref<10240x128xf32, #tpu.memory_space<vmem_shared>> -> memref<128x128xf32, #tpu.memory_space<vmem_shared>>
      tpu.wait_dma2 semaphore(%run_scoped3A : memref<!tpu.dma_semaphore, #tpu.memory_space<semaphore_mem>>) src(%arg9 : memref<128x128xf32, #tpu.memory_space<vmem>>) dst(%dma_wait3A_113 : memref<128x128xf32, #tpu.memory_space<vmem_shared>>)
      tpu.yield
    }) : () -> ()
    %add3A_13 = arith.constant 256 : i32
    %add3A_14 = arith.addi %mul3A_2, %add3A_13 : i32
    "tpu.region"() ({
      %run_scoped3A = tpu.sem_alloc : memref<!tpu.dma_semaphore, #tpu.memory_space<semaphore_mem>>
      %dma_start3A_107 = arith.constant 0 : i32
      %dma_start3A_108 = tpu.memref_slice %arg11[%add3A_14, %dma_start3A_107] : memref<10240x128xf32, #tpu.memory_space<vmem_shared>> -> memref<128x128xf32, #tpu.memory_space<vmem_shared>>
      %dma_start3A_109 = arith.constant 0 : i32
      %dma_start3A_110 = tpu.memref_slice %arg11[%add3A_14, %dma_start3A_109] : memref<10240x128xf32, #tpu.memory_space<vmem_shared>> -> memref<128x128xf32, #tpu.memory_space<vmem_shared>>
      tpu.enqueue_dma source(%arg9 : memref<128x128xf32, #tpu.memory_space<vmem>>) target(%dma_start3A_110 : memref<128x128xf32, #tpu.memory_space<vmem_shared>>) target_semaphore(%run_scoped3A : memref<!tpu.dma_semaphore, #tpu.memory_space<semaphore_mem>>)
      %dma_wait3A = arith.constant 0 : i32
      %dma_wait3A_111 = tpu.memref_slice %arg11[%add3A_14, %dma_wait3A] : memref<10240x128xf32, #tpu.memory_space<vmem_shared>> -> memref<128x128xf32, #tpu.memory_space<vmem_shared>>
      %dma_wait3A_112 = arith.constant 0 : i32
      %dma_wait3A_113 = tpu.memref_slice %arg11[%add3A_14, %dma_wait3A_112] : memref<10240x128xf32, #tpu.memory_space<vmem_shared>> -> memref<128x128xf32, #tpu.memory_space<vmem_shared>>
      tpu.wait_dma2 semaphore(%run_scoped3A : memref<!tpu.dma_semaphore, #tpu.memory_space<semaphore_mem>>) src(%arg9 : memref<128x128xf32, #tpu.memory_space<vmem>>) dst(%dma_wait3A_113 : memref<128x128xf32, #tpu.memory_space<vmem_shared>>)
      tpu.yield
    }) : () -> ()
    %add3A_15 = arith.constant 384 : i32
    %add3A_16 = arith.addi %mul3A_2, %add3A_15 : i32
    "tpu.region"() ({
      %run_scoped3A = tpu.sem_alloc : memref<!tpu.dma_semaphore, #tpu.memory_space<semaphore_mem>>
      %dma_start3A_107 = arith.constant 0 : i32
      %dma_start3A_108 = tpu.memref_slice %arg11[%add3A_16, %dma_start3A_107] : memref<10240x128xf32, #tpu.memory_space<vmem_shared>> -> memref<128x128xf32, #tpu.memory_space<vmem_shared>>
      %dma_start3A_109 = arith.constant 0 : i32
      %dma_start3A_110 = tpu.memref_slice %arg11[%add3A_16, %dma_start3A_109] : memref<10240x128xf32, #tpu.memory_space<vmem_shared>> -> memref<128x128xf32, #tpu.memory_space<vmem_shared>>
      tpu.enqueue_dma source(%arg9 : memref<128x128xf32, #tpu.memory_space<vmem>>) target(%dma_start3A_110 : memref<128x128xf32, #tpu.memory_space<vmem_shared>>) target_semaphore(%run_scoped3A : memref<!tpu.dma_semaphore, #tpu.memory_space<semaphore_mem>>)
      %dma_wait3A = arith.constant 0 : i32
      %dma_wait3A_111 = tpu.memref_slice %arg11[%add3A_16, %dma_wait3A] : memref<10240x128xf32, #tpu.memory_space<vmem_shared>> -> memref<128x128xf32, #tpu.memory_space<vmem_shared>>
      %dma_wait3A_112 = arith.constant 0 : i32
      %dma_wait3A_113 = tpu.memref_slice %arg11[%add3A_16, %dma_wait3A_112] : memref<10240x128xf32, #tpu.memory_space<vmem_shared>> -> memref<128x128xf32, #tpu.memory_space<vmem_shared>>
      tpu.wait_dma2 semaphore(%run_scoped3A : memref<!tpu.dma_semaphore, #tpu.memory_space<semaphore_mem>>) src(%arg9 : memref<128x128xf32, #tpu.memory_space<vmem>>) dst(%dma_wait3A_113 : memref<128x128xf32, #tpu.memory_space<vmem_shared>>)
      tpu.yield
    }) : () -> ()
    %add3A_17 = arith.constant 512 : i32
    %add3A_18 = arith.addi %mul3A_2, %add3A_17 : i32
    "tpu.region"() ({
      %run_scoped3A = tpu.sem_alloc : memref<!tpu.dma_semaphore, #tpu.memory_space<semaphore_mem>>
      %dma_start3A_107 = arith.constant 0 : i32
      %dma_start3A_108 = tpu.memref_slice %arg11[%add3A_18, %dma_start3A_107] : memref<10240x128xf32, #tpu.memory_space<vmem_shared>> -> memref<128x128xf32, #tpu.memory_space<vmem_shared>>
      %dma_start3A_109 = arith.constant 0 : i32
      %dma_start3A_110 = tpu.memref_slice %arg11[%add3A_18, %dma_start3A_109] : memref<10240x128xf32, #tpu.memory_space<vmem_shared>> -> memref<128x128xf32, #tpu.memory_space<vmem_shared>>
      tpu.enqueue_dma source(%arg9 : memref<128x128xf32, #tpu.memory_space<vmem>>) target(%dma_start3A_110 : memref<128x128xf32, #tpu.memory_space<vmem_shared>>) target_semaphore(%run_scoped3A : memref<!tpu.dma_semaphore, #tpu.memory_space<semaphore_mem>>)
      %dma_wait3A = arith.constant 0 : i32
      %dma_wait3A_111 = tpu.memref_slice %arg11[%add3A_18, %dma_wait3A] : memref<10240x128xf32, #tpu.memory_space<vmem_shared>> -> memref<128x128xf32, #tpu.memory_space<vmem_shared>>
      %dma_wait3A_112 = arith.constant 0 : i32
      %dma_wait3A_113 = tpu.memref_slice %arg11[%add3A_18, %dma_wait3A_112] : memref<10240x128xf32, #tpu.memory_space<vmem_shared>> -> memref<128x128xf32, #tpu.memory_space<vmem_shared>>
      tpu.wait_dma2 semaphore(%run_scoped3A : memref<!tpu.dma_semaphore, #tpu.memory_space<semaphore_mem>>) src(%arg9 : memref<128x128xf32, #tpu.memory_space<vmem>>) dst(%dma_wait3A_113 : memref<128x128xf32, #tpu.memory_space<vmem_shared>>)
      tpu.yield
    }) : () -> ()
    %barrier3A = arith.constant 0 : index
    tpu.barrier barrier_id(%barrier3A)
    %mul3A_19 = arith.constant 80 : i32
    %mul3A_20 = arith.muli %add3A, %mul3A_19 : i32
    %add3A_21 = arith.constant 0 : i32
    %add3A_22 = arith.addi %mul3A_20, %add3A_21 : i32
    "tpu.region"() ({
      %run_scoped3A = tpu.sem_alloc : memref<!tpu.dma_semaphore, #tpu.memory_space<semaphore_mem>>
      %dma_start3A_107 = arith.constant 0 : i32
      %dma_start3A_108 = tpu.memref_slice %arg2[%add3A_22, %dma_start3A_107] : memref<2560x125xi32, #tpu.memory_space<hbm>> -> memref<40x125xi32, #tpu.memory_space<hbm>>
      %dma_start3A_109 = arith.constant 0 : i32
      %dma_start3A_110 = tpu.memref_slice %arg2[%add3A_22, %dma_start3A_109] : memref<2560x125xi32, #tpu.memory_space<hbm>> -> memref<40x125xi32, #tpu.memory_space<hbm>>
      tpu.enqueue_dma source(%dma_start3A_110 : memref<40x125xi32, #tpu.memory_space<hbm>>) target(%arg7 : memref<40x125xi32, #tpu.memory_space<vmem>>) target_semaphore(%run_scoped3A : memref<!tpu.dma_semaphore, #tpu.memory_space<semaphore_mem>>)
      %dma_wait3A = arith.constant 0 : i32
      %dma_wait3A_111 = tpu.memref_slice %arg2[%add3A_22, %dma_wait3A] : memref<2560x125xi32, #tpu.memory_space<hbm>> -> memref<40x125xi32, #tpu.memory_space<hbm>>
      %dma_wait3A_112 = arith.constant 0 : i32
      %dma_wait3A_113 = tpu.memref_slice %arg2[%add3A_22, %dma_wait3A_112] : memref<2560x125xi32, #tpu.memory_space<hbm>> -> memref<40x125xi32, #tpu.memory_space<hbm>>
      tpu.wait_dma2 semaphore(%run_scoped3A : memref<!tpu.dma_semaphore, #tpu.memory_space<semaphore_mem>>) src(%dma_wait3A_113 : memref<40x125xi32, #tpu.memory_space<hbm>>) dst(%arg7 : memref<40x125xi32, #tpu.memory_space<vmem>>)
      tpu.yield
    }) : () -> ()
    "tpu.region"() ({
      %run_scoped3A = tpu.sem_alloc : memref<!tpu.dma_semaphore, #tpu.memory_space<semaphore_mem>>
      %dma_start3A_107 = arith.constant 0 : i32
      %dma_start3A_108 = tpu.memref_slice %arg3[%add3A_22, %dma_start3A_107] : memref<2560x125xi32, #tpu.memory_space<hbm>> -> memref<40x125xi32, #tpu.memory_space<hbm>>
      %dma_start3A_109 = arith.constant 0 : i32
      %dma_start3A_110 = tpu.memref_slice %arg3[%add3A_22, %dma_start3A_109] : memref<2560x125xi32, #tpu.memory_space<hbm>> -> memref<40x125xi32, #tpu.memory_space<hbm>>
      tpu.enqueue_dma source(%dma_start3A_110 : memref<40x125xi32, #tpu.memory_space<hbm>>) target(%arg8 : memref<40x125xi32, #tpu.memory_space<vmem>>) target_semaphore(%run_scoped3A : memref<!tpu.dma_semaphore, #tpu.memory_space<semaphore_mem>>)
      %dma_wait3A = arith.constant 0 : i32
      %dma_wait3A_111 = tpu.memref_slice %arg3[%add3A_22, %dma_wait3A] : memref<2560x125xi32, #tpu.memory_space<hbm>> -> memref<40x125xi32, #tpu.memory_space<hbm>>
      %dma_wait3A_112 = arith.constant 0 : i32
      %dma_wait3A_113 = tpu.memref_slice %arg3[%add3A_22, %dma_wait3A_112] : memref<2560x125xi32, #tpu.memory_space<hbm>> -> memref<40x125xi32, #tpu.memory_space<hbm>>
      tpu.wait_dma2 semaphore(%run_scoped3A : memref<!tpu.dma_semaphore, #tpu.memory_space<semaphore_mem>>) src(%dma_wait3A_113 : memref<40x125xi32, #tpu.memory_space<hbm>>) dst(%arg8 : memref<40x125xi32, #tpu.memory_space<vmem>>)
      tpu.yield
    }) : () -> ()
    %dma_start3A = arith.constant 0 : i32
    %dma_start3A_23 = arith.constant 0 : i32
    %dma_start3A_24 = arith.constant 0 : i32
    %dma_start3A_25 = tpu.memref_slice %arg9[%dma_start3A_23, %dma_start3A_24] : memref<128x128xf32, #tpu.memory_space<vmem>> -> memref<125x128xf32, #tpu.memory_space<vmem>>
    %dma_start3A_26 = arith.constant 0 : i32
    %dma_start3A_27 = tpu.memref_slice %arg7[%dma_start3A, %dma_start3A_26] : memref<40x125xi32, #tpu.memory_space<vmem>> -> memref<1x125xi32, #tpu.memory_space<vmem>>
    %dma_start3A_28 = tpu.memref_squeeze %dma_start3A_27 : memref<1x125xi32, #tpu.memory_space<vmem>> -> memref<125xi32, #tpu.memory_space<vmem>>
    %dma_start3A_29 = arith.constant 0 : i32
    %dma_start3A_30 = arith.constant 0 : i32
    %dma_start3A_31 = tpu.memref_slice %arg4[%dma_start3A_29, %dma_start3A_30] : memref<10000x128xf32, #tpu.memory_space<hbm>> -> memref<10000x128xf32, #tpu.memory_space<hbm>>
    tpu.enqueue_indirect_dma source(%dma_start3A_31 : memref<10000x128xf32, #tpu.memory_space<hbm>>) target(%dma_start3A_25 : memref<125x128xf32, #tpu.memory_space<vmem>>) offsets(%dma_start3A_28 : memref<125xi32, #tpu.memory_space<vmem>>) semaphore(%arg12 : memref<!tpu.dma_semaphore, #tpu.memory_space<semaphore_mem>>)
    %scan3A_32 = arith.constant 0 : i32
    %scan3A_33 = arith.constant 0 : i32
    %scan3A_34 = arith.constant 20 : i32
    %scan3A_35 = arith.addi %scan3A_33, %scan3A_34 : i32
    %scan3A_36 = arith.constant 1 : i32
    scf.for %scan3A_107 = %scan3A_33 to %scan3A_35 step %scan3A_36  : i32 {
      %mul3A_108 = arith.constant 2 : i32
      %mul3A_109 = arith.muli %scan3A_107, %mul3A_108 : i32
      %add3A_110 = arith.constant 0 : i32
      %add3A_111 = arith.addi %mul3A_109, %add3A_110 : i32
      %add3A_112 = arith.constant 1 : i32
      %add3A_113 = arith.addi %add3A_111, %add3A_112 : i32
      %lt3A = arith.constant 40 : i32
      %lt3A_114 = arith.cmpi slt, %add3A_113, %lt3A : i32
      %convert_element_type3A = arith.extui %lt3A_114 : i1 to i32
      %cond3A = arith.constant 0 : i32
      %cond3A_115 = arith.cmpi ne, %convert_element_type3A, %cond3A : i32
      scf.if %cond3A_115 {
        %add3A_144 = arith.constant 1 : i32
        %add3A_145 = arith.addi %add3A_111, %add3A_144 : i32
        %dma_start3A_146 = arith.constant 0 : i32
        %dma_start3A_147 = arith.constant 0 : i32
        %dma_start3A_148 = tpu.memref_slice %arg10[%dma_start3A_146, %dma_start3A_147] : memref<128x128xf32, #tpu.memory_space<vmem>> -> memref<125x128xf32, #tpu.memory_space<vmem>>
        %dma_start3A_149 = arith.constant 0 : i32
        %dma_start3A_150 = tpu.memref_slice %arg7[%add3A_145, %dma_start3A_149] : memref<40x125xi32, #tpu.memory_space<vmem>> -> memref<1x125xi32, #tpu.memory_space<vmem>>
        %dma_start3A_151 = tpu.memref_squeeze %dma_start3A_150 : memref<1x125xi32, #tpu.memory_space<vmem>> -> memref<125xi32, #tpu.memory_space<vmem>>
        %dma_start3A_152 = arith.constant 0 : i32
        %dma_start3A_153 = arith.constant 0 : i32
        %dma_start3A_154 = tpu.memref_slice %arg4[%dma_start3A_152, %dma_start3A_153] : memref<10000x128xf32, #tpu.memory_space<hbm>> -> memref<10000x128xf32, #tpu.memory_space<hbm>>
        tpu.enqueue_indirect_dma source(%dma_start3A_154 : memref<10000x128xf32, #tpu.memory_space<hbm>>) target(%dma_start3A_148 : memref<125x128xf32, #tpu.memory_space<vmem>>) offsets(%dma_start3A_151 : memref<125xi32, #tpu.memory_space<vmem>>) semaphore(%arg13 : memref<!tpu.dma_semaphore, #tpu.memory_space<semaphore_mem>>)
      } else {
      }
      %dma_wait3A = arith.constant 0 : i32
      %dma_wait3A_116 = arith.constant 0 : i32
      %dma_wait3A_117 = tpu.memref_slice %arg9[%dma_wait3A, %dma_wait3A_116] : memref<128x128xf32, #tpu.memory_space<vmem>> -> memref<125x128xf32, #tpu.memory_space<vmem>>
      %dma_wait3A_118 = arith.constant 0 : i32
      %dma_wait3A_119 = tpu.memref_slice %arg7[%add3A_111, %dma_wait3A_118] : memref<40x125xi32, #tpu.memory_space<vmem>> -> memref<1x125xi32, #tpu.memory_space<vmem>>
      %dma_wait3A_120 = tpu.memref_squeeze %dma_wait3A_119 : memref<1x125xi32, #tpu.memory_space<vmem>> -> memref<125xi32, #tpu.memory_space<vmem>>
      %dma_wait3A_121 = arith.constant 0 : i32
      %dma_wait3A_122 = arith.constant 0 : i32
      %dma_wait3A_123 = tpu.memref_slice %arg4[%dma_wait3A_121, %dma_wait3A_122] : memref<10000x128xf32, #tpu.memory_space<hbm>> -> memref<10000x128xf32, #tpu.memory_space<hbm>>
      tpu.wait_indirect_dma semaphore(%arg12 : memref<!tpu.dma_semaphore, #tpu.memory_space<semaphore_mem>>) src(%dma_wait3A_123 : memref<10000x128xf32, #tpu.memory_space<hbm>>) dst(%dma_wait3A_117 : memref<125x128xf32, #tpu.memory_space<vmem>>)
      "tpu.region"() ({
        %run_scoped3A = tpu.sem_alloc : memref<!tpu.dma_semaphore, #tpu.memory_space<semaphore_mem>>
        %dma_start3A_144 = arith.constant 0 : i32
        %dma_start3A_145 = arith.constant 0 : i32
        %dma_start3A_146 = tpu.memref_slice %arg9[%dma_start3A_144, %dma_start3A_145] : memref<128x128xf32, #tpu.memory_space<vmem>> -> memref<125x128xf32, #tpu.memory_space<vmem>>
        %dma_start3A_147 = arith.constant 0 : i32
        %dma_start3A_148 = tpu.memref_slice %arg8[%add3A_111, %dma_start3A_147] : memref<40x125xi32, #tpu.memory_space<vmem>> -> memref<1x125xi32, #tpu.memory_space<vmem>>
        %dma_start3A_149 = tpu.memref_squeeze %dma_start3A_148 : memref<1x125xi32, #tpu.memory_space<vmem>> -> memref<125xi32, #tpu.memory_space<vmem>>
        %dma_start3A_150 = arith.constant 0 : i32
        %dma_start3A_151 = arith.constant 0 : i32
        %dma_start3A_152 = tpu.memref_slice %arg11[%dma_start3A_150, %dma_start3A_151] : memref<10240x128xf32, #tpu.memory_space<vmem_shared>> -> memref<10240x128xf32, #tpu.memory_space<vmem_shared>>
        tpu.enqueue_indirect_dma source(%dma_start3A_146 : memref<125x128xf32, #tpu.memory_space<vmem>>) target(%dma_start3A_152 : memref<10240x128xf32, #tpu.memory_space<vmem_shared>>) offsets(%dma_start3A_149 : memref<125xi32, #tpu.memory_space<vmem>>) semaphore(%run_scoped3A : memref<!tpu.dma_semaphore, #tpu.memory_space<semaphore_mem>>) {add = true}
        %dma_wait3A_153 = arith.constant 0 : i32
        %dma_wait3A_154 = arith.constant 0 : i32
        %dma_wait3A_155 = tpu.memref_slice %arg9[%dma_wait3A_153, %dma_wait3A_154] : memref<128x128xf32, #tpu.memory_space<vmem>> -> memref<125x128xf32, #tpu.memory_space<vmem>>
        %dma_wait3A_156 = arith.constant 0 : i32
        %dma_wait3A_157 = tpu.memref_slice %arg8[%add3A_111, %dma_wait3A_156] : memref<40x125xi32, #tpu.memory_space<vmem>> -> memref<1x125xi32, #tpu.memory_space<vmem>>
        %dma_wait3A_158 = tpu.memref_squeeze %dma_wait3A_157 : memref<1x125xi32, #tpu.memory_space<vmem>> -> memref<125xi32, #tpu.memory_space<vmem>>
        %dma_wait3A_159 = arith.constant 0 : i32
        %dma_wait3A_160 = arith.constant 0 : i32
        %dma_wait3A_161 = tpu.memref_slice %arg11[%dma_wait3A_159, %dma_wait3A_160] : memref<10240x128xf32, #tpu.memory_space<vmem_shared>> -> memref<10240x128xf32, #tpu.memory_space<vmem_shared>>
        tpu.wait_indirect_dma semaphore(%run_scoped3A : memref<!tpu.dma_semaphore, #tpu.memory_space<semaphore_mem>>) src(%dma_wait3A_155 : memref<125x128xf32, #tpu.memory_space<vmem>>) dst(%dma_wait3A_161 : memref<10240x128xf32, #tpu.memory_space<vmem_shared>>)
        tpu.yield
      }) : () -> ()
      %mul3A_124 = arith.constant 2 : i32
      %mul3A_125 = arith.muli %scan3A_107, %mul3A_124 : i32
      %add3A_126 = arith.constant 1 : i32
      %add3A_127 = arith.addi %mul3A_125, %add3A_126 : i32
      %add3A_128 = arith.constant 1 : i32
      %add3A_129 = arith.addi %add3A_127, %add3A_128 : i32
      %lt3A_130 = arith.constant 40 : i32
      %lt3A_131 = arith.cmpi slt, %add3A_129, %lt3A_130 : i32
      %convert_element_type3A_132 = arith.extui %lt3A_131 : i1 to i32
      %cond3A_133 = arith.constant 0 : i32
      %cond3A_134 = arith.cmpi ne, %convert_element_type3A_132, %cond3A_133 : i32
      scf.if %cond3A_134 {
        %add3A_144 = arith.constant 1 : i32
        %add3A_145 = arith.addi %add3A_127, %add3A_144 : i32
        %dma_start3A_146 = arith.constant 0 : i32
        %dma_start3A_147 = arith.constant 0 : i32
        %dma_start3A_148 = tpu.memref_slice %arg9[%dma_start3A_146, %dma_start3A_147] : memref<128x128xf32, #tpu.memory_space<vmem>> -> memref<125x128xf32, #tpu.memory_space<vmem>>
        %dma_start3A_149 = arith.constant 0 : i32
        %dma_start3A_150 = tpu.memref_slice %arg7[%add3A_145, %dma_start3A_149] : memref<40x125xi32, #tpu.memory_space<vmem>> -> memref<1x125xi32, #tpu.memory_space<vmem>>
        %dma_start3A_151 = tpu.memref_squeeze %dma_start3A_150 : memref<1x125xi32, #tpu.memory_space<vmem>> -> memref<125xi32, #tpu.memory_space<vmem>>
        %dma_start3A_152 = arith.constant 0 : i32
        %dma_start3A_153 = arith.constant 0 : i32
        %dma_start3A_154 = tpu.memref_slice %arg4[%dma_start3A_152, %dma_start3A_153] : memref<10000x128xf32, #tpu.memory_space<hbm>> -> memref<10000x128xf32, #tpu.memory_space<hbm>>
        tpu.enqueue_indirect_dma source(%dma_start3A_154 : memref<10000x128xf32, #tpu.memory_space<hbm>>) target(%dma_start3A_148 : memref<125x128xf32, #tpu.memory_space<vmem>>) offsets(%dma_start3A_151 : memref<125xi32, #tpu.memory_space<vmem>>) semaphore(%arg12 : memref<!tpu.dma_semaphore, #tpu.memory_space<semaphore_mem>>)
      } else {
      }
      %dma_wait3A_135 = arith.constant 0 : i32
      %dma_wait3A_136 = arith.constant 0 : i32
      %dma_wait3A_137 = tpu.memref_slice %arg10[%dma_wait3A_135, %dma_wait3A_136] : memref<128x128xf32, #tpu.memory_space<vmem>> -> memref<125x128xf32, #tpu.memory_space<vmem>>
      %dma_wait3A_138 = arith.constant 0 : i32
      %dma_wait3A_139 = tpu.memref_slice %arg7[%add3A_127, %dma_wait3A_138] : memref<40x125xi32, #tpu.memory_space<vmem>> -> memref<1x125xi32, #tpu.memory_space<vmem>>
      %dma_wait3A_140 = tpu.memref_squeeze %dma_wait3A_139 : memref<1x125xi32, #tpu.memory_space<vmem>> -> memref<125xi32, #tpu.memory_space<vmem>>
      %dma_wait3A_141 = arith.constant 0 : i32
      %dma_wait3A_142 = arith.constant 0 : i32
      %dma_wait3A_143 = tpu.memref_slice %arg4[%dma_wait3A_141, %dma_wait3A_142] : memref<10000x128xf32, #tpu.memory_space<hbm>> -> memref<10000x128xf32, #tpu.memory_space<hbm>>
      tpu.wait_indirect_dma semaphore(%arg13 : memref<!tpu.dma_semaphore, #tpu.memory_space<semaphore_mem>>) src(%dma_wait3A_143 : memref<10000x128xf32, #tpu.memory_space<hbm>>) dst(%dma_wait3A_137 : memref<125x128xf32, #tpu.memory_space<vmem>>)
      "tpu.region"() ({
        %run_scoped3A = tpu.sem_alloc : memref<!tpu.dma_semaphore, #tpu.memory_space<semaphore_mem>>
        %dma_start3A_144 = arith.constant 0 : i32
        %dma_start3A_145 = arith.constant 0 : i32
        %dma_start3A_146 = tpu.memref_slice %arg10[%dma_start3A_144, %dma_start3A_145] : memref<128x128xf32, #tpu.memory_space<vmem>> -> memref<125x128xf32, #tpu.memory_space<vmem>>
        %dma_start3A_147 = arith.constant 0 : i32
        %dma_start3A_148 = tpu.memref_slice %arg8[%add3A_127, %dma_start3A_147] : memref<40x125xi32, #tpu.memory_space<vmem>> -> memref<1x125xi32, #tpu.memory_space<vmem>>
        %dma_start3A_149 = tpu.memref_squeeze %dma_start3A_148 : memref<1x125xi32, #tpu.memory_space<vmem>> -> memref<125xi32, #tpu.memory_space<vmem>>
        %dma_start3A_150 = arith.constant 0 : i32
        %dma_start3A_151 = arith.constant 0 : i32
        %dma_start3A_152 = tpu.memref_slice %arg11[%dma_start3A_150, %dma_start3A_151] : memref<10240x128xf32, #tpu.memory_space<vmem_shared>> -> memref<10240x128xf32, #tpu.memory_space<vmem_shared>>
        tpu.enqueue_indirect_dma source(%dma_start3A_146 : memref<125x128xf32, #tpu.memory_space<vmem>>) target(%dma_start3A_152 : memref<10240x128xf32, #tpu.memory_space<vmem_shared>>) offsets(%dma_start3A_149 : memref<125xi32, #tpu.memory_space<vmem>>) semaphore(%run_scoped3A : memref<!tpu.dma_semaphore, #tpu.memory_space<semaphore_mem>>) {add = true}
        %dma_wait3A_153 = arith.constant 0 : i32
        %dma_wait3A_154 = arith.constant 0 : i32
        %dma_wait3A_155 = tpu.memref_slice %arg10[%dma_wait3A_153, %dma_wait3A_154] : memref<128x128xf32, #tpu.memory_space<vmem>> -> memref<125x128xf32, #tpu.memory_space<vmem>>
        %dma_wait3A_156 = arith.constant 0 : i32
        %dma_wait3A_157 = tpu.memref_slice %arg8[%add3A_127, %dma_wait3A_156] : memref<40x125xi32, #tpu.memory_space<vmem>> -> memref<1x125xi32, #tpu.memory_space<vmem>>
        %dma_wait3A_158 = tpu.memref_squeeze %dma_wait3A_157 : memref<1x125xi32, #tpu.memory_space<vmem>> -> memref<125xi32, #tpu.memory_space<vmem>>
        %dma_wait3A_159 = arith.constant 0 : i32
        %dma_wait3A_160 = arith.constant 0 : i32
        %dma_wait3A_161 = tpu.memref_slice %arg11[%dma_wait3A_159, %dma_wait3A_160] : memref<10240x128xf32, #tpu.memory_space<vmem_shared>> -> memref<10240x128xf32, #tpu.memory_space<vmem_shared>>
        tpu.wait_indirect_dma semaphore(%run_scoped3A : memref<!tpu.dma_semaphore, #tpu.memory_space<semaphore_mem>>) src(%dma_wait3A_155 : memref<125x128xf32, #tpu.memory_space<vmem>>) dst(%dma_wait3A_161 : memref<10240x128xf32, #tpu.memory_space<vmem_shared>>)
        tpu.yield
      }) : () -> ()
    }
    %scan3A_37 = arith.constant 20 : i32
    %mul3A_38 = arith.constant 80 : i32
    %mul3A_39 = arith.muli %add3A, %mul3A_38 : i32
    %add3A_40 = arith.constant 40 : i32
    %add3A_41 = arith.addi %mul3A_39, %add3A_40 : i32
    "tpu.region"() ({
      %run_scoped3A = tpu.sem_alloc : memref<!tpu.dma_semaphore, #tpu.memory_space<semaphore_mem>>
      %dma_start3A_107 = arith.constant 0 : i32
      %dma_start3A_108 = tpu.memref_slice %arg2[%add3A_41, %dma_start3A_107] : memref<2560x125xi32, #tpu.memory_space<hbm>> -> memref<40x125xi32, #tpu.memory_space<hbm>>
      %dma_start3A_109 = arith.constant 0 : i32
      %dma_start3A_110 = tpu.memref_slice %arg2[%add3A_41, %dma_start3A_109] : memref<2560x125xi32, #tpu.memory_space<hbm>> -> memref<40x125xi32, #tpu.memory_space<hbm>>
      tpu.enqueue_dma source(%dma_start3A_110 : memref<40x125xi32, #tpu.memory_space<hbm>>) target(%arg7 : memref<40x125xi32, #tpu.memory_space<vmem>>) target_semaphore(%run_scoped3A : memref<!tpu.dma_semaphore, #tpu.memory_space<semaphore_mem>>)
      %dma_wait3A = arith.constant 0 : i32
      %dma_wait3A_111 = tpu.memref_slice %arg2[%add3A_41, %dma_wait3A] : memref<2560x125xi32, #tpu.memory_space<hbm>> -> memref<40x125xi32, #tpu.memory_space<hbm>>
      %dma_wait3A_112 = arith.constant 0 : i32
      %dma_wait3A_113 = tpu.memref_slice %arg2[%add3A_41, %dma_wait3A_112] : memref<2560x125xi32, #tpu.memory_space<hbm>> -> memref<40x125xi32, #tpu.memory_space<hbm>>
      tpu.wait_dma2 semaphore(%run_scoped3A : memref<!tpu.dma_semaphore, #tpu.memory_space<semaphore_mem>>) src(%dma_wait3A_113 : memref<40x125xi32, #tpu.memory_space<hbm>>) dst(%arg7 : memref<40x125xi32, #tpu.memory_space<vmem>>)
      tpu.yield
    }) : () -> ()
    "tpu.region"() ({
      %run_scoped3A = tpu.sem_alloc : memref<!tpu.dma_semaphore, #tpu.memory_space<semaphore_mem>>
      %dma_start3A_107 = arith.constant 0 : i32
      %dma_start3A_108 = tpu.memref_slice %arg3[%add3A_41, %dma_start3A_107] : memref<2560x125xi32, #tpu.memory_space<hbm>> -> memref<40x125xi32, #tpu.memory_space<hbm>>
      %dma_start3A_109 = arith.constant 0 : i32
      %dma_start3A_110 = tpu.memref_slice %arg3[%add3A_41, %dma_start3A_109] : memref<2560x125xi32, #tpu.memory_space<hbm>> -> memref<40x125xi32, #tpu.memory_space<hbm>>
      tpu.enqueue_dma source(%dma_start3A_110 : memref<40x125xi32, #tpu.memory_space<hbm>>) target(%arg8 : memref<40x125xi32, #tpu.memory_space<vmem>>) target_semaphore(%run_scoped3A : memref<!tpu.dma_semaphore, #tpu.memory_space<semaphore_mem>>)
      %dma_wait3A = arith.constant 0 : i32
      %dma_wait3A_111 = tpu.memref_slice %arg3[%add3A_41, %dma_wait3A] : memref<2560x125xi32, #tpu.memory_space<hbm>> -> memref<40x125xi32, #tpu.memory_space<hbm>>
      %dma_wait3A_112 = arith.constant 0 : i32
      %dma_wait3A_113 = tpu.memref_slice %arg3[%add3A_41, %dma_wait3A_112] : memref<2560x125xi32, #tpu.memory_space<hbm>> -> memref<40x125xi32, #tpu.memory_space<hbm>>
      tpu.wait_dma2 semaphore(%run_scoped3A : memref<!tpu.dma_semaphore, #tpu.memory_space<semaphore_mem>>) src(%dma_wait3A_113 : memref<40x125xi32, #tpu.memory_space<hbm>>) dst(%arg8 : memref<40x125xi32, #tpu.memory_space<vmem>>)
      tpu.yield
    }) : () -> ()
    %dma_start3A_42 = arith.constant 0 : i32
    %dma_start3A_43 = arith.constant 0 : i32
    %dma_start3A_44 = arith.constant 0 : i32
    %dma_start3A_45 = tpu.memref_slice %arg9[%dma_start3A_43, %dma_start3A_44] : memref<128x128xf32, #tpu.memory_space<vmem>> -> memref<125x128xf32, #tpu.memory_space<vmem>>
    %dma_start3A_46 = arith.constant 0 : i32
    %dma_start3A_47 = tpu.memref_slice %arg7[%dma_start3A_42, %dma_start3A_46] : memref<40x125xi32, #tpu.memory_space<vmem>> -> memref<1x125xi32, #tpu.memory_space<vmem>>
    %dma_start3A_48 = tpu.memref_squeeze %dma_start3A_47 : memref<1x125xi32, #tpu.memory_space<vmem>> -> memref<125xi32, #tpu.memory_space<vmem>>
    %dma_start3A_49 = arith.constant 0 : i32
    %dma_start3A_50 = arith.constant 0 : i32
    %dma_start3A_51 = tpu.memref_slice %arg4[%dma_start3A_49, %dma_start3A_50] : memref<10000x128xf32, #tpu.memory_space<hbm>> -> memref<10000x128xf32, #tpu.memory_space<hbm>>
    tpu.enqueue_indirect_dma source(%dma_start3A_51 : memref<10000x128xf32, #tpu.memory_space<hbm>>) target(%dma_start3A_45 : memref<125x128xf32, #tpu.memory_space<vmem>>) offsets(%dma_start3A_48 : memref<125xi32, #tpu.memory_space<vmem>>) semaphore(%arg12 : memref<!tpu.dma_semaphore, #tpu.memory_space<semaphore_mem>>)
    %scan3A_52 = arith.constant 0 : i32
    %scan3A_53 = arith.constant 0 : i32
    %scan3A_54 = arith.constant 20 : i32
    %scan3A_55 = arith.addi %scan3A_53, %scan3A_54 : i32
    %scan3A_56 = arith.constant 1 : i32
    scf.for %scan3A_107 = %scan3A_53 to %scan3A_55 step %scan3A_56  : i32 {
      %mul3A_108 = arith.constant 2 : i32
      %mul3A_109 = arith.muli %scan3A_107, %mul3A_108 : i32
      %add3A_110 = arith.constant 0 : i32
      %add3A_111 = arith.addi %mul3A_109, %add3A_110 : i32
      %add3A_112 = arith.constant 1 : i32
      %add3A_113 = arith.addi %add3A_111, %add3A_112 : i32
      %lt3A = arith.constant 40 : i32
      %lt3A_114 = arith.cmpi slt, %add3A_113, %lt3A : i32
      %convert_element_type3A = arith.extui %lt3A_114 : i1 to i32
      %cond3A = arith.constant 0 : i32
      %cond3A_115 = arith.cmpi ne, %convert_element_type3A, %cond3A : i32
      scf.if %cond3A_115 {
        %add3A_144 = arith.constant 1 : i32
        %add3A_145 = arith.addi %add3A_111, %add3A_144 : i32
        %dma_start3A_146 = arith.constant 0 : i32
        %dma_start3A_147 = arith.constant 0 : i32
        %dma_start3A_148 = tpu.memref_slice %arg10[%dma_start3A_146, %dma_start3A_147] : memref<128x128xf32, #tpu.memory_space<vmem>> -> memref<125x128xf32, #tpu.memory_space<vmem>>
        %dma_start3A_149 = arith.constant 0 : i32
        %dma_start3A_150 = tpu.memref_slice %arg7[%add3A_145, %dma_start3A_149] : memref<40x125xi32, #tpu.memory_space<vmem>> -> memref<1x125xi32, #tpu.memory_space<vmem>>
        %dma_start3A_151 = tpu.memref_squeeze %dma_start3A_150 : memref<1x125xi32, #tpu.memory_space<vmem>> -> memref<125xi32, #tpu.memory_space<vmem>>
        %dma_start3A_152 = arith.constant 0 : i32
        %dma_start3A_153 = arith.constant 0 : i32
        %dma_start3A_154 = tpu.memref_slice %arg4[%dma_start3A_152, %dma_start3A_153] : memref<10000x128xf32, #tpu.memory_space<hbm>> -> memref<10000x128xf32, #tpu.memory_space<hbm>>
        tpu.enqueue_indirect_dma source(%dma_start3A_154 : memref<10000x128xf32, #tpu.memory_space<hbm>>) target(%dma_start3A_148 : memref<125x128xf32, #tpu.memory_space<vmem>>) offsets(%dma_start3A_151 : memref<125xi32, #tpu.memory_space<vmem>>) semaphore(%arg13 : memref<!tpu.dma_semaphore, #tpu.memory_space<semaphore_mem>>)
      } else {
      }
      %dma_wait3A = arith.constant 0 : i32
      %dma_wait3A_116 = arith.constant 0 : i32
      %dma_wait3A_117 = tpu.memref_slice %arg9[%dma_wait3A, %dma_wait3A_116] : memref<128x128xf32, #tpu.memory_space<vmem>> -> memref<125x128xf32, #tpu.memory_space<vmem>>
      %dma_wait3A_118 = arith.constant 0 : i32
      %dma_wait3A_119 = tpu.memref_slice %arg7[%add3A_111, %dma_wait3A_118] : memref<40x125xi32, #tpu.memory_space<vmem>> -> memref<1x125xi32, #tpu.memory_space<vmem>>
      %dma_wait3A_120 = tpu.memref_squeeze %dma_wait3A_119 : memref<1x125xi32, #tpu.memory_space<vmem>> -> memref<125xi32, #tpu.memory_space<vmem>>
      %dma_wait3A_121 = arith.constant 0 : i32
      %dma_wait3A_122 = arith.constant 0 : i32
      %dma_wait3A_123 = tpu.memref_slice %arg4[%dma_wait3A_121, %dma_wait3A_122] : memref<10000x128xf32, #tpu.memory_space<hbm>> -> memref<10000x128xf32, #tpu.memory_space<hbm>>
      tpu.wait_indirect_dma semaphore(%arg12 : memref<!tpu.dma_semaphore, #tpu.memory_space<semaphore_mem>>) src(%dma_wait3A_123 : memref<10000x128xf32, #tpu.memory_space<hbm>>) dst(%dma_wait3A_117 : memref<125x128xf32, #tpu.memory_space<vmem>>)
      "tpu.region"() ({
        %run_scoped3A = tpu.sem_alloc : memref<!tpu.dma_semaphore, #tpu.memory_space<semaphore_mem>>
        %dma_start3A_144 = arith.constant 0 : i32
        %dma_start3A_145 = arith.constant 0 : i32
        %dma_start3A_146 = tpu.memref_slice %arg9[%dma_start3A_144, %dma_start3A_145] : memref<128x128xf32, #tpu.memory_space<vmem>> -> memref<125x128xf32, #tpu.memory_space<vmem>>
        %dma_start3A_147 = arith.constant 0 : i32
        %dma_start3A_148 = tpu.memref_slice %arg8[%add3A_111, %dma_start3A_147] : memref<40x125xi32, #tpu.memory_space<vmem>> -> memref<1x125xi32, #tpu.memory_space<vmem>>
        %dma_start3A_149 = tpu.memref_squeeze %dma_start3A_148 : memref<1x125xi32, #tpu.memory_space<vmem>> -> memref<125xi32, #tpu.memory_space<vmem>>
        %dma_start3A_150 = arith.constant 0 : i32
        %dma_start3A_151 = arith.constant 0 : i32
        %dma_start3A_152 = tpu.memref_slice %arg11[%dma_start3A_150, %dma_start3A_151] : memref<10240x128xf32, #tpu.memory_space<vmem_shared>> -> memref<10240x128xf32, #tpu.memory_space<vmem_shared>>
        tpu.enqueue_indirect_dma source(%dma_start3A_146 : memref<125x128xf32, #tpu.memory_space<vmem>>) target(%dma_start3A_152 : memref<10240x128xf32, #tpu.memory_space<vmem_shared>>) offsets(%dma_start3A_149 : memref<125xi32, #tpu.memory_space<vmem>>) semaphore(%run_scoped3A : memref<!tpu.dma_semaphore, #tpu.memory_space<semaphore_mem>>) {add = true}
        %dma_wait3A_153 = arith.constant 0 : i32
        %dma_wait3A_154 = arith.constant 0 : i32
        %dma_wait3A_155 = tpu.memref_slice %arg9[%dma_wait3A_153, %dma_wait3A_154] : memref<128x128xf32, #tpu.memory_space<vmem>> -> memref<125x128xf32, #tpu.memory_space<vmem>>
        %dma_wait3A_156 = arith.constant 0 : i32
        %dma_wait3A_157 = tpu.memref_slice %arg8[%add3A_111, %dma_wait3A_156] : memref<40x125xi32, #tpu.memory_space<vmem>> -> memref<1x125xi32, #tpu.memory_space<vmem>>
        %dma_wait3A_158 = tpu.memref_squeeze %dma_wait3A_157 : memref<1x125xi32, #tpu.memory_space<vmem>> -> memref<125xi32, #tpu.memory_space<vmem>>
        %dma_wait3A_159 = arith.constant 0 : i32
        %dma_wait3A_160 = arith.constant 0 : i32
        %dma_wait3A_161 = tpu.memref_slice %arg11[%dma_wait3A_159, %dma_wait3A_160] : memref<10240x128xf32, #tpu.memory_space<vmem_shared>> -> memref<10240x128xf32, #tpu.memory_space<vmem_shared>>
        tpu.wait_indirect_dma semaphore(%run_scoped3A : memref<!tpu.dma_semaphore, #tpu.memory_space<semaphore_mem>>) src(%dma_wait3A_155 : memref<125x128xf32, #tpu.memory_space<vmem>>) dst(%dma_wait3A_161 : memref<10240x128xf32, #tpu.memory_space<vmem_shared>>)
        tpu.yield
      }) : () -> ()
      %mul3A_124 = arith.constant 2 : i32
      %mul3A_125 = arith.muli %scan3A_107, %mul3A_124 : i32
      %add3A_126 = arith.constant 1 : i32
      %add3A_127 = arith.addi %mul3A_125, %add3A_126 : i32
      %add3A_128 = arith.constant 1 : i32
      %add3A_129 = arith.addi %add3A_127, %add3A_128 : i32
      %lt3A_130 = arith.constant 40 : i32
      %lt3A_131 = arith.cmpi slt, %add3A_129, %lt3A_130 : i32
      %convert_element_type3A_132 = arith.extui %lt3A_131 : i1 to i32
      %cond3A_133 = arith.constant 0 : i32
      %cond3A_134 = arith.cmpi ne, %convert_element_type3A_132, %cond3A_133 : i32
      scf.if %cond3A_134 {
        %add3A_144 = arith.constant 1 : i32
        %add3A_145 = arith.addi %add3A_127, %add3A_144 : i32
        %dma_start3A_146 = arith.constant 0 : i32
        %dma_start3A_147 = arith.constant 0 : i32
        %dma_start3A_148 = tpu.memref_slice %arg9[%dma_start3A_146, %dma_start3A_147] : memref<128x128xf32, #tpu.memory_space<vmem>> -> memref<125x128xf32, #tpu.memory_space<vmem>>
        %dma_start3A_149 = arith.constant 0 : i32
        %dma_start3A_150 = tpu.memref_slice %arg7[%add3A_145, %dma_start3A_149] : memref<40x125xi32, #tpu.memory_space<vmem>> -> memref<1x125xi32, #tpu.memory_space<vmem>>
        %dma_start3A_151 = tpu.memref_squeeze %dma_start3A_150 : memref<1x125xi32, #tpu.memory_space<vmem>> -> memref<125xi32, #tpu.memory_space<vmem>>
        %dma_start3A_152 = arith.constant 0 : i32
        %dma_start3A_153 = arith.constant 0 : i32
        %dma_start3A_154 = tpu.memref_slice %arg4[%dma_start3A_152, %dma_start3A_153] : memref<10000x128xf32, #tpu.memory_space<hbm>> -> memref<10000x128xf32, #tpu.memory_space<hbm>>
        tpu.enqueue_indirect_dma source(%dma_start3A_154 : memref<10000x128xf32, #tpu.memory_space<hbm>>) target(%dma_start3A_148 : memref<125x128xf32, #tpu.memory_space<vmem>>) offsets(%dma_start3A_151 : memref<125xi32, #tpu.memory_space<vmem>>) semaphore(%arg12 : memref<!tpu.dma_semaphore, #tpu.memory_space<semaphore_mem>>)
      } else {
      }
      %dma_wait3A_135 = arith.constant 0 : i32
      %dma_wait3A_136 = arith.constant 0 : i32
      %dma_wait3A_137 = tpu.memref_slice %arg10[%dma_wait3A_135, %dma_wait3A_136] : memref<128x128xf32, #tpu.memory_space<vmem>> -> memref<125x128xf32, #tpu.memory_space<vmem>>
      %dma_wait3A_138 = arith.constant 0 : i32
      %dma_wait3A_139 = tpu.memref_slice %arg7[%add3A_127, %dma_wait3A_138] : memref<40x125xi32, #tpu.memory_space<vmem>> -> memref<1x125xi32, #tpu.memory_space<vmem>>
      %dma_wait3A_140 = tpu.memref_squeeze %dma_wait3A_139 : memref<1x125xi32, #tpu.memory_space<vmem>> -> memref<125xi32, #tpu.memory_space<vmem>>
      %dma_wait3A_141 = arith.constant 0 : i32
      %dma_wait3A_142 = arith.constant 0 : i32
      %dma_wait3A_143 = tpu.memref_slice %arg4[%dma_wait3A_141, %dma_wait3A_142] : memref<10000x128xf32, #tpu.memory_space<hbm>> -> memref<10000x128xf32, #tpu.memory_space<hbm>>
      tpu.wait_indirect_dma semaphore(%arg13 : memref<!tpu.dma_semaphore, #tpu.memory_space<semaphore_mem>>) src(%dma_wait3A_143 : memref<10000x128xf32, #tpu.memory_space<hbm>>) dst(%dma_wait3A_137 : memref<125x128xf32, #tpu.memory_space<vmem>>)
      "tpu.region"() ({
        %run_scoped3A = tpu.sem_alloc : memref<!tpu.dma_semaphore, #tpu.memory_space<semaphore_mem>>
        %dma_start3A_144 = arith.constant 0 : i32
        %dma_start3A_145 = arith.constant 0 : i32
        %dma_start3A_146 = tpu.memref_slice %arg10[%dma_start3A_144, %dma_start3A_145] : memref<128x128xf32, #tpu.memory_space<vmem>> -> memref<125x128xf32, #tpu.memory_space<vmem>>
        %dma_start3A_147 = arith.constant 0 : i32
        %dma_start3A_148 = tpu.memref_slice %arg8[%add3A_127, %dma_start3A_147] : memref<40x125xi32, #tpu.memory_space<vmem>> -> memref<1x125xi32, #tpu.memory_space<vmem>>
        %dma_start3A_149 = tpu.memref_squeeze %dma_start3A_148 : memref<1x125xi32, #tpu.memory_space<vmem>> -> memref<125xi32, #tpu.memory_space<vmem>>
        %dma_start3A_150 = arith.constant 0 : i32
        %dma_start3A_151 = arith.constant 0 : i32
        %dma_start3A_152 = tpu.memref_slice %arg11[%dma_start3A_150, %dma_start3A_151] : memref<10240x128xf32, #tpu.memory_space<vmem_shared>> -> memref<10240x128xf32, #tpu.memory_space<vmem_shared>>
        tpu.enqueue_indirect_dma source(%dma_start3A_146 : memref<125x128xf32, #tpu.memory_space<vmem>>) target(%dma_start3A_152 : memref<10240x128xf32, #tpu.memory_space<vmem_shared>>) offsets(%dma_start3A_149 : memref<125xi32, #tpu.memory_space<vmem>>) semaphore(%run_scoped3A : memref<!tpu.dma_semaphore, #tpu.memory_space<semaphore_mem>>) {add = true}
        %dma_wait3A_153 = arith.constant 0 : i32
        %dma_wait3A_154 = arith.constant 0 : i32
        %dma_wait3A_155 = tpu.memref_slice %arg10[%dma_wait3A_153, %dma_wait3A_154] : memref<128x128xf32, #tpu.memory_space<vmem>> -> memref<125x128xf32, #tpu.memory_space<vmem>>
        %dma_wait3A_156 = arith.constant 0 : i32
        %dma_wait3A_157 = tpu.memref_slice %arg8[%add3A_127, %dma_wait3A_156] : memref<40x125xi32, #tpu.memory_space<vmem>> -> memref<1x125xi32, #tpu.memory_space<vmem>>
        %dma_wait3A_158 = tpu.memref_squeeze %dma_wait3A_157 : memref<1x125xi32, #tpu.memory_space<vmem>> -> memref<125xi32, #tpu.memory_space<vmem>>
        %dma_wait3A_159 = arith.constant 0 : i32
        %dma_wait3A_160 = arith.constant 0 : i32
        %dma_wait3A_161 = tpu.memref_slice %arg11[%dma_wait3A_159, %dma_wait3A_160] : memref<10240x128xf32, #tpu.memory_space<vmem_shared>> -> memref<10240x128xf32, #tpu.memory_space<vmem_shared>>
        tpu.wait_indirect_dma semaphore(%run_scoped3A : memref<!tpu.dma_semaphore, #tpu.memory_space<semaphore_mem>>) src(%dma_wait3A_155 : memref<125x128xf32, #tpu.memory_space<vmem>>) dst(%dma_wait3A_161 : memref<10240x128xf32, #tpu.memory_space<vmem_shared>>)
        tpu.yield
      }) : () -> ()
    }
    %scan3A_57 = arith.constant 20 : i32
    %barrier3A_58 = arith.constant 0 : index
    tpu.barrier barrier_id(%barrier3A_58)
    "tpu.region"() ({
      %run_scoped3A = tpu.sem_alloc : memref<!tpu.dma_semaphore, #tpu.memory_space<semaphore_mem>>
      %dma_start3A_107 = arith.constant 0 : i32
      %dma_start3A_108 = tpu.memref_slice %arg5[%arg0, %mul3A_2, %dma_start3A_107] : memref<2x10240x128xf32, #tpu.memory_space<hbm>> -> memref<1x640x128xf32, #tpu.memory_space<hbm>>
      %dma_start3A_109 = tpu.memref_squeeze %dma_start3A_108 : memref<1x640x128xf32, #tpu.memory_space<hbm>> -> memref<640x128xf32, #tpu.memory_space<hbm>>
      %dma_start3A_110 = arith.constant 0 : i32
      %dma_start3A_111 = tpu.memref_slice %arg11[%mul3A_2, %dma_start3A_110] : memref<10240x128xf32, #tpu.memory_space<vmem_shared>> -> memref<640x128xf32, #tpu.memory_space<vmem_shared>>
      tpu.enqueue_dma source(%dma_start3A_111 : memref<640x128xf32, #tpu.memory_space<vmem_shared>>) target(%dma_start3A_109 : memref<640x128xf32, #tpu.memory_space<hbm>>) target_semaphore(%run_scoped3A : memref<!tpu.dma_semaphore, #tpu.memory_space<semaphore_mem>>)
      %dma_wait3A = arith.constant 0 : i32
      %dma_wait3A_112 = tpu.memref_slice %arg5[%arg0, %mul3A_2, %dma_wait3A] : memref<2x10240x128xf32, #tpu.memory_space<hbm>> -> memref<1x640x128xf32, #tpu.memory_space<hbm>>
      %dma_wait3A_113 = tpu.memref_squeeze %dma_wait3A_112 : memref<1x640x128xf32, #tpu.memory_space<hbm>> -> memref<640x128xf32, #tpu.memory_space<hbm>>
      %dma_wait3A_114 = arith.constant 0 : i32
      %dma_wait3A_115 = tpu.memref_slice %arg11[%mul3A_2, %dma_wait3A_114] : memref<10240x128xf32, #tpu.memory_space<vmem_shared>> -> memref<640x128xf32, #tpu.memory_space<vmem_shared>>
      tpu.wait_dma2 semaphore(%run_scoped3A : memref<!tpu.dma_semaphore, #tpu.memory_space<semaphore_mem>>) src(%dma_wait3A_115 : memref<640x128xf32, #tpu.memory_space<vmem_shared>>) dst(%dma_wait3A_113 : memref<640x128xf32, #tpu.memory_space<hbm>>)
      tpu.yield
    }) : () -> ()
    %broadcast_in_dim3A_59 = arith.constant 0.000000e+00 : f32
    %broadcast_in_dim3A_60 = vector.broadcast %broadcast_in_dim3A_59 : f32 to vector<16xf32>
    %scan3A_61 = arith.constant 0 : i32
    %scan3A_62 = arith.constant 0 : i32
    %scan3A_63 = arith.constant 128 : i32
    %scan3A_64 = arith.addi %scan3A_62, %scan3A_63 : i32
    %scan3A_65 = arith.constant 1 : i32
    scf.for %scan3A_107 = %scan3A_62 to %scan3A_64 step %scan3A_65  : i32 {
      %swap3A = arith.index_cast %scan3A_107 : i32 to index
      %swap3A_108 = arith.constant 0 : index
      %swap3A_109 = tpu.vector_load %arg9[%swap3A, %swap3A_108] {strides = array<i32>} : memref<128x128xf32, #tpu.memory_space<vmem>>, vector<1x16xf32>,
      %swap3A_110 = vector.shape_cast %swap3A_109 : vector<1x16xf32> to vector<16xf32>
      %swap3A_111 = vector.shape_cast %broadcast_in_dim3A_60 : vector<16xf32> to vector<1x16xf32>
      tpu.vector_store %arg9[%swap3A, %swap3A_108], %swap3A_111 {strides = array<i32>} : memref<128x128xf32, #tpu.memory_space<vmem>>, vector<1x16xf32>,
      %swap3A_112 = arith.index_cast %scan3A_107 : i32 to index
      %swap3A_113 = arith.constant 16 : index
      %swap3A_114 = tpu.vector_load %arg9[%swap3A_112, %swap3A_113] {strides = array<i32>} : memref<128x128xf32, #tpu.memory_space<vmem>>, vector<1x16xf32>,
      %swap3A_115 = vector.shape_cast %swap3A_114 : vector<1x16xf32> to vector<16xf32>
      %swap3A_116 = vector.shape_cast %broadcast_in_dim3A_60 : vector<16xf32> to vector<1x16xf32>
      tpu.vector_store %arg9[%swap3A_112, %swap3A_113], %swap3A_116 {strides = array<i32>} : memref<128x128xf32, #tpu.memory_space<vmem>>, vector<1x16xf32>,
      %swap3A_117 = arith.index_cast %scan3A_107 : i32 to index
      %swap3A_118 = arith.constant 32 : index
      %swap3A_119 = tpu.vector_load %arg9[%swap3A_117, %swap3A_118] {strides = array<i32>} : memref<128x128xf32, #tpu.memory_space<vmem>>, vector<1x16xf32>,
      %swap3A_120 = vector.shape_cast %swap3A_119 : vector<1x16xf32> to vector<16xf32>
      %swap3A_121 = vector.shape_cast %broadcast_in_dim3A_60 : vector<16xf32> to vector<1x16xf32>
      tpu.vector_store %arg9[%swap3A_117, %swap3A_118], %swap3A_121 {strides = array<i32>} : memref<128x128xf32, #tpu.memory_space<vmem>>, vector<1x16xf32>,
      %swap3A_122 = arith.index_cast %scan3A_107 : i32 to index
      %swap3A_123 = arith.constant 48 : index
      %swap3A_124 = tpu.vector_load %arg9[%swap3A_122, %swap3A_123] {strides = array<i32>} : memref<128x128xf32, #tpu.memory_space<vmem>>, vector<1x16xf32>,
      %swap3A_125 = vector.shape_cast %swap3A_124 : vector<1x16xf32> to vector<16xf32>
      %swap3A_126 = vector.shape_cast %broadcast_in_dim3A_60 : vector<16xf32> to vector<1x16xf32>
      tpu.vector_store %arg9[%swap3A_122, %swap3A_123], %swap3A_126 {strides = array<i32>} : memref<128x128xf32, #tpu.memory_space<vmem>>, vector<1x16xf32>,
      %swap3A_127 = arith.index_cast %scan3A_107 : i32 to index
      %swap3A_128 = arith.constant 64 : index
      %swap3A_129 = tpu.vector_load %arg9[%swap3A_127, %swap3A_128] {strides = array<i32>} : memref<128x128xf32, #tpu.memory_space<vmem>>, vector<1x16xf32>,
      %swap3A_130 = vector.shape_cast %swap3A_129 : vector<1x16xf32> to vector<16xf32>
      %swap3A_131 = vector.shape_cast %broadcast_in_dim3A_60 : vector<16xf32> to vector<1x16xf32>
      tpu.vector_store %arg9[%swap3A_127, %swap3A_128], %swap3A_131 {strides = array<i32>} : memref<128x128xf32, #tpu.memory_space<vmem>>, vector<1x16xf32>,
      %swap3A_132 = arith.index_cast %scan3A_107 : i32 to index
      %swap3A_133 = arith.constant 80 : index
      %swap3A_134 = tpu.vector_load %arg9[%swap3A_132, %swap3A_133] {strides = array<i32>} : memref<128x128xf32, #tpu.memory_space<vmem>>, vector<1x16xf32>,
      %swap3A_135 = vector.shape_cast %swap3A_134 : vector<1x16xf32> to vector<16xf32>
      %swap3A_136 = vector.shape_cast %broadcast_in_dim3A_60 : vector<16xf32> to vector<1x16xf32>
      tpu.vector_store %arg9[%swap3A_132, %swap3A_133], %swap3A_136 {strides = array<i32>} : memref<128x128xf32, #tpu.memory_space<vmem>>, vector<1x16xf32>,
      %swap3A_137 = arith.index_cast %scan3A_107 : i32 to index
      %swap3A_138 = arith.constant 96 : index
      %swap3A_139 = tpu.vector_load %arg9[%swap3A_137, %swap3A_138] {strides = array<i32>} : memref<128x128xf32, #tpu.memory_space<vmem>>, vector<1x16xf32>,
      %swap3A_140 = vector.shape_cast %swap3A_139 : vector<1x16xf32> to vector<16xf32>
      %swap3A_141 = vector.shape_cast %broadcast_in_dim3A_60 : vector<16xf32> to vector<1x16xf32>
      tpu.vector_store %arg9[%swap3A_137, %swap3A_138], %swap3A_141 {strides = array<i32>} : memref<128x128xf32, #tpu.memory_space<vmem>>, vector<1x16xf32>,
      %swap3A_142 = arith.index_cast %scan3A_107 : i32 to index
      %swap3A_143 = arith.constant 112 : index
      %swap3A_144 = tpu.vector_load %arg9[%swap3A_142, %swap3A_143] {strides = array<i32>} : memref<128x128xf32, #tpu.memory_space<vmem>>, vector<1x16xf32>,
      %swap3A_145 = vector.shape_cast %swap3A_144 : vector<1x16xf32> to vector<16xf32>
      %swap3A_146 = vector.shape_cast %broadcast_in_dim3A_60 : vector<16xf32> to vector<1x16xf32>
      tpu.vector_store %arg9[%swap3A_142, %swap3A_143], %swap3A_146 {strides = array<i32>} : memref<128x128xf32, #tpu.memory_space<vmem>>, vector<1x16xf32>,
    }
    %scan3A_66 = arith.constant 128 : i32
    %add3A_67 = arith.constant 0 : i32
    %add3A_68 = arith.addi %mul3A_2, %add3A_67 : i32
    "tpu.region"() ({
      %run_scoped3A = tpu.sem_alloc : memref<!tpu.dma_semaphore, #tpu.memory_space<semaphore_mem>>
      %dma_start3A_107 = arith.constant 0 : i32
      %dma_start3A_108 = tpu.memref_slice %arg11[%add3A_68, %dma_start3A_107] : memref<10240x128xf32, #tpu.memory_space<vmem_shared>> -> memref<128x128xf32, #tpu.memory_space<vmem_shared>>
      %dma_start3A_109 = arith.constant 0 : i32
      %dma_start3A_110 = tpu.memref_slice %arg11[%add3A_68, %dma_start3A_109] : memref<10240x128xf32, #tpu.memory_space<vmem_shared>> -> memref<128x128xf32, #tpu.memory_space<vmem_shared>>
      tpu.enqueue_dma source(%arg9 : memref<128x128xf32, #tpu.memory_space<vmem>>) target(%dma_start3A_110 : memref<128x128xf32, #tpu.memory_space<vmem_shared>>) target_semaphore(%run_scoped3A : memref<!tpu.dma_semaphore, #tpu.memory_space<semaphore_mem>>)
      %dma_wait3A = arith.constant 0 : i32
      %dma_wait3A_111 = tpu.memref_slice %arg11[%add3A_68, %dma_wait3A] : memref<10240x128xf32, #tpu.memory_space<vmem_shared>> -> memref<128x128xf32, #tpu.memory_space<vmem_shared>>
      %dma_wait3A_112 = arith.constant 0 : i32
      %dma_wait3A_113 = tpu.memref_slice %arg11[%add3A_68, %dma_wait3A_112] : memref<10240x128xf32, #tpu.memory_space<vmem_shared>> -> memref<128x128xf32, #tpu.memory_space<vmem_shared>>
      tpu.wait_dma2 semaphore(%run_scoped3A : memref<!tpu.dma_semaphore, #tpu.memory_space<semaphore_mem>>) src(%arg9 : memref<128x128xf32, #tpu.memory_space<vmem>>) dst(%dma_wait3A_113 : memref<128x128xf32, #tpu.memory_space<vmem_shared>>)
      tpu.yield
    }) : () -> ()
    %add3A_69 = arith.constant 128 : i32
    %add3A_70 = arith.addi %mul3A_2, %add3A_69 : i32
    "tpu.region"() ({
      %run_scoped3A = tpu.sem_alloc : memref<!tpu.dma_semaphore, #tpu.memory_space<semaphore_mem>>
      %dma_start3A_107 = arith.constant 0 : i32
      %dma_start3A_108 = tpu.memref_slice %arg11[%add3A_70, %dma_start3A_107] : memref<10240x128xf32, #tpu.memory_space<vmem_shared>> -> memref<128x128xf32, #tpu.memory_space<vmem_shared>>
      %dma_start3A_109 = arith.constant 0 : i32
      %dma_start3A_110 = tpu.memref_slice %arg11[%add3A_70, %dma_start3A_109] : memref<10240x128xf32, #tpu.memory_space<vmem_shared>> -> memref<128x128xf32, #tpu.memory_space<vmem_shared>>
      tpu.enqueue_dma source(%arg9 : memref<128x128xf32, #tpu.memory_space<vmem>>) target(%dma_start3A_110 : memref<128x128xf32, #tpu.memory_space<vmem_shared>>) target_semaphore(%run_scoped3A : memref<!tpu.dma_semaphore, #tpu.memory_space<semaphore_mem>>)
      %dma_wait3A = arith.constant 0 : i32
      %dma_wait3A_111 = tpu.memref_slice %arg11[%add3A_70, %dma_wait3A] : memref<10240x128xf32, #tpu.memory_space<vmem_shared>> -> memref<128x128xf32, #tpu.memory_space<vmem_shared>>
      %dma_wait3A_112 = arith.constant 0 : i32
      %dma_wait3A_113 = tpu.memref_slice %arg11[%add3A_70, %dma_wait3A_112] : memref<10240x128xf32, #tpu.memory_space<vmem_shared>> -> memref<128x128xf32, #tpu.memory_space<vmem_shared>>
      tpu.wait_dma2 semaphore(%run_scoped3A : memref<!tpu.dma_semaphore, #tpu.memory_space<semaphore_mem>>) src(%arg9 : memref<128x128xf32, #tpu.memory_space<vmem>>) dst(%dma_wait3A_113 : memref<128x128xf32, #tpu.memory_space<vmem_shared>>)
      tpu.yield
    }) : () -> ()
    %add3A_71 = arith.constant 256 : i32
    %add3A_72 = arith.addi %mul3A_2, %add3A_71 : i32
    "tpu.region"() ({
      %run_scoped3A = tpu.sem_alloc : memref<!tpu.dma_semaphore, #tpu.memory_space<semaphore_mem>>
      %dma_start3A_107 = arith.constant 0 : i32
      %dma_start3A_108 = tpu.memref_slice %arg11[%add3A_72, %dma_start3A_107] : memref<10240x128xf32, #tpu.memory_space<vmem_shared>> -> memref<128x128xf32, #tpu.memory_space<vmem_shared>>
      %dma_start3A_109 = arith.constant 0 : i32
      %dma_start3A_110 = tpu.memref_slice %arg11[%add3A_72, %dma_start3A_109] : memref<10240x128xf32, #tpu.memory_space<vmem_shared>> -> memref<128x128xf32, #tpu.memory_space<vmem_shared>>
      tpu.enqueue_dma source(%arg9 : memref<128x128xf32, #tpu.memory_space<vmem>>) target(%dma_start3A_110 : memref<128x128xf32, #tpu.memory_space<vmem_shared>>) target_semaphore(%run_scoped3A : memref<!tpu.dma_semaphore, #tpu.memory_space<semaphore_mem>>)
      %dma_wait3A = arith.constant 0 : i32
      %dma_wait3A_111 = tpu.memref_slice %arg11[%add3A_72, %dma_wait3A] : memref<10240x128xf32, #tpu.memory_space<vmem_shared>> -> memref<128x128xf32, #tpu.memory_space<vmem_shared>>
      %dma_wait3A_112 = arith.constant 0 : i32
      %dma_wait3A_113 = tpu.memref_slice %arg11[%add3A_72, %dma_wait3A_112] : memref<10240x128xf32, #tpu.memory_space<vmem_shared>> -> memref<128x128xf32, #tpu.memory_space<vmem_shared>>
      tpu.wait_dma2 semaphore(%run_scoped3A : memref<!tpu.dma_semaphore, #tpu.memory_space<semaphore_mem>>) src(%arg9 : memref<128x128xf32, #tpu.memory_space<vmem>>) dst(%dma_wait3A_113 : memref<128x128xf32, #tpu.memory_space<vmem_shared>>)
      tpu.yield
    }) : () -> ()
    %add3A_73 = arith.constant 384 : i32
    %add3A_74 = arith.addi %mul3A_2, %add3A_73 : i32
    "tpu.region"() ({
      %run_scoped3A = tpu.sem_alloc : memref<!tpu.dma_semaphore, #tpu.memory_space<semaphore_mem>>
      %dma_start3A_107 = arith.constant 0 : i32
      %dma_start3A_108 = tpu.memref_slice %arg11[%add3A_74, %dma_start3A_107] : memref<10240x128xf32, #tpu.memory_space<vmem_shared>> -> memref<128x128xf32, #tpu.memory_space<vmem_shared>>
      %dma_start3A_109 = arith.constant 0 : i32
      %dma_start3A_110 = tpu.memref_slice %arg11[%add3A_74, %dma_start3A_109] : memref<10240x128xf32, #tpu.memory_space<vmem_shared>> -> memref<128x128xf32, #tpu.memory_space<vmem_shared>>
      tpu.enqueue_dma source(%arg9 : memref<128x128xf32, #tpu.memory_space<vmem>>) target(%dma_start3A_110 : memref<128x128xf32, #tpu.memory_space<vmem_shared>>) target_semaphore(%run_scoped3A : memref<!tpu.dma_semaphore, #tpu.memory_space<semaphore_mem>>)
      %dma_wait3A = arith.constant 0 : i32
      %dma_wait3A_111 = tpu.memref_slice %arg11[%add3A_74, %dma_wait3A] : memref<10240x128xf32, #tpu.memory_space<vmem_shared>> -> memref<128x128xf32, #tpu.memory_space<vmem_shared>>
      %dma_wait3A_112 = arith.constant 0 : i32
      %dma_wait3A_113 = tpu.memref_slice %arg11[%add3A_74, %dma_wait3A_112] : memref<10240x128xf32, #tpu.memory_space<vmem_shared>> -> memref<128x128xf32, #tpu.memory_space<vmem_shared>>
      tpu.wait_dma2 semaphore(%run_scoped3A : memref<!tpu.dma_semaphore, #tpu.memory_space<semaphore_mem>>) src(%arg9 : memref<128x128xf32, #tpu.memory_space<vmem>>) dst(%dma_wait3A_113 : memref<128x128xf32, #tpu.memory_space<vmem_shared>>)
      tpu.yield
    }) : () -> ()
    %add3A_75 = arith.constant 512 : i32
    %add3A_76 = arith.addi %mul3A_2, %add3A_75 : i32
    "tpu.region"() ({
      %run_scoped3A = tpu.sem_alloc : memref<!tpu.dma_semaphore, #tpu.memory_space<semaphore_mem>>
      %dma_start3A_107 = arith.constant 0 : i32
      %dma_start3A_108 = tpu.memref_slice %arg11[%add3A_76, %dma_start3A_107] : memref<10240x128xf32, #tpu.memory_space<vmem_shared>> -> memref<128x128xf32, #tpu.memory_space<vmem_shared>>
      %dma_start3A_109 = arith.constant 0 : i32
      %dma_start3A_110 = tpu.memref_slice %arg11[%add3A_76, %dma_start3A_109] : memref<10240x128xf32, #tpu.memory_space<vmem_shared>> -> memref<128x128xf32, #tpu.memory_space<vmem_shared>>
      tpu.enqueue_dma source(%arg9 : memref<128x128xf32, #tpu.memory_space<vmem>>) target(%dma_start3A_110 : memref<128x128xf32, #tpu.memory_space<vmem_shared>>) target_semaphore(%run_scoped3A : memref<!tpu.dma_semaphore, #tpu.memory_space<semaphore_mem>>)
      %dma_wait3A = arith.constant 0 : i32
      %dma_wait3A_111 = tpu.memref_slice %arg11[%add3A_76, %dma_wait3A] : memref<10240x128xf32, #tpu.memory_space<vmem_shared>> -> memref<128x128xf32, #tpu.memory_space<vmem_shared>>
      %dma_wait3A_112 = arith.constant 0 : i32
      %dma_wait3A_113 = tpu.memref_slice %arg11[%add3A_76, %dma_wait3A_112] : memref<10240x128xf32, #tpu.memory_space<vmem_shared>> -> memref<128x128xf32, #tpu.memory_space<vmem_shared>>
      tpu.wait_dma2 semaphore(%run_scoped3A : memref<!tpu.dma_semaphore, #tpu.memory_space<semaphore_mem>>) src(%arg9 : memref<128x128xf32, #tpu.memory_space<vmem>>) dst(%dma_wait3A_113 : memref<128x128xf32, #tpu.memory_space<vmem_shared>>)
      tpu.yield
    }) : () -> ()
    %broadcast_in_dim3A_77 = arith.constant 1.000000e+00 : f32
    %broadcast_in_dim3A_78 = vector.broadcast %broadcast_in_dim3A_77 : f32 to vector<16xf32>
    %scan3A_79 = arith.constant 0 : i32
    %scan3A_80 = arith.constant 0 : i32
    %scan3A_81 = arith.constant 128 : i32
    %scan3A_82 = arith.addi %scan3A_80, %scan3A_81 : i32
    %scan3A_83 = arith.constant 1 : i32
    scf.for %scan3A_107 = %scan3A_80 to %scan3A_82 step %scan3A_83  : i32 {
      %swap3A = arith.index_cast %scan3A_107 : i32 to index
      %swap3A_108 = arith.constant 0 : index
      %swap3A_109 = tpu.vector_load %arg9[%swap3A, %swap3A_108] {strides = array<i32>} : memref<128x128xf32, #tpu.memory_space<vmem>>, vector<1x16xf32>,
      %swap3A_110 = vector.shape_cast %swap3A_109 : vector<1x16xf32> to vector<16xf32>
      %swap3A_111 = vector.shape_cast %broadcast_in_dim3A_78 : vector<16xf32> to vector<1x16xf32>
      tpu.vector_store %arg9[%swap3A, %swap3A_108], %swap3A_111 {strides = array<i32>} : memref<128x128xf32, #tpu.memory_space<vmem>>, vector<1x16xf32>,
      %swap3A_112 = arith.index_cast %scan3A_107 : i32 to index
      %swap3A_113 = arith.constant 16 : index
      %swap3A_114 = tpu.vector_load %arg9[%swap3A_112, %swap3A_113] {strides = array<i32>} : memref<128x128xf32, #tpu.memory_space<vmem>>, vector<1x16xf32>,
      %swap3A_115 = vector.shape_cast %swap3A_114 : vector<1x16xf32> to vector<16xf32>
      %swap3A_116 = vector.shape_cast %broadcast_in_dim3A_78 : vector<16xf32> to vector<1x16xf32>
      tpu.vector_store %arg9[%swap3A_112, %swap3A_113], %swap3A_116 {strides = array<i32>} : memref<128x128xf32, #tpu.memory_space<vmem>>, vector<1x16xf32>,
      %swap3A_117 = arith.index_cast %scan3A_107 : i32 to index
      %swap3A_118 = arith.constant 32 : index
      %swap3A_119 = tpu.vector_load %arg9[%swap3A_117, %swap3A_118] {strides = array<i32>} : memref<128x128xf32, #tpu.memory_space<vmem>>, vector<1x16xf32>,
      %swap3A_120 = vector.shape_cast %swap3A_119 : vector<1x16xf32> to vector<16xf32>
      %swap3A_121 = vector.shape_cast %broadcast_in_dim3A_78 : vector<16xf32> to vector<1x16xf32>
      tpu.vector_store %arg9[%swap3A_117, %swap3A_118], %swap3A_121 {strides = array<i32>} : memref<128x128xf32, #tpu.memory_space<vmem>>, vector<1x16xf32>,
      %swap3A_122 = arith.index_cast %scan3A_107 : i32 to index
      %swap3A_123 = arith.constant 48 : index
      %swap3A_124 = tpu.vector_load %arg9[%swap3A_122, %swap3A_123] {strides = array<i32>} : memref<128x128xf32, #tpu.memory_space<vmem>>, vector<1x16xf32>,
      %swap3A_125 = vector.shape_cast %swap3A_124 : vector<1x16xf32> to vector<16xf32>
      %swap3A_126 = vector.shape_cast %broadcast_in_dim3A_78 : vector<16xf32> to vector<1x16xf32>
      tpu.vector_store %arg9[%swap3A_122, %swap3A_123], %swap3A_126 {strides = array<i32>} : memref<128x128xf32, #tpu.memory_space<vmem>>, vector<1x16xf32>,
      %swap3A_127 = arith.index_cast %scan3A_107 : i32 to index
      %swap3A_128 = arith.constant 64 : index
      %swap3A_129 = tpu.vector_load %arg9[%swap3A_127, %swap3A_128] {strides = array<i32>} : memref<128x128xf32, #tpu.memory_space<vmem>>, vector<1x16xf32>,
      %swap3A_130 = vector.shape_cast %swap3A_129 : vector<1x16xf32> to vector<16xf32>
      %swap3A_131 = vector.shape_cast %broadcast_in_dim3A_78 : vector<16xf32> to vector<1x16xf32>
      tpu.vector_store %arg9[%swap3A_127, %swap3A_128], %swap3A_131 {strides = array<i32>} : memref<128x128xf32, #tpu.memory_space<vmem>>, vector<1x16xf32>,
      %swap3A_132 = arith.index_cast %scan3A_107 : i32 to index
      %swap3A_133 = arith.constant 80 : index
      %swap3A_134 = tpu.vector_load %arg9[%swap3A_132, %swap3A_133] {strides = array<i32>} : memref<128x128xf32, #tpu.memory_space<vmem>>, vector<1x16xf32>,
      %swap3A_135 = vector.shape_cast %swap3A_134 : vector<1x16xf32> to vector<16xf32>
      %swap3A_136 = vector.shape_cast %broadcast_in_dim3A_78 : vector<16xf32> to vector<1x16xf32>
      tpu.vector_store %arg9[%swap3A_132, %swap3A_133], %swap3A_136 {strides = array<i32>} : memref<128x128xf32, #tpu.memory_space<vmem>>, vector<1x16xf32>,
      %swap3A_137 = arith.index_cast %scan3A_107 : i32 to index
      %swap3A_138 = arith.constant 96 : index
      %swap3A_139 = tpu.vector_load %arg9[%swap3A_137, %swap3A_138] {strides = array<i32>} : memref<128x128xf32, #tpu.memory_space<vmem>>, vector<1x16xf32>,
      %swap3A_140 = vector.shape_cast %swap3A_139 : vector<1x16xf32> to vector<16xf32>
      %swap3A_141 = vector.shape_cast %broadcast_in_dim3A_78 : vector<16xf32> to vector<1x16xf32>
      tpu.vector_store %arg9[%swap3A_137, %swap3A_138], %swap3A_141 {strides = array<i32>} : memref<128x128xf32, #tpu.memory_space<vmem>>, vector<1x16xf32>,
      %swap3A_142 = arith.index_cast %scan3A_107 : i32 to index
      %swap3A_143 = arith.constant 112 : index
      %swap3A_144 = tpu.vector_load %arg9[%swap3A_142, %swap3A_143] {strides = array<i32>} : memref<128x128xf32, #tpu.memory_space<vmem>>, vector<1x16xf32>,
      %swap3A_145 = vector.shape_cast %swap3A_144 : vector<1x16xf32> to vector<16xf32>
      %swap3A_146 = vector.shape_cast %broadcast_in_dim3A_78 : vector<16xf32> to vector<1x16xf32>
      tpu.vector_store %arg9[%swap3A_142, %swap3A_143], %swap3A_146 {strides = array<i32>} : memref<128x128xf32, #tpu.memory_space<vmem>>, vector<1x16xf32>,
    }
    %scan3A_84 = arith.constant 128 : i32
    %barrier3A_85 = arith.constant 0 : index
    tpu.barrier barrier_id(%barrier3A_85)
    %mul3A_86 = arith.constant 80 : i32
    %mul3A_87 = arith.muli %add3A, %mul3A_86 : i32
    %add3A_88 = arith.constant 0 : i32
    %add3A_89 = arith.addi %mul3A_87, %add3A_88 : i32
    "tpu.region"() ({
      %run_scoped3A = tpu.sem_alloc : memref<!tpu.dma_semaphore, #tpu.memory_space<semaphore_mem>>
      %dma_start3A_107 = arith.constant 0 : i32
      %dma_start3A_108 = tpu.memref_slice %arg3[%add3A_89, %dma_start3A_107] : memref<2560x125xi32, #tpu.memory_space<hbm>> -> memref<40x125xi32, #tpu.memory_space<hbm>>
      %dma_start3A_109 = arith.constant 0 : i32
      %dma_start3A_110 = tpu.memref_slice %arg3[%add3A_89, %dma_start3A_109] : memref<2560x125xi32, #tpu.memory_space<hbm>> -> memref<40x125xi32, #tpu.memory_space<hbm>>
      tpu.enqueue_dma source(%dma_start3A_110 : memref<40x125xi32, #tpu.memory_space<hbm>>) target(%arg8 : memref<40x125xi32, #tpu.memory_space<vmem>>) target_semaphore(%run_scoped3A : memref<!tpu.dma_semaphore, #tpu.memory_space<semaphore_mem>>)
      %dma_wait3A = arith.constant 0 : i32
      %dma_wait3A_111 = tpu.memref_slice %arg3[%add3A_89, %dma_wait3A] : memref<2560x125xi32, #tpu.memory_space<hbm>> -> memref<40x125xi32, #tpu.memory_space<hbm>>
      %dma_wait3A_112 = arith.constant 0 : i32
      %dma_wait3A_113 = tpu.memref_slice %arg3[%add3A_89, %dma_wait3A_112] : memref<2560x125xi32, #tpu.memory_space<hbm>> -> memref<40x125xi32, #tpu.memory_space<hbm>>
      tpu.wait_dma2 semaphore(%run_scoped3A : memref<!tpu.dma_semaphore, #tpu.memory_space<semaphore_mem>>) src(%dma_wait3A_113 : memref<40x125xi32, #tpu.memory_space<hbm>>) dst(%arg8 : memref<40x125xi32, #tpu.memory_space<vmem>>)
      tpu.yield
    }) : () -> ()
    %scan3A_90 = arith.constant 0 : i32
    %scan3A_91 = arith.constant 0 : i32
    %scan3A_92 = arith.constant 5 : i32
    %scan3A_93 = arith.addi %scan3A_91, %scan3A_92 : i32
    %scan3A_94 = arith.constant 1 : i32
    scf.for %scan3A_107 = %scan3A_91 to %scan3A_93 step %scan3A_94  : i32 {
      %mul3A_108 = arith.constant 8 : i32
      %mul3A_109 = arith.muli %scan3A_107, %mul3A_108 : i32
      %add3A_110 = arith.constant 0 : i32
      %add3A_111 = arith.addi %mul3A_109, %add3A_110 : i32
      %dma_start3A_112 = arith.constant 0 : i32
      %dma_start3A_113 = arith.constant 0 : i32
      %dma_start3A_114 = tpu.memref_slice %arg9[%dma_start3A_112, %dma_start3A_113] : memref<128x128xf32, #tpu.memory_space<vmem>> -> memref<125x128xf32, #tpu.memory_space<vmem>>
      %dma_start3A_115 = arith.constant 0 : i32
      %dma_start3A_116 = tpu.memref_slice %arg8[%add3A_111, %dma_start3A_115] : memref<40x125xi32, #tpu.memory_space<vmem>> -> memref<1x125xi32, #tpu.memory_space<vmem>>
      %dma_start3A_117 = tpu.memref_squeeze %dma_start3A_116 : memref<1x125xi32, #tpu.memory_space<vmem>> -> memref<125xi32, #tpu.memory_space<vmem>>
      %dma_start3A_118 = arith.constant 0 : i32
      %dma_start3A_119 = arith.constant 0 : i32
      %dma_start3A_120 = tpu.memref_slice %arg11[%dma_start3A_118, %dma_start3A_119] : memref<10240x128xf32, #tpu.memory_space<vmem_shared>> -> memref<10240x128xf32, #tpu.memory_space<vmem_shared>>
      tpu.enqueue_indirect_dma source(%dma_start3A_114 : memref<125x128xf32, #tpu.memory_space<vmem>>) target(%dma_start3A_120 : memref<10240x128xf32, #tpu.memory_space<vmem_shared>>) offsets(%dma_start3A_117 : memref<125xi32, #tpu.memory_space<vmem>>) semaphore(%arg14 : memref<!tpu.dma_semaphore, #tpu.memory_space<semaphore_mem>>) {add = true}
      %mul3A_121 = arith.constant 8 : i32
      %mul3A_122 = arith.muli %scan3A_107, %mul3A_121 : i32
      %add3A_123 = arith.constant 1 : i32
      %add3A_124 = arith.addi %mul3A_122, %add3A_123 : i32
      %dma_start3A_125 = arith.constant 0 : i32
      %dma_start3A_126 = arith.constant 0 : i32
      %dma_start3A_127 = tpu.memref_slice %arg9[%dma_start3A_125, %dma_start3A_126] : memref<128x128xf32, #tpu.memory_space<vmem>> -> memref<125x128xf32, #tpu.memory_space<vmem>>
      %dma_start3A_128 = arith.constant 0 : i32
      %dma_start3A_129 = tpu.memref_slice %arg8[%add3A_124, %dma_start3A_128] : memref<40x125xi32, #tpu.memory_space<vmem>> -> memref<1x125xi32, #tpu.memory_space<vmem>>
      %dma_start3A_130 = tpu.memref_squeeze %dma_start3A_129 : memref<1x125xi32, #tpu.memory_space<vmem>> -> memref<125xi32, #tpu.memory_space<vmem>>
      %dma_start3A_131 = arith.constant 0 : i32
      %dma_start3A_132 = arith.constant 0 : i32
      %dma_start3A_133 = tpu.memref_slice %arg11[%dma_start3A_131, %dma_start3A_132] : memref<10240x128xf32, #tpu.memory_space<vmem_shared>> -> memref<10240x128xf32, #tpu.memory_space<vmem_shared>>
      tpu.enqueue_indirect_dma source(%dma_start3A_127 : memref<125x128xf32, #tpu.memory_space<vmem>>) target(%dma_start3A_133 : memref<10240x128xf32, #tpu.memory_space<vmem_shared>>) offsets(%dma_start3A_130 : memref<125xi32, #tpu.memory_space<vmem>>) semaphore(%arg14 : memref<!tpu.dma_semaphore, #tpu.memory_space<semaphore_mem>>) {add = true}
      %mul3A_134 = arith.constant 8 : i32
      %mul3A_135 = arith.muli %scan3A_107, %mul3A_134 : i32
      %add3A_136 = arith.constant 2 : i32
      %add3A_137 = arith.addi %mul3A_135, %add3A_136 : i32
      %dma_start3A_138 = arith.constant 0 : i32
      %dma_start3A_139 = arith.constant 0 : i32
      %dma_start3A_140 = tpu.memref_slice %arg9[%dma_start3A_138, %dma_start3A_139] : memref<128x128xf32, #tpu.memory_space<vmem>> -> memref<125x128xf32, #tpu.memory_space<vmem>>
      %dma_start3A_141 = arith.constant 0 : i32
      %dma_start3A_142 = tpu.memref_slice %arg8[%add3A_137, %dma_start3A_141] : memref<40x125xi32, #tpu.memory_space<vmem>> -> memref<1x125xi32, #tpu.memory_space<vmem>>
      %dma_start3A_143 = tpu.memref_squeeze %dma_start3A_142 : memref<1x125xi32, #tpu.memory_space<vmem>> -> memref<125xi32, #tpu.memory_space<vmem>>
      %dma_start3A_144 = arith.constant 0 : i32
      %dma_start3A_145 = arith.constant 0 : i32
      %dma_start3A_146 = tpu.memref_slice %arg11[%dma_start3A_144, %dma_start3A_145] : memref<10240x128xf32, #tpu.memory_space<vmem_shared>> -> memref<10240x128xf32, #tpu.memory_space<vmem_shared>>
      tpu.enqueue_indirect_dma source(%dma_start3A_140 : memref<125x128xf32, #tpu.memory_space<vmem>>) target(%dma_start3A_146 : memref<10240x128xf32, #tpu.memory_space<vmem_shared>>) offsets(%dma_start3A_143 : memref<125xi32, #tpu.memory_space<vmem>>) semaphore(%arg14 : memref<!tpu.dma_semaphore, #tpu.memory_space<semaphore_mem>>) {add = true}
      %mul3A_147 = arith.constant 8 : i32
      %mul3A_148 = arith.muli %scan3A_107, %mul3A_147 : i32
      %add3A_149 = arith.constant 3 : i32
      %add3A_150 = arith.addi %mul3A_148, %add3A_149 : i32
      %dma_start3A_151 = arith.constant 0 : i32
      %dma_start3A_152 = arith.constant 0 : i32
      %dma_start3A_153 = tpu.memref_slice %arg9[%dma_start3A_151, %dma_start3A_152] : memref<128x128xf32, #tpu.memory_space<vmem>> -> memref<125x128xf32, #tpu.memory_space<vmem>>
      %dma_start3A_154 = arith.constant 0 : i32
      %dma_start3A_155 = tpu.memref_slice %arg8[%add3A_150, %dma_start3A_154] : memref<40x125xi32, #tpu.memory_space<vmem>> -> memref<1x125xi32, #tpu.memory_space<vmem>>
      %dma_start3A_156 = tpu.memref_squeeze %dma_start3A_155 : memref<1x125xi32, #tpu.memory_space<vmem>> -> memref<125xi32, #tpu.memory_space<vmem>>
      %dma_start3A_157 = arith.constant 0 : i32
      %dma_start3A_158 = arith.constant 0 : i32
      %dma_start3A_159 = tpu.memref_slice %arg11[%dma_start3A_157, %dma_start3A_158] : memref<10240x128xf32, #tpu.memory_space<vmem_shared>> -> memref<10240x128xf32, #tpu.memory_space<vmem_shared>>
      tpu.enqueue_indirect_dma source(%dma_start3A_153 : memref<125x128xf32, #tpu.memory_space<vmem>>) target(%dma_start3A_159 : memref<10240x128xf32, #tpu.memory_space<vmem_shared>>) offsets(%dma_start3A_156 : memref<125xi32, #tpu.memory_space<vmem>>) semaphore(%arg14 : memref<!tpu.dma_semaphore, #tpu.memory_space<semaphore_mem>>) {add = true}
      %mul3A_160 = arith.constant 8 : i32
      %mul3A_161 = arith.muli %scan3A_107, %mul3A_160 : i32
      %add3A_162 = arith.constant 4 : i32
      %add3A_163 = arith.addi %mul3A_161, %add3A_162 : i32
      %dma_start3A_164 = arith.constant 0 : i32
      %dma_start3A_165 = arith.constant 0 : i32
      %dma_start3A_166 = tpu.memref_slice %arg9[%dma_start3A_164, %dma_start3A_165] : memref<128x128xf32, #tpu.memory_space<vmem>> -> memref<125x128xf32, #tpu.memory_space<vmem>>
      %dma_start3A_167 = arith.constant 0 : i32
      %dma_start3A_168 = tpu.memref_slice %arg8[%add3A_163, %dma_start3A_167] : memref<40x125xi32, #tpu.memory_space<vmem>> -> memref<1x125xi32, #tpu.memory_space<vmem>>
      %dma_start3A_169 = tpu.memref_squeeze %dma_start3A_168 : memref<1x125xi32, #tpu.memory_space<vmem>> -> memref<125xi32, #tpu.memory_space<vmem>>
      %dma_start3A_170 = arith.constant 0 : i32
      %dma_start3A_171 = arith.constant 0 : i32
      %dma_start3A_172 = tpu.memref_slice %arg11[%dma_start3A_170, %dma_start3A_171] : memref<10240x128xf32, #tpu.memory_space<vmem_shared>> -> memref<10240x128xf32, #tpu.memory_space<vmem_shared>>
      tpu.enqueue_indirect_dma source(%dma_start3A_166 : memref<125x128xf32, #tpu.memory_space<vmem>>) target(%dma_start3A_172 : memref<10240x128xf32, #tpu.memory_space<vmem_shared>>) offsets(%dma_start3A_169 : memref<125xi32, #tpu.memory_space<vmem>>) semaphore(%arg14 : memref<!tpu.dma_semaphore, #tpu.memory_space<semaphore_mem>>) {add = true}
      %mul3A_173 = arith.constant 8 : i32
      %mul3A_174 = arith.muli %scan3A_107, %mul3A_173 : i32
      %add3A_175 = arith.constant 5 : i32
      %add3A_176 = arith.addi %mul3A_174, %add3A_175 : i32
      %dma_start3A_177 = arith.constant 0 : i32
      %dma_start3A_178 = arith.constant 0 : i32
      %dma_start3A_179 = tpu.memref_slice %arg9[%dma_start3A_177, %dma_start3A_178] : memref<128x128xf32, #tpu.memory_space<vmem>> -> memref<125x128xf32, #tpu.memory_space<vmem>>
      %dma_start3A_180 = arith.constant 0 : i32
      %dma_start3A_181 = tpu.memref_slice %arg8[%add3A_176, %dma_start3A_180] : memref<40x125xi32, #tpu.memory_space<vmem>> -> memref<1x125xi32, #tpu.memory_space<vmem>>
      %dma_start3A_182 = tpu.memref_squeeze %dma_start3A_181 : memref<1x125xi32, #tpu.memory_space<vmem>> -> memref<125xi32, #tpu.memory_space<vmem>>
      %dma_start3A_183 = arith.constant 0 : i32
      %dma_start3A_184 = arith.constant 0 : i32
      %dma_start3A_185 = tpu.memref_slice %arg11[%dma_start3A_183, %dma_start3A_184] : memref<10240x128xf32, #tpu.memory_space<vmem_shared>> -> memref<10240x128xf32, #tpu.memory_space<vmem_shared>>
      tpu.enqueue_indirect_dma source(%dma_start3A_179 : memref<125x128xf32, #tpu.memory_space<vmem>>) target(%dma_start3A_185 : memref<10240x128xf32, #tpu.memory_space<vmem_shared>>) offsets(%dma_start3A_182 : memref<125xi32, #tpu.memory_space<vmem>>) semaphore(%arg14 : memref<!tpu.dma_semaphore, #tpu.memory_space<semaphore_mem>>) {add = true}
      %mul3A_186 = arith.constant 8 : i32
      %mul3A_187 = arith.muli %scan3A_107, %mul3A_186 : i32
      %add3A_188 = arith.constant 6 : i32
      %add3A_189 = arith.addi %mul3A_187, %add3A_188 : i32
      %dma_start3A_190 = arith.constant 0 : i32
      %dma_start3A_191 = arith.constant 0 : i32
      %dma_start3A_192 = tpu.memref_slice %arg9[%dma_start3A_190, %dma_start3A_191] : memref<128x128xf32, #tpu.memory_space<vmem>> -> memref<125x128xf32, #tpu.memory_space<vmem>>
      %dma_start3A_193 = arith.constant 0 : i32
      %dma_start3A_194 = tpu.memref_slice %arg8[%add3A_189, %dma_start3A_193] : memref<40x125xi32, #tpu.memory_space<vmem>> -> memref<1x125xi32, #tpu.memory_space<vmem>>
      %dma_start3A_195 = tpu.memref_squeeze %dma_start3A_194 : memref<1x125xi32, #tpu.memory_space<vmem>> -> memref<125xi32, #tpu.memory_space<vmem>>
      %dma_start3A_196 = arith.constant 0 : i32
      %dma_start3A_197 = arith.constant 0 : i32
      %dma_start3A_198 = tpu.memref_slice %arg11[%dma_start3A_196, %dma_start3A_197] : memref<10240x128xf32, #tpu.memory_space<vmem_shared>> -> memref<10240x128xf32, #tpu.memory_space<vmem_shared>>
      tpu.enqueue_indirect_dma source(%dma_start3A_192 : memref<125x128xf32, #tpu.memory_space<vmem>>) target(%dma_start3A_198 : memref<10240x128xf32, #tpu.memory_space<vmem_shared>>) offsets(%dma_start3A_195 : memref<125xi32, #tpu.memory_space<vmem>>) semaphore(%arg14 : memref<!tpu.dma_semaphore, #tpu.memory_space<semaphore_mem>>) {add = true}
      %mul3A_199 = arith.constant 8 : i32
      %mul3A_200 = arith.muli %scan3A_107, %mul3A_199 : i32
      %add3A_201 = arith.constant 7 : i32
      %add3A_202 = arith.addi %mul3A_200, %add3A_201 : i32
      %dma_start3A_203 = arith.constant 0 : i32
      %dma_start3A_204 = arith.constant 0 : i32
      %dma_start3A_205 = tpu.memref_slice %arg9[%dma_start3A_203, %dma_start3A_204] : memref<128x128xf32, #tpu.memory_space<vmem>> -> memref<125x128xf32, #tpu.memory_space<vmem>>
      %dma_start3A_206 = arith.constant 0 : i32
      %dma_start3A_207 = tpu.memref_slice %arg8[%add3A_202, %dma_start3A_206] : memref<40x125xi32, #tpu.memory_space<vmem>> -> memref<1x125xi32, #tpu.memory_space<vmem>>
      %dma_start3A_208 = tpu.memref_squeeze %dma_start3A_207 : memref<1x125xi32, #tpu.memory_space<vmem>> -> memref<125xi32, #tpu.memory_space<vmem>>
      %dma_start3A_209 = arith.constant 0 : i32
      %dma_start3A_210 = arith.constant 0 : i32
      %dma_start3A_211 = tpu.memref_slice %arg11[%dma_start3A_209, %dma_start3A_210] : memref<10240x128xf32, #tpu.memory_space<vmem_shared>> -> memref<10240x128xf32, #tpu.memory_space<vmem_shared>>
      tpu.enqueue_indirect_dma source(%dma_start3A_205 : memref<125x128xf32, #tpu.memory_space<vmem>>) target(%dma_start3A_211 : memref<10240x128xf32, #tpu.memory_space<vmem_shared>>) offsets(%dma_start3A_208 : memref<125xi32, #tpu.memory_space<vmem>>) semaphore(%arg14 : memref<!tpu.dma_semaphore, #tpu.memory_space<semaphore_mem>>) {add = true}
      %mul3A_212 = arith.constant 8 : i32
      %mul3A_213 = arith.muli %scan3A_107, %mul3A_212 : i32
      %add3A_214 = arith.constant 0 : i32
      %add3A_215 = arith.addi %mul3A_213, %add3A_214 : i32
      %dma_wait3A = arith.constant 0 : i32
      %dma_wait3A_216 = arith.constant 0 : i32
      %dma_wait3A_217 = tpu.memref_slice %arg9[%dma_wait3A, %dma_wait3A_216] : memref<128x128xf32, #tpu.memory_space<vmem>> -> memref<125x128xf32, #tpu.memory_space<vmem>>
      %dma_wait3A_218 = arith.constant 0 : i32
      %dma_wait3A_219 = tpu.memref_slice %arg8[%add3A_215, %dma_wait3A_218] : memref<40x125xi32, #tpu.memory_space<vmem>> -> memref<1x125xi32, #tpu.memory_space<vmem>>
      %dma_wait3A_220 = tpu.memref_squeeze %dma_wait3A_219 : memref<1x125xi32, #tpu.memory_space<vmem>> -> memref<125xi32, #tpu.memory_space<vmem>>
      %dma_wait3A_221 = arith.constant 0 : i32
      %dma_wait3A_222 = arith.constant 0 : i32
      %dma_wait3A_223 = tpu.memref_slice %arg11[%dma_wait3A_221, %dma_wait3A_222] : memref<10240x128xf32, #tpu.memory_space<vmem_shared>> -> memref<10240x128xf32, #tpu.memory_space<vmem_shared>>
      tpu.wait_indirect_dma semaphore(%arg14 : memref<!tpu.dma_semaphore, #tpu.memory_space<semaphore_mem>>) src(%dma_wait3A_217 : memref<125x128xf32, #tpu.memory_space<vmem>>) dst(%dma_wait3A_223 : memref<10240x128xf32, #tpu.memory_space<vmem_shared>>)
      %mul3A_224 = arith.constant 8 : i32
      %mul3A_225 = arith.muli %scan3A_107, %mul3A_224 : i32
      %add3A_226 = arith.constant 1 : i32
      %add3A_227 = arith.addi %mul3A_225, %add3A_226 : i32
      %dma_wait3A_228 = arith.constant 0 : i32
      %dma_wait3A_229 = arith.constant 0 : i32
      %dma_wait3A_230 = tpu.memref_slice %arg9[%dma_wait3A_228, %dma_wait3A_229] : memref<128x128xf32, #tpu.memory_space<vmem>> -> memref<125x128xf32, #tpu.memory_space<vmem>>
      %dma_wait3A_231 = arith.constant 0 : i32
      %dma_wait3A_232 = tpu.memref_slice %arg8[%add3A_227, %dma_wait3A_231] : memref<40x125xi32, #tpu.memory_space<vmem>> -> memref<1x125xi32, #tpu.memory_space<vmem>>
      %dma_wait3A_233 = tpu.memref_squeeze %dma_wait3A_232 : memref<1x125xi32, #tpu.memory_space<vmem>> -> memref<125xi32, #tpu.memory_space<vmem>>
      %dma_wait3A_234 = arith.constant 0 : i32
      %dma_wait3A_235 = arith.constant 0 : i32
      %dma_wait3A_236 = tpu.memref_slice %arg11[%dma_wait3A_234, %dma_wait3A_235] : memref<10240x128xf32, #tpu.memory_space<vmem_shared>> -> memref<10240x128xf32, #tpu.memory_space<vmem_shared>>
      tpu.wait_indirect_dma semaphore(%arg14 : memref<!tpu.dma_semaphore, #tpu.memory_space<semaphore_mem>>) src(%dma_wait3A_230 : memref<125x128xf32, #tpu.memory_space<vmem>>) dst(%dma_wait3A_236 : memref<10240x128xf32, #tpu.memory_space<vmem_shared>>)
      %mul3A_237 = arith.constant 8 : i32
      %mul3A_238 = arith.muli %scan3A_107, %mul3A_237 : i32
      %add3A_239 = arith.constant 2 : i32
      %add3A_240 = arith.addi %mul3A_238, %add3A_239 : i32
      %dma_wait3A_241 = arith.constant 0 : i32
      %dma_wait3A_242 = arith.constant 0 : i32
      %dma_wait3A_243 = tpu.memref_slice %arg9[%dma_wait3A_241, %dma_wait3A_242] : memref<128x128xf32, #tpu.memory_space<vmem>> -> memref<125x128xf32, #tpu.memory_space<vmem>>
      %dma_wait3A_244 = arith.constant 0 : i32
      %dma_wait3A_245 = tpu.memref_slice %arg8[%add3A_240, %dma_wait3A_244] : memref<40x125xi32, #tpu.memory_space<vmem>> -> memref<1x125xi32, #tpu.memory_space<vmem>>
      %dma_wait3A_246 = tpu.memref_squeeze %dma_wait3A_245 : memref<1x125xi32, #tpu.memory_space<vmem>> -> memref<125xi32, #tpu.memory_space<vmem>>
      %dma_wait3A_247 = arith.constant 0 : i32
      %dma_wait3A_248 = arith.constant 0 : i32
      %dma_wait3A_249 = tpu.memref_slice %arg11[%dma_wait3A_247, %dma_wait3A_248] : memref<10240x128xf32, #tpu.memory_space<vmem_shared>> -> memref<10240x128xf32, #tpu.memory_space<vmem_shared>>
      tpu.wait_indirect_dma semaphore(%arg14 : memref<!tpu.dma_semaphore, #tpu.memory_space<semaphore_mem>>) src(%dma_wait3A_243 : memref<125x128xf32, #tpu.memory_space<vmem>>) dst(%dma_wait3A_249 : memref<10240x128xf32, #tpu.memory_space<vmem_shared>>)
      %mul3A_250 = arith.constant 8 : i32
      %mul3A_251 = arith.muli %scan3A_107, %mul3A_250 : i32
      %add3A_252 = arith.constant 3 : i32
      %add3A_253 = arith.addi %mul3A_251, %add3A_252 : i32
      %dma_wait3A_254 = arith.constant 0 : i32
      %dma_wait3A_255 = arith.constant 0 : i32
      %dma_wait3A_256 = tpu.memref_slice %arg9[%dma_wait3A_254, %dma_wait3A_255] : memref<128x128xf32, #tpu.memory_space<vmem>> -> memref<125x128xf32, #tpu.memory_space<vmem>>
      %dma_wait3A_257 = arith.constant 0 : i32
      %dma_wait3A_258 = tpu.memref_slice %arg8[%add3A_253, %dma_wait3A_257] : memref<40x125xi32, #tpu.memory_space<vmem>> -> memref<1x125xi32, #tpu.memory_space<vmem>>
      %dma_wait3A_259 = tpu.memref_squeeze %dma_wait3A_258 : memref<1x125xi32, #tpu.memory_space<vmem>> -> memref<125xi32, #tpu.memory_space<vmem>>
      %dma_wait3A_260 = arith.constant 0 : i32
      %dma_wait3A_261 = arith.constant 0 : i32
      %dma_wait3A_262 = tpu.memref_slice %arg11[%dma_wait3A_260, %dma_wait3A_261] : memref<10240x128xf32, #tpu.memory_space<vmem_shared>> -> memref<10240x128xf32, #tpu.memory_space<vmem_shared>>
      tpu.wait_indirect_dma semaphore(%arg14 : memref<!tpu.dma_semaphore, #tpu.memory_space<semaphore_mem>>) src(%dma_wait3A_256 : memref<125x128xf32, #tpu.memory_space<vmem>>) dst(%dma_wait3A_262 : memref<10240x128xf32, #tpu.memory_space<vmem_shared>>)
      %mul3A_263 = arith.constant 8 : i32
      %mul3A_264 = arith.muli %scan3A_107, %mul3A_263 : i32
      %add3A_265 = arith.constant 4 : i32
      %add3A_266 = arith.addi %mul3A_264, %add3A_265 : i32
      %dma_wait3A_267 = arith.constant 0 : i32
      %dma_wait3A_268 = arith.constant 0 : i32
      %dma_wait3A_269 = tpu.memref_slice %arg9[%dma_wait3A_267, %dma_wait3A_268] : memref<128x128xf32, #tpu.memory_space<vmem>> -> memref<125x128xf32, #tpu.memory_space<vmem>>
      %dma_wait3A_270 = arith.constant 0 : i32
      %dma_wait3A_271 = tpu.memref_slice %arg8[%add3A_266, %dma_wait3A_270] : memref<40x125xi32, #tpu.memory_space<vmem>> -> memref<1x125xi32, #tpu.memory_space<vmem>>
      %dma_wait3A_272 = tpu.memref_squeeze %dma_wait3A_271 : memref<1x125xi32, #tpu.memory_space<vmem>> -> memref<125xi32, #tpu.memory_space<vmem>>
      %dma_wait3A_273 = arith.constant 0 : i32
      %dma_wait3A_274 = arith.constant 0 : i32
      %dma_wait3A_275 = tpu.memref_slice %arg11[%dma_wait3A_273, %dma_wait3A_274] : memref<10240x128xf32, #tpu.memory_space<vmem_shared>> -> memref<10240x128xf32, #tpu.memory_space<vmem_shared>>
      tpu.wait_indirect_dma semaphore(%arg14 : memref<!tpu.dma_semaphore, #tpu.memory_space<semaphore_mem>>) src(%dma_wait3A_269 : memref<125x128xf32, #tpu.memory_space<vmem>>) dst(%dma_wait3A_275 : memref<10240x128xf32, #tpu.memory_space<vmem_shared>>)
      %mul3A_276 = arith.constant 8 : i32
      %mul3A_277 = arith.muli %scan3A_107, %mul3A_276 : i32
      %add3A_278 = arith.constant 5 : i32
      %add3A_279 = arith.addi %mul3A_277, %add3A_278 : i32
      %dma_wait3A_280 = arith.constant 0 : i32
      %dma_wait3A_281 = arith.constant 0 : i32
      %dma_wait3A_282 = tpu.memref_slice %arg9[%dma_wait3A_280, %dma_wait3A_281] : memref<128x128xf32, #tpu.memory_space<vmem>> -> memref<125x128xf32, #tpu.memory_space<vmem>>
      %dma_wait3A_283 = arith.constant 0 : i32
      %dma_wait3A_284 = tpu.memref_slice %arg8[%add3A_279, %dma_wait3A_283] : memref<40x125xi32, #tpu.memory_space<vmem>> -> memref<1x125xi32, #tpu.memory_space<vmem>>
      %dma_wait3A_285 = tpu.memref_squeeze %dma_wait3A_284 : memref<1x125xi32, #tpu.memory_space<vmem>> -> memref<125xi32, #tpu.memory_space<vmem>>
      %dma_wait3A_286 = arith.constant 0 : i32
      %dma_wait3A_287 = arith.constant 0 : i32
      %dma_wait3A_288 = tpu.memref_slice %arg11[%dma_wait3A_286, %dma_wait3A_287] : memref<10240x128xf32, #tpu.memory_space<vmem_shared>> -> memref<10240x128xf32, #tpu.memory_space<vmem_shared>>
      tpu.wait_indirect_dma semaphore(%arg14 : memref<!tpu.dma_semaphore, #tpu.memory_space<semaphore_mem>>) src(%dma_wait3A_282 : memref<125x128xf32, #tpu.memory_space<vmem>>) dst(%dma_wait3A_288 : memref<10240x128xf32, #tpu.memory_space<vmem_shared>>)
      %mul3A_289 = arith.constant 8 : i32
      %mul3A_290 = arith.muli %scan3A_107, %mul3A_289 : i32
      %add3A_291 = arith.constant 6 : i32
      %add3A_292 = arith.addi %mul3A_290, %add3A_291 : i32
      %dma_wait3A_293 = arith.constant 0 : i32
      %dma_wait3A_294 = arith.constant 0 : i32
      %dma_wait3A_295 = tpu.memref_slice %arg9[%dma_wait3A_293, %dma_wait3A_294] : memref<128x128xf32, #tpu.memory_space<vmem>> -> memref<125x128xf32, #tpu.memory_space<vmem>>
      %dma_wait3A_296 = arith.constant 0 : i32
      %dma_wait3A_297 = tpu.memref_slice %arg8[%add3A_292, %dma_wait3A_296] : memref<40x125xi32, #tpu.memory_space<vmem>> -> memref<1x125xi32, #tpu.memory_space<vmem>>
      %dma_wait3A_298 = tpu.memref_squeeze %dma_wait3A_297 : memref<1x125xi32, #tpu.memory_space<vmem>> -> memref<125xi32, #tpu.memory_space<vmem>>
      %dma_wait3A_299 = arith.constant 0 : i32
      %dma_wait3A_300 = arith.constant 0 : i32
      %dma_wait3A_301 = tpu.memref_slice %arg11[%dma_wait3A_299, %dma_wait3A_300] : memref<10240x128xf32, #tpu.memory_space<vmem_shared>> -> memref<10240x128xf32, #tpu.memory_space<vmem_shared>>
      tpu.wait_indirect_dma semaphore(%arg14 : memref<!tpu.dma_semaphore, #tpu.memory_space<semaphore_mem>>) src(%dma_wait3A_295 : memref<125x128xf32, #tpu.memory_space<vmem>>) dst(%dma_wait3A_301 : memref<10240x128xf32, #tpu.memory_space<vmem_shared>>)
      %mul3A_302 = arith.constant 8 : i32
      %mul3A_303 = arith.muli %scan3A_107, %mul3A_302 : i32
      %add3A_304 = arith.constant 7 : i32
      %add3A_305 = arith.addi %mul3A_303, %add3A_304 : i32
      %dma_wait3A_306 = arith.constant 0 : i32
      %dma_wait3A_307 = arith.constant 0 : i32
      %dma_wait3A_308 = tpu.memref_slice %arg9[%dma_wait3A_306, %dma_wait3A_307] : memref<128x128xf32, #tpu.memory_space<vmem>> -> memref<125x128xf32, #tpu.memory_space<vmem>>
      %dma_wait3A_309 = arith.constant 0 : i32
      %dma_wait3A_310 = tpu.memref_slice %arg8[%add3A_305, %dma_wait3A_309] : memref<40x125xi32, #tpu.memory_space<vmem>> -> memref<1x125xi32, #tpu.memory_space<vmem>>
      %dma_wait3A_311 = tpu.memref_squeeze %dma_wait3A_310 : memref<1x125xi32, #tpu.memory_space<vmem>> -> memref<125xi32, #tpu.memory_space<vmem>>
      %dma_wait3A_312 = arith.constant 0 : i32
      %dma_wait3A_313 = arith.constant 0 : i32
      %dma_wait3A_314 = tpu.memref_slice %arg11[%dma_wait3A_312, %dma_wait3A_313] : memref<10240x128xf32, #tpu.memory_space<vmem_shared>> -> memref<10240x128xf32, #tpu.memory_space<vmem_shared>>
      tpu.wait_indirect_dma semaphore(%arg14 : memref<!tpu.dma_semaphore, #tpu.memory_space<semaphore_mem>>) src(%dma_wait3A_308 : memref<125x128xf32, #tpu.memory_space<vmem>>) dst(%dma_wait3A_314 : memref<10240x128xf32, #tpu.memory_space<vmem_shared>>)
    }
    %scan3A_95 = arith.constant 5 : i32
    %mul3A_96 = arith.constant 80 : i32
    %mul3A_97 = arith.muli %add3A, %mul3A_96 : i32
    %add3A_98 = arith.constant 40 : i32
    %add3A_99 = arith.addi %mul3A_97, %add3A_98 : i32
    "tpu.region"() ({
      %run_scoped3A = tpu.sem_alloc : memref<!tpu.dma_semaphore, #tpu.memory_space<semaphore_mem>>
      %dma_start3A_107 = arith.constant 0 : i32
      %dma_start3A_108 = tpu.memref_slice %arg3[%add3A_99, %dma_start3A_107] : memref<2560x125xi32, #tpu.memory_space<hbm>> -> memref<40x125xi32, #tpu.memory_space<hbm>>
      %dma_start3A_109 = arith.constant 0 : i32
      %dma_start3A_110 = tpu.memref_slice %arg3[%add3A_99, %dma_start3A_109] : memref<2560x125xi32, #tpu.memory_space<hbm>> -> memref<40x125xi32, #tpu.memory_space<hbm>>
      tpu.enqueue_dma source(%dma_start3A_110 : memref<40x125xi32, #tpu.memory_space<hbm>>) target(%arg8 : memref<40x125xi32, #tpu.memory_space<vmem>>) target_semaphore(%run_scoped3A : memref<!tpu.dma_semaphore, #tpu.memory_space<semaphore_mem>>)
      %dma_wait3A = arith.constant 0 : i32
      %dma_wait3A_111 = tpu.memref_slice %arg3[%add3A_99, %dma_wait3A] : memref<2560x125xi32, #tpu.memory_space<hbm>> -> memref<40x125xi32, #tpu.memory_space<hbm>>
      %dma_wait3A_112 = arith.constant 0 : i32
      %dma_wait3A_113 = tpu.memref_slice %arg3[%add3A_99, %dma_wait3A_112] : memref<2560x125xi32, #tpu.memory_space<hbm>> -> memref<40x125xi32, #tpu.memory_space<hbm>>
      tpu.wait_dma2 semaphore(%run_scoped3A : memref<!tpu.dma_semaphore, #tpu.memory_space<semaphore_mem>>) src(%dma_wait3A_113 : memref<40x125xi32, #tpu.memory_space<hbm>>) dst(%arg8 : memref<40x125xi32, #tpu.memory_space<vmem>>)
      tpu.yield
    }) : () -> ()
    %scan3A_100 = arith.constant 0 : i32
    %scan3A_101 = arith.constant 0 : i32
    %scan3A_102 = arith.constant 5 : i32
    %scan3A_103 = arith.addi %scan3A_101, %scan3A_102 : i32
    %scan3A_104 = arith.constant 1 : i32
    scf.for %scan3A_107 = %scan3A_101 to %scan3A_103 step %scan3A_104  : i32 {
      %mul3A_108 = arith.constant 8 : i32
      %mul3A_109 = arith.muli %scan3A_107, %mul3A_108 : i32
      %add3A_110 = arith.constant 0 : i32
      %add3A_111 = arith.addi %mul3A_109, %add3A_110 : i32
      %dma_start3A_112 = arith.constant 0 : i32
      %dma_start3A_113 = arith.constant 0 : i32
      %dma_start3A_114 = tpu.memref_slice %arg9[%dma_start3A_112, %dma_start3A_113] : memref<128x128xf32, #tpu.memory_space<vmem>> -> memref<125x128xf32, #tpu.memory_space<vmem>>
      %dma_start3A_115 = arith.constant 0 : i32
      %dma_start3A_116 = tpu.memref_slice %arg8[%add3A_111, %dma_start3A_115] : memref<40x125xi32, #tpu.memory_space<vmem>> -> memref<1x125xi32, #tpu.memory_space<vmem>>
      %dma_start3A_117 = tpu.memref_squeeze %dma_start3A_116 : memref<1x125xi32, #tpu.memory_space<vmem>> -> memref<125xi32, #tpu.memory_space<vmem>>
      %dma_start3A_118 = arith.constant 0 : i32
      %dma_start3A_119 = arith.constant 0 : i32
      %dma_start3A_120 = tpu.memref_slice %arg11[%dma_start3A_118, %dma_start3A_119] : memref<10240x128xf32, #tpu.memory_space<vmem_shared>> -> memref<10240x128xf32, #tpu.memory_space<vmem_shared>>
      tpu.enqueue_indirect_dma source(%dma_start3A_114 : memref<125x128xf32, #tpu.memory_space<vmem>>) target(%dma_start3A_120 : memref<10240x128xf32, #tpu.memory_space<vmem_shared>>) offsets(%dma_start3A_117 : memref<125xi32, #tpu.memory_space<vmem>>) semaphore(%arg14 : memref<!tpu.dma_semaphore, #tpu.memory_space<semaphore_mem>>) {add = true}
      %mul3A_121 = arith.constant 8 : i32
      %mul3A_122 = arith.muli %scan3A_107, %mul3A_121 : i32
      %add3A_123 = arith.constant 1 : i32
      %add3A_124 = arith.addi %mul3A_122, %add3A_123 : i32
      %dma_start3A_125 = arith.constant 0 : i32
      %dma_start3A_126 = arith.constant 0 : i32
      %dma_start3A_127 = tpu.memref_slice %arg9[%dma_start3A_125, %dma_start3A_126] : memref<128x128xf32, #tpu.memory_space<vmem>> -> memref<125x128xf32, #tpu.memory_space<vmem>>
      %dma_start3A_128 = arith.constant 0 : i32
      %dma_start3A_129 = tpu.memref_slice %arg8[%add3A_124, %dma_start3A_128] : memref<40x125xi32, #tpu.memory_space<vmem>> -> memref<1x125xi32, #tpu.memory_space<vmem>>
      %dma_start3A_130 = tpu.memref_squeeze %dma_start3A_129 : memref<1x125xi32, #tpu.memory_space<vmem>> -> memref<125xi32, #tpu.memory_space<vmem>>
      %dma_start3A_131 = arith.constant 0 : i32
      %dma_start3A_132 = arith.constant 0 : i32
      %dma_start3A_133 = tpu.memref_slice %arg11[%dma_start3A_131, %dma_start3A_132] : memref<10240x128xf32, #tpu.memory_space<vmem_shared>> -> memref<10240x128xf32, #tpu.memory_space<vmem_shared>>
      tpu.enqueue_indirect_dma source(%dma_start3A_127 : memref<125x128xf32, #tpu.memory_space<vmem>>) target(%dma_start3A_133 : memref<10240x128xf32, #tpu.memory_space<vmem_shared>>) offsets(%dma_start3A_130 : memref<125xi32, #tpu.memory_space<vmem>>) semaphore(%arg14 : memref<!tpu.dma_semaphore, #tpu.memory_space<semaphore_mem>>) {add = true}
      %mul3A_134 = arith.constant 8 : i32
      %mul3A_135 = arith.muli %scan3A_107, %mul3A_134 : i32
      %add3A_136 = arith.constant 2 : i32
      %add3A_137 = arith.addi %mul3A_135, %add3A_136 : i32
      %dma_start3A_138 = arith.constant 0 : i32
      %dma_start3A_139 = arith.constant 0 : i32
      %dma_start3A_140 = tpu.memref_slice %arg9[%dma_start3A_138, %dma_start3A_139] : memref<128x128xf32, #tpu.memory_space<vmem>> -> memref<125x128xf32, #tpu.memory_space<vmem>>
      %dma_start3A_141 = arith.constant 0 : i32
      %dma_start3A_142 = tpu.memref_slice %arg8[%add3A_137, %dma_start3A_141] : memref<40x125xi32, #tpu.memory_space<vmem>> -> memref<1x125xi32, #tpu.memory_space<vmem>>
      %dma_start3A_143 = tpu.memref_squeeze %dma_start3A_142 : memref<1x125xi32, #tpu.memory_space<vmem>> -> memref<125xi32, #tpu.memory_space<vmem>>
      %dma_start3A_144 = arith.constant 0 : i32
      %dma_start3A_145 = arith.constant 0 : i32
      %dma_start3A_146 = tpu.memref_slice %arg11[%dma_start3A_144, %dma_start3A_145] : memref<10240x128xf32, #tpu.memory_space<vmem_shared>> -> memref<10240x128xf32, #tpu.memory_space<vmem_shared>>
      tpu.enqueue_indirect_dma source(%dma_start3A_140 : memref<125x128xf32, #tpu.memory_space<vmem>>) target(%dma_start3A_146 : memref<10240x128xf32, #tpu.memory_space<vmem_shared>>) offsets(%dma_start3A_143 : memref<125xi32, #tpu.memory_space<vmem>>) semaphore(%arg14 : memref<!tpu.dma_semaphore, #tpu.memory_space<semaphore_mem>>) {add = true}
      %mul3A_147 = arith.constant 8 : i32
      %mul3A_148 = arith.muli %scan3A_107, %mul3A_147 : i32
      %add3A_149 = arith.constant 3 : i32
      %add3A_150 = arith.addi %mul3A_148, %add3A_149 : i32
      %dma_start3A_151 = arith.constant 0 : i32
      %dma_start3A_152 = arith.constant 0 : i32
      %dma_start3A_153 = tpu.memref_slice %arg9[%dma_start3A_151, %dma_start3A_152] : memref<128x128xf32, #tpu.memory_space<vmem>> -> memref<125x128xf32, #tpu.memory_space<vmem>>
      %dma_start3A_154 = arith.constant 0 : i32
      %dma_start3A_155 = tpu.memref_slice %arg8[%add3A_150, %dma_start3A_154] : memref<40x125xi32, #tpu.memory_space<vmem>> -> memref<1x125xi32, #tpu.memory_space<vmem>>
      %dma_start3A_156 = tpu.memref_squeeze %dma_start3A_155 : memref<1x125xi32, #tpu.memory_space<vmem>> -> memref<125xi32, #tpu.memory_space<vmem>>
      %dma_start3A_157 = arith.constant 0 : i32
      %dma_start3A_158 = arith.constant 0 : i32
      %dma_start3A_159 = tpu.memref_slice %arg11[%dma_start3A_157, %dma_start3A_158] : memref<10240x128xf32, #tpu.memory_space<vmem_shared>> -> memref<10240x128xf32, #tpu.memory_space<vmem_shared>>
      tpu.enqueue_indirect_dma source(%dma_start3A_153 : memref<125x128xf32, #tpu.memory_space<vmem>>) target(%dma_start3A_159 : memref<10240x128xf32, #tpu.memory_space<vmem_shared>>) offsets(%dma_start3A_156 : memref<125xi32, #tpu.memory_space<vmem>>) semaphore(%arg14 : memref<!tpu.dma_semaphore, #tpu.memory_space<semaphore_mem>>) {add = true}
      %mul3A_160 = arith.constant 8 : i32
      %mul3A_161 = arith.muli %scan3A_107, %mul3A_160 : i32
      %add3A_162 = arith.constant 4 : i32
      %add3A_163 = arith.addi %mul3A_161, %add3A_162 : i32
      %dma_start3A_164 = arith.constant 0 : i32
      %dma_start3A_165 = arith.constant 0 : i32
      %dma_start3A_166 = tpu.memref_slice %arg9[%dma_start3A_164, %dma_start3A_165] : memref<128x128xf32, #tpu.memory_space<vmem>> -> memref<125x128xf32, #tpu.memory_space<vmem>>
      %dma_start3A_167 = arith.constant 0 : i32
      %dma_start3A_168 = tpu.memref_slice %arg8[%add3A_163, %dma_start3A_167] : memref<40x125xi32, #tpu.memory_space<vmem>> -> memref<1x125xi32, #tpu.memory_space<vmem>>
      %dma_start3A_169 = tpu.memref_squeeze %dma_start3A_168 : memref<1x125xi32, #tpu.memory_space<vmem>> -> memref<125xi32, #tpu.memory_space<vmem>>
      %dma_start3A_170 = arith.constant 0 : i32
      %dma_start3A_171 = arith.constant 0 : i32
      %dma_start3A_172 = tpu.memref_slice %arg11[%dma_start3A_170, %dma_start3A_171] : memref<10240x128xf32, #tpu.memory_space<vmem_shared>> -> memref<10240x128xf32, #tpu.memory_space<vmem_shared>>
      tpu.enqueue_indirect_dma source(%dma_start3A_166 : memref<125x128xf32, #tpu.memory_space<vmem>>) target(%dma_start3A_172 : memref<10240x128xf32, #tpu.memory_space<vmem_shared>>) offsets(%dma_start3A_169 : memref<125xi32, #tpu.memory_space<vmem>>) semaphore(%arg14 : memref<!tpu.dma_semaphore, #tpu.memory_space<semaphore_mem>>) {add = true}
      %mul3A_173 = arith.constant 8 : i32
      %mul3A_174 = arith.muli %scan3A_107, %mul3A_173 : i32
      %add3A_175 = arith.constant 5 : i32
      %add3A_176 = arith.addi %mul3A_174, %add3A_175 : i32
      %dma_start3A_177 = arith.constant 0 : i32
      %dma_start3A_178 = arith.constant 0 : i32
      %dma_start3A_179 = tpu.memref_slice %arg9[%dma_start3A_177, %dma_start3A_178] : memref<128x128xf32, #tpu.memory_space<vmem>> -> memref<125x128xf32, #tpu.memory_space<vmem>>
      %dma_start3A_180 = arith.constant 0 : i32
      %dma_start3A_181 = tpu.memref_slice %arg8[%add3A_176, %dma_start3A_180] : memref<40x125xi32, #tpu.memory_space<vmem>> -> memref<1x125xi32, #tpu.memory_space<vmem>>
      %dma_start3A_182 = tpu.memref_squeeze %dma_start3A_181 : memref<1x125xi32, #tpu.memory_space<vmem>> -> memref<125xi32, #tpu.memory_space<vmem>>
      %dma_start3A_183 = arith.constant 0 : i32
      %dma_start3A_184 = arith.constant 0 : i32
      %dma_start3A_185 = tpu.memref_slice %arg11[%dma_start3A_183, %dma_start3A_184] : memref<10240x128xf32, #tpu.memory_space<vmem_shared>> -> memref<10240x128xf32, #tpu.memory_space<vmem_shared>>
      tpu.enqueue_indirect_dma source(%dma_start3A_179 : memref<125x128xf32, #tpu.memory_space<vmem>>) target(%dma_start3A_185 : memref<10240x128xf32, #tpu.memory_space<vmem_shared>>) offsets(%dma_start3A_182 : memref<125xi32, #tpu.memory_space<vmem>>) semaphore(%arg14 : memref<!tpu.dma_semaphore, #tpu.memory_space<semaphore_mem>>) {add = true}
      %mul3A_186 = arith.constant 8 : i32
      %mul3A_187 = arith.muli %scan3A_107, %mul3A_186 : i32
      %add3A_188 = arith.constant 6 : i32
      %add3A_189 = arith.addi %mul3A_187, %add3A_188 : i32
      %dma_start3A_190 = arith.constant 0 : i32
      %dma_start3A_191 = arith.constant 0 : i32
      %dma_start3A_192 = tpu.memref_slice %arg9[%dma_start3A_190, %dma_start3A_191] : memref<128x128xf32, #tpu.memory_space<vmem>> -> memref<125x128xf32, #tpu.memory_space<vmem>>
      %dma_start3A_193 = arith.constant 0 : i32
      %dma_start3A_194 = tpu.memref_slice %arg8[%add3A_189, %dma_start3A_193] : memref<40x125xi32, #tpu.memory_space<vmem>> -> memref<1x125xi32, #tpu.memory_space<vmem>>
      %dma_start3A_195 = tpu.memref_squeeze %dma_start3A_194 : memref<1x125xi32, #tpu.memory_space<vmem>> -> memref<125xi32, #tpu.memory_space<vmem>>
      %dma_start3A_196 = arith.constant 0 : i32
      %dma_start3A_197 = arith.constant 0 : i32
      %dma_start3A_198 = tpu.memref_slice %arg11[%dma_start3A_196, %dma_start3A_197] : memref<10240x128xf32, #tpu.memory_space<vmem_shared>> -> memref<10240x128xf32, #tpu.memory_space<vmem_shared>>
      tpu.enqueue_indirect_dma source(%dma_start3A_192 : memref<125x128xf32, #tpu.memory_space<vmem>>) target(%dma_start3A_198 : memref<10240x128xf32, #tpu.memory_space<vmem_shared>>) offsets(%dma_start3A_195 : memref<125xi32, #tpu.memory_space<vmem>>) semaphore(%arg14 : memref<!tpu.dma_semaphore, #tpu.memory_space<semaphore_mem>>) {add = true}
      %mul3A_199 = arith.constant 8 : i32
      %mul3A_200 = arith.muli %scan3A_107, %mul3A_199 : i32
      %add3A_201 = arith.constant 7 : i32
      %add3A_202 = arith.addi %mul3A_200, %add3A_201 : i32
      %dma_start3A_203 = arith.constant 0 : i32
      %dma_start3A_204 = arith.constant 0 : i32
      %dma_start3A_205 = tpu.memref_slice %arg9[%dma_start3A_203, %dma_start3A_204] : memref<128x128xf32, #tpu.memory_space<vmem>> -> memref<125x128xf32, #tpu.memory_space<vmem>>
      %dma_start3A_206 = arith.constant 0 : i32
      %dma_start3A_207 = tpu.memref_slice %arg8[%add3A_202, %dma_start3A_206] : memref<40x125xi32, #tpu.memory_space<vmem>> -> memref<1x125xi32, #tpu.memory_space<vmem>>
      %dma_start3A_208 = tpu.memref_squeeze %dma_start3A_207 : memref<1x125xi32, #tpu.memory_space<vmem>> -> memref<125xi32, #tpu.memory_space<vmem>>
      %dma_start3A_209 = arith.constant 0 : i32
      %dma_start3A_210 = arith.constant 0 : i32
      %dma_start3A_211 = tpu.memref_slice %arg11[%dma_start3A_209, %dma_start3A_210] : memref<10240x128xf32, #tpu.memory_space<vmem_shared>> -> memref<10240x128xf32, #tpu.memory_space<vmem_shared>>
      tpu.enqueue_indirect_dma source(%dma_start3A_205 : memref<125x128xf32, #tpu.memory_space<vmem>>) target(%dma_start3A_211 : memref<10240x128xf32, #tpu.memory_space<vmem_shared>>) offsets(%dma_start3A_208 : memref<125xi32, #tpu.memory_space<vmem>>) semaphore(%arg14 : memref<!tpu.dma_semaphore, #tpu.memory_space<semaphore_mem>>) {add = true}
      %mul3A_212 = arith.constant 8 : i32
      %mul3A_213 = arith.muli %scan3A_107, %mul3A_212 : i32
      %add3A_214 = arith.constant 0 : i32
      %add3A_215 = arith.addi %mul3A_213, %add3A_214 : i32
      %dma_wait3A = arith.constant 0 : i32
      %dma_wait3A_216 = arith.constant 0 : i32
      %dma_wait3A_217 = tpu.memref_slice %arg9[%dma_wait3A, %dma_wait3A_216] : memref<128x128xf32, #tpu.memory_space<vmem>> -> memref<125x128xf32, #tpu.memory_space<vmem>>
      %dma_wait3A_218 = arith.constant 0 : i32
      %dma_wait3A_219 = tpu.memref_slice %arg8[%add3A_215, %dma_wait3A_218] : memref<40x125xi32, #tpu.memory_space<vmem>> -> memref<1x125xi32, #tpu.memory_space<vmem>>
      %dma_wait3A_220 = tpu.memref_squeeze %dma_wait3A_219 : memref<1x125xi32, #tpu.memory_space<vmem>> -> memref<125xi32, #tpu.memory_space<vmem>>
      %dma_wait3A_221 = arith.constant 0 : i32
      %dma_wait3A_222 = arith.constant 0 : i32
      %dma_wait3A_223 = tpu.memref_slice %arg11[%dma_wait3A_221, %dma_wait3A_222] : memref<10240x128xf32, #tpu.memory_space<vmem_shared>> -> memref<10240x128xf32, #tpu.memory_space<vmem_shared>>
      tpu.wait_indirect_dma semaphore(%arg14 : memref<!tpu.dma_semaphore, #tpu.memory_space<semaphore_mem>>) src(%dma_wait3A_217 : memref<125x128xf32, #tpu.memory_space<vmem>>) dst(%dma_wait3A_223 : memref<10240x128xf32, #tpu.memory_space<vmem_shared>>)
      %mul3A_224 = arith.constant 8 : i32
      %mul3A_225 = arith.muli %scan3A_107, %mul3A_224 : i32
      %add3A_226 = arith.constant 1 : i32
      %add3A_227 = arith.addi %mul3A_225, %add3A_226 : i32
      %dma_wait3A_228 = arith.constant 0 : i32
      %dma_wait3A_229 = arith.constant 0 : i32
      %dma_wait3A_230 = tpu.memref_slice %arg9[%dma_wait3A_228, %dma_wait3A_229] : memref<128x128xf32, #tpu.memory_space<vmem>> -> memref<125x128xf32, #tpu.memory_space<vmem>>
      %dma_wait3A_231 = arith.constant 0 : i32
      %dma_wait3A_232 = tpu.memref_slice %arg8[%add3A_227, %dma_wait3A_231] : memref<40x125xi32, #tpu.memory_space<vmem>> -> memref<1x125xi32, #tpu.memory_space<vmem>>
      %dma_wait3A_233 = tpu.memref_squeeze %dma_wait3A_232 : memref<1x125xi32, #tpu.memory_space<vmem>> -> memref<125xi32, #tpu.memory_space<vmem>>
      %dma_wait3A_234 = arith.constant 0 : i32
      %dma_wait3A_235 = arith.constant 0 : i32
      %dma_wait3A_236 = tpu.memref_slice %arg11[%dma_wait3A_234, %dma_wait3A_235] : memref<10240x128xf32, #tpu.memory_space<vmem_shared>> -> memref<10240x128xf32, #tpu.memory_space<vmem_shared>>
      tpu.wait_indirect_dma semaphore(%arg14 : memref<!tpu.dma_semaphore, #tpu.memory_space<semaphore_mem>>) src(%dma_wait3A_230 : memref<125x128xf32, #tpu.memory_space<vmem>>) dst(%dma_wait3A_236 : memref<10240x128xf32, #tpu.memory_space<vmem_shared>>)
      %mul3A_237 = arith.constant 8 : i32
      %mul3A_238 = arith.muli %scan3A_107, %mul3A_237 : i32
      %add3A_239 = arith.constant 2 : i32
      %add3A_240 = arith.addi %mul3A_238, %add3A_239 : i32
      %dma_wait3A_241 = arith.constant 0 : i32
      %dma_wait3A_242 = arith.constant 0 : i32
      %dma_wait3A_243 = tpu.memref_slice %arg9[%dma_wait3A_241, %dma_wait3A_242] : memref<128x128xf32, #tpu.memory_space<vmem>> -> memref<125x128xf32, #tpu.memory_space<vmem>>
      %dma_wait3A_244 = arith.constant 0 : i32
      %dma_wait3A_245 = tpu.memref_slice %arg8[%add3A_240, %dma_wait3A_244] : memref<40x125xi32, #tpu.memory_space<vmem>> -> memref<1x125xi32, #tpu.memory_space<vmem>>
      %dma_wait3A_246 = tpu.memref_squeeze %dma_wait3A_245 : memref<1x125xi32, #tpu.memory_space<vmem>> -> memref<125xi32, #tpu.memory_space<vmem>>
      %dma_wait3A_247 = arith.constant 0 : i32
      %dma_wait3A_248 = arith.constant 0 : i32
      %dma_wait3A_249 = tpu.memref_slice %arg11[%dma_wait3A_247, %dma_wait3A_248] : memref<10240x128xf32, #tpu.memory_space<vmem_shared>> -> memref<10240x128xf32, #tpu.memory_space<vmem_shared>>
      tpu.wait_indirect_dma semaphore(%arg14 : memref<!tpu.dma_semaphore, #tpu.memory_space<semaphore_mem>>) src(%dma_wait3A_243 : memref<125x128xf32, #tpu.memory_space<vmem>>) dst(%dma_wait3A_249 : memref<10240x128xf32, #tpu.memory_space<vmem_shared>>)
      %mul3A_250 = arith.constant 8 : i32
      %mul3A_251 = arith.muli %scan3A_107, %mul3A_250 : i32
      %add3A_252 = arith.constant 3 : i32
      %add3A_253 = arith.addi %mul3A_251, %add3A_252 : i32
      %dma_wait3A_254 = arith.constant 0 : i32
      %dma_wait3A_255 = arith.constant 0 : i32
      %dma_wait3A_256 = tpu.memref_slice %arg9[%dma_wait3A_254, %dma_wait3A_255] : memref<128x128xf32, #tpu.memory_space<vmem>> -> memref<125x128xf32, #tpu.memory_space<vmem>>
      %dma_wait3A_257 = arith.constant 0 : i32
      %dma_wait3A_258 = tpu.memref_slice %arg8[%add3A_253, %dma_wait3A_257] : memref<40x125xi32, #tpu.memory_space<vmem>> -> memref<1x125xi32, #tpu.memory_space<vmem>>
      %dma_wait3A_259 = tpu.memref_squeeze %dma_wait3A_258 : memref<1x125xi32, #tpu.memory_space<vmem>> -> memref<125xi32, #tpu.memory_space<vmem>>
      %dma_wait3A_260 = arith.constant 0 : i32
      %dma_wait3A_261 = arith.constant 0 : i32
      %dma_wait3A_262 = tpu.memref_slice %arg11[%dma_wait3A_260, %dma_wait3A_261] : memref<10240x128xf32, #tpu.memory_space<vmem_shared>> -> memref<10240x128xf32, #tpu.memory_space<vmem_shared>>
      tpu.wait_indirect_dma semaphore(%arg14 : memref<!tpu.dma_semaphore, #tpu.memory_space<semaphore_mem>>) src(%dma_wait3A_256 : memref<125x128xf32, #tpu.memory_space<vmem>>) dst(%dma_wait3A_262 : memref<10240x128xf32, #tpu.memory_space<vmem_shared>>)
      %mul3A_263 = arith.constant 8 : i32
      %mul3A_264 = arith.muli %scan3A_107, %mul3A_263 : i32
      %add3A_265 = arith.constant 4 : i32
      %add3A_266 = arith.addi %mul3A_264, %add3A_265 : i32
      %dma_wait3A_267 = arith.constant 0 : i32
      %dma_wait3A_268 = arith.constant 0 : i32
      %dma_wait3A_269 = tpu.memref_slice %arg9[%dma_wait3A_267, %dma_wait3A_268] : memref<128x128xf32, #tpu.memory_space<vmem>> -> memref<125x128xf32, #tpu.memory_space<vmem>>
      %dma_wait3A_270 = arith.constant 0 : i32
      %dma_wait3A_271 = tpu.memref_slice %arg8[%add3A_266, %dma_wait3A_270] : memref<40x125xi32, #tpu.memory_space<vmem>> -> memref<1x125xi32, #tpu.memory_space<vmem>>
      %dma_wait3A_272 = tpu.memref_squeeze %dma_wait3A_271 : memref<1x125xi32, #tpu.memory_space<vmem>> -> memref<125xi32, #tpu.memory_space<vmem>>
      %dma_wait3A_273 = arith.constant 0 : i32
      %dma_wait3A_274 = arith.constant 0 : i32
      %dma_wait3A_275 = tpu.memref_slice %arg11[%dma_wait3A_273, %dma_wait3A_274] : memref<10240x128xf32, #tpu.memory_space<vmem_shared>> -> memref<10240x128xf32, #tpu.memory_space<vmem_shared>>
      tpu.wait_indirect_dma semaphore(%arg14 : memref<!tpu.dma_semaphore, #tpu.memory_space<semaphore_mem>>) src(%dma_wait3A_269 : memref<125x128xf32, #tpu.memory_space<vmem>>) dst(%dma_wait3A_275 : memref<10240x128xf32, #tpu.memory_space<vmem_shared>>)
      %mul3A_276 = arith.constant 8 : i32
      %mul3A_277 = arith.muli %scan3A_107, %mul3A_276 : i32
      %add3A_278 = arith.constant 5 : i32
      %add3A_279 = arith.addi %mul3A_277, %add3A_278 : i32
      %dma_wait3A_280 = arith.constant 0 : i32
      %dma_wait3A_281 = arith.constant 0 : i32
      %dma_wait3A_282 = tpu.memref_slice %arg9[%dma_wait3A_280, %dma_wait3A_281] : memref<128x128xf32, #tpu.memory_space<vmem>> -> memref<125x128xf32, #tpu.memory_space<vmem>>
      %dma_wait3A_283 = arith.constant 0 : i32
      %dma_wait3A_284 = tpu.memref_slice %arg8[%add3A_279, %dma_wait3A_283] : memref<40x125xi32, #tpu.memory_space<vmem>> -> memref<1x125xi32, #tpu.memory_space<vmem>>
      %dma_wait3A_285 = tpu.memref_squeeze %dma_wait3A_284 : memref<1x125xi32, #tpu.memory_space<vmem>> -> memref<125xi32, #tpu.memory_space<vmem>>
      %dma_wait3A_286 = arith.constant 0 : i32
      %dma_wait3A_287 = arith.constant 0 : i32
      %dma_wait3A_288 = tpu.memref_slice %arg11[%dma_wait3A_286, %dma_wait3A_287] : memref<10240x128xf32, #tpu.memory_space<vmem_shared>> -> memref<10240x128xf32, #tpu.memory_space<vmem_shared>>
      tpu.wait_indirect_dma semaphore(%arg14 : memref<!tpu.dma_semaphore, #tpu.memory_space<semaphore_mem>>) src(%dma_wait3A_282 : memref<125x128xf32, #tpu.memory_space<vmem>>) dst(%dma_wait3A_288 : memref<10240x128xf32, #tpu.memory_space<vmem_shared>>)
      %mul3A_289 = arith.constant 8 : i32
      %mul3A_290 = arith.muli %scan3A_107, %mul3A_289 : i32
      %add3A_291 = arith.constant 6 : i32
      %add3A_292 = arith.addi %mul3A_290, %add3A_291 : i32
      %dma_wait3A_293 = arith.constant 0 : i32
      %dma_wait3A_294 = arith.constant 0 : i32
      %dma_wait3A_295 = tpu.memref_slice %arg9[%dma_wait3A_293, %dma_wait3A_294] : memref<128x128xf32, #tpu.memory_space<vmem>> -> memref<125x128xf32, #tpu.memory_space<vmem>>
      %dma_wait3A_296 = arith.constant 0 : i32
      %dma_wait3A_297 = tpu.memref_slice %arg8[%add3A_292, %dma_wait3A_296] : memref<40x125xi32, #tpu.memory_space<vmem>> -> memref<1x125xi32, #tpu.memory_space<vmem>>
      %dma_wait3A_298 = tpu.memref_squeeze %dma_wait3A_297 : memref<1x125xi32, #tpu.memory_space<vmem>> -> memref<125xi32, #tpu.memory_space<vmem>>
      %dma_wait3A_299 = arith.constant 0 : i32
      %dma_wait3A_300 = arith.constant 0 : i32
      %dma_wait3A_301 = tpu.memref_slice %arg11[%dma_wait3A_299, %dma_wait3A_300] : memref<10240x128xf32, #tpu.memory_space<vmem_shared>> -> memref<10240x128xf32, #tpu.memory_space<vmem_shared>>
      tpu.wait_indirect_dma semaphore(%arg14 : memref<!tpu.dma_semaphore, #tpu.memory_space<semaphore_mem>>) src(%dma_wait3A_295 : memref<125x128xf32, #tpu.memory_space<vmem>>) dst(%dma_wait3A_301 : memref<10240x128xf32, #tpu.memory_space<vmem_shared>>)
      %mul3A_302 = arith.constant 8 : i32
      %mul3A_303 = arith.muli %scan3A_107, %mul3A_302 : i32
      %add3A_304 = arith.constant 7 : i32
      %add3A_305 = arith.addi %mul3A_303, %add3A_304 : i32
      %dma_wait3A_306 = arith.constant 0 : i32
      %dma_wait3A_307 = arith.constant 0 : i32
      %dma_wait3A_308 = tpu.memref_slice %arg9[%dma_wait3A_306, %dma_wait3A_307] : memref<128x128xf32, #tpu.memory_space<vmem>> -> memref<125x128xf32, #tpu.memory_space<vmem>>
      %dma_wait3A_309 = arith.constant 0 : i32
      %dma_wait3A_310 = tpu.memref_slice %arg8[%add3A_305, %dma_wait3A_309] : memref<40x125xi32, #tpu.memory_space<vmem>> -> memref<1x125xi32, #tpu.memory_space<vmem>>
      %dma_wait3A_311 = tpu.memref_squeeze %dma_wait3A_310 : memref<1x125xi32, #tpu.memory_space<vmem>> -> memref<125xi32, #tpu.memory_space<vmem>>
      %dma_wait3A_312 = arith.constant 0 : i32
      %dma_wait3A_313 = arith.constant 0 : i32
      %dma_wait3A_314 = tpu.memref_slice %arg11[%dma_wait3A_312, %dma_wait3A_313] : memref<10240x128xf32, #tpu.memory_space<vmem_shared>> -> memref<10240x128xf32, #tpu.memory_space<vmem_shared>>
      tpu.wait_indirect_dma semaphore(%arg14 : memref<!tpu.dma_semaphore, #tpu.memory_space<semaphore_mem>>) src(%dma_wait3A_308 : memref<125x128xf32, #tpu.memory_space<vmem>>) dst(%dma_wait3A_314 : memref<10240x128xf32, #tpu.memory_space<vmem_shared>>)
    }
    %scan3A_105 = arith.constant 5 : i32
    %barrier3A_106 = arith.constant 0 : index
    tpu.barrier barrier_id(%barrier3A_106)
    "tpu.region"() ({
      %run_scoped3A = tpu.sem_alloc : memref<!tpu.dma_semaphore, #tpu.memory_space<semaphore_mem>>
      %dma_start3A_107 = arith.constant 0 : i32
      %dma_start3A_108 = tpu.memref_slice %arg6[%arg0, %mul3A_2, %dma_start3A_107] : memref<2x10240x128xf32, #tpu.memory_space<hbm>> -> memref<1x640x128xf32, #tpu.memory_space<hbm>>
      %dma_start3A_109 = tpu.memref_squeeze %dma_start3A_108 : memref<1x640x128xf32, #tpu.memory_space<hbm>> -> memref<640x128xf32, #tpu.memory_space<hbm>>
      %dma_start3A_110 = arith.constant 0 : i32
      %dma_start3A_111 = tpu.memref_slice %arg11[%mul3A_2, %dma_start3A_110] : memref<10240x128xf32, #tpu.memory_space<vmem_shared>> -> memref<640x128xf32, #tpu.memory_space<vmem_shared>>
      tpu.enqueue_dma source(%dma_start3A_111 : memref<640x128xf32, #tpu.memory_space<vmem_shared>>) target(%dma_start3A_109 : memref<640x128xf32, #tpu.memory_space<hbm>>) target_semaphore(%run_scoped3A : memref<!tpu.dma_semaphore, #tpu.memory_space<semaphore_mem>>)
      %dma_wait3A = arith.constant 0 : i32
      %dma_wait3A_112 = tpu.memref_slice %arg6[%arg0, %mul3A_2, %dma_wait3A] : memref<2x10240x128xf32, #tpu.memory_space<hbm>> -> memref<1x640x128xf32, #tpu.memory_space<hbm>>
      %dma_wait3A_113 = tpu.memref_squeeze %dma_wait3A_112 : memref<1x640x128xf32, #tpu.memory_space<hbm>> -> memref<640x128xf32, #tpu.memory_space<hbm>>
      %dma_wait3A_114 = arith.constant 0 : i32
      %dma_wait3A_115 = tpu.memref_slice %arg11[%mul3A_2, %dma_wait3A_114] : memref<10240x128xf32, #tpu.memory_space<vmem_shared>> -> memref<640x128xf32, #tpu.memory_space<vmem_shared>>
      tpu.wait_dma2 semaphore(%run_scoped3A : memref<!tpu.dma_semaphore, #tpu.memory_space<semaphore_mem>>) src(%dma_wait3A_115 : memref<640x128xf32, #tpu.memory_space<vmem_shared>>) dst(%dma_wait3A_113 : memref<640x128xf32, #tpu.memory_space<hbm>>)
      tpu.yield
    }) : () -> ()
    return
  }
}

#map = affine_map<(d0, d1) -> (0, 0)>
#map1 = affine_map<(d0, d1) -> (0, 0, 0)>
module attributes {stable_mosaic.version = 14 : i64} {
  func.func @_sc_agg_body(%arg0: i32, %arg1: i32, %arg2: memref<2560x125xi32, #tpu.memory_space<hbm>>, %arg3: memref<2560x125xi32, #tpu.memory_space<hbm>>, %arg4: memref<10000x128xf32, #tpu.memory_space<hbm>>, %arg5: memref<2x10240x128xf32, #tpu.memory_space<hbm>>, %arg6: memref<40x125xi32, #tpu.memory_space<vmem>>, %arg7: memref<40x125xi32, #tpu.memory_space<vmem>>, %arg8: memref<128x128xf32, #tpu.memory_space<vmem>>, %arg9: memref<128x128xf32, #tpu.memory_space<vmem>>, %arg10: memref<10240x128xf32, #tpu.memory_space<vmem_shared>>, %arg11: memref<!tpu.dma_semaphore, #tpu.memory_space<semaphore_mem>>, %arg12: memref<!tpu.dma_semaphore, #tpu.memory_space<semaphore_mem>>) attributes {dimension_semantics = [#tpu.dimension_semantics<core_parallel>, #tpu.dimension_semantics<subcore_parallel>], iteration_bounds = array<i64: 2, 16>, scalar_prefetch = 0 : i64, scratch_operands = 7 : i64, tpu.core_type = #tpu.core_type<sc_vector_subcore>, window_params = [{transform_indices = #map}, {transform_indices = #map}, {transform_indices = #map}, {transform_indices = #map1}]} {
    %mul3A = arith.constant 2 : i32
    %mul3A_0 = arith.muli %arg1, %mul3A : i32
    %add3A = arith.addi %mul3A_0, %arg0 : i32
    %mul3A_1 = arith.constant 640 : i32
    %mul3A_2 = arith.muli %arg1, %mul3A_1 : i32
    %broadcast_in_dim3A = arith.constant 0.000000e+00 : f32
    %broadcast_in_dim3A_3 = vector.broadcast %broadcast_in_dim3A : f32 to vector<16xf32>
    %scan3A = arith.constant 0 : i32
    %scan3A_4 = arith.constant 0 : i32
    %scan3A_5 = arith.constant 128 : i32
    %scan3A_6 = arith.addi %scan3A_4, %scan3A_5 : i32
    %scan3A_7 = arith.constant 1 : i32
    scf.for %scan3A_59 = %scan3A_4 to %scan3A_6 step %scan3A_7  : i32 {
      %swap3A = arith.index_cast %scan3A_59 : i32 to index
      %swap3A_60 = arith.constant 0 : index
      %swap3A_61 = tpu.vector_load %arg8[%swap3A, %swap3A_60] {strides = array<i32>} : memref<128x128xf32, #tpu.memory_space<vmem>>, vector<1x16xf32>,
      %swap3A_62 = vector.shape_cast %swap3A_61 : vector<1x16xf32> to vector<16xf32>
      %swap3A_63 = vector.shape_cast %broadcast_in_dim3A_3 : vector<16xf32> to vector<1x16xf32>
      tpu.vector_store %arg8[%swap3A, %swap3A_60], %swap3A_63 {strides = array<i32>} : memref<128x128xf32, #tpu.memory_space<vmem>>, vector<1x16xf32>,
      %swap3A_64 = arith.index_cast %scan3A_59 : i32 to index
      %swap3A_65 = arith.constant 16 : index
      %swap3A_66 = tpu.vector_load %arg8[%swap3A_64, %swap3A_65] {strides = array<i32>} : memref<128x128xf32, #tpu.memory_space<vmem>>, vector<1x16xf32>,
      %swap3A_67 = vector.shape_cast %swap3A_66 : vector<1x16xf32> to vector<16xf32>
      %swap3A_68 = vector.shape_cast %broadcast_in_dim3A_3 : vector<16xf32> to vector<1x16xf32>
      tpu.vector_store %arg8[%swap3A_64, %swap3A_65], %swap3A_68 {strides = array<i32>} : memref<128x128xf32, #tpu.memory_space<vmem>>, vector<1x16xf32>,
      %swap3A_69 = arith.index_cast %scan3A_59 : i32 to index
      %swap3A_70 = arith.constant 32 : index
      %swap3A_71 = tpu.vector_load %arg8[%swap3A_69, %swap3A_70] {strides = array<i32>} : memref<128x128xf32, #tpu.memory_space<vmem>>, vector<1x16xf32>,
      %swap3A_72 = vector.shape_cast %swap3A_71 : vector<1x16xf32> to vector<16xf32>
      %swap3A_73 = vector.shape_cast %broadcast_in_dim3A_3 : vector<16xf32> to vector<1x16xf32>
      tpu.vector_store %arg8[%swap3A_69, %swap3A_70], %swap3A_73 {strides = array<i32>} : memref<128x128xf32, #tpu.memory_space<vmem>>, vector<1x16xf32>,
      %swap3A_74 = arith.index_cast %scan3A_59 : i32 to index
      %swap3A_75 = arith.constant 48 : index
      %swap3A_76 = tpu.vector_load %arg8[%swap3A_74, %swap3A_75] {strides = array<i32>} : memref<128x128xf32, #tpu.memory_space<vmem>>, vector<1x16xf32>,
      %swap3A_77 = vector.shape_cast %swap3A_76 : vector<1x16xf32> to vector<16xf32>
      %swap3A_78 = vector.shape_cast %broadcast_in_dim3A_3 : vector<16xf32> to vector<1x16xf32>
      tpu.vector_store %arg8[%swap3A_74, %swap3A_75], %swap3A_78 {strides = array<i32>} : memref<128x128xf32, #tpu.memory_space<vmem>>, vector<1x16xf32>,
      %swap3A_79 = arith.index_cast %scan3A_59 : i32 to index
      %swap3A_80 = arith.constant 64 : index
      %swap3A_81 = tpu.vector_load %arg8[%swap3A_79, %swap3A_80] {strides = array<i32>} : memref<128x128xf32, #tpu.memory_space<vmem>>, vector<1x16xf32>,
      %swap3A_82 = vector.shape_cast %swap3A_81 : vector<1x16xf32> to vector<16xf32>
      %swap3A_83 = vector.shape_cast %broadcast_in_dim3A_3 : vector<16xf32> to vector<1x16xf32>
      tpu.vector_store %arg8[%swap3A_79, %swap3A_80], %swap3A_83 {strides = array<i32>} : memref<128x128xf32, #tpu.memory_space<vmem>>, vector<1x16xf32>,
      %swap3A_84 = arith.index_cast %scan3A_59 : i32 to index
      %swap3A_85 = arith.constant 80 : index
      %swap3A_86 = tpu.vector_load %arg8[%swap3A_84, %swap3A_85] {strides = array<i32>} : memref<128x128xf32, #tpu.memory_space<vmem>>, vector<1x16xf32>,
      %swap3A_87 = vector.shape_cast %swap3A_86 : vector<1x16xf32> to vector<16xf32>
      %swap3A_88 = vector.shape_cast %broadcast_in_dim3A_3 : vector<16xf32> to vector<1x16xf32>
      tpu.vector_store %arg8[%swap3A_84, %swap3A_85], %swap3A_88 {strides = array<i32>} : memref<128x128xf32, #tpu.memory_space<vmem>>, vector<1x16xf32>,
      %swap3A_89 = arith.index_cast %scan3A_59 : i32 to index
      %swap3A_90 = arith.constant 96 : index
      %swap3A_91 = tpu.vector_load %arg8[%swap3A_89, %swap3A_90] {strides = array<i32>} : memref<128x128xf32, #tpu.memory_space<vmem>>, vector<1x16xf32>,
      %swap3A_92 = vector.shape_cast %swap3A_91 : vector<1x16xf32> to vector<16xf32>
      %swap3A_93 = vector.shape_cast %broadcast_in_dim3A_3 : vector<16xf32> to vector<1x16xf32>
      tpu.vector_store %arg8[%swap3A_89, %swap3A_90], %swap3A_93 {strides = array<i32>} : memref<128x128xf32, #tpu.memory_space<vmem>>, vector<1x16xf32>,
      %swap3A_94 = arith.index_cast %scan3A_59 : i32 to index
      %swap3A_95 = arith.constant 112 : index
      %swap3A_96 = tpu.vector_load %arg8[%swap3A_94, %swap3A_95] {strides = array<i32>} : memref<128x128xf32, #tpu.memory_space<vmem>>, vector<1x16xf32>,
      %swap3A_97 = vector.shape_cast %swap3A_96 : vector<1x16xf32> to vector<16xf32>
      %swap3A_98 = vector.shape_cast %broadcast_in_dim3A_3 : vector<16xf32> to vector<1x16xf32>
      tpu.vector_store %arg8[%swap3A_94, %swap3A_95], %swap3A_98 {strides = array<i32>} : memref<128x128xf32, #tpu.memory_space<vmem>>, vector<1x16xf32>,
    }
    %scan3A_8 = arith.constant 128 : i32
    %add3A_9 = arith.constant 0 : i32
    %add3A_10 = arith.addi %mul3A_2, %add3A_9 : i32
    "tpu.region"() ({
      %run_scoped3A = tpu.sem_alloc : memref<!tpu.dma_semaphore, #tpu.memory_space<semaphore_mem>>
      %dma_start3A_59 = arith.constant 0 : i32
      %dma_start3A_60 = tpu.memref_slice %arg10[%add3A_10, %dma_start3A_59] : memref<10240x128xf32, #tpu.memory_space<vmem_shared>> -> memref<128x128xf32, #tpu.memory_space<vmem_shared>>
      %dma_start3A_61 = arith.constant 0 : i32
      %dma_start3A_62 = tpu.memref_slice %arg10[%add3A_10, %dma_start3A_61] : memref<10240x128xf32, #tpu.memory_space<vmem_shared>> -> memref<128x128xf32, #tpu.memory_space<vmem_shared>>
      tpu.enqueue_dma source(%arg8 : memref<128x128xf32, #tpu.memory_space<vmem>>) target(%dma_start3A_62 : memref<128x128xf32, #tpu.memory_space<vmem_shared>>) target_semaphore(%run_scoped3A : memref<!tpu.dma_semaphore, #tpu.memory_space<semaphore_mem>>)
      %dma_wait3A = arith.constant 0 : i32
      %dma_wait3A_63 = tpu.memref_slice %arg10[%add3A_10, %dma_wait3A] : memref<10240x128xf32, #tpu.memory_space<vmem_shared>> -> memref<128x128xf32, #tpu.memory_space<vmem_shared>>
      %dma_wait3A_64 = arith.constant 0 : i32
      %dma_wait3A_65 = tpu.memref_slice %arg10[%add3A_10, %dma_wait3A_64] : memref<10240x128xf32, #tpu.memory_space<vmem_shared>> -> memref<128x128xf32, #tpu.memory_space<vmem_shared>>
      tpu.wait_dma2 semaphore(%run_scoped3A : memref<!tpu.dma_semaphore, #tpu.memory_space<semaphore_mem>>) src(%arg8 : memref<128x128xf32, #tpu.memory_space<vmem>>) dst(%dma_wait3A_65 : memref<128x128xf32, #tpu.memory_space<vmem_shared>>)
      tpu.yield
    }) : () -> ()
    %add3A_11 = arith.constant 128 : i32
    %add3A_12 = arith.addi %mul3A_2, %add3A_11 : i32
    "tpu.region"() ({
      %run_scoped3A = tpu.sem_alloc : memref<!tpu.dma_semaphore, #tpu.memory_space<semaphore_mem>>
      %dma_start3A_59 = arith.constant 0 : i32
      %dma_start3A_60 = tpu.memref_slice %arg10[%add3A_12, %dma_start3A_59] : memref<10240x128xf32, #tpu.memory_space<vmem_shared>> -> memref<128x128xf32, #tpu.memory_space<vmem_shared>>
      %dma_start3A_61 = arith.constant 0 : i32
      %dma_start3A_62 = tpu.memref_slice %arg10[%add3A_12, %dma_start3A_61] : memref<10240x128xf32, #tpu.memory_space<vmem_shared>> -> memref<128x128xf32, #tpu.memory_space<vmem_shared>>
      tpu.enqueue_dma source(%arg8 : memref<128x128xf32, #tpu.memory_space<vmem>>) target(%dma_start3A_62 : memref<128x128xf32, #tpu.memory_space<vmem_shared>>) target_semaphore(%run_scoped3A : memref<!tpu.dma_semaphore, #tpu.memory_space<semaphore_mem>>)
      %dma_wait3A = arith.constant 0 : i32
      %dma_wait3A_63 = tpu.memref_slice %arg10[%add3A_12, %dma_wait3A] : memref<10240x128xf32, #tpu.memory_space<vmem_shared>> -> memref<128x128xf32, #tpu.memory_space<vmem_shared>>
      %dma_wait3A_64 = arith.constant 0 : i32
      %dma_wait3A_65 = tpu.memref_slice %arg10[%add3A_12, %dma_wait3A_64] : memref<10240x128xf32, #tpu.memory_space<vmem_shared>> -> memref<128x128xf32, #tpu.memory_space<vmem_shared>>
      tpu.wait_dma2 semaphore(%run_scoped3A : memref<!tpu.dma_semaphore, #tpu.memory_space<semaphore_mem>>) src(%arg8 : memref<128x128xf32, #tpu.memory_space<vmem>>) dst(%dma_wait3A_65 : memref<128x128xf32, #tpu.memory_space<vmem_shared>>)
      tpu.yield
    }) : () -> ()
    %add3A_13 = arith.constant 256 : i32
    %add3A_14 = arith.addi %mul3A_2, %add3A_13 : i32
    "tpu.region"() ({
      %run_scoped3A = tpu.sem_alloc : memref<!tpu.dma_semaphore, #tpu.memory_space<semaphore_mem>>
      %dma_start3A_59 = arith.constant 0 : i32
      %dma_start3A_60 = tpu.memref_slice %arg10[%add3A_14, %dma_start3A_59] : memref<10240x128xf32, #tpu.memory_space<vmem_shared>> -> memref<128x128xf32, #tpu.memory_space<vmem_shared>>
      %dma_start3A_61 = arith.constant 0 : i32
      %dma_start3A_62 = tpu.memref_slice %arg10[%add3A_14, %dma_start3A_61] : memref<10240x128xf32, #tpu.memory_space<vmem_shared>> -> memref<128x128xf32, #tpu.memory_space<vmem_shared>>
      tpu.enqueue_dma source(%arg8 : memref<128x128xf32, #tpu.memory_space<vmem>>) target(%dma_start3A_62 : memref<128x128xf32, #tpu.memory_space<vmem_shared>>) target_semaphore(%run_scoped3A : memref<!tpu.dma_semaphore, #tpu.memory_space<semaphore_mem>>)
      %dma_wait3A = arith.constant 0 : i32
      %dma_wait3A_63 = tpu.memref_slice %arg10[%add3A_14, %dma_wait3A] : memref<10240x128xf32, #tpu.memory_space<vmem_shared>> -> memref<128x128xf32, #tpu.memory_space<vmem_shared>>
      %dma_wait3A_64 = arith.constant 0 : i32
      %dma_wait3A_65 = tpu.memref_slice %arg10[%add3A_14, %dma_wait3A_64] : memref<10240x128xf32, #tpu.memory_space<vmem_shared>> -> memref<128x128xf32, #tpu.memory_space<vmem_shared>>
      tpu.wait_dma2 semaphore(%run_scoped3A : memref<!tpu.dma_semaphore, #tpu.memory_space<semaphore_mem>>) src(%arg8 : memref<128x128xf32, #tpu.memory_space<vmem>>) dst(%dma_wait3A_65 : memref<128x128xf32, #tpu.memory_space<vmem_shared>>)
      tpu.yield
    }) : () -> ()
    %add3A_15 = arith.constant 384 : i32
    %add3A_16 = arith.addi %mul3A_2, %add3A_15 : i32
    "tpu.region"() ({
      %run_scoped3A = tpu.sem_alloc : memref<!tpu.dma_semaphore, #tpu.memory_space<semaphore_mem>>
      %dma_start3A_59 = arith.constant 0 : i32
      %dma_start3A_60 = tpu.memref_slice %arg10[%add3A_16, %dma_start3A_59] : memref<10240x128xf32, #tpu.memory_space<vmem_shared>> -> memref<128x128xf32, #tpu.memory_space<vmem_shared>>
      %dma_start3A_61 = arith.constant 0 : i32
      %dma_start3A_62 = tpu.memref_slice %arg10[%add3A_16, %dma_start3A_61] : memref<10240x128xf32, #tpu.memory_space<vmem_shared>> -> memref<128x128xf32, #tpu.memory_space<vmem_shared>>
      tpu.enqueue_dma source(%arg8 : memref<128x128xf32, #tpu.memory_space<vmem>>) target(%dma_start3A_62 : memref<128x128xf32, #tpu.memory_space<vmem_shared>>) target_semaphore(%run_scoped3A : memref<!tpu.dma_semaphore, #tpu.memory_space<semaphore_mem>>)
      %dma_wait3A = arith.constant 0 : i32
      %dma_wait3A_63 = tpu.memref_slice %arg10[%add3A_16, %dma_wait3A] : memref<10240x128xf32, #tpu.memory_space<vmem_shared>> -> memref<128x128xf32, #tpu.memory_space<vmem_shared>>
      %dma_wait3A_64 = arith.constant 0 : i32
      %dma_wait3A_65 = tpu.memref_slice %arg10[%add3A_16, %dma_wait3A_64] : memref<10240x128xf32, #tpu.memory_space<vmem_shared>> -> memref<128x128xf32, #tpu.memory_space<vmem_shared>>
      tpu.wait_dma2 semaphore(%run_scoped3A : memref<!tpu.dma_semaphore, #tpu.memory_space<semaphore_mem>>) src(%arg8 : memref<128x128xf32, #tpu.memory_space<vmem>>) dst(%dma_wait3A_65 : memref<128x128xf32, #tpu.memory_space<vmem_shared>>)
      tpu.yield
    }) : () -> ()
    %add3A_17 = arith.constant 512 : i32
    %add3A_18 = arith.addi %mul3A_2, %add3A_17 : i32
    "tpu.region"() ({
      %run_scoped3A = tpu.sem_alloc : memref<!tpu.dma_semaphore, #tpu.memory_space<semaphore_mem>>
      %dma_start3A_59 = arith.constant 0 : i32
      %dma_start3A_60 = tpu.memref_slice %arg10[%add3A_18, %dma_start3A_59] : memref<10240x128xf32, #tpu.memory_space<vmem_shared>> -> memref<128x128xf32, #tpu.memory_space<vmem_shared>>
      %dma_start3A_61 = arith.constant 0 : i32
      %dma_start3A_62 = tpu.memref_slice %arg10[%add3A_18, %dma_start3A_61] : memref<10240x128xf32, #tpu.memory_space<vmem_shared>> -> memref<128x128xf32, #tpu.memory_space<vmem_shared>>
      tpu.enqueue_dma source(%arg8 : memref<128x128xf32, #tpu.memory_space<vmem>>) target(%dma_start3A_62 : memref<128x128xf32, #tpu.memory_space<vmem_shared>>) target_semaphore(%run_scoped3A : memref<!tpu.dma_semaphore, #tpu.memory_space<semaphore_mem>>)
      %dma_wait3A = arith.constant 0 : i32
      %dma_wait3A_63 = tpu.memref_slice %arg10[%add3A_18, %dma_wait3A] : memref<10240x128xf32, #tpu.memory_space<vmem_shared>> -> memref<128x128xf32, #tpu.memory_space<vmem_shared>>
      %dma_wait3A_64 = arith.constant 0 : i32
      %dma_wait3A_65 = tpu.memref_slice %arg10[%add3A_18, %dma_wait3A_64] : memref<10240x128xf32, #tpu.memory_space<vmem_shared>> -> memref<128x128xf32, #tpu.memory_space<vmem_shared>>
      tpu.wait_dma2 semaphore(%run_scoped3A : memref<!tpu.dma_semaphore, #tpu.memory_space<semaphore_mem>>) src(%arg8 : memref<128x128xf32, #tpu.memory_space<vmem>>) dst(%dma_wait3A_65 : memref<128x128xf32, #tpu.memory_space<vmem_shared>>)
      tpu.yield
    }) : () -> ()
    %barrier3A = arith.constant 0 : index
    tpu.barrier barrier_id(%barrier3A)
    %mul3A_19 = arith.constant 80 : i32
    %mul3A_20 = arith.muli %add3A, %mul3A_19 : i32
    %add3A_21 = arith.constant 0 : i32
    %add3A_22 = arith.addi %mul3A_20, %add3A_21 : i32
    "tpu.region"() ({
      %run_scoped3A = tpu.sem_alloc : memref<!tpu.dma_semaphore, #tpu.memory_space<semaphore_mem>>
      %dma_start3A_59 = arith.constant 0 : i32
      %dma_start3A_60 = tpu.memref_slice %arg2[%add3A_22, %dma_start3A_59] : memref<2560x125xi32, #tpu.memory_space<hbm>> -> memref<40x125xi32, #tpu.memory_space<hbm>>
      %dma_start3A_61 = arith.constant 0 : i32
      %dma_start3A_62 = tpu.memref_slice %arg2[%add3A_22, %dma_start3A_61] : memref<2560x125xi32, #tpu.memory_space<hbm>> -> memref<40x125xi32, #tpu.memory_space<hbm>>
      tpu.enqueue_dma source(%dma_start3A_62 : memref<40x125xi32, #tpu.memory_space<hbm>>) target(%arg6 : memref<40x125xi32, #tpu.memory_space<vmem>>) target_semaphore(%run_scoped3A : memref<!tpu.dma_semaphore, #tpu.memory_space<semaphore_mem>>)
      %dma_wait3A = arith.constant 0 : i32
      %dma_wait3A_63 = tpu.memref_slice %arg2[%add3A_22, %dma_wait3A] : memref<2560x125xi32, #tpu.memory_space<hbm>> -> memref<40x125xi32, #tpu.memory_space<hbm>>
      %dma_wait3A_64 = arith.constant 0 : i32
      %dma_wait3A_65 = tpu.memref_slice %arg2[%add3A_22, %dma_wait3A_64] : memref<2560x125xi32, #tpu.memory_space<hbm>> -> memref<40x125xi32, #tpu.memory_space<hbm>>
      tpu.wait_dma2 semaphore(%run_scoped3A : memref<!tpu.dma_semaphore, #tpu.memory_space<semaphore_mem>>) src(%dma_wait3A_65 : memref<40x125xi32, #tpu.memory_space<hbm>>) dst(%arg6 : memref<40x125xi32, #tpu.memory_space<vmem>>)
      tpu.yield
    }) : () -> ()
    "tpu.region"() ({
      %run_scoped3A = tpu.sem_alloc : memref<!tpu.dma_semaphore, #tpu.memory_space<semaphore_mem>>
      %dma_start3A_59 = arith.constant 0 : i32
      %dma_start3A_60 = tpu.memref_slice %arg3[%add3A_22, %dma_start3A_59] : memref<2560x125xi32, #tpu.memory_space<hbm>> -> memref<40x125xi32, #tpu.memory_space<hbm>>
      %dma_start3A_61 = arith.constant 0 : i32
      %dma_start3A_62 = tpu.memref_slice %arg3[%add3A_22, %dma_start3A_61] : memref<2560x125xi32, #tpu.memory_space<hbm>> -> memref<40x125xi32, #tpu.memory_space<hbm>>
      tpu.enqueue_dma source(%dma_start3A_62 : memref<40x125xi32, #tpu.memory_space<hbm>>) target(%arg7 : memref<40x125xi32, #tpu.memory_space<vmem>>) target_semaphore(%run_scoped3A : memref<!tpu.dma_semaphore, #tpu.memory_space<semaphore_mem>>)
      %dma_wait3A = arith.constant 0 : i32
      %dma_wait3A_63 = tpu.memref_slice %arg3[%add3A_22, %dma_wait3A] : memref<2560x125xi32, #tpu.memory_space<hbm>> -> memref<40x125xi32, #tpu.memory_space<hbm>>
      %dma_wait3A_64 = arith.constant 0 : i32
      %dma_wait3A_65 = tpu.memref_slice %arg3[%add3A_22, %dma_wait3A_64] : memref<2560x125xi32, #tpu.memory_space<hbm>> -> memref<40x125xi32, #tpu.memory_space<hbm>>
      tpu.wait_dma2 semaphore(%run_scoped3A : memref<!tpu.dma_semaphore, #tpu.memory_space<semaphore_mem>>) src(%dma_wait3A_65 : memref<40x125xi32, #tpu.memory_space<hbm>>) dst(%arg7 : memref<40x125xi32, #tpu.memory_space<vmem>>)
      tpu.yield
    }) : () -> ()
    %dma_start3A = arith.constant 0 : i32
    %dma_start3A_23 = arith.constant 0 : i32
    %dma_start3A_24 = arith.constant 0 : i32
    %dma_start3A_25 = tpu.memref_slice %arg8[%dma_start3A_23, %dma_start3A_24] : memref<128x128xf32, #tpu.memory_space<vmem>> -> memref<125x128xf32, #tpu.memory_space<vmem>>
    %dma_start3A_26 = arith.constant 0 : i32
    %dma_start3A_27 = tpu.memref_slice %arg6[%dma_start3A, %dma_start3A_26] : memref<40x125xi32, #tpu.memory_space<vmem>> -> memref<1x125xi32, #tpu.memory_space<vmem>>
    %dma_start3A_28 = tpu.memref_squeeze %dma_start3A_27 : memref<1x125xi32, #tpu.memory_space<vmem>> -> memref<125xi32, #tpu.memory_space<vmem>>
    %dma_start3A_29 = arith.constant 0 : i32
    %dma_start3A_30 = arith.constant 0 : i32
    %dma_start3A_31 = tpu.memref_slice %arg4[%dma_start3A_29, %dma_start3A_30] : memref<10000x128xf32, #tpu.memory_space<hbm>> -> memref<10000x128xf32, #tpu.memory_space<hbm>>
    tpu.enqueue_indirect_dma source(%dma_start3A_31 : memref<10000x128xf32, #tpu.memory_space<hbm>>) target(%dma_start3A_25 : memref<125x128xf32, #tpu.memory_space<vmem>>) offsets(%dma_start3A_28 : memref<125xi32, #tpu.memory_space<vmem>>) semaphore(%arg11 : memref<!tpu.dma_semaphore, #tpu.memory_space<semaphore_mem>>)
    %scan3A_32 = arith.constant 0 : i32
    %scan3A_33 = arith.constant 0 : i32
    %scan3A_34 = arith.constant 20 : i32
    %scan3A_35 = arith.addi %scan3A_33, %scan3A_34 : i32
    %scan3A_36 = arith.constant 1 : i32
    scf.for %scan3A_59 = %scan3A_33 to %scan3A_35 step %scan3A_36  : i32 {
      %mul3A_60 = arith.constant 2 : i32
      %mul3A_61 = arith.muli %scan3A_59, %mul3A_60 : i32
      %add3A_62 = arith.constant 0 : i32
      %add3A_63 = arith.addi %mul3A_61, %add3A_62 : i32
      %add3A_64 = arith.constant 1 : i32
      %add3A_65 = arith.addi %add3A_63, %add3A_64 : i32
      %lt3A = arith.constant 40 : i32
      %lt3A_66 = arith.cmpi slt, %add3A_65, %lt3A : i32
      %convert_element_type3A = arith.extui %lt3A_66 : i1 to i32
      %cond3A = arith.constant 0 : i32
      %cond3A_67 = arith.cmpi ne, %convert_element_type3A, %cond3A : i32
      scf.if %cond3A_67 {
        %add3A_96 = arith.constant 1 : i32
        %add3A_97 = arith.addi %add3A_63, %add3A_96 : i32
        %dma_start3A_98 = arith.constant 0 : i32
        %dma_start3A_99 = arith.constant 0 : i32
        %dma_start3A_100 = tpu.memref_slice %arg9[%dma_start3A_98, %dma_start3A_99] : memref<128x128xf32, #tpu.memory_space<vmem>> -> memref<125x128xf32, #tpu.memory_space<vmem>>
        %dma_start3A_101 = arith.constant 0 : i32
        %dma_start3A_102 = tpu.memref_slice %arg6[%add3A_97, %dma_start3A_101] : memref<40x125xi32, #tpu.memory_space<vmem>> -> memref<1x125xi32, #tpu.memory_space<vmem>>
        %dma_start3A_103 = tpu.memref_squeeze %dma_start3A_102 : memref<1x125xi32, #tpu.memory_space<vmem>> -> memref<125xi32, #tpu.memory_space<vmem>>
        %dma_start3A_104 = arith.constant 0 : i32
        %dma_start3A_105 = arith.constant 0 : i32
        %dma_start3A_106 = tpu.memref_slice %arg4[%dma_start3A_104, %dma_start3A_105] : memref<10000x128xf32, #tpu.memory_space<hbm>> -> memref<10000x128xf32, #tpu.memory_space<hbm>>
        tpu.enqueue_indirect_dma source(%dma_start3A_106 : memref<10000x128xf32, #tpu.memory_space<hbm>>) target(%dma_start3A_100 : memref<125x128xf32, #tpu.memory_space<vmem>>) offsets(%dma_start3A_103 : memref<125xi32, #tpu.memory_space<vmem>>) semaphore(%arg12 : memref<!tpu.dma_semaphore, #tpu.memory_space<semaphore_mem>>)
      } else {
      }
      %dma_wait3A = arith.constant 0 : i32
      %dma_wait3A_68 = arith.constant 0 : i32
      %dma_wait3A_69 = tpu.memref_slice %arg8[%dma_wait3A, %dma_wait3A_68] : memref<128x128xf32, #tpu.memory_space<vmem>> -> memref<125x128xf32, #tpu.memory_space<vmem>>
      %dma_wait3A_70 = arith.constant 0 : i32
      %dma_wait3A_71 = tpu.memref_slice %arg6[%add3A_63, %dma_wait3A_70] : memref<40x125xi32, #tpu.memory_space<vmem>> -> memref<1x125xi32, #tpu.memory_space<vmem>>
      %dma_wait3A_72 = tpu.memref_squeeze %dma_wait3A_71 : memref<1x125xi32, #tpu.memory_space<vmem>> -> memref<125xi32, #tpu.memory_space<vmem>>
      %dma_wait3A_73 = arith.constant 0 : i32
      %dma_wait3A_74 = arith.constant 0 : i32
      %dma_wait3A_75 = tpu.memref_slice %arg4[%dma_wait3A_73, %dma_wait3A_74] : memref<10000x128xf32, #tpu.memory_space<hbm>> -> memref<10000x128xf32, #tpu.memory_space<hbm>>
      tpu.wait_indirect_dma semaphore(%arg11 : memref<!tpu.dma_semaphore, #tpu.memory_space<semaphore_mem>>) src(%dma_wait3A_75 : memref<10000x128xf32, #tpu.memory_space<hbm>>) dst(%dma_wait3A_69 : memref<125x128xf32, #tpu.memory_space<vmem>>)
      "tpu.region"() ({
        %run_scoped3A = tpu.sem_alloc : memref<!tpu.dma_semaphore, #tpu.memory_space<semaphore_mem>>
        %dma_start3A_96 = arith.constant 0 : i32
        %dma_start3A_97 = arith.constant 0 : i32
        %dma_start3A_98 = tpu.memref_slice %arg8[%dma_start3A_96, %dma_start3A_97] : memref<128x128xf32, #tpu.memory_space<vmem>> -> memref<125x128xf32, #tpu.memory_space<vmem>>
        %dma_start3A_99 = arith.constant 0 : i32
        %dma_start3A_100 = tpu.memref_slice %arg7[%add3A_63, %dma_start3A_99] : memref<40x125xi32, #tpu.memory_space<vmem>> -> memref<1x125xi32, #tpu.memory_space<vmem>>
        %dma_start3A_101 = tpu.memref_squeeze %dma_start3A_100 : memref<1x125xi32, #tpu.memory_space<vmem>> -> memref<125xi32, #tpu.memory_space<vmem>>
        %dma_start3A_102 = arith.constant 0 : i32
        %dma_start3A_103 = arith.constant 0 : i32
        %dma_start3A_104 = tpu.memref_slice %arg10[%dma_start3A_102, %dma_start3A_103] : memref<10240x128xf32, #tpu.memory_space<vmem_shared>> -> memref<10240x128xf32, #tpu.memory_space<vmem_shared>>
        tpu.enqueue_indirect_dma source(%dma_start3A_98 : memref<125x128xf32, #tpu.memory_space<vmem>>) target(%dma_start3A_104 : memref<10240x128xf32, #tpu.memory_space<vmem_shared>>) offsets(%dma_start3A_101 : memref<125xi32, #tpu.memory_space<vmem>>) semaphore(%run_scoped3A : memref<!tpu.dma_semaphore, #tpu.memory_space<semaphore_mem>>) {add = true}
        %dma_wait3A_105 = arith.constant 0 : i32
        %dma_wait3A_106 = arith.constant 0 : i32
        %dma_wait3A_107 = tpu.memref_slice %arg8[%dma_wait3A_105, %dma_wait3A_106] : memref<128x128xf32, #tpu.memory_space<vmem>> -> memref<125x128xf32, #tpu.memory_space<vmem>>
        %dma_wait3A_108 = arith.constant 0 : i32
        %dma_wait3A_109 = tpu.memref_slice %arg7[%add3A_63, %dma_wait3A_108] : memref<40x125xi32, #tpu.memory_space<vmem>> -> memref<1x125xi32, #tpu.memory_space<vmem>>
        %dma_wait3A_110 = tpu.memref_squeeze %dma_wait3A_109 : memref<1x125xi32, #tpu.memory_space<vmem>> -> memref<125xi32, #tpu.memory_space<vmem>>
        %dma_wait3A_111 = arith.constant 0 : i32
        %dma_wait3A_112 = arith.constant 0 : i32
        %dma_wait3A_113 = tpu.memref_slice %arg10[%dma_wait3A_111, %dma_wait3A_112] : memref<10240x128xf32, #tpu.memory_space<vmem_shared>> -> memref<10240x128xf32, #tpu.memory_space<vmem_shared>>
        tpu.wait_indirect_dma semaphore(%run_scoped3A : memref<!tpu.dma_semaphore, #tpu.memory_space<semaphore_mem>>) src(%dma_wait3A_107 : memref<125x128xf32, #tpu.memory_space<vmem>>) dst(%dma_wait3A_113 : memref<10240x128xf32, #tpu.memory_space<vmem_shared>>)
        tpu.yield
      }) : () -> ()
      %mul3A_76 = arith.constant 2 : i32
      %mul3A_77 = arith.muli %scan3A_59, %mul3A_76 : i32
      %add3A_78 = arith.constant 1 : i32
      %add3A_79 = arith.addi %mul3A_77, %add3A_78 : i32
      %add3A_80 = arith.constant 1 : i32
      %add3A_81 = arith.addi %add3A_79, %add3A_80 : i32
      %lt3A_82 = arith.constant 40 : i32
      %lt3A_83 = arith.cmpi slt, %add3A_81, %lt3A_82 : i32
      %convert_element_type3A_84 = arith.extui %lt3A_83 : i1 to i32
      %cond3A_85 = arith.constant 0 : i32
      %cond3A_86 = arith.cmpi ne, %convert_element_type3A_84, %cond3A_85 : i32
      scf.if %cond3A_86 {
        %add3A_96 = arith.constant 1 : i32
        %add3A_97 = arith.addi %add3A_79, %add3A_96 : i32
        %dma_start3A_98 = arith.constant 0 : i32
        %dma_start3A_99 = arith.constant 0 : i32
        %dma_start3A_100 = tpu.memref_slice %arg8[%dma_start3A_98, %dma_start3A_99] : memref<128x128xf32, #tpu.memory_space<vmem>> -> memref<125x128xf32, #tpu.memory_space<vmem>>
        %dma_start3A_101 = arith.constant 0 : i32
        %dma_start3A_102 = tpu.memref_slice %arg6[%add3A_97, %dma_start3A_101] : memref<40x125xi32, #tpu.memory_space<vmem>> -> memref<1x125xi32, #tpu.memory_space<vmem>>
        %dma_start3A_103 = tpu.memref_squeeze %dma_start3A_102 : memref<1x125xi32, #tpu.memory_space<vmem>> -> memref<125xi32, #tpu.memory_space<vmem>>
        %dma_start3A_104 = arith.constant 0 : i32
        %dma_start3A_105 = arith.constant 0 : i32
        %dma_start3A_106 = tpu.memref_slice %arg4[%dma_start3A_104, %dma_start3A_105] : memref<10000x128xf32, #tpu.memory_space<hbm>> -> memref<10000x128xf32, #tpu.memory_space<hbm>>
        tpu.enqueue_indirect_dma source(%dma_start3A_106 : memref<10000x128xf32, #tpu.memory_space<hbm>>) target(%dma_start3A_100 : memref<125x128xf32, #tpu.memory_space<vmem>>) offsets(%dma_start3A_103 : memref<125xi32, #tpu.memory_space<vmem>>) semaphore(%arg11 : memref<!tpu.dma_semaphore, #tpu.memory_space<semaphore_mem>>)
      } else {
      }
      %dma_wait3A_87 = arith.constant 0 : i32
      %dma_wait3A_88 = arith.constant 0 : i32
      %dma_wait3A_89 = tpu.memref_slice %arg9[%dma_wait3A_87, %dma_wait3A_88] : memref<128x128xf32, #tpu.memory_space<vmem>> -> memref<125x128xf32, #tpu.memory_space<vmem>>
      %dma_wait3A_90 = arith.constant 0 : i32
      %dma_wait3A_91 = tpu.memref_slice %arg6[%add3A_79, %dma_wait3A_90] : memref<40x125xi32, #tpu.memory_space<vmem>> -> memref<1x125xi32, #tpu.memory_space<vmem>>
      %dma_wait3A_92 = tpu.memref_squeeze %dma_wait3A_91 : memref<1x125xi32, #tpu.memory_space<vmem>> -> memref<125xi32, #tpu.memory_space<vmem>>
      %dma_wait3A_93 = arith.constant 0 : i32
      %dma_wait3A_94 = arith.constant 0 : i32
      %dma_wait3A_95 = tpu.memref_slice %arg4[%dma_wait3A_93, %dma_wait3A_94] : memref<10000x128xf32, #tpu.memory_space<hbm>> -> memref<10000x128xf32, #tpu.memory_space<hbm>>
      tpu.wait_indirect_dma semaphore(%arg12 : memref<!tpu.dma_semaphore, #tpu.memory_space<semaphore_mem>>) src(%dma_wait3A_95 : memref<10000x128xf32, #tpu.memory_space<hbm>>) dst(%dma_wait3A_89 : memref<125x128xf32, #tpu.memory_space<vmem>>)
      "tpu.region"() ({
        %run_scoped3A = tpu.sem_alloc : memref<!tpu.dma_semaphore, #tpu.memory_space<semaphore_mem>>
        %dma_start3A_96 = arith.constant 0 : i32
        %dma_start3A_97 = arith.constant 0 : i32
        %dma_start3A_98 = tpu.memref_slice %arg9[%dma_start3A_96, %dma_start3A_97] : memref<128x128xf32, #tpu.memory_space<vmem>> -> memref<125x128xf32, #tpu.memory_space<vmem>>
        %dma_start3A_99 = arith.constant 0 : i32
        %dma_start3A_100 = tpu.memref_slice %arg7[%add3A_79, %dma_start3A_99] : memref<40x125xi32, #tpu.memory_space<vmem>> -> memref<1x125xi32, #tpu.memory_space<vmem>>
        %dma_start3A_101 = tpu.memref_squeeze %dma_start3A_100 : memref<1x125xi32, #tpu.memory_space<vmem>> -> memref<125xi32, #tpu.memory_space<vmem>>
        %dma_start3A_102 = arith.constant 0 : i32
        %dma_start3A_103 = arith.constant 0 : i32
        %dma_start3A_104 = tpu.memref_slice %arg10[%dma_start3A_102, %dma_start3A_103] : memref<10240x128xf32, #tpu.memory_space<vmem_shared>> -> memref<10240x128xf32, #tpu.memory_space<vmem_shared>>
        tpu.enqueue_indirect_dma source(%dma_start3A_98 : memref<125x128xf32, #tpu.memory_space<vmem>>) target(%dma_start3A_104 : memref<10240x128xf32, #tpu.memory_space<vmem_shared>>) offsets(%dma_start3A_101 : memref<125xi32, #tpu.memory_space<vmem>>) semaphore(%run_scoped3A : memref<!tpu.dma_semaphore, #tpu.memory_space<semaphore_mem>>) {add = true}
        %dma_wait3A_105 = arith.constant 0 : i32
        %dma_wait3A_106 = arith.constant 0 : i32
        %dma_wait3A_107 = tpu.memref_slice %arg9[%dma_wait3A_105, %dma_wait3A_106] : memref<128x128xf32, #tpu.memory_space<vmem>> -> memref<125x128xf32, #tpu.memory_space<vmem>>
        %dma_wait3A_108 = arith.constant 0 : i32
        %dma_wait3A_109 = tpu.memref_slice %arg7[%add3A_79, %dma_wait3A_108] : memref<40x125xi32, #tpu.memory_space<vmem>> -> memref<1x125xi32, #tpu.memory_space<vmem>>
        %dma_wait3A_110 = tpu.memref_squeeze %dma_wait3A_109 : memref<1x125xi32, #tpu.memory_space<vmem>> -> memref<125xi32, #tpu.memory_space<vmem>>
        %dma_wait3A_111 = arith.constant 0 : i32
        %dma_wait3A_112 = arith.constant 0 : i32
        %dma_wait3A_113 = tpu.memref_slice %arg10[%dma_wait3A_111, %dma_wait3A_112] : memref<10240x128xf32, #tpu.memory_space<vmem_shared>> -> memref<10240x128xf32, #tpu.memory_space<vmem_shared>>
        tpu.wait_indirect_dma semaphore(%run_scoped3A : memref<!tpu.dma_semaphore, #tpu.memory_space<semaphore_mem>>) src(%dma_wait3A_107 : memref<125x128xf32, #tpu.memory_space<vmem>>) dst(%dma_wait3A_113 : memref<10240x128xf32, #tpu.memory_space<vmem_shared>>)
        tpu.yield
      }) : () -> ()
    }
    %scan3A_37 = arith.constant 20 : i32
    %mul3A_38 = arith.constant 80 : i32
    %mul3A_39 = arith.muli %add3A, %mul3A_38 : i32
    %add3A_40 = arith.constant 40 : i32
    %add3A_41 = arith.addi %mul3A_39, %add3A_40 : i32
    "tpu.region"() ({
      %run_scoped3A = tpu.sem_alloc : memref<!tpu.dma_semaphore, #tpu.memory_space<semaphore_mem>>
      %dma_start3A_59 = arith.constant 0 : i32
      %dma_start3A_60 = tpu.memref_slice %arg2[%add3A_41, %dma_start3A_59] : memref<2560x125xi32, #tpu.memory_space<hbm>> -> memref<40x125xi32, #tpu.memory_space<hbm>>
      %dma_start3A_61 = arith.constant 0 : i32
      %dma_start3A_62 = tpu.memref_slice %arg2[%add3A_41, %dma_start3A_61] : memref<2560x125xi32, #tpu.memory_space<hbm>> -> memref<40x125xi32, #tpu.memory_space<hbm>>
      tpu.enqueue_dma source(%dma_start3A_62 : memref<40x125xi32, #tpu.memory_space<hbm>>) target(%arg6 : memref<40x125xi32, #tpu.memory_space<vmem>>) target_semaphore(%run_scoped3A : memref<!tpu.dma_semaphore, #tpu.memory_space<semaphore_mem>>)
      %dma_wait3A = arith.constant 0 : i32
      %dma_wait3A_63 = tpu.memref_slice %arg2[%add3A_41, %dma_wait3A] : memref<2560x125xi32, #tpu.memory_space<hbm>> -> memref<40x125xi32, #tpu.memory_space<hbm>>
      %dma_wait3A_64 = arith.constant 0 : i32
      %dma_wait3A_65 = tpu.memref_slice %arg2[%add3A_41, %dma_wait3A_64] : memref<2560x125xi32, #tpu.memory_space<hbm>> -> memref<40x125xi32, #tpu.memory_space<hbm>>
      tpu.wait_dma2 semaphore(%run_scoped3A : memref<!tpu.dma_semaphore, #tpu.memory_space<semaphore_mem>>) src(%dma_wait3A_65 : memref<40x125xi32, #tpu.memory_space<hbm>>) dst(%arg6 : memref<40x125xi32, #tpu.memory_space<vmem>>)
      tpu.yield
    }) : () -> ()
    "tpu.region"() ({
      %run_scoped3A = tpu.sem_alloc : memref<!tpu.dma_semaphore, #tpu.memory_space<semaphore_mem>>
      %dma_start3A_59 = arith.constant 0 : i32
      %dma_start3A_60 = tpu.memref_slice %arg3[%add3A_41, %dma_start3A_59] : memref<2560x125xi32, #tpu.memory_space<hbm>> -> memref<40x125xi32, #tpu.memory_space<hbm>>
      %dma_start3A_61 = arith.constant 0 : i32
      %dma_start3A_62 = tpu.memref_slice %arg3[%add3A_41, %dma_start3A_61] : memref<2560x125xi32, #tpu.memory_space<hbm>> -> memref<40x125xi32, #tpu.memory_space<hbm>>
      tpu.enqueue_dma source(%dma_start3A_62 : memref<40x125xi32, #tpu.memory_space<hbm>>) target(%arg7 : memref<40x125xi32, #tpu.memory_space<vmem>>) target_semaphore(%run_scoped3A : memref<!tpu.dma_semaphore, #tpu.memory_space<semaphore_mem>>)
      %dma_wait3A = arith.constant 0 : i32
      %dma_wait3A_63 = tpu.memref_slice %arg3[%add3A_41, %dma_wait3A] : memref<2560x125xi32, #tpu.memory_space<hbm>> -> memref<40x125xi32, #tpu.memory_space<hbm>>
      %dma_wait3A_64 = arith.constant 0 : i32
      %dma_wait3A_65 = tpu.memref_slice %arg3[%add3A_41, %dma_wait3A_64] : memref<2560x125xi32, #tpu.memory_space<hbm>> -> memref<40x125xi32, #tpu.memory_space<hbm>>
      tpu.wait_dma2 semaphore(%run_scoped3A : memref<!tpu.dma_semaphore, #tpu.memory_space<semaphore_mem>>) src(%dma_wait3A_65 : memref<40x125xi32, #tpu.memory_space<hbm>>) dst(%arg7 : memref<40x125xi32, #tpu.memory_space<vmem>>)
      tpu.yield
    }) : () -> ()
    %dma_start3A_42 = arith.constant 0 : i32
    %dma_start3A_43 = arith.constant 0 : i32
    %dma_start3A_44 = arith.constant 0 : i32
    %dma_start3A_45 = tpu.memref_slice %arg8[%dma_start3A_43, %dma_start3A_44] : memref<128x128xf32, #tpu.memory_space<vmem>> -> memref<125x128xf32, #tpu.memory_space<vmem>>
    %dma_start3A_46 = arith.constant 0 : i32
    %dma_start3A_47 = tpu.memref_slice %arg6[%dma_start3A_42, %dma_start3A_46] : memref<40x125xi32, #tpu.memory_space<vmem>> -> memref<1x125xi32, #tpu.memory_space<vmem>>
    %dma_start3A_48 = tpu.memref_squeeze %dma_start3A_47 : memref<1x125xi32, #tpu.memory_space<vmem>> -> memref<125xi32, #tpu.memory_space<vmem>>
    %dma_start3A_49 = arith.constant 0 : i32
    %dma_start3A_50 = arith.constant 0 : i32
    %dma_start3A_51 = tpu.memref_slice %arg4[%dma_start3A_49, %dma_start3A_50] : memref<10000x128xf32, #tpu.memory_space<hbm>> -> memref<10000x128xf32, #tpu.memory_space<hbm>>
    tpu.enqueue_indirect_dma source(%dma_start3A_51 : memref<10000x128xf32, #tpu.memory_space<hbm>>) target(%dma_start3A_45 : memref<125x128xf32, #tpu.memory_space<vmem>>) offsets(%dma_start3A_48 : memref<125xi32, #tpu.memory_space<vmem>>) semaphore(%arg11 : memref<!tpu.dma_semaphore, #tpu.memory_space<semaphore_mem>>)
    %scan3A_52 = arith.constant 0 : i32
    %scan3A_53 = arith.constant 0 : i32
    %scan3A_54 = arith.constant 20 : i32
    %scan3A_55 = arith.addi %scan3A_53, %scan3A_54 : i32
    %scan3A_56 = arith.constant 1 : i32
    scf.for %scan3A_59 = %scan3A_53 to %scan3A_55 step %scan3A_56  : i32 {
      %mul3A_60 = arith.constant 2 : i32
      %mul3A_61 = arith.muli %scan3A_59, %mul3A_60 : i32
      %add3A_62 = arith.constant 0 : i32
      %add3A_63 = arith.addi %mul3A_61, %add3A_62 : i32
      %add3A_64 = arith.constant 1 : i32
      %add3A_65 = arith.addi %add3A_63, %add3A_64 : i32
      %lt3A = arith.constant 40 : i32
      %lt3A_66 = arith.cmpi slt, %add3A_65, %lt3A : i32
      %convert_element_type3A = arith.extui %lt3A_66 : i1 to i32
      %cond3A = arith.constant 0 : i32
      %cond3A_67 = arith.cmpi ne, %convert_element_type3A, %cond3A : i32
      scf.if %cond3A_67 {
        %add3A_96 = arith.constant 1 : i32
        %add3A_97 = arith.addi %add3A_63, %add3A_96 : i32
        %dma_start3A_98 = arith.constant 0 : i32
        %dma_start3A_99 = arith.constant 0 : i32
        %dma_start3A_100 = tpu.memref_slice %arg9[%dma_start3A_98, %dma_start3A_99] : memref<128x128xf32, #tpu.memory_space<vmem>> -> memref<125x128xf32, #tpu.memory_space<vmem>>
        %dma_start3A_101 = arith.constant 0 : i32
        %dma_start3A_102 = tpu.memref_slice %arg6[%add3A_97, %dma_start3A_101] : memref<40x125xi32, #tpu.memory_space<vmem>> -> memref<1x125xi32, #tpu.memory_space<vmem>>
        %dma_start3A_103 = tpu.memref_squeeze %dma_start3A_102 : memref<1x125xi32, #tpu.memory_space<vmem>> -> memref<125xi32, #tpu.memory_space<vmem>>
        %dma_start3A_104 = arith.constant 0 : i32
        %dma_start3A_105 = arith.constant 0 : i32
        %dma_start3A_106 = tpu.memref_slice %arg4[%dma_start3A_104, %dma_start3A_105] : memref<10000x128xf32, #tpu.memory_space<hbm>> -> memref<10000x128xf32, #tpu.memory_space<hbm>>
        tpu.enqueue_indirect_dma source(%dma_start3A_106 : memref<10000x128xf32, #tpu.memory_space<hbm>>) target(%dma_start3A_100 : memref<125x128xf32, #tpu.memory_space<vmem>>) offsets(%dma_start3A_103 : memref<125xi32, #tpu.memory_space<vmem>>) semaphore(%arg12 : memref<!tpu.dma_semaphore, #tpu.memory_space<semaphore_mem>>)
      } else {
      }
      %dma_wait3A = arith.constant 0 : i32
      %dma_wait3A_68 = arith.constant 0 : i32
      %dma_wait3A_69 = tpu.memref_slice %arg8[%dma_wait3A, %dma_wait3A_68] : memref<128x128xf32, #tpu.memory_space<vmem>> -> memref<125x128xf32, #tpu.memory_space<vmem>>
      %dma_wait3A_70 = arith.constant 0 : i32
      %dma_wait3A_71 = tpu.memref_slice %arg6[%add3A_63, %dma_wait3A_70] : memref<40x125xi32, #tpu.memory_space<vmem>> -> memref<1x125xi32, #tpu.memory_space<vmem>>
      %dma_wait3A_72 = tpu.memref_squeeze %dma_wait3A_71 : memref<1x125xi32, #tpu.memory_space<vmem>> -> memref<125xi32, #tpu.memory_space<vmem>>
      %dma_wait3A_73 = arith.constant 0 : i32
      %dma_wait3A_74 = arith.constant 0 : i32
      %dma_wait3A_75 = tpu.memref_slice %arg4[%dma_wait3A_73, %dma_wait3A_74] : memref<10000x128xf32, #tpu.memory_space<hbm>> -> memref<10000x128xf32, #tpu.memory_space<hbm>>
      tpu.wait_indirect_dma semaphore(%arg11 : memref<!tpu.dma_semaphore, #tpu.memory_space<semaphore_mem>>) src(%dma_wait3A_75 : memref<10000x128xf32, #tpu.memory_space<hbm>>) dst(%dma_wait3A_69 : memref<125x128xf32, #tpu.memory_space<vmem>>)
      "tpu.region"() ({
        %run_scoped3A = tpu.sem_alloc : memref<!tpu.dma_semaphore, #tpu.memory_space<semaphore_mem>>
        %dma_start3A_96 = arith.constant 0 : i32
        %dma_start3A_97 = arith.constant 0 : i32
        %dma_start3A_98 = tpu.memref_slice %arg8[%dma_start3A_96, %dma_start3A_97] : memref<128x128xf32, #tpu.memory_space<vmem>> -> memref<125x128xf32, #tpu.memory_space<vmem>>
        %dma_start3A_99 = arith.constant 0 : i32
        %dma_start3A_100 = tpu.memref_slice %arg7[%add3A_63, %dma_start3A_99] : memref<40x125xi32, #tpu.memory_space<vmem>> -> memref<1x125xi32, #tpu.memory_space<vmem>>
        %dma_start3A_101 = tpu.memref_squeeze %dma_start3A_100 : memref<1x125xi32, #tpu.memory_space<vmem>> -> memref<125xi32, #tpu.memory_space<vmem>>
        %dma_start3A_102 = arith.constant 0 : i32
        %dma_start3A_103 = arith.constant 0 : i32
        %dma_start3A_104 = tpu.memref_slice %arg10[%dma_start3A_102, %dma_start3A_103] : memref<10240x128xf32, #tpu.memory_space<vmem_shared>> -> memref<10240x128xf32, #tpu.memory_space<vmem_shared>>
        tpu.enqueue_indirect_dma source(%dma_start3A_98 : memref<125x128xf32, #tpu.memory_space<vmem>>) target(%dma_start3A_104 : memref<10240x128xf32, #tpu.memory_space<vmem_shared>>) offsets(%dma_start3A_101 : memref<125xi32, #tpu.memory_space<vmem>>) semaphore(%run_scoped3A : memref<!tpu.dma_semaphore, #tpu.memory_space<semaphore_mem>>) {add = true}
        %dma_wait3A_105 = arith.constant 0 : i32
        %dma_wait3A_106 = arith.constant 0 : i32
        %dma_wait3A_107 = tpu.memref_slice %arg8[%dma_wait3A_105, %dma_wait3A_106] : memref<128x128xf32, #tpu.memory_space<vmem>> -> memref<125x128xf32, #tpu.memory_space<vmem>>
        %dma_wait3A_108 = arith.constant 0 : i32
        %dma_wait3A_109 = tpu.memref_slice %arg7[%add3A_63, %dma_wait3A_108] : memref<40x125xi32, #tpu.memory_space<vmem>> -> memref<1x125xi32, #tpu.memory_space<vmem>>
        %dma_wait3A_110 = tpu.memref_squeeze %dma_wait3A_109 : memref<1x125xi32, #tpu.memory_space<vmem>> -> memref<125xi32, #tpu.memory_space<vmem>>
        %dma_wait3A_111 = arith.constant 0 : i32
        %dma_wait3A_112 = arith.constant 0 : i32
        %dma_wait3A_113 = tpu.memref_slice %arg10[%dma_wait3A_111, %dma_wait3A_112] : memref<10240x128xf32, #tpu.memory_space<vmem_shared>> -> memref<10240x128xf32, #tpu.memory_space<vmem_shared>>
        tpu.wait_indirect_dma semaphore(%run_scoped3A : memref<!tpu.dma_semaphore, #tpu.memory_space<semaphore_mem>>) src(%dma_wait3A_107 : memref<125x128xf32, #tpu.memory_space<vmem>>) dst(%dma_wait3A_113 : memref<10240x128xf32, #tpu.memory_space<vmem_shared>>)
        tpu.yield
      }) : () -> ()
      %mul3A_76 = arith.constant 2 : i32
      %mul3A_77 = arith.muli %scan3A_59, %mul3A_76 : i32
      %add3A_78 = arith.constant 1 : i32
      %add3A_79 = arith.addi %mul3A_77, %add3A_78 : i32
      %add3A_80 = arith.constant 1 : i32
      %add3A_81 = arith.addi %add3A_79, %add3A_80 : i32
      %lt3A_82 = arith.constant 40 : i32
      %lt3A_83 = arith.cmpi slt, %add3A_81, %lt3A_82 : i32
      %convert_element_type3A_84 = arith.extui %lt3A_83 : i1 to i32
      %cond3A_85 = arith.constant 0 : i32
      %cond3A_86 = arith.cmpi ne, %convert_element_type3A_84, %cond3A_85 : i32
      scf.if %cond3A_86 {
        %add3A_96 = arith.constant 1 : i32
        %add3A_97 = arith.addi %add3A_79, %add3A_96 : i32
        %dma_start3A_98 = arith.constant 0 : i32
        %dma_start3A_99 = arith.constant 0 : i32
        %dma_start3A_100 = tpu.memref_slice %arg8[%dma_start3A_98, %dma_start3A_99] : memref<128x128xf32, #tpu.memory_space<vmem>> -> memref<125x128xf32, #tpu.memory_space<vmem>>
        %dma_start3A_101 = arith.constant 0 : i32
        %dma_start3A_102 = tpu.memref_slice %arg6[%add3A_97, %dma_start3A_101] : memref<40x125xi32, #tpu.memory_space<vmem>> -> memref<1x125xi32, #tpu.memory_space<vmem>>
        %dma_start3A_103 = tpu.memref_squeeze %dma_start3A_102 : memref<1x125xi32, #tpu.memory_space<vmem>> -> memref<125xi32, #tpu.memory_space<vmem>>
        %dma_start3A_104 = arith.constant 0 : i32
        %dma_start3A_105 = arith.constant 0 : i32
        %dma_start3A_106 = tpu.memref_slice %arg4[%dma_start3A_104, %dma_start3A_105] : memref<10000x128xf32, #tpu.memory_space<hbm>> -> memref<10000x128xf32, #tpu.memory_space<hbm>>
        tpu.enqueue_indirect_dma source(%dma_start3A_106 : memref<10000x128xf32, #tpu.memory_space<hbm>>) target(%dma_start3A_100 : memref<125x128xf32, #tpu.memory_space<vmem>>) offsets(%dma_start3A_103 : memref<125xi32, #tpu.memory_space<vmem>>) semaphore(%arg11 : memref<!tpu.dma_semaphore, #tpu.memory_space<semaphore_mem>>)
      } else {
      }
      %dma_wait3A_87 = arith.constant 0 : i32
      %dma_wait3A_88 = arith.constant 0 : i32
      %dma_wait3A_89 = tpu.memref_slice %arg9[%dma_wait3A_87, %dma_wait3A_88] : memref<128x128xf32, #tpu.memory_space<vmem>> -> memref<125x128xf32, #tpu.memory_space<vmem>>
      %dma_wait3A_90 = arith.constant 0 : i32
      %dma_wait3A_91 = tpu.memref_slice %arg6[%add3A_79, %dma_wait3A_90] : memref<40x125xi32, #tpu.memory_space<vmem>> -> memref<1x125xi32, #tpu.memory_space<vmem>>
      %dma_wait3A_92 = tpu.memref_squeeze %dma_wait3A_91 : memref<1x125xi32, #tpu.memory_space<vmem>> -> memref<125xi32, #tpu.memory_space<vmem>>
      %dma_wait3A_93 = arith.constant 0 : i32
      %dma_wait3A_94 = arith.constant 0 : i32
      %dma_wait3A_95 = tpu.memref_slice %arg4[%dma_wait3A_93, %dma_wait3A_94] : memref<10000x128xf32, #tpu.memory_space<hbm>> -> memref<10000x128xf32, #tpu.memory_space<hbm>>
      tpu.wait_indirect_dma semaphore(%arg12 : memref<!tpu.dma_semaphore, #tpu.memory_space<semaphore_mem>>) src(%dma_wait3A_95 : memref<10000x128xf32, #tpu.memory_space<hbm>>) dst(%dma_wait3A_89 : memref<125x128xf32, #tpu.memory_space<vmem>>)
      "tpu.region"() ({
        %run_scoped3A = tpu.sem_alloc : memref<!tpu.dma_semaphore, #tpu.memory_space<semaphore_mem>>
        %dma_start3A_96 = arith.constant 0 : i32
        %dma_start3A_97 = arith.constant 0 : i32
        %dma_start3A_98 = tpu.memref_slice %arg9[%dma_start3A_96, %dma_start3A_97] : memref<128x128xf32, #tpu.memory_space<vmem>> -> memref<125x128xf32, #tpu.memory_space<vmem>>
        %dma_start3A_99 = arith.constant 0 : i32
        %dma_start3A_100 = tpu.memref_slice %arg7[%add3A_79, %dma_start3A_99] : memref<40x125xi32, #tpu.memory_space<vmem>> -> memref<1x125xi32, #tpu.memory_space<vmem>>
        %dma_start3A_101 = tpu.memref_squeeze %dma_start3A_100 : memref<1x125xi32, #tpu.memory_space<vmem>> -> memref<125xi32, #tpu.memory_space<vmem>>
        %dma_start3A_102 = arith.constant 0 : i32
        %dma_start3A_103 = arith.constant 0 : i32
        %dma_start3A_104 = tpu.memref_slice %arg10[%dma_start3A_102, %dma_start3A_103] : memref<10240x128xf32, #tpu.memory_space<vmem_shared>> -> memref<10240x128xf32, #tpu.memory_space<vmem_shared>>
        tpu.enqueue_indirect_dma source(%dma_start3A_98 : memref<125x128xf32, #tpu.memory_space<vmem>>) target(%dma_start3A_104 : memref<10240x128xf32, #tpu.memory_space<vmem_shared>>) offsets(%dma_start3A_101 : memref<125xi32, #tpu.memory_space<vmem>>) semaphore(%run_scoped3A : memref<!tpu.dma_semaphore, #tpu.memory_space<semaphore_mem>>) {add = true}
        %dma_wait3A_105 = arith.constant 0 : i32
        %dma_wait3A_106 = arith.constant 0 : i32
        %dma_wait3A_107 = tpu.memref_slice %arg9[%dma_wait3A_105, %dma_wait3A_106] : memref<128x128xf32, #tpu.memory_space<vmem>> -> memref<125x128xf32, #tpu.memory_space<vmem>>
        %dma_wait3A_108 = arith.constant 0 : i32
        %dma_wait3A_109 = tpu.memref_slice %arg7[%add3A_79, %dma_wait3A_108] : memref<40x125xi32, #tpu.memory_space<vmem>> -> memref<1x125xi32, #tpu.memory_space<vmem>>
        %dma_wait3A_110 = tpu.memref_squeeze %dma_wait3A_109 : memref<1x125xi32, #tpu.memory_space<vmem>> -> memref<125xi32, #tpu.memory_space<vmem>>
        %dma_wait3A_111 = arith.constant 0 : i32
        %dma_wait3A_112 = arith.constant 0 : i32
        %dma_wait3A_113 = tpu.memref_slice %arg10[%dma_wait3A_111, %dma_wait3A_112] : memref<10240x128xf32, #tpu.memory_space<vmem_shared>> -> memref<10240x128xf32, #tpu.memory_space<vmem_shared>>
        tpu.wait_indirect_dma semaphore(%run_scoped3A : memref<!tpu.dma_semaphore, #tpu.memory_space<semaphore_mem>>) src(%dma_wait3A_107 : memref<125x128xf32, #tpu.memory_space<vmem>>) dst(%dma_wait3A_113 : memref<10240x128xf32, #tpu.memory_space<vmem_shared>>)
        tpu.yield
      }) : () -> ()
    }
    %scan3A_57 = arith.constant 20 : i32
    %barrier3A_58 = arith.constant 0 : index
    tpu.barrier barrier_id(%barrier3A_58)
    "tpu.region"() ({
      %run_scoped3A = tpu.sem_alloc : memref<!tpu.dma_semaphore, #tpu.memory_space<semaphore_mem>>
      %dma_start3A_59 = arith.constant 0 : i32
      %dma_start3A_60 = tpu.memref_slice %arg5[%arg0, %mul3A_2, %dma_start3A_59] : memref<2x10240x128xf32, #tpu.memory_space<hbm>> -> memref<1x640x128xf32, #tpu.memory_space<hbm>>
      %dma_start3A_61 = tpu.memref_squeeze %dma_start3A_60 : memref<1x640x128xf32, #tpu.memory_space<hbm>> -> memref<640x128xf32, #tpu.memory_space<hbm>>
      %dma_start3A_62 = arith.constant 0 : i32
      %dma_start3A_63 = tpu.memref_slice %arg10[%mul3A_2, %dma_start3A_62] : memref<10240x128xf32, #tpu.memory_space<vmem_shared>> -> memref<640x128xf32, #tpu.memory_space<vmem_shared>>
      tpu.enqueue_dma source(%dma_start3A_63 : memref<640x128xf32, #tpu.memory_space<vmem_shared>>) target(%dma_start3A_61 : memref<640x128xf32, #tpu.memory_space<hbm>>) target_semaphore(%run_scoped3A : memref<!tpu.dma_semaphore, #tpu.memory_space<semaphore_mem>>)
      %dma_wait3A = arith.constant 0 : i32
      %dma_wait3A_64 = tpu.memref_slice %arg5[%arg0, %mul3A_2, %dma_wait3A] : memref<2x10240x128xf32, #tpu.memory_space<hbm>> -> memref<1x640x128xf32, #tpu.memory_space<hbm>>
      %dma_wait3A_65 = tpu.memref_squeeze %dma_wait3A_64 : memref<1x640x128xf32, #tpu.memory_space<hbm>> -> memref<640x128xf32, #tpu.memory_space<hbm>>
      %dma_wait3A_66 = arith.constant 0 : i32
      %dma_wait3A_67 = tpu.memref_slice %arg10[%mul3A_2, %dma_wait3A_66] : memref<10240x128xf32, #tpu.memory_space<vmem_shared>> -> memref<640x128xf32, #tpu.memory_space<vmem_shared>>
      tpu.wait_dma2 semaphore(%run_scoped3A : memref<!tpu.dma_semaphore, #tpu.memory_space<semaphore_mem>>) src(%dma_wait3A_67 : memref<640x128xf32, #tpu.memory_space<vmem_shared>>) dst(%dma_wait3A_65 : memref<640x128xf32, #tpu.memory_space<hbm>>)
      tpu.yield
    }) : () -> ()
    return
  }
}

#map = affine_map<(d0, d1) -> (0, 0)>
#map1 = affine_map<(d0, d1) -> (0, 0, 0)>
module attributes {stable_mosaic.version = 14 : i64} {
  func.func @_sc_agg_body(%arg0: i32, %arg1: i32, %arg2: memref<2560x125xi32, #tpu.memory_space<hbm>>, %arg3: memref<2560x125xi32, #tpu.memory_space<hbm>>, %arg4: memref<10000x128xf32, #tpu.memory_space<hbm>>, %arg5: memref<2x10240x128xf32, #tpu.memory_space<hbm>>, %arg6: memref<40x125xi32, #tpu.memory_space<vmem>>, %arg7: memref<40x125xi32, #tpu.memory_space<vmem>>, %arg8: memref<128x128xf32, #tpu.memory_space<vmem>>, %arg9: memref<128x128xf32, #tpu.memory_space<vmem>>, %arg10: memref<10240x128xf32, #tpu.memory_space<vmem_shared>>, %arg11: memref<!tpu.dma_semaphore, #tpu.memory_space<semaphore_mem>>, %arg12: memref<!tpu.dma_semaphore, #tpu.memory_space<semaphore_mem>>) attributes {dimension_semantics = [#tpu.dimension_semantics<core_parallel>, #tpu.dimension_semantics<subcore_parallel>], iteration_bounds = array<i64: 2, 16>, scalar_prefetch = 0 : i64, scratch_operands = 7 : i64, tpu.core_type = #tpu.core_type<sc_vector_subcore>, window_params = [{transform_indices = #map}, {transform_indices = #map}, {transform_indices = #map}, {transform_indices = #map1}]} {
    %mul3A = arith.constant 2 : i32
    %mul3A_0 = arith.muli %arg1, %mul3A : i32
    %add3A = arith.addi %mul3A_0, %arg0 : i32
    %mul3A_1 = arith.constant 640 : i32
    %mul3A_2 = arith.muli %arg1, %mul3A_1 : i32
    %broadcast_in_dim3A = arith.constant 0.000000e+00 : f32
    %broadcast_in_dim3A_3 = vector.broadcast %broadcast_in_dim3A : f32 to vector<16xf32>
    %scan3A = arith.constant 0 : i32
    %scan3A_4 = arith.constant 0 : i32
    %scan3A_5 = arith.constant 128 : i32
    %scan3A_6 = arith.addi %scan3A_4, %scan3A_5 : i32
    %scan3A_7 = arith.constant 1 : i32
    scf.for %scan3A_59 = %scan3A_4 to %scan3A_6 step %scan3A_7  : i32 {
      %swap3A = arith.index_cast %scan3A_59 : i32 to index
      %swap3A_60 = arith.constant 0 : index
      %swap3A_61 = tpu.vector_load %arg8[%swap3A, %swap3A_60] {strides = array<i32>} : memref<128x128xf32, #tpu.memory_space<vmem>>, vector<1x16xf32>,
      %swap3A_62 = vector.shape_cast %swap3A_61 : vector<1x16xf32> to vector<16xf32>
      %swap3A_63 = vector.shape_cast %broadcast_in_dim3A_3 : vector<16xf32> to vector<1x16xf32>
      tpu.vector_store %arg8[%swap3A, %swap3A_60], %swap3A_63 {strides = array<i32>} : memref<128x128xf32, #tpu.memory_space<vmem>>, vector<1x16xf32>,
      %swap3A_64 = arith.index_cast %scan3A_59 : i32 to index
      %swap3A_65 = arith.constant 16 : index
      %swap3A_66 = tpu.vector_load %arg8[%swap3A_64, %swap3A_65] {strides = array<i32>} : memref<128x128xf32, #tpu.memory_space<vmem>>, vector<1x16xf32>,
      %swap3A_67 = vector.shape_cast %swap3A_66 : vector<1x16xf32> to vector<16xf32>
      %swap3A_68 = vector.shape_cast %broadcast_in_dim3A_3 : vector<16xf32> to vector<1x16xf32>
      tpu.vector_store %arg8[%swap3A_64, %swap3A_65], %swap3A_68 {strides = array<i32>} : memref<128x128xf32, #tpu.memory_space<vmem>>, vector<1x16xf32>,
      %swap3A_69 = arith.index_cast %scan3A_59 : i32 to index
      %swap3A_70 = arith.constant 32 : index
      %swap3A_71 = tpu.vector_load %arg8[%swap3A_69, %swap3A_70] {strides = array<i32>} : memref<128x128xf32, #tpu.memory_space<vmem>>, vector<1x16xf32>,
      %swap3A_72 = vector.shape_cast %swap3A_71 : vector<1x16xf32> to vector<16xf32>
      %swap3A_73 = vector.shape_cast %broadcast_in_dim3A_3 : vector<16xf32> to vector<1x16xf32>
      tpu.vector_store %arg8[%swap3A_69, %swap3A_70], %swap3A_73 {strides = array<i32>} : memref<128x128xf32, #tpu.memory_space<vmem>>, vector<1x16xf32>,
      %swap3A_74 = arith.index_cast %scan3A_59 : i32 to index
      %swap3A_75 = arith.constant 48 : index
      %swap3A_76 = tpu.vector_load %arg8[%swap3A_74, %swap3A_75] {strides = array<i32>} : memref<128x128xf32, #tpu.memory_space<vmem>>, vector<1x16xf32>,
      %swap3A_77 = vector.shape_cast %swap3A_76 : vector<1x16xf32> to vector<16xf32>
      %swap3A_78 = vector.shape_cast %broadcast_in_dim3A_3 : vector<16xf32> to vector<1x16xf32>
      tpu.vector_store %arg8[%swap3A_74, %swap3A_75], %swap3A_78 {strides = array<i32>} : memref<128x128xf32, #tpu.memory_space<vmem>>, vector<1x16xf32>,
      %swap3A_79 = arith.index_cast %scan3A_59 : i32 to index
      %swap3A_80 = arith.constant 64 : index
      %swap3A_81 = tpu.vector_load %arg8[%swap3A_79, %swap3A_80] {strides = array<i32>} : memref<128x128xf32, #tpu.memory_space<vmem>>, vector<1x16xf32>,
      %swap3A_82 = vector.shape_cast %swap3A_81 : vector<1x16xf32> to vector<16xf32>
      %swap3A_83 = vector.shape_cast %broadcast_in_dim3A_3 : vector<16xf32> to vector<1x16xf32>
      tpu.vector_store %arg8[%swap3A_79, %swap3A_80], %swap3A_83 {strides = array<i32>} : memref<128x128xf32, #tpu.memory_space<vmem>>, vector<1x16xf32>,
      %swap3A_84 = arith.index_cast %scan3A_59 : i32 to index
      %swap3A_85 = arith.constant 80 : index
      %swap3A_86 = tpu.vector_load %arg8[%swap3A_84, %swap3A_85] {strides = array<i32>} : memref<128x128xf32, #tpu.memory_space<vmem>>, vector<1x16xf32>,
      %swap3A_87 = vector.shape_cast %swap3A_86 : vector<1x16xf32> to vector<16xf32>
      %swap3A_88 = vector.shape_cast %broadcast_in_dim3A_3 : vector<16xf32> to vector<1x16xf32>
      tpu.vector_store %arg8[%swap3A_84, %swap3A_85], %swap3A_88 {strides = array<i32>} : memref<128x128xf32, #tpu.memory_space<vmem>>, vector<1x16xf32>,
      %swap3A_89 = arith.index_cast %scan3A_59 : i32 to index
      %swap3A_90 = arith.constant 96 : index
      %swap3A_91 = tpu.vector_load %arg8[%swap3A_89, %swap3A_90] {strides = array<i32>} : memref<128x128xf32, #tpu.memory_space<vmem>>, vector<1x16xf32>,
      %swap3A_92 = vector.shape_cast %swap3A_91 : vector<1x16xf32> to vector<16xf32>
      %swap3A_93 = vector.shape_cast %broadcast_in_dim3A_3 : vector<16xf32> to vector<1x16xf32>
      tpu.vector_store %arg8[%swap3A_89, %swap3A_90], %swap3A_93 {strides = array<i32>} : memref<128x128xf32, #tpu.memory_space<vmem>>, vector<1x16xf32>,
      %swap3A_94 = arith.index_cast %scan3A_59 : i32 to index
      %swap3A_95 = arith.constant 112 : index
      %swap3A_96 = tpu.vector_load %arg8[%swap3A_94, %swap3A_95] {strides = array<i32>} : memref<128x128xf32, #tpu.memory_space<vmem>>, vector<1x16xf32>,
      %swap3A_97 = vector.shape_cast %swap3A_96 : vector<1x16xf32> to vector<16xf32>
      %swap3A_98 = vector.shape_cast %broadcast_in_dim3A_3 : vector<16xf32> to vector<1x16xf32>
      tpu.vector_store %arg8[%swap3A_94, %swap3A_95], %swap3A_98 {strides = array<i32>} : memref<128x128xf32, #tpu.memory_space<vmem>>, vector<1x16xf32>,
    }
    %scan3A_8 = arith.constant 128 : i32
    %add3A_9 = arith.constant 0 : i32
    %add3A_10 = arith.addi %mul3A_2, %add3A_9 : i32
    "tpu.region"() ({
      %run_scoped3A = tpu.sem_alloc : memref<!tpu.dma_semaphore, #tpu.memory_space<semaphore_mem>>
      %dma_start3A_59 = arith.constant 0 : i32
      %dma_start3A_60 = tpu.memref_slice %arg10[%add3A_10, %dma_start3A_59] : memref<10240x128xf32, #tpu.memory_space<vmem_shared>> -> memref<128x128xf32, #tpu.memory_space<vmem_shared>>
      %dma_start3A_61 = arith.constant 0 : i32
      %dma_start3A_62 = tpu.memref_slice %arg10[%add3A_10, %dma_start3A_61] : memref<10240x128xf32, #tpu.memory_space<vmem_shared>> -> memref<128x128xf32, #tpu.memory_space<vmem_shared>>
      tpu.enqueue_dma source(%arg8 : memref<128x128xf32, #tpu.memory_space<vmem>>) target(%dma_start3A_62 : memref<128x128xf32, #tpu.memory_space<vmem_shared>>) target_semaphore(%run_scoped3A : memref<!tpu.dma_semaphore, #tpu.memory_space<semaphore_mem>>)
      %dma_wait3A = arith.constant 0 : i32
      %dma_wait3A_63 = tpu.memref_slice %arg10[%add3A_10, %dma_wait3A] : memref<10240x128xf32, #tpu.memory_space<vmem_shared>> -> memref<128x128xf32, #tpu.memory_space<vmem_shared>>
      %dma_wait3A_64 = arith.constant 0 : i32
      %dma_wait3A_65 = tpu.memref_slice %arg10[%add3A_10, %dma_wait3A_64] : memref<10240x128xf32, #tpu.memory_space<vmem_shared>> -> memref<128x128xf32, #tpu.memory_space<vmem_shared>>
      tpu.wait_dma2 semaphore(%run_scoped3A : memref<!tpu.dma_semaphore, #tpu.memory_space<semaphore_mem>>) src(%arg8 : memref<128x128xf32, #tpu.memory_space<vmem>>) dst(%dma_wait3A_65 : memref<128x128xf32, #tpu.memory_space<vmem_shared>>)
      tpu.yield
    }) : () -> ()
    %add3A_11 = arith.constant 128 : i32
    %add3A_12 = arith.addi %mul3A_2, %add3A_11 : i32
    "tpu.region"() ({
      %run_scoped3A = tpu.sem_alloc : memref<!tpu.dma_semaphore, #tpu.memory_space<semaphore_mem>>
      %dma_start3A_59 = arith.constant 0 : i32
      %dma_start3A_60 = tpu.memref_slice %arg10[%add3A_12, %dma_start3A_59] : memref<10240x128xf32, #tpu.memory_space<vmem_shared>> -> memref<128x128xf32, #tpu.memory_space<vmem_shared>>
      %dma_start3A_61 = arith.constant 0 : i32
      %dma_start3A_62 = tpu.memref_slice %arg10[%add3A_12, %dma_start3A_61] : memref<10240x128xf32, #tpu.memory_space<vmem_shared>> -> memref<128x128xf32, #tpu.memory_space<vmem_shared>>
      tpu.enqueue_dma source(%arg8 : memref<128x128xf32, #tpu.memory_space<vmem>>) target(%dma_start3A_62 : memref<128x128xf32, #tpu.memory_space<vmem_shared>>) target_semaphore(%run_scoped3A : memref<!tpu.dma_semaphore, #tpu.memory_space<semaphore_mem>>)
      %dma_wait3A = arith.constant 0 : i32
      %dma_wait3A_63 = tpu.memref_slice %arg10[%add3A_12, %dma_wait3A] : memref<10240x128xf32, #tpu.memory_space<vmem_shared>> -> memref<128x128xf32, #tpu.memory_space<vmem_shared>>
      %dma_wait3A_64 = arith.constant 0 : i32
      %dma_wait3A_65 = tpu.memref_slice %arg10[%add3A_12, %dma_wait3A_64] : memref<10240x128xf32, #tpu.memory_space<vmem_shared>> -> memref<128x128xf32, #tpu.memory_space<vmem_shared>>
      tpu.wait_dma2 semaphore(%run_scoped3A : memref<!tpu.dma_semaphore, #tpu.memory_space<semaphore_mem>>) src(%arg8 : memref<128x128xf32, #tpu.memory_space<vmem>>) dst(%dma_wait3A_65 : memref<128x128xf32, #tpu.memory_space<vmem_shared>>)
      tpu.yield
    }) : () -> ()
    %add3A_13 = arith.constant 256 : i32
    %add3A_14 = arith.addi %mul3A_2, %add3A_13 : i32
    "tpu.region"() ({
      %run_scoped3A = tpu.sem_alloc : memref<!tpu.dma_semaphore, #tpu.memory_space<semaphore_mem>>
      %dma_start3A_59 = arith.constant 0 : i32
      %dma_start3A_60 = tpu.memref_slice %arg10[%add3A_14, %dma_start3A_59] : memref<10240x128xf32, #tpu.memory_space<vmem_shared>> -> memref<128x128xf32, #tpu.memory_space<vmem_shared>>
      %dma_start3A_61 = arith.constant 0 : i32
      %dma_start3A_62 = tpu.memref_slice %arg10[%add3A_14, %dma_start3A_61] : memref<10240x128xf32, #tpu.memory_space<vmem_shared>> -> memref<128x128xf32, #tpu.memory_space<vmem_shared>>
      tpu.enqueue_dma source(%arg8 : memref<128x128xf32, #tpu.memory_space<vmem>>) target(%dma_start3A_62 : memref<128x128xf32, #tpu.memory_space<vmem_shared>>) target_semaphore(%run_scoped3A : memref<!tpu.dma_semaphore, #tpu.memory_space<semaphore_mem>>)
      %dma_wait3A = arith.constant 0 : i32
      %dma_wait3A_63 = tpu.memref_slice %arg10[%add3A_14, %dma_wait3A] : memref<10240x128xf32, #tpu.memory_space<vmem_shared>> -> memref<128x128xf32, #tpu.memory_space<vmem_shared>>
      %dma_wait3A_64 = arith.constant 0 : i32
      %dma_wait3A_65 = tpu.memref_slice %arg10[%add3A_14, %dma_wait3A_64] : memref<10240x128xf32, #tpu.memory_space<vmem_shared>> -> memref<128x128xf32, #tpu.memory_space<vmem_shared>>
      tpu.wait_dma2 semaphore(%run_scoped3A : memref<!tpu.dma_semaphore, #tpu.memory_space<semaphore_mem>>) src(%arg8 : memref<128x128xf32, #tpu.memory_space<vmem>>) dst(%dma_wait3A_65 : memref<128x128xf32, #tpu.memory_space<vmem_shared>>)
      tpu.yield
    }) : () -> ()
    %add3A_15 = arith.constant 384 : i32
    %add3A_16 = arith.addi %mul3A_2, %add3A_15 : i32
    "tpu.region"() ({
      %run_scoped3A = tpu.sem_alloc : memref<!tpu.dma_semaphore, #tpu.memory_space<semaphore_mem>>
      %dma_start3A_59 = arith.constant 0 : i32
      %dma_start3A_60 = tpu.memref_slice %arg10[%add3A_16, %dma_start3A_59] : memref<10240x128xf32, #tpu.memory_space<vmem_shared>> -> memref<128x128xf32, #tpu.memory_space<vmem_shared>>
      %dma_start3A_61 = arith.constant 0 : i32
      %dma_start3A_62 = tpu.memref_slice %arg10[%add3A_16, %dma_start3A_61] : memref<10240x128xf32, #tpu.memory_space<vmem_shared>> -> memref<128x128xf32, #tpu.memory_space<vmem_shared>>
      tpu.enqueue_dma source(%arg8 : memref<128x128xf32, #tpu.memory_space<vmem>>) target(%dma_start3A_62 : memref<128x128xf32, #tpu.memory_space<vmem_shared>>) target_semaphore(%run_scoped3A : memref<!tpu.dma_semaphore, #tpu.memory_space<semaphore_mem>>)
      %dma_wait3A = arith.constant 0 : i32
      %dma_wait3A_63 = tpu.memref_slice %arg10[%add3A_16, %dma_wait3A] : memref<10240x128xf32, #tpu.memory_space<vmem_shared>> -> memref<128x128xf32, #tpu.memory_space<vmem_shared>>
      %dma_wait3A_64 = arith.constant 0 : i32
      %dma_wait3A_65 = tpu.memref_slice %arg10[%add3A_16, %dma_wait3A_64] : memref<10240x128xf32, #tpu.memory_space<vmem_shared>> -> memref<128x128xf32, #tpu.memory_space<vmem_shared>>
      tpu.wait_dma2 semaphore(%run_scoped3A : memref<!tpu.dma_semaphore, #tpu.memory_space<semaphore_mem>>) src(%arg8 : memref<128x128xf32, #tpu.memory_space<vmem>>) dst(%dma_wait3A_65 : memref<128x128xf32, #tpu.memory_space<vmem_shared>>)
      tpu.yield
    }) : () -> ()
    %add3A_17 = arith.constant 512 : i32
    %add3A_18 = arith.addi %mul3A_2, %add3A_17 : i32
    "tpu.region"() ({
      %run_scoped3A = tpu.sem_alloc : memref<!tpu.dma_semaphore, #tpu.memory_space<semaphore_mem>>
      %dma_start3A_59 = arith.constant 0 : i32
      %dma_start3A_60 = tpu.memref_slice %arg10[%add3A_18, %dma_start3A_59] : memref<10240x128xf32, #tpu.memory_space<vmem_shared>> -> memref<128x128xf32, #tpu.memory_space<vmem_shared>>
      %dma_start3A_61 = arith.constant 0 : i32
      %dma_start3A_62 = tpu.memref_slice %arg10[%add3A_18, %dma_start3A_61] : memref<10240x128xf32, #tpu.memory_space<vmem_shared>> -> memref<128x128xf32, #tpu.memory_space<vmem_shared>>
      tpu.enqueue_dma source(%arg8 : memref<128x128xf32, #tpu.memory_space<vmem>>) target(%dma_start3A_62 : memref<128x128xf32, #tpu.memory_space<vmem_shared>>) target_semaphore(%run_scoped3A : memref<!tpu.dma_semaphore, #tpu.memory_space<semaphore_mem>>)
      %dma_wait3A = arith.constant 0 : i32
      %dma_wait3A_63 = tpu.memref_slice %arg10[%add3A_18, %dma_wait3A] : memref<10240x128xf32, #tpu.memory_space<vmem_shared>> -> memref<128x128xf32, #tpu.memory_space<vmem_shared>>
      %dma_wait3A_64 = arith.constant 0 : i32
      %dma_wait3A_65 = tpu.memref_slice %arg10[%add3A_18, %dma_wait3A_64] : memref<10240x128xf32, #tpu.memory_space<vmem_shared>> -> memref<128x128xf32, #tpu.memory_space<vmem_shared>>
      tpu.wait_dma2 semaphore(%run_scoped3A : memref<!tpu.dma_semaphore, #tpu.memory_space<semaphore_mem>>) src(%arg8 : memref<128x128xf32, #tpu.memory_space<vmem>>) dst(%dma_wait3A_65 : memref<128x128xf32, #tpu.memory_space<vmem_shared>>)
      tpu.yield
    }) : () -> ()
    %barrier3A = arith.constant 0 : index
    tpu.barrier barrier_id(%barrier3A)
    %mul3A_19 = arith.constant 80 : i32
    %mul3A_20 = arith.muli %add3A, %mul3A_19 : i32
    %add3A_21 = arith.constant 0 : i32
    %add3A_22 = arith.addi %mul3A_20, %add3A_21 : i32
    "tpu.region"() ({
      %run_scoped3A = tpu.sem_alloc : memref<!tpu.dma_semaphore, #tpu.memory_space<semaphore_mem>>
      %dma_start3A_59 = arith.constant 0 : i32
      %dma_start3A_60 = tpu.memref_slice %arg2[%add3A_22, %dma_start3A_59] : memref<2560x125xi32, #tpu.memory_space<hbm>> -> memref<40x125xi32, #tpu.memory_space<hbm>>
      %dma_start3A_61 = arith.constant 0 : i32
      %dma_start3A_62 = tpu.memref_slice %arg2[%add3A_22, %dma_start3A_61] : memref<2560x125xi32, #tpu.memory_space<hbm>> -> memref<40x125xi32, #tpu.memory_space<hbm>>
      tpu.enqueue_dma source(%dma_start3A_62 : memref<40x125xi32, #tpu.memory_space<hbm>>) target(%arg6 : memref<40x125xi32, #tpu.memory_space<vmem>>) target_semaphore(%run_scoped3A : memref<!tpu.dma_semaphore, #tpu.memory_space<semaphore_mem>>)
      %dma_wait3A = arith.constant 0 : i32
      %dma_wait3A_63 = tpu.memref_slice %arg2[%add3A_22, %dma_wait3A] : memref<2560x125xi32, #tpu.memory_space<hbm>> -> memref<40x125xi32, #tpu.memory_space<hbm>>
      %dma_wait3A_64 = arith.constant 0 : i32
      %dma_wait3A_65 = tpu.memref_slice %arg2[%add3A_22, %dma_wait3A_64] : memref<2560x125xi32, #tpu.memory_space<hbm>> -> memref<40x125xi32, #tpu.memory_space<hbm>>
      tpu.wait_dma2 semaphore(%run_scoped3A : memref<!tpu.dma_semaphore, #tpu.memory_space<semaphore_mem>>) src(%dma_wait3A_65 : memref<40x125xi32, #tpu.memory_space<hbm>>) dst(%arg6 : memref<40x125xi32, #tpu.memory_space<vmem>>)
      tpu.yield
    }) : () -> ()
    "tpu.region"() ({
      %run_scoped3A = tpu.sem_alloc : memref<!tpu.dma_semaphore, #tpu.memory_space<semaphore_mem>>
      %dma_start3A_59 = arith.constant 0 : i32
      %dma_start3A_60 = tpu.memref_slice %arg3[%add3A_22, %dma_start3A_59] : memref<2560x125xi32, #tpu.memory_space<hbm>> -> memref<40x125xi32, #tpu.memory_space<hbm>>
      %dma_start3A_61 = arith.constant 0 : i32
      %dma_start3A_62 = tpu.memref_slice %arg3[%add3A_22, %dma_start3A_61] : memref<2560x125xi32, #tpu.memory_space<hbm>> -> memref<40x125xi32, #tpu.memory_space<hbm>>
      tpu.enqueue_dma source(%dma_start3A_62 : memref<40x125xi32, #tpu.memory_space<hbm>>) target(%arg7 : memref<40x125xi32, #tpu.memory_space<vmem>>) target_semaphore(%run_scoped3A : memref<!tpu.dma_semaphore, #tpu.memory_space<semaphore_mem>>)
      %dma_wait3A = arith.constant 0 : i32
      %dma_wait3A_63 = tpu.memref_slice %arg3[%add3A_22, %dma_wait3A] : memref<2560x125xi32, #tpu.memory_space<hbm>> -> memref<40x125xi32, #tpu.memory_space<hbm>>
      %dma_wait3A_64 = arith.constant 0 : i32
      %dma_wait3A_65 = tpu.memref_slice %arg3[%add3A_22, %dma_wait3A_64] : memref<2560x125xi32, #tpu.memory_space<hbm>> -> memref<40x125xi32, #tpu.memory_space<hbm>>
      tpu.wait_dma2 semaphore(%run_scoped3A : memref<!tpu.dma_semaphore, #tpu.memory_space<semaphore_mem>>) src(%dma_wait3A_65 : memref<40x125xi32, #tpu.memory_space<hbm>>) dst(%arg7 : memref<40x125xi32, #tpu.memory_space<vmem>>)
      tpu.yield
    }) : () -> ()
    %dma_start3A = arith.constant 0 : i32
    %dma_start3A_23 = arith.constant 0 : i32
    %dma_start3A_24 = arith.constant 0 : i32
    %dma_start3A_25 = tpu.memref_slice %arg8[%dma_start3A_23, %dma_start3A_24] : memref<128x128xf32, #tpu.memory_space<vmem>> -> memref<125x128xf32, #tpu.memory_space<vmem>>
    %dma_start3A_26 = arith.constant 0 : i32
    %dma_start3A_27 = tpu.memref_slice %arg6[%dma_start3A, %dma_start3A_26] : memref<40x125xi32, #tpu.memory_space<vmem>> -> memref<1x125xi32, #tpu.memory_space<vmem>>
    %dma_start3A_28 = tpu.memref_squeeze %dma_start3A_27 : memref<1x125xi32, #tpu.memory_space<vmem>> -> memref<125xi32, #tpu.memory_space<vmem>>
    %dma_start3A_29 = arith.constant 0 : i32
    %dma_start3A_30 = arith.constant 0 : i32
    %dma_start3A_31 = tpu.memref_slice %arg4[%dma_start3A_29, %dma_start3A_30] : memref<10000x128xf32, #tpu.memory_space<hbm>> -> memref<10000x128xf32, #tpu.memory_space<hbm>>
    tpu.enqueue_indirect_dma source(%dma_start3A_31 : memref<10000x128xf32, #tpu.memory_space<hbm>>) target(%dma_start3A_25 : memref<125x128xf32, #tpu.memory_space<vmem>>) offsets(%dma_start3A_28 : memref<125xi32, #tpu.memory_space<vmem>>) semaphore(%arg11 : memref<!tpu.dma_semaphore, #tpu.memory_space<semaphore_mem>>)
    %scan3A_32 = arith.constant 0 : i32
    %scan3A_33 = arith.constant 0 : i32
    %scan3A_34 = arith.constant 20 : i32
    %scan3A_35 = arith.addi %scan3A_33, %scan3A_34 : i32
    %scan3A_36 = arith.constant 1 : i32
    scf.for %scan3A_59 = %scan3A_33 to %scan3A_35 step %scan3A_36  : i32 {
      %mul3A_60 = arith.constant 2 : i32
      %mul3A_61 = arith.muli %scan3A_59, %mul3A_60 : i32
      %add3A_62 = arith.constant 0 : i32
      %add3A_63 = arith.addi %mul3A_61, %add3A_62 : i32
      %add3A_64 = arith.constant 1 : i32
      %add3A_65 = arith.addi %add3A_63, %add3A_64 : i32
      %lt3A = arith.constant 40 : i32
      %lt3A_66 = arith.cmpi slt, %add3A_65, %lt3A : i32
      %convert_element_type3A = arith.extui %lt3A_66 : i1 to i32
      %cond3A = arith.constant 0 : i32
      %cond3A_67 = arith.cmpi ne, %convert_element_type3A, %cond3A : i32
      scf.if %cond3A_67 {
        %add3A_96 = arith.constant 1 : i32
        %add3A_97 = arith.addi %add3A_63, %add3A_96 : i32
        %dma_start3A_98 = arith.constant 0 : i32
        %dma_start3A_99 = arith.constant 0 : i32
        %dma_start3A_100 = tpu.memref_slice %arg9[%dma_start3A_98, %dma_start3A_99] : memref<128x128xf32, #tpu.memory_space<vmem>> -> memref<125x128xf32, #tpu.memory_space<vmem>>
        %dma_start3A_101 = arith.constant 0 : i32
        %dma_start3A_102 = tpu.memref_slice %arg6[%add3A_97, %dma_start3A_101] : memref<40x125xi32, #tpu.memory_space<vmem>> -> memref<1x125xi32, #tpu.memory_space<vmem>>
        %dma_start3A_103 = tpu.memref_squeeze %dma_start3A_102 : memref<1x125xi32, #tpu.memory_space<vmem>> -> memref<125xi32, #tpu.memory_space<vmem>>
        %dma_start3A_104 = arith.constant 0 : i32
        %dma_start3A_105 = arith.constant 0 : i32
        %dma_start3A_106 = tpu.memref_slice %arg4[%dma_start3A_104, %dma_start3A_105] : memref<10000x128xf32, #tpu.memory_space<hbm>> -> memref<10000x128xf32, #tpu.memory_space<hbm>>
        tpu.enqueue_indirect_dma source(%dma_start3A_106 : memref<10000x128xf32, #tpu.memory_space<hbm>>) target(%dma_start3A_100 : memref<125x128xf32, #tpu.memory_space<vmem>>) offsets(%dma_start3A_103 : memref<125xi32, #tpu.memory_space<vmem>>) semaphore(%arg12 : memref<!tpu.dma_semaphore, #tpu.memory_space<semaphore_mem>>)
      } else {
      }
      %dma_wait3A = arith.constant 0 : i32
      %dma_wait3A_68 = arith.constant 0 : i32
      %dma_wait3A_69 = tpu.memref_slice %arg8[%dma_wait3A, %dma_wait3A_68] : memref<128x128xf32, #tpu.memory_space<vmem>> -> memref<125x128xf32, #tpu.memory_space<vmem>>
      %dma_wait3A_70 = arith.constant 0 : i32
      %dma_wait3A_71 = tpu.memref_slice %arg6[%add3A_63, %dma_wait3A_70] : memref<40x125xi32, #tpu.memory_space<vmem>> -> memref<1x125xi32, #tpu.memory_space<vmem>>
      %dma_wait3A_72 = tpu.memref_squeeze %dma_wait3A_71 : memref<1x125xi32, #tpu.memory_space<vmem>> -> memref<125xi32, #tpu.memory_space<vmem>>
      %dma_wait3A_73 = arith.constant 0 : i32
      %dma_wait3A_74 = arith.constant 0 : i32
      %dma_wait3A_75 = tpu.memref_slice %arg4[%dma_wait3A_73, %dma_wait3A_74] : memref<10000x128xf32, #tpu.memory_space<hbm>> -> memref<10000x128xf32, #tpu.memory_space<hbm>>
      tpu.wait_indirect_dma semaphore(%arg11 : memref<!tpu.dma_semaphore, #tpu.memory_space<semaphore_mem>>) src(%dma_wait3A_75 : memref<10000x128xf32, #tpu.memory_space<hbm>>) dst(%dma_wait3A_69 : memref<125x128xf32, #tpu.memory_space<vmem>>)
      "tpu.region"() ({
        %run_scoped3A = tpu.sem_alloc : memref<!tpu.dma_semaphore, #tpu.memory_space<semaphore_mem>>
        %dma_start3A_96 = arith.constant 0 : i32
        %dma_start3A_97 = arith.constant 0 : i32
        %dma_start3A_98 = tpu.memref_slice %arg8[%dma_start3A_96, %dma_start3A_97] : memref<128x128xf32, #tpu.memory_space<vmem>> -> memref<125x128xf32, #tpu.memory_space<vmem>>
        %dma_start3A_99 = arith.constant 0 : i32
        %dma_start3A_100 = tpu.memref_slice %arg7[%add3A_63, %dma_start3A_99] : memref<40x125xi32, #tpu.memory_space<vmem>> -> memref<1x125xi32, #tpu.memory_space<vmem>>
        %dma_start3A_101 = tpu.memref_squeeze %dma_start3A_100 : memref<1x125xi32, #tpu.memory_space<vmem>> -> memref<125xi32, #tpu.memory_space<vmem>>
        %dma_start3A_102 = arith.constant 0 : i32
        %dma_start3A_103 = arith.constant 0 : i32
        %dma_start3A_104 = tpu.memref_slice %arg10[%dma_start3A_102, %dma_start3A_103] : memref<10240x128xf32, #tpu.memory_space<vmem_shared>> -> memref<10240x128xf32, #tpu.memory_space<vmem_shared>>
        tpu.enqueue_indirect_dma source(%dma_start3A_98 : memref<125x128xf32, #tpu.memory_space<vmem>>) target(%dma_start3A_104 : memref<10240x128xf32, #tpu.memory_space<vmem_shared>>) offsets(%dma_start3A_101 : memref<125xi32, #tpu.memory_space<vmem>>) semaphore(%run_scoped3A : memref<!tpu.dma_semaphore, #tpu.memory_space<semaphore_mem>>) {add = true}
        %dma_wait3A_105 = arith.constant 0 : i32
        %dma_wait3A_106 = arith.constant 0 : i32
        %dma_wait3A_107 = tpu.memref_slice %arg8[%dma_wait3A_105, %dma_wait3A_106] : memref<128x128xf32, #tpu.memory_space<vmem>> -> memref<125x128xf32, #tpu.memory_space<vmem>>
        %dma_wait3A_108 = arith.constant 0 : i32
        %dma_wait3A_109 = tpu.memref_slice %arg7[%add3A_63, %dma_wait3A_108] : memref<40x125xi32, #tpu.memory_space<vmem>> -> memref<1x125xi32, #tpu.memory_space<vmem>>
        %dma_wait3A_110 = tpu.memref_squeeze %dma_wait3A_109 : memref<1x125xi32, #tpu.memory_space<vmem>> -> memref<125xi32, #tpu.memory_space<vmem>>
        %dma_wait3A_111 = arith.constant 0 : i32
        %dma_wait3A_112 = arith.constant 0 : i32
        %dma_wait3A_113 = tpu.memref_slice %arg10[%dma_wait3A_111, %dma_wait3A_112] : memref<10240x128xf32, #tpu.memory_space<vmem_shared>> -> memref<10240x128xf32, #tpu.memory_space<vmem_shared>>
        tpu.wait_indirect_dma semaphore(%run_scoped3A : memref<!tpu.dma_semaphore, #tpu.memory_space<semaphore_mem>>) src(%dma_wait3A_107 : memref<125x128xf32, #tpu.memory_space<vmem>>) dst(%dma_wait3A_113 : memref<10240x128xf32, #tpu.memory_space<vmem_shared>>)
        tpu.yield
      }) : () -> ()
      %mul3A_76 = arith.constant 2 : i32
      %mul3A_77 = arith.muli %scan3A_59, %mul3A_76 : i32
      %add3A_78 = arith.constant 1 : i32
      %add3A_79 = arith.addi %mul3A_77, %add3A_78 : i32
      %add3A_80 = arith.constant 1 : i32
      %add3A_81 = arith.addi %add3A_79, %add3A_80 : i32
      %lt3A_82 = arith.constant 40 : i32
      %lt3A_83 = arith.cmpi slt, %add3A_81, %lt3A_82 : i32
      %convert_element_type3A_84 = arith.extui %lt3A_83 : i1 to i32
      %cond3A_85 = arith.constant 0 : i32
      %cond3A_86 = arith.cmpi ne, %convert_element_type3A_84, %cond3A_85 : i32
      scf.if %cond3A_86 {
        %add3A_96 = arith.constant 1 : i32
        %add3A_97 = arith.addi %add3A_79, %add3A_96 : i32
        %dma_start3A_98 = arith.constant 0 : i32
        %dma_start3A_99 = arith.constant 0 : i32
        %dma_start3A_100 = tpu.memref_slice %arg8[%dma_start3A_98, %dma_start3A_99] : memref<128x128xf32, #tpu.memory_space<vmem>> -> memref<125x128xf32, #tpu.memory_space<vmem>>
        %dma_start3A_101 = arith.constant 0 : i32
        %dma_start3A_102 = tpu.memref_slice %arg6[%add3A_97, %dma_start3A_101] : memref<40x125xi32, #tpu.memory_space<vmem>> -> memref<1x125xi32, #tpu.memory_space<vmem>>
        %dma_start3A_103 = tpu.memref_squeeze %dma_start3A_102 : memref<1x125xi32, #tpu.memory_space<vmem>> -> memref<125xi32, #tpu.memory_space<vmem>>
        %dma_start3A_104 = arith.constant 0 : i32
        %dma_start3A_105 = arith.constant 0 : i32
        %dma_start3A_106 = tpu.memref_slice %arg4[%dma_start3A_104, %dma_start3A_105] : memref<10000x128xf32, #tpu.memory_space<hbm>> -> memref<10000x128xf32, #tpu.memory_space<hbm>>
        tpu.enqueue_indirect_dma source(%dma_start3A_106 : memref<10000x128xf32, #tpu.memory_space<hbm>>) target(%dma_start3A_100 : memref<125x128xf32, #tpu.memory_space<vmem>>) offsets(%dma_start3A_103 : memref<125xi32, #tpu.memory_space<vmem>>) semaphore(%arg11 : memref<!tpu.dma_semaphore, #tpu.memory_space<semaphore_mem>>)
      } else {
      }
      %dma_wait3A_87 = arith.constant 0 : i32
      %dma_wait3A_88 = arith.constant 0 : i32
      %dma_wait3A_89 = tpu.memref_slice %arg9[%dma_wait3A_87, %dma_wait3A_88] : memref<128x128xf32, #tpu.memory_space<vmem>> -> memref<125x128xf32, #tpu.memory_space<vmem>>
      %dma_wait3A_90 = arith.constant 0 : i32
      %dma_wait3A_91 = tpu.memref_slice %arg6[%add3A_79, %dma_wait3A_90] : memref<40x125xi32, #tpu.memory_space<vmem>> -> memref<1x125xi32, #tpu.memory_space<vmem>>
      %dma_wait3A_92 = tpu.memref_squeeze %dma_wait3A_91 : memref<1x125xi32, #tpu.memory_space<vmem>> -> memref<125xi32, #tpu.memory_space<vmem>>
      %dma_wait3A_93 = arith.constant 0 : i32
      %dma_wait3A_94 = arith.constant 0 : i32
      %dma_wait3A_95 = tpu.memref_slice %arg4[%dma_wait3A_93, %dma_wait3A_94] : memref<10000x128xf32, #tpu.memory_space<hbm>> -> memref<10000x128xf32, #tpu.memory_space<hbm>>
      tpu.wait_indirect_dma semaphore(%arg12 : memref<!tpu.dma_semaphore, #tpu.memory_space<semaphore_mem>>) src(%dma_wait3A_95 : memref<10000x128xf32, #tpu.memory_space<hbm>>) dst(%dma_wait3A_89 : memref<125x128xf32, #tpu.memory_space<vmem>>)
      "tpu.region"() ({
        %run_scoped3A = tpu.sem_alloc : memref<!tpu.dma_semaphore, #tpu.memory_space<semaphore_mem>>
        %dma_start3A_96 = arith.constant 0 : i32
        %dma_start3A_97 = arith.constant 0 : i32
        %dma_start3A_98 = tpu.memref_slice %arg9[%dma_start3A_96, %dma_start3A_97] : memref<128x128xf32, #tpu.memory_space<vmem>> -> memref<125x128xf32, #tpu.memory_space<vmem>>
        %dma_start3A_99 = arith.constant 0 : i32
        %dma_start3A_100 = tpu.memref_slice %arg7[%add3A_79, %dma_start3A_99] : memref<40x125xi32, #tpu.memory_space<vmem>> -> memref<1x125xi32, #tpu.memory_space<vmem>>
        %dma_start3A_101 = tpu.memref_squeeze %dma_start3A_100 : memref<1x125xi32, #tpu.memory_space<vmem>> -> memref<125xi32, #tpu.memory_space<vmem>>
        %dma_start3A_102 = arith.constant 0 : i32
        %dma_start3A_103 = arith.constant 0 : i32
        %dma_start3A_104 = tpu.memref_slice %arg10[%dma_start3A_102, %dma_start3A_103] : memref<10240x128xf32, #tpu.memory_space<vmem_shared>> -> memref<10240x128xf32, #tpu.memory_space<vmem_shared>>
        tpu.enqueue_indirect_dma source(%dma_start3A_98 : memref<125x128xf32, #tpu.memory_space<vmem>>) target(%dma_start3A_104 : memref<10240x128xf32, #tpu.memory_space<vmem_shared>>) offsets(%dma_start3A_101 : memref<125xi32, #tpu.memory_space<vmem>>) semaphore(%run_scoped3A : memref<!tpu.dma_semaphore, #tpu.memory_space<semaphore_mem>>) {add = true}
        %dma_wait3A_105 = arith.constant 0 : i32
        %dma_wait3A_106 = arith.constant 0 : i32
        %dma_wait3A_107 = tpu.memref_slice %arg9[%dma_wait3A_105, %dma_wait3A_106] : memref<128x128xf32, #tpu.memory_space<vmem>> -> memref<125x128xf32, #tpu.memory_space<vmem>>
        %dma_wait3A_108 = arith.constant 0 : i32
        %dma_wait3A_109 = tpu.memref_slice %arg7[%add3A_79, %dma_wait3A_108] : memref<40x125xi32, #tpu.memory_space<vmem>> -> memref<1x125xi32, #tpu.memory_space<vmem>>
        %dma_wait3A_110 = tpu.memref_squeeze %dma_wait3A_109 : memref<1x125xi32, #tpu.memory_space<vmem>> -> memref<125xi32, #tpu.memory_space<vmem>>
        %dma_wait3A_111 = arith.constant 0 : i32
        %dma_wait3A_112 = arith.constant 0 : i32
        %dma_wait3A_113 = tpu.memref_slice %arg10[%dma_wait3A_111, %dma_wait3A_112] : memref<10240x128xf32, #tpu.memory_space<vmem_shared>> -> memref<10240x128xf32, #tpu.memory_space<vmem_shared>>
        tpu.wait_indirect_dma semaphore(%run_scoped3A : memref<!tpu.dma_semaphore, #tpu.memory_space<semaphore_mem>>) src(%dma_wait3A_107 : memref<125x128xf32, #tpu.memory_space<vmem>>) dst(%dma_wait3A_113 : memref<10240x128xf32, #tpu.memory_space<vmem_shared>>)
        tpu.yield
      }) : () -> ()
    }
    %scan3A_37 = arith.constant 20 : i32
    %mul3A_38 = arith.constant 80 : i32
    %mul3A_39 = arith.muli %add3A, %mul3A_38 : i32
    %add3A_40 = arith.constant 40 : i32
    %add3A_41 = arith.addi %mul3A_39, %add3A_40 : i32
    "tpu.region"() ({
      %run_scoped3A = tpu.sem_alloc : memref<!tpu.dma_semaphore, #tpu.memory_space<semaphore_mem>>
      %dma_start3A_59 = arith.constant 0 : i32
      %dma_start3A_60 = tpu.memref_slice %arg2[%add3A_41, %dma_start3A_59] : memref<2560x125xi32, #tpu.memory_space<hbm>> -> memref<40x125xi32, #tpu.memory_space<hbm>>
      %dma_start3A_61 = arith.constant 0 : i32
      %dma_start3A_62 = tpu.memref_slice %arg2[%add3A_41, %dma_start3A_61] : memref<2560x125xi32, #tpu.memory_space<hbm>> -> memref<40x125xi32, #tpu.memory_space<hbm>>
      tpu.enqueue_dma source(%dma_start3A_62 : memref<40x125xi32, #tpu.memory_space<hbm>>) target(%arg6 : memref<40x125xi32, #tpu.memory_space<vmem>>) target_semaphore(%run_scoped3A : memref<!tpu.dma_semaphore, #tpu.memory_space<semaphore_mem>>)
      %dma_wait3A = arith.constant 0 : i32
      %dma_wait3A_63 = tpu.memref_slice %arg2[%add3A_41, %dma_wait3A] : memref<2560x125xi32, #tpu.memory_space<hbm>> -> memref<40x125xi32, #tpu.memory_space<hbm>>
      %dma_wait3A_64 = arith.constant 0 : i32
      %dma_wait3A_65 = tpu.memref_slice %arg2[%add3A_41, %dma_wait3A_64] : memref<2560x125xi32, #tpu.memory_space<hbm>> -> memref<40x125xi32, #tpu.memory_space<hbm>>
      tpu.wait_dma2 semaphore(%run_scoped3A : memref<!tpu.dma_semaphore, #tpu.memory_space<semaphore_mem>>) src(%dma_wait3A_65 : memref<40x125xi32, #tpu.memory_space<hbm>>) dst(%arg6 : memref<40x125xi32, #tpu.memory_space<vmem>>)
      tpu.yield
    }) : () -> ()
    "tpu.region"() ({
      %run_scoped3A = tpu.sem_alloc : memref<!tpu.dma_semaphore, #tpu.memory_space<semaphore_mem>>
      %dma_start3A_59 = arith.constant 0 : i32
      %dma_start3A_60 = tpu.memref_slice %arg3[%add3A_41, %dma_start3A_59] : memref<2560x125xi32, #tpu.memory_space<hbm>> -> memref<40x125xi32, #tpu.memory_space<hbm>>
      %dma_start3A_61 = arith.constant 0 : i32
      %dma_start3A_62 = tpu.memref_slice %arg3[%add3A_41, %dma_start3A_61] : memref<2560x125xi32, #tpu.memory_space<hbm>> -> memref<40x125xi32, #tpu.memory_space<hbm>>
      tpu.enqueue_dma source(%dma_start3A_62 : memref<40x125xi32, #tpu.memory_space<hbm>>) target(%arg7 : memref<40x125xi32, #tpu.memory_space<vmem>>) target_semaphore(%run_scoped3A : memref<!tpu.dma_semaphore, #tpu.memory_space<semaphore_mem>>)
      %dma_wait3A = arith.constant 0 : i32
      %dma_wait3A_63 = tpu.memref_slice %arg3[%add3A_41, %dma_wait3A] : memref<2560x125xi32, #tpu.memory_space<hbm>> -> memref<40x125xi32, #tpu.memory_space<hbm>>
      %dma_wait3A_64 = arith.constant 0 : i32
      %dma_wait3A_65 = tpu.memref_slice %arg3[%add3A_41, %dma_wait3A_64] : memref<2560x125xi32, #tpu.memory_space<hbm>> -> memref<40x125xi32, #tpu.memory_space<hbm>>
      tpu.wait_dma2 semaphore(%run_scoped3A : memref<!tpu.dma_semaphore, #tpu.memory_space<semaphore_mem>>) src(%dma_wait3A_65 : memref<40x125xi32, #tpu.memory_space<hbm>>) dst(%arg7 : memref<40x125xi32, #tpu.memory_space<vmem>>)
      tpu.yield
    }) : () -> ()
    %dma_start3A_42 = arith.constant 0 : i32
    %dma_start3A_43 = arith.constant 0 : i32
    %dma_start3A_44 = arith.constant 0 : i32
    %dma_start3A_45 = tpu.memref_slice %arg8[%dma_start3A_43, %dma_start3A_44] : memref<128x128xf32, #tpu.memory_space<vmem>> -> memref<125x128xf32, #tpu.memory_space<vmem>>
    %dma_start3A_46 = arith.constant 0 : i32
    %dma_start3A_47 = tpu.memref_slice %arg6[%dma_start3A_42, %dma_start3A_46] : memref<40x125xi32, #tpu.memory_space<vmem>> -> memref<1x125xi32, #tpu.memory_space<vmem>>
    %dma_start3A_48 = tpu.memref_squeeze %dma_start3A_47 : memref<1x125xi32, #tpu.memory_space<vmem>> -> memref<125xi32, #tpu.memory_space<vmem>>
    %dma_start3A_49 = arith.constant 0 : i32
    %dma_start3A_50 = arith.constant 0 : i32
    %dma_start3A_51 = tpu.memref_slice %arg4[%dma_start3A_49, %dma_start3A_50] : memref<10000x128xf32, #tpu.memory_space<hbm>> -> memref<10000x128xf32, #tpu.memory_space<hbm>>
    tpu.enqueue_indirect_dma source(%dma_start3A_51 : memref<10000x128xf32, #tpu.memory_space<hbm>>) target(%dma_start3A_45 : memref<125x128xf32, #tpu.memory_space<vmem>>) offsets(%dma_start3A_48 : memref<125xi32, #tpu.memory_space<vmem>>) semaphore(%arg11 : memref<!tpu.dma_semaphore, #tpu.memory_space<semaphore_mem>>)
    %scan3A_52 = arith.constant 0 : i32
    %scan3A_53 = arith.constant 0 : i32
    %scan3A_54 = arith.constant 20 : i32
    %scan3A_55 = arith.addi %scan3A_53, %scan3A_54 : i32
    %scan3A_56 = arith.constant 1 : i32
    scf.for %scan3A_59 = %scan3A_53 to %scan3A_55 step %scan3A_56  : i32 {
      %mul3A_60 = arith.constant 2 : i32
      %mul3A_61 = arith.muli %scan3A_59, %mul3A_60 : i32
      %add3A_62 = arith.constant 0 : i32
      %add3A_63 = arith.addi %mul3A_61, %add3A_62 : i32
      %add3A_64 = arith.constant 1 : i32
      %add3A_65 = arith.addi %add3A_63, %add3A_64 : i32
      %lt3A = arith.constant 40 : i32
      %lt3A_66 = arith.cmpi slt, %add3A_65, %lt3A : i32
      %convert_element_type3A = arith.extui %lt3A_66 : i1 to i32
      %cond3A = arith.constant 0 : i32
      %cond3A_67 = arith.cmpi ne, %convert_element_type3A, %cond3A : i32
      scf.if %cond3A_67 {
        %add3A_96 = arith.constant 1 : i32
        %add3A_97 = arith.addi %add3A_63, %add3A_96 : i32
        %dma_start3A_98 = arith.constant 0 : i32
        %dma_start3A_99 = arith.constant 0 : i32
        %dma_start3A_100 = tpu.memref_slice %arg9[%dma_start3A_98, %dma_start3A_99] : memref<128x128xf32, #tpu.memory_space<vmem>> -> memref<125x128xf32, #tpu.memory_space<vmem>>
        %dma_start3A_101 = arith.constant 0 : i32
        %dma_start3A_102 = tpu.memref_slice %arg6[%add3A_97, %dma_start3A_101] : memref<40x125xi32, #tpu.memory_space<vmem>> -> memref<1x125xi32, #tpu.memory_space<vmem>>
        %dma_start3A_103 = tpu.memref_squeeze %dma_start3A_102 : memref<1x125xi32, #tpu.memory_space<vmem>> -> memref<125xi32, #tpu.memory_space<vmem>>
        %dma_start3A_104 = arith.constant 0 : i32
        %dma_start3A_105 = arith.constant 0 : i32
        %dma_start3A_106 = tpu.memref_slice %arg4[%dma_start3A_104, %dma_start3A_105] : memref<10000x128xf32, #tpu.memory_space<hbm>> -> memref<10000x128xf32, #tpu.memory_space<hbm>>
        tpu.enqueue_indirect_dma source(%dma_start3A_106 : memref<10000x128xf32, #tpu.memory_space<hbm>>) target(%dma_start3A_100 : memref<125x128xf32, #tpu.memory_space<vmem>>) offsets(%dma_start3A_103 : memref<125xi32, #tpu.memory_space<vmem>>) semaphore(%arg12 : memref<!tpu.dma_semaphore, #tpu.memory_space<semaphore_mem>>)
      } else {
      }
      %dma_wait3A = arith.constant 0 : i32
      %dma_wait3A_68 = arith.constant 0 : i32
      %dma_wait3A_69 = tpu.memref_slice %arg8[%dma_wait3A, %dma_wait3A_68] : memref<128x128xf32, #tpu.memory_space<vmem>> -> memref<125x128xf32, #tpu.memory_space<vmem>>
      %dma_wait3A_70 = arith.constant 0 : i32
      %dma_wait3A_71 = tpu.memref_slice %arg6[%add3A_63, %dma_wait3A_70] : memref<40x125xi32, #tpu.memory_space<vmem>> -> memref<1x125xi32, #tpu.memory_space<vmem>>
      %dma_wait3A_72 = tpu.memref_squeeze %dma_wait3A_71 : memref<1x125xi32, #tpu.memory_space<vmem>> -> memref<125xi32, #tpu.memory_space<vmem>>
      %dma_wait3A_73 = arith.constant 0 : i32
      %dma_wait3A_74 = arith.constant 0 : i32
      %dma_wait3A_75 = tpu.memref_slice %arg4[%dma_wait3A_73, %dma_wait3A_74] : memref<10000x128xf32, #tpu.memory_space<hbm>> -> memref<10000x128xf32, #tpu.memory_space<hbm>>
      tpu.wait_indirect_dma semaphore(%arg11 : memref<!tpu.dma_semaphore, #tpu.memory_space<semaphore_mem>>) src(%dma_wait3A_75 : memref<10000x128xf32, #tpu.memory_space<hbm>>) dst(%dma_wait3A_69 : memref<125x128xf32, #tpu.memory_space<vmem>>)
      "tpu.region"() ({
        %run_scoped3A = tpu.sem_alloc : memref<!tpu.dma_semaphore, #tpu.memory_space<semaphore_mem>>
        %dma_start3A_96 = arith.constant 0 : i32
        %dma_start3A_97 = arith.constant 0 : i32
        %dma_start3A_98 = tpu.memref_slice %arg8[%dma_start3A_96, %dma_start3A_97] : memref<128x128xf32, #tpu.memory_space<vmem>> -> memref<125x128xf32, #tpu.memory_space<vmem>>
        %dma_start3A_99 = arith.constant 0 : i32
        %dma_start3A_100 = tpu.memref_slice %arg7[%add3A_63, %dma_start3A_99] : memref<40x125xi32, #tpu.memory_space<vmem>> -> memref<1x125xi32, #tpu.memory_space<vmem>>
        %dma_start3A_101 = tpu.memref_squeeze %dma_start3A_100 : memref<1x125xi32, #tpu.memory_space<vmem>> -> memref<125xi32, #tpu.memory_space<vmem>>
        %dma_start3A_102 = arith.constant 0 : i32
        %dma_start3A_103 = arith.constant 0 : i32
        %dma_start3A_104 = tpu.memref_slice %arg10[%dma_start3A_102, %dma_start3A_103] : memref<10240x128xf32, #tpu.memory_space<vmem_shared>> -> memref<10240x128xf32, #tpu.memory_space<vmem_shared>>
        tpu.enqueue_indirect_dma source(%dma_start3A_98 : memref<125x128xf32, #tpu.memory_space<vmem>>) target(%dma_start3A_104 : memref<10240x128xf32, #tpu.memory_space<vmem_shared>>) offsets(%dma_start3A_101 : memref<125xi32, #tpu.memory_space<vmem>>) semaphore(%run_scoped3A : memref<!tpu.dma_semaphore, #tpu.memory_space<semaphore_mem>>) {add = true}
        %dma_wait3A_105 = arith.constant 0 : i32
        %dma_wait3A_106 = arith.constant 0 : i32
        %dma_wait3A_107 = tpu.memref_slice %arg8[%dma_wait3A_105, %dma_wait3A_106] : memref<128x128xf32, #tpu.memory_space<vmem>> -> memref<125x128xf32, #tpu.memory_space<vmem>>
        %dma_wait3A_108 = arith.constant 0 : i32
        %dma_wait3A_109 = tpu.memref_slice %arg7[%add3A_63, %dma_wait3A_108] : memref<40x125xi32, #tpu.memory_space<vmem>> -> memref<1x125xi32, #tpu.memory_space<vmem>>
        %dma_wait3A_110 = tpu.memref_squeeze %dma_wait3A_109 : memref<1x125xi32, #tpu.memory_space<vmem>> -> memref<125xi32, #tpu.memory_space<vmem>>
        %dma_wait3A_111 = arith.constant 0 : i32
        %dma_wait3A_112 = arith.constant 0 : i32
        %dma_wait3A_113 = tpu.memref_slice %arg10[%dma_wait3A_111, %dma_wait3A_112] : memref<10240x128xf32, #tpu.memory_space<vmem_shared>> -> memref<10240x128xf32, #tpu.memory_space<vmem_shared>>
        tpu.wait_indirect_dma semaphore(%run_scoped3A : memref<!tpu.dma_semaphore, #tpu.memory_space<semaphore_mem>>) src(%dma_wait3A_107 : memref<125x128xf32, #tpu.memory_space<vmem>>) dst(%dma_wait3A_113 : memref<10240x128xf32, #tpu.memory_space<vmem_shared>>)
        tpu.yield
      }) : () -> ()
      %mul3A_76 = arith.constant 2 : i32
      %mul3A_77 = arith.muli %scan3A_59, %mul3A_76 : i32
      %add3A_78 = arith.constant 1 : i32
      %add3A_79 = arith.addi %mul3A_77, %add3A_78 : i32
      %add3A_80 = arith.constant 1 : i32
      %add3A_81 = arith.addi %add3A_79, %add3A_80 : i32
      %lt3A_82 = arith.constant 40 : i32
      %lt3A_83 = arith.cmpi slt, %add3A_81, %lt3A_82 : i32
      %convert_element_type3A_84 = arith.extui %lt3A_83 : i1 to i32
      %cond3A_85 = arith.constant 0 : i32
      %cond3A_86 = arith.cmpi ne, %convert_element_type3A_84, %cond3A_85 : i32
      scf.if %cond3A_86 {
        %add3A_96 = arith.constant 1 : i32
        %add3A_97 = arith.addi %add3A_79, %add3A_96 : i32
        %dma_start3A_98 = arith.constant 0 : i32
        %dma_start3A_99 = arith.constant 0 : i32
        %dma_start3A_100 = tpu.memref_slice %arg8[%dma_start3A_98, %dma_start3A_99] : memref<128x128xf32, #tpu.memory_space<vmem>> -> memref<125x128xf32, #tpu.memory_space<vmem>>
        %dma_start3A_101 = arith.constant 0 : i32
        %dma_start3A_102 = tpu.memref_slice %arg6[%add3A_97, %dma_start3A_101] : memref<40x125xi32, #tpu.memory_space<vmem>> -> memref<1x125xi32, #tpu.memory_space<vmem>>
        %dma_start3A_103 = tpu.memref_squeeze %dma_start3A_102 : memref<1x125xi32, #tpu.memory_space<vmem>> -> memref<125xi32, #tpu.memory_space<vmem>>
        %dma_start3A_104 = arith.constant 0 : i32
        %dma_start3A_105 = arith.constant 0 : i32
        %dma_start3A_106 = tpu.memref_slice %arg4[%dma_start3A_104, %dma_start3A_105] : memref<10000x128xf32, #tpu.memory_space<hbm>> -> memref<10000x128xf32, #tpu.memory_space<hbm>>
        tpu.enqueue_indirect_dma source(%dma_start3A_106 : memref<10000x128xf32, #tpu.memory_space<hbm>>) target(%dma_start3A_100 : memref<125x128xf32, #tpu.memory_space<vmem>>) offsets(%dma_start3A_103 : memref<125xi32, #tpu.memory_space<vmem>>) semaphore(%arg11 : memref<!tpu.dma_semaphore, #tpu.memory_space<semaphore_mem>>)
      } else {
      }
      %dma_wait3A_87 = arith.constant 0 : i32
      %dma_wait3A_88 = arith.constant 0 : i32
      %dma_wait3A_89 = tpu.memref_slice %arg9[%dma_wait3A_87, %dma_wait3A_88] : memref<128x128xf32, #tpu.memory_space<vmem>> -> memref<125x128xf32, #tpu.memory_space<vmem>>
      %dma_wait3A_90 = arith.constant 0 : i32
      %dma_wait3A_91 = tpu.memref_slice %arg6[%add3A_79, %dma_wait3A_90] : memref<40x125xi32, #tpu.memory_space<vmem>> -> memref<1x125xi32, #tpu.memory_space<vmem>>
      %dma_wait3A_92 = tpu.memref_squeeze %dma_wait3A_91 : memref<1x125xi32, #tpu.memory_space<vmem>> -> memref<125xi32, #tpu.memory_space<vmem>>
      %dma_wait3A_93 = arith.constant 0 : i32
      %dma_wait3A_94 = arith.constant 0 : i32
      %dma_wait3A_95 = tpu.memref_slice %arg4[%dma_wait3A_93, %dma_wait3A_94] : memref<10000x128xf32, #tpu.memory_space<hbm>> -> memref<10000x128xf32, #tpu.memory_space<hbm>>
      tpu.wait_indirect_dma semaphore(%arg12 : memref<!tpu.dma_semaphore, #tpu.memory_space<semaphore_mem>>) src(%dma_wait3A_95 : memref<10000x128xf32, #tpu.memory_space<hbm>>) dst(%dma_wait3A_89 : memref<125x128xf32, #tpu.memory_space<vmem>>)
      "tpu.region"() ({
        %run_scoped3A = tpu.sem_alloc : memref<!tpu.dma_semaphore, #tpu.memory_space<semaphore_mem>>
        %dma_start3A_96 = arith.constant 0 : i32
        %dma_start3A_97 = arith.constant 0 : i32
        %dma_start3A_98 = tpu.memref_slice %arg9[%dma_start3A_96, %dma_start3A_97] : memref<128x128xf32, #tpu.memory_space<vmem>> -> memref<125x128xf32, #tpu.memory_space<vmem>>
        %dma_start3A_99 = arith.constant 0 : i32
        %dma_start3A_100 = tpu.memref_slice %arg7[%add3A_79, %dma_start3A_99] : memref<40x125xi32, #tpu.memory_space<vmem>> -> memref<1x125xi32, #tpu.memory_space<vmem>>
        %dma_start3A_101 = tpu.memref_squeeze %dma_start3A_100 : memref<1x125xi32, #tpu.memory_space<vmem>> -> memref<125xi32, #tpu.memory_space<vmem>>
        %dma_start3A_102 = arith.constant 0 : i32
        %dma_start3A_103 = arith.constant 0 : i32
        %dma_start3A_104 = tpu.memref_slice %arg10[%dma_start3A_102, %dma_start3A_103] : memref<10240x128xf32, #tpu.memory_space<vmem_shared>> -> memref<10240x128xf32, #tpu.memory_space<vmem_shared>>
        tpu.enqueue_indirect_dma source(%dma_start3A_98 : memref<125x128xf32, #tpu.memory_space<vmem>>) target(%dma_start3A_104 : memref<10240x128xf32, #tpu.memory_space<vmem_shared>>) offsets(%dma_start3A_101 : memref<125xi32, #tpu.memory_space<vmem>>) semaphore(%run_scoped3A : memref<!tpu.dma_semaphore, #tpu.memory_space<semaphore_mem>>) {add = true}
        %dma_wait3A_105 = arith.constant 0 : i32
        %dma_wait3A_106 = arith.constant 0 : i32
        %dma_wait3A_107 = tpu.memref_slice %arg9[%dma_wait3A_105, %dma_wait3A_106] : memref<128x128xf32, #tpu.memory_space<vmem>> -> memref<125x128xf32, #tpu.memory_space<vmem>>
        %dma_wait3A_108 = arith.constant 0 : i32
        %dma_wait3A_109 = tpu.memref_slice %arg7[%add3A_79, %dma_wait3A_108] : memref<40x125xi32, #tpu.memory_space<vmem>> -> memref<1x125xi32, #tpu.memory_space<vmem>>
        %dma_wait3A_110 = tpu.memref_squeeze %dma_wait3A_109 : memref<1x125xi32, #tpu.memory_space<vmem>> -> memref<125xi32, #tpu.memory_space<vmem>>
        %dma_wait3A_111 = arith.constant 0 : i32
        %dma_wait3A_112 = arith.constant 0 : i32
        %dma_wait3A_113 = tpu.memref_slice %arg10[%dma_wait3A_111, %dma_wait3A_112] : memref<10240x128xf32, #tpu.memory_space<vmem_shared>> -> memref<10240x128xf32, #tpu.memory_space<vmem_shared>>
        tpu.wait_indirect_dma semaphore(%run_scoped3A : memref<!tpu.dma_semaphore, #tpu.memory_space<semaphore_mem>>) src(%dma_wait3A_107 : memref<125x128xf32, #tpu.memory_space<vmem>>) dst(%dma_wait3A_113 : memref<10240x128xf32, #tpu.memory_space<vmem_shared>>)
        tpu.yield
      }) : () -> ()
    }
    %scan3A_57 = arith.constant 20 : i32
    %barrier3A_58 = arith.constant 0 : index
    tpu.barrier barrier_id(%barrier3A_58)
    "tpu.region"() ({
      %run_scoped3A = tpu.sem_alloc : memref<!tpu.dma_semaphore, #tpu.memory_space<semaphore_mem>>
      %dma_start3A_59 = arith.constant 0 : i32
      %dma_start3A_60 = tpu.memref_slice %arg5[%arg0, %mul3A_2, %dma_start3A_59] : memref<2x10240x128xf32, #tpu.memory_space<hbm>> -> memref<1x640x128xf32, #tpu.memory_space<hbm>>
      %dma_start3A_61 = tpu.memref_squeeze %dma_start3A_60 : memref<1x640x128xf32, #tpu.memory_space<hbm>> -> memref<640x128xf32, #tpu.memory_space<hbm>>
      %dma_start3A_62 = arith.constant 0 : i32
      %dma_start3A_63 = tpu.memref_slice %arg10[%mul3A_2, %dma_start3A_62] : memref<10240x128xf32, #tpu.memory_space<vmem_shared>> -> memref<640x128xf32, #tpu.memory_space<vmem_shared>>
      tpu.enqueue_dma source(%dma_start3A_63 : memref<640x128xf32, #tpu.memory_space<vmem_shared>>) target(%dma_start3A_61 : memref<640x128xf32, #tpu.memory_space<hbm>>) target_semaphore(%run_scoped3A : memref<!tpu.dma_semaphore, #tpu.memory_space<semaphore_mem>>)
      %dma_wait3A = arith.constant 0 : i32
      %dma_wait3A_64 = tpu.memref_slice %arg5[%arg0, %mul3A_2, %dma_wait3A] : memref<2x10240x128xf32, #tpu.memory_space<hbm>> -> memref<1x640x128xf32, #tpu.memory_space<hbm>>
      %dma_wait3A_65 = tpu.memref_squeeze %dma_wait3A_64 : memref<1x640x128xf32, #tpu.memory_space<hbm>> -> memref<640x128xf32, #tpu.memory_space<hbm>>
      %dma_wait3A_66 = arith.constant 0 : i32
      %dma_wait3A_67 = tpu.memref_slice %arg10[%mul3A_2, %dma_wait3A_66] : memref<10240x128xf32, #tpu.memory_space<vmem_shared>> -> memref<640x128xf32, #tpu.memory_space<vmem_shared>>
      tpu.wait_dma2 semaphore(%run_scoped3A : memref<!tpu.dma_semaphore, #tpu.memory_space<semaphore_mem>>) src(%dma_wait3A_67 : memref<640x128xf32, #tpu.memory_space<vmem_shared>>) dst(%dma_wait3A_65 : memref<640x128xf32, #tpu.memory_space<hbm>>)
      tpu.yield
    }) : () -> ()
    return
  }
}

module attributes {stable_mosaic.version = 14 : i64} {
  func.func @_layer_body(%arg0: i32, %arg1: memref<2x400x128xf32, #tpu.memory_space<vmem>>, %arg2: memref<400x1xf32, #tpu.memory_space<vmem>>, %arg3: memref<400x128xf32, #tpu.memory_space<vmem>>, %arg4: memref<128x128xf32, #tpu.memory_space<vmem>>, %arg5: memref<1x128xf32, #tpu.memory_space<vmem>>, %arg6: memref<128x128xf32, #tpu.memory_space<vmem>>, %arg7: memref<400x128xf32, #tpu.memory_space<vmem>>) attributes {dimension_semantics = [#tpu.dimension_semantics<arbitrary>], iteration_bounds = array<i64: 25>, scalar_prefetch = 0 : i64, scratch_operands = 0 : i64, tpu.core_type = #tpu.core_type<tc>, window_params = [{transform_indices = @transform_0, window_bounds = array<i64: 2, 400, 128>}, {transform_indices = @transform_1, window_bounds = array<i64: 400, 1>}, {transform_indices = @transform_2, window_bounds = array<i64: 400, 128>}, {pipeline_mode = #tpu.pipeline_mode<synchronous>, transform_indices = @transform_3, window_bounds = array<i64: 128, 128>}, {pipeline_mode = #tpu.pipeline_mode<synchronous>, transform_indices = @transform_4, window_bounds = array<i64: 1, 128>}, {pipeline_mode = #tpu.pipeline_mode<synchronous>, transform_indices = @transform_5, window_bounds = array<i64: 128, 128>}, {transform_indices = @transform_6, window_bounds = array<i64: 400, 128>}]} {
    %get3A = arith.constant 0 : index
    %get3A_0 = arith.constant 0 : index
    %get3A_1 = arith.constant 0 : index
    %get3A_2 = vector.load %arg1[%get3A, %get3A_0, %get3A_1] : memref<2x400x128xf32, #tpu.memory_space<vmem>>, vector<1x400x128xf32>
    %get3A_3 = vector.shape_cast %get3A_2 : vector<1x400x128xf32> to vector<400x128xf32>
    %get3A_4 = arith.constant 1 : index
    %get3A_5 = arith.constant 0 : index
    %get3A_6 = arith.constant 0 : index
    %get3A_7 = vector.load %arg1[%get3A_4, %get3A_5, %get3A_6] : memref<2x400x128xf32, #tpu.memory_space<vmem>>, vector<1x400x128xf32>
    %get3A_8 = vector.shape_cast %get3A_7 : vector<1x400x128xf32> to vector<400x128xf32>
    %add3A = arith.addf %get3A_3, %get3A_8 : vector<400x128xf32>
    %get3A_9 = arith.constant 0 : index
    %get3A_10 = arith.constant 0 : index
    %get3A_11 = vector.load %arg2[%get3A_9, %get3A_10] : memref<400x1xf32, #tpu.memory_space<vmem>>, vector<400x1xf32>
    %mul3A = vector.broadcast %get3A_11 : vector<400x1xf32> to vector<400x128xf32>
    %mul3A_12 = arith.mulf %add3A, %mul3A : vector<400x128xf32>
    %get3A_13 = arith.constant 0 : index
    %get3A_14 = arith.constant 0 : index
    %get3A_15 = vector.load %arg4[%get3A_13, %get3A_14] : memref<128x128xf32, #tpu.memory_space<vmem>>, vector<128x128xf32>
    %dot_general3A = arith.constant dense<0.000000e+00> : vector<400x128xf32>
    %dot_general3A_16 = tpu.matmul %mul3A_12, %get3A_15, %dot_general3A {dimension_numbers = #tpu.dot_dimension_numbers<[1], [0], [0], [1], [0, 0, 1, 1], [], []>, transpose_lhs_hint = false} : vector<400x128xf32>, vector<128x128xf32>, vector<400x128xf32> -> vector<400x128xf32>
    %get3A_17 = arith.constant 0 : index
    %get3A_18 = arith.constant 0 : index
    %get3A_19 = vector.load %arg3[%get3A_17, %get3A_18] : memref<400x128xf32, #tpu.memory_space<vmem>>, vector<400x128xf32>
    %get3A_20 = arith.constant 0 : index
    %get3A_21 = arith.constant 0 : index
    %get3A_22 = vector.load %arg6[%get3A_20, %get3A_21] : memref<128x128xf32, #tpu.memory_space<vmem>>, vector<128x128xf32>
    %dot_general3A_23 = arith.constant dense<0.000000e+00> : vector<400x128xf32>
    %dot_general3A_24 = tpu.matmul %get3A_19, %get3A_22, %dot_general3A_23 {dimension_numbers = #tpu.dot_dimension_numbers<[1], [0], [0], [1], [0, 0, 1, 1], [], []>, transpose_lhs_hint = false} : vector<400x128xf32>, vector<128x128xf32>, vector<400x128xf32> -> vector<400x128xf32>
    %add3A_25 = arith.addf %dot_general3A_16, %dot_general3A_24 : vector<400x128xf32>
    %get3A_26 = arith.constant 0 : index
    %get3A_27 = arith.constant 0 : index
    %get3A_28 = vector.load %arg5[%get3A_26, %get3A_27] : memref<1x128xf32, #tpu.memory_space<vmem>>, vector<1x128xf32>
    %add3A_29 = vector.broadcast %get3A_28 : vector<1x128xf32> to vector<400x128xf32>
    %add3A_30 = arith.addf %add3A_25, %add3A_29 : vector<400x128xf32>
    %max3A = arith.constant 0.000000e+00 : f32
    %max3A_31 = vector.broadcast %max3A : f32 to vector<400x128xf32>
    %max3A_32 = arith.maximumf %add3A_30, %max3A_31 : vector<400x128xf32>
    %swap3A = arith.constant 0 : index
    %swap3A_33 = arith.constant 0 : index
    %swap3A_34 = vector.load %arg7[%swap3A, %swap3A_33] : memref<400x128xf32, #tpu.memory_space<vmem>>, vector<400x128xf32>
    tpu.vector_store %arg7[%swap3A, %swap3A_33], %max3A_32 {strides = array<i32>} : memref<400x128xf32, #tpu.memory_space<vmem>>, vector<400x128xf32>,
    return
  }
  func.func @transform_0(%arg0: i32) -> (i32, i32, i32) {
    %c0_i32 = arith.constant 0 : i32
    %c0_i32_0 = arith.constant 0 : i32
    %c0_i32_1 = arith.constant 0 : i32
    return %c0_i32, %arg0, %c0_i32_0 : i32, i32, i32
  }
  func.func @transform_1(%arg0: i32) -> (i32, i32) {
    %c0_i32 = arith.constant 0 : i32
    %c0_i32_0 = arith.constant 0 : i32
    return %arg0, %c0_i32 : i32, i32
  }
  func.func @transform_2(%arg0: i32) -> (i32, i32) {
    %c0_i32 = arith.constant 0 : i32
    %c0_i32_0 = arith.constant 0 : i32
    return %arg0, %c0_i32 : i32, i32
  }
  func.func @transform_3(%arg0: i32) -> (i32, i32) {
    %c0_i32 = arith.constant 0 : i32
    %c0_i32_0 = arith.constant 0 : i32
    %c0_i32_1 = arith.constant 0 : i32
    return %c0_i32, %c0_i32_0 : i32, i32
  }
  func.func @transform_4(%arg0: i32) -> (i32, i32) {
    %c0_i32 = arith.constant 0 : i32
    %c0_i32_0 = arith.constant 0 : i32
    %c0_i32_1 = arith.constant 0 : i32
    return %c0_i32, %c0_i32_0 : i32, i32
  }
  func.func @transform_5(%arg0: i32) -> (i32, i32) {
    %c0_i32 = arith.constant 0 : i32
    %c0_i32_0 = arith.constant 0 : i32
    %c0_i32_1 = arith.constant 0 : i32
    return %c0_i32, %c0_i32_0 : i32, i32
  }
  func.func @transform_6(%arg0: i32) -> (i32, i32) {
    %c0_i32 = arith.constant 0 : i32
    %c0_i32_0 = arith.constant 0 : i32
    return %arg0, %c0_i32 : i32, i32
  }
}

module attributes {stable_mosaic.version = 14 : i64} {
  func.func @_inv_body(%arg0: i32, %arg1: memref<2x512x128xf32, #tpu.memory_space<vmem>>, %arg2: memref<512x1xf32, #tpu.memory_space<vmem>>) attributes {dimension_semantics = [#tpu.dimension_semantics<arbitrary>], iteration_bounds = array<i64: 20>, scalar_prefetch = 0 : i64, scratch_operands = 0 : i64, tpu.core_type = #tpu.core_type<tc>, window_params = [{transform_indices = @transform_0, window_bounds = array<i64: 2, 512, 128>}, {transform_indices = @transform_1, window_bounds = array<i64: 512, 1>}]} {
    %get3A = arith.constant 0 : index
    %get3A_0 = arith.constant 0 : index
    %get3A_1 = arith.constant 0 : index
    %get3A_2 = vector.load %arg1[%get3A, %get3A_0, %get3A_1] : memref<2x512x128xf32, #tpu.memory_space<vmem>>, vector<1x512x1xf32>
    %get3A_3 = vector.shape_cast %get3A_2 : vector<1x512x1xf32> to vector<512x1xf32>
    %get3A_4 = arith.constant 1 : index
    %get3A_5 = arith.constant 0 : index
    %get3A_6 = arith.constant 0 : index
    %get3A_7 = vector.load %arg1[%get3A_4, %get3A_5, %get3A_6] : memref<2x512x128xf32, #tpu.memory_space<vmem>>, vector<1x512x1xf32>
    %get3A_8 = vector.shape_cast %get3A_7 : vector<1x512x1xf32> to vector<512x1xf32>
    %add3A = arith.addf %get3A_3, %get3A_8 : vector<512x1xf32>
    %max3A = arith.constant 1.000000e+00 : f32
    %max3A_9 = vector.broadcast %max3A : f32 to vector<512x1xf32>
    %max3A_10 = arith.maximumf %add3A, %max3A_9 : vector<512x1xf32>
    %div3A = arith.constant 1.000000e+00 : f32
    %div3A_11 = vector.broadcast %div3A : f32 to vector<512x1xf32>
    %div3A_12 = arith.divf %div3A_11, %max3A_10 : vector<512x1xf32>
    %swap3A = arith.constant 0 : index
    %swap3A_13 = arith.constant 0 : index
    %swap3A_14 = vector.load %arg2[%swap3A, %swap3A_13] : memref<512x1xf32, #tpu.memory_space<vmem>>, vector<512x1xf32>
    tpu.vector_store %arg2[%swap3A, %swap3A_13], %div3A_12 {strides = array<i32>} : memref<512x1xf32, #tpu.memory_space<vmem>>, vector<512x1xf32>,
    return
  }
  func.func @transform_0(%arg0: i32) -> (i32, i32, i32) {
    %c0_i32 = arith.constant 0 : i32
    %c0_i32_0 = arith.constant 0 : i32
    %c0_i32_1 = arith.constant 0 : i32
    return %c0_i32, %arg0, %c0_i32_0 : i32, i32, i32
  }
  func.func @transform_1(%arg0: i32) -> (i32, i32) {
    %c0_i32 = arith.constant 0 : i32
    %c0_i32_0 = arith.constant 0 : i32
    return %arg0, %c0_i32 : i32, i32
  }
}

module attributes {stable_mosaic.version = 14 : i64} {
  func.func @_layer_body(%arg0: i32, %arg1: memref<2x400x128xf32, #tpu.memory_space<vmem>>, %arg2: memref<400x1xf32, #tpu.memory_space<vmem>>, %arg3: memref<400x128xf32, #tpu.memory_space<vmem>>, %arg4: memref<128x128xf32, #tpu.memory_space<vmem>>, %arg5: memref<1x128xf32, #tpu.memory_space<vmem>>, %arg6: memref<128x128xf32, #tpu.memory_space<vmem>>, %arg7: memref<128x128xf32, #tpu.memory_space<vmem>>, %arg8: memref<1x128xf32, #tpu.memory_space<vmem>>, %arg9: memref<400x128xf32, #tpu.memory_space<vmem>>) attributes {dimension_semantics = [#tpu.dimension_semantics<arbitrary>], iteration_bounds = array<i64: 25>, scalar_prefetch = 0 : i64, scratch_operands = 0 : i64, tpu.core_type = #tpu.core_type<tc>, window_params = [{transform_indices = @transform_0, window_bounds = array<i64: 2, 400, 128>}, {transform_indices = @transform_1, window_bounds = array<i64: 400, 1>}, {transform_indices = @transform_2, window_bounds = array<i64: 400, 128>}, {pipeline_mode = #tpu.pipeline_mode<synchronous>, transform_indices = @transform_3, window_bounds = array<i64: 128, 128>}, {pipeline_mode = #tpu.pipeline_mode<synchronous>, transform_indices = @transform_4, window_bounds = array<i64: 1, 128>}, {pipeline_mode = #tpu.pipeline_mode<synchronous>, transform_indices = @transform_5, window_bounds = array<i64: 128, 128>}, {pipeline_mode = #tpu.pipeline_mode<synchronous>, transform_indices = @transform_6, window_bounds = array<i64: 128, 128>}, {pipeline_mode = #tpu.pipeline_mode<synchronous>, transform_indices = @transform_7, window_bounds = array<i64: 1, 128>}, {transform_indices = @transform_8, window_bounds = array<i64: 400, 128>}]} {
    %get3A = arith.constant 0 : index
    %get3A_0 = arith.constant 0 : index
    %get3A_1 = arith.constant 0 : index
    %get3A_2 = vector.load %arg1[%get3A, %get3A_0, %get3A_1] : memref<2x400x128xf32, #tpu.memory_space<vmem>>, vector<1x400x128xf32>
    %get3A_3 = vector.shape_cast %get3A_2 : vector<1x400x128xf32> to vector<400x128xf32>
    %get3A_4 = arith.constant 1 : index
    %get3A_5 = arith.constant 0 : index
    %get3A_6 = arith.constant 0 : index
    %get3A_7 = vector.load %arg1[%get3A_4, %get3A_5, %get3A_6] : memref<2x400x128xf32, #tpu.memory_space<vmem>>, vector<1x400x128xf32>
    %get3A_8 = vector.shape_cast %get3A_7 : vector<1x400x128xf32> to vector<400x128xf32>
    %add3A = arith.addf %get3A_3, %get3A_8 : vector<400x128xf32>
    %get3A_9 = arith.constant 0 : index
    %get3A_10 = arith.constant 0 : index
    %get3A_11 = vector.load %arg2[%get3A_9, %get3A_10] : memref<400x1xf32, #tpu.memory_space<vmem>>, vector<400x1xf32>
    %mul3A = vector.broadcast %get3A_11 : vector<400x1xf32> to vector<400x128xf32>
    %mul3A_12 = arith.mulf %add3A, %mul3A : vector<400x128xf32>
    %get3A_13 = arith.constant 0 : index
    %get3A_14 = arith.constant 0 : index
    %get3A_15 = vector.load %arg4[%get3A_13, %get3A_14] : memref<128x128xf32, #tpu.memory_space<vmem>>, vector<128x128xf32>
    %dot_general3A = arith.constant dense<0.000000e+00> : vector<400x128xf32>
    %dot_general3A_16 = tpu.matmul %mul3A_12, %get3A_15, %dot_general3A {dimension_numbers = #tpu.dot_dimension_numbers<[1], [0], [0], [1], [0, 0, 1, 1], [], []>, transpose_lhs_hint = false} : vector<400x128xf32>, vector<128x128xf32>, vector<400x128xf32> -> vector<400x128xf32>
    %get3A_17 = arith.constant 0 : index
    %get3A_18 = arith.constant 0 : index
    %get3A_19 = vector.load %arg3[%get3A_17, %get3A_18] : memref<400x128xf32, #tpu.memory_space<vmem>>, vector<400x128xf32>
    %get3A_20 = arith.constant 0 : index
    %get3A_21 = arith.constant 0 : index
    %get3A_22 = vector.load %arg6[%get3A_20, %get3A_21] : memref<128x128xf32, #tpu.memory_space<vmem>>, vector<128x128xf32>
    %dot_general3A_23 = arith.constant dense<0.000000e+00> : vector<400x128xf32>
    %dot_general3A_24 = tpu.matmul %get3A_19, %get3A_22, %dot_general3A_23 {dimension_numbers = #tpu.dot_dimension_numbers<[1], [0], [0], [1], [0, 0, 1, 1], [], []>, transpose_lhs_hint = false} : vector<400x128xf32>, vector<128x128xf32>, vector<400x128xf32> -> vector<400x128xf32>
    %add3A_25 = arith.addf %dot_general3A_16, %dot_general3A_24 : vector<400x128xf32>
    %get3A_26 = arith.constant 0 : index
    %get3A_27 = arith.constant 0 : index
    %get3A_28 = vector.load %arg5[%get3A_26, %get3A_27] : memref<1x128xf32, #tpu.memory_space<vmem>>, vector<1x128xf32>
    %add3A_29 = vector.broadcast %get3A_28 : vector<1x128xf32> to vector<400x128xf32>
    %add3A_30 = arith.addf %add3A_25, %add3A_29 : vector<400x128xf32>
    %get3A_31 = arith.constant 0 : index
    %get3A_32 = arith.constant 0 : index
    %get3A_33 = vector.load %arg7[%get3A_31, %get3A_32] : memref<128x128xf32, #tpu.memory_space<vmem>>, vector<128x128xf32>
    %dot_general3A_34 = arith.constant dense<0.000000e+00> : vector<400x128xf32>
    %dot_general3A_35 = tpu.matmul %add3A_30, %get3A_33, %dot_general3A_34 {dimension_numbers = #tpu.dot_dimension_numbers<[1], [0], [0], [1], [0, 0, 1, 1], [], []>, transpose_lhs_hint = false} : vector<400x128xf32>, vector<128x128xf32>, vector<400x128xf32> -> vector<400x128xf32>
    %get3A_36 = arith.constant 0 : index
    %get3A_37 = arith.constant 0 : index
    %get3A_38 = vector.load %arg8[%get3A_36, %get3A_37] : memref<1x128xf32, #tpu.memory_space<vmem>>, vector<1x128xf32>
    %add3A_39 = vector.broadcast %get3A_38 : vector<1x128xf32> to vector<400x128xf32>
    %add3A_40 = arith.addf %dot_general3A_35, %add3A_39 : vector<400x128xf32>
    %swap3A = arith.constant 0 : index
    %swap3A_41 = arith.constant 0 : index
    %swap3A_42 = vector.load %arg9[%swap3A, %swap3A_41] : memref<400x128xf32, #tpu.memory_space<vmem>>, vector<400x128xf32>
    tpu.vector_store %arg9[%swap3A, %swap3A_41], %add3A_40 {strides = array<i32>} : memref<400x128xf32, #tpu.memory_space<vmem>>, vector<400x128xf32>,
    return
  }
  func.func @transform_0(%arg0: i32) -> (i32, i32, i32) {
    %c0_i32 = arith.constant 0 : i32
    %c0_i32_0 = arith.constant 0 : i32
    %c0_i32_1 = arith.constant 0 : i32
    return %c0_i32, %arg0, %c0_i32_0 : i32, i32, i32
  }
  func.func @transform_1(%arg0: i32) -> (i32, i32) {
    %c0_i32 = arith.constant 0 : i32
    %c0_i32_0 = arith.constant 0 : i32
    return %arg0, %c0_i32 : i32, i32
  }
  func.func @transform_2(%arg0: i32) -> (i32, i32) {
    %c0_i32 = arith.constant 0 : i32
    %c0_i32_0 = arith.constant 0 : i32
    return %arg0, %c0_i32 : i32, i32
  }
  func.func @transform_3(%arg0: i32) -> (i32, i32) {
    %c0_i32 = arith.constant 0 : i32
    %c0_i32_0 = arith.constant 0 : i32
    %c0_i32_1 = arith.constant 0 : i32
    return %c0_i32, %c0_i32_0 : i32, i32
  }
  func.func @transform_4(%arg0: i32) -> (i32, i32) {
    %c0_i32 = arith.constant 0 : i32
    %c0_i32_0 = arith.constant 0 : i32
    %c0_i32_1 = arith.constant 0 : i32
    return %c0_i32, %c0_i32_0 : i32, i32
  }
  func.func @transform_5(%arg0: i32) -> (i32, i32) {
    %c0_i32 = arith.constant 0 : i32
    %c0_i32_0 = arith.constant 0 : i32
    %c0_i32_1 = arith.constant 0 : i32
    return %c0_i32, %c0_i32_0 : i32, i32
  }
  func.func @transform_6(%arg0: i32) -> (i32, i32) {
    %c0_i32 = arith.constant 0 : i32
    %c0_i32_0 = arith.constant 0 : i32
    %c0_i32_1 = arith.constant 0 : i32
    return %c0_i32, %c0_i32_0 : i32, i32
  }
  func.func @transform_7(%arg0: i32) -> (i32, i32) {
    %c0_i32 = arith.constant 0 : i32
    %c0_i32_0 = arith.constant 0 : i32
    %c0_i32_1 = arith.constant 0 : i32
    return %c0_i32, %c0_i32_0 : i32, i32
  }
  func.func @transform_8(%arg0: i32) -> (i32, i32) {
    %c0_i32 = arith.constant 0 : i32
    %c0_i32_0 = arith.constant 0 : i32
    return %arg0, %c0_i32 : i32, i32
  }
}

</mosaic_0001>

<sc_bundles>
// kernel: kernel.12.cloned.1.call-start
scs
__scs_entry_jumppad:
0x0: {  	(pc) =	sbr.rel $0x88, $3  }
0x1: {  	(tag) =	ssettag $0x0;
	lr =	simm.s32 $0x1  }
0x2: {  	[smem:$0x3F94] =	sst lr;
	_ =	strace $0xD0000000  }
0x3: {  	_ = 	snop  }
0x4: {  	_ = 	snop  }
0x5: {  	_ = 	snop  }
0x6: {  	_ = 	snop  }
0x7: {  	_ = 	snop  }
__scs_overlays_trampoline_lowered:
0x8: {  	[smem:$0x3FA3] =	sst s0  }
0x9: {  	[smem:$0x3FA4] =	sst s1  }
0xa: {  	[smem:$0x3FA5] =	sst s2  }
0xb: {  	[smem:$0x3FA6] =	sst s3  }
0xc: {  	[smem:$0x3FA7] =	sst s4  }
0xd: {  	[smem:$0x3FA8] =	sst s5  }
0xe: {  	[smem:$0x3FA9] =	sst s6  }
0xf: {  	[smem:$0x3FAA] =	sst s7  }
0x10: {  	[smem:$0x3FAB] =	sst s8  }
0x11: {  	[smem:$0x3FAC] =	sst s9;
	s0 =	simm.s32 @!p0 $0x0  }
0x12: {  	s1 =	sld [smem:$0x3F92];
	s0 =	simm.s32 @p0 $0x1  }
0x13: {  	[smem:$0x3FAD] =	sst s0;
	s0 =	simm.s32 @!p1 $0x0  }
0x14: {  	s2 =	sld [smem:$0x3F91];
	s0 =	simm.s32 @p1 $0x1  }
0x15: {  	[smem:$0x3FAE] =	sst s0;
	s0 =	simm.s32 @!p2 $0x0  }
0x16: {  	s3 =	sld [smem:$0x3FDB];
	s0 =	simm.s32 @p2 $0x1  }
0x17: {  	s4 =	simm.s32 $0x1BF5;
	[smem:$0x3FB0] =	sst s0  }
0x18: {  	s0 =	sld [smem:$0x3F93];
	_ =	swait.ge [sflag:s4], $0x0  }
0x19: {  	s7 =	sld [smem:$0x3F94]  }
0x1a: {  	s8 =	sadd.s32 $0xFFFFE003, lr  }
0x1b: {  	s9 =	sadd.s32 $0xFFFFFEF7, lr;
	s5 =	simm.s32 $0xFFFFFFFF;
	p2 =	slt.u32 s8, $0xFFFFF086  }
0x1c: {  	p1 =	slt.u32 s9, $0xF7A;
	s5 =	simm.s32 @!p2 $0x0  }
0x1d: {  	s5 =	simm.s32 @p1 $0x1;
	p0 =	seq.s32 s7, s2  }
0x1e: {  	s7 =	smul.u32 @!p0 $0xF7A, s2;
	p2 =	seq.s32 @!p0 s5, $0x0  }
0x1f: {  	s9 =	smul.u32 $0xF7A, s1;
	s8 =	simm.s32 @!p0 $0x1BF5;
	p2 =	por !p2, p0  }
0x20: {  	[sflag:s8] =	ssyncset.s32 @!p0 $0xFFFFF086;
	s6 =	sadd.s32 @!p0 s3, s7;
	s7 =	simm.s32 @!p0 $0x108  }
0x21: {  	s3 =	sadd.s32 s3, s9;
	s6 =	sadd.s32 @!p0 $0x88, s6;
	s7 =	simm.s32 @p2 $0x1082  }
0x22: {  	[simem:s7], [sflag:s8] =	dma.local @!p0 [hbm:s6], $0xF7A  }
0x23: {  	s9 =	sor.u32 $0xD0000000, s2;
	s6 =	simm.s32 $0x108;
	_ =	swait.ge @!p0 [sflag:s8], $0x0  }
0x24: {  	s3 =	sadd.s32 $0x88, s3;
	s6 =	simm.s32 @!p1 $0x1082;
	[sflag:s4] =	ssyncset.s32 $0xFFFFF086  }
0x25: {  	[simem:s6], [sflag:s4] =	dma.local [hbm:s3], $0xF7A  }
0x26: {  	[smem:$0x3F94] =	sst s1;
	(tag) =	ssettag s2;
	_ =	strace s9  }
0x27: {  	s1 =	sld [smem:$0x3FA4]  }
0x28: {  	s2 =	sld [smem:$0x3FA5]  }
0x29: {  	s4 =	sld [smem:$0x3FA7]  }
0x2a: {  	p0 =	seq.s32 s5, $0x0;
	s5 =	sld [smem:$0x3FA8]  }
0x2b: {  	s6 =	sld [smem:$0x3FA9]  }
0x2c: {  	s7 =	sld [smem:$0x3FAA]  }
0x2d: {  	s3 =	simm.s32 $0x108;
	s8 =	sld [smem:$0x3FAB]  }
0x2e: {  	s3 =	simm.s32 @!p0 $0x1082;
	s9 =	sld [smem:$0x3FAC]  }
0x2f: {  	lr =	sadd.s32 s0, s3;
	s0 =	sld [smem:$0x3FA3]  }
0x30: {  	s3 =	sld [smem:$0x3FA6]  }
0x31: {  	[smem:$0x3FAF] =	sst s10  }
0x32: {  	s10 =	sld [smem:$0x3FAD];
	_ =	sdelay $0x3  }
0x33: {  	p0 =	seq.s32 s10, $0x1;
	s10 =	sld [smem:$0x3FAF];
	_ =	sdelay $0x3  }
0x34: {  	[smem:$0x3FAF] =	sst s10  }
0x35: {  	s10 =	sld [smem:$0x3FAE];
	_ =	sdelay $0x3  }
0x36: {  	p1 =	seq.s32 s10, $0x1;
	s10 =	sld [smem:$0x3FAF];
	_ =	sdelay $0x3  }
0x37: {  	[smem:$0x3FAF] =	sst s10  }
0x38: {  	s10 =	sld [smem:$0x3FB0]  }
0x39: {  	_ = 	snop;
	(pc) =	sbr.ind lr, $3  }
0x3a: {  	_ = 	snop  }
0x3b: {  	_ = 	snop  }
0x3c: {  	p2 =	seq.s32 s10, $0x1;
	s10 =	sld [smem:$0x3FAF]  }
0x3d: {  	_ =	shalt  }
0x3e: {  	_ =	shalt  }
0x3f: {  	_ =	shalt  }
0x40: {  	_ =	shalt  }
0x41: {  	_ =	shalt  }
0x42: {  	_ =	shalt  }
0x43: {  	_ =	shalt  }
0x44: {  	_ =	shalt  }
0x45: {  	_ =	shalt  }
0x46: {  	_ =	shalt  }
0x47: {  	_ =	shalt  }
0x48: {  	_ =	shalt  }
0x49: {  	_ =	shalt  }
0x4a: {  	_ =	shalt  }
0x4b: {  	_ =	shalt  }
0x4c: {  	_ =	shalt  }
0x4d: {  	_ =	shalt  }
0x4e: {  	_ =	shalt  }
0x4f: {  	_ =	shalt  }
0x50: {  	_ =	shalt  }
0x51: {  	_ =	shalt  }
0x52: {  	_ =	shalt  }
0x53: {  	_ =	shalt  }
0x54: {  	_ =	shalt  }
0x55: {  	_ =	shalt  }
0x56: {  	_ =	shalt  }
0x57: {  	_ =	shalt  }
0x58: {  	_ =	shalt  }
0x59: {  	_ =	shalt  }
0x5a: {  	_ =	shalt  }
0x5b: {  	_ =	shalt  }
0x5c: {  	_ =	shalt  }
0x5d: {  	_ =	shalt  }
0x5e: {  	_ =	shalt  }
0x5f: {  	_ =	shalt  }
0x60: {  	_ =	shalt  }
0x61: {  	_ =	shalt  }
0x62: {  	_ =	shalt  }
0x63: {  	_ =	shalt  }
0x64: {  	_ =	shalt  }
0x65: {  	_ =	shalt  }
0x66: {  	_ =	shalt  }
0x67: {  	_ =	shalt  }
0x68: {  	_ =	shalt  }
0x69: {  	_ =	shalt  }
0x6a: {  	_ =	shalt  }
0x6b: {  	_ =	shalt  }
0x6c: {  	_ =	shalt  }
0x6d: {  	_ =	shalt  }
0x6e: {  	_ =	shalt  }
0x6f: {  	_ =	shalt  }
0x70: {  	_ =	shalt  }
0x71: {  	_ =	shalt  }
0x72: {  	_ =	shalt  }
0x73: {  	_ =	shalt  }
0x74: {  	_ =	shalt  }
0x75: {  	_ =	shalt  }
0x76: {  	_ =	shalt  }
0x77: {  	_ =	shalt  }
0x78: {  	_ =	shalt  }
0x79: {  	_ =	shalt  }
0x7a: {  	_ =	shalt  }
0x7b: {  	_ =	shalt  }
0x7c: {  	_ =	shalt  }
0x7d: {  	_ =	shalt  }
0x7e: {  	_ =	shalt  }
0x7f: {  	_ =	shalt  }
0x80: {  	_ =	shalt  }
0x81: {  	_ =	shalt  }
0x82: {  	_ =	shalt  }
0x83: {  	_ =	shalt  }
0x84: {  	_ =	shalt  }
0x85: {  	_ =	shalt  }
0x86: {  	_ =	shalt  }
0x87: {  	_ =	shalt  }
.Lfunc_end0:
.L_simem_size_0:
called_computation.1_lowered:
.L_overlay_start_0:
0x88: {  	s2 =	sld [smem:$0x3FD9]  }
0x89: {  	s3 =	sld [smem:$0x3FFE];
	_ =	sdelay $0x1  }
0x8a: {  	s1 =	srdreg.scid  }
0x8b: {  	s0 =	sand.u32 $0x1, s1  }
0x8c: {  	s17 =	sshll.u32 s0, $0xA;
	s2 =	sadd.s32 s3, s2  }
0x8d: {  	s2 =	sadd.s32 s2, s17  }
0x8e: {  	[smem:$0x3FBB] =	sst s2  }
0x8f: {  	_ = 	snop  }
0x90: {  	s2 =	sld [smem:$0x3FD0];
	(tm) =	ssettm $0x1  }
0x91: {  	s18 =	sld [smem:$0x3FFB];
	_ =	sdelay $0x3  }
0x92: {  	_ =	strace s18  }
0x93: {  	s3 =	sld [smem:$0x3FFC];
	_ =	sdelay $0x3  }
0x94: {  	_ =	strace s3  }
0x95: {  	s3 =	sld [smem:$0x3FFD];
	_ =	sdelay $0x3  }
0x96: {  	_ =	strace s3  }
0x97: {  	_ =	strace $0x8FFFFFFF  }
0x98: {  	s19 =	sld [smem:$0x3FDB];
	_ =	sdelay $0x1  }
0x99: {  	s4 =	simm.s32 $_scs_section_size  }
0x9a: {  	s5 =	simm.s32 $_size__tile_overlayer_lowered;
	s6 =	simm.s32 $_tile_overlayer_lowered  }
0x9b: {  	s22 =	simm.s32 $0x1BFF;
	s21 =	sshll.u32 s6, $0x1;
	s3 =	sadd.s32 s4, s19  }
0x9c: {  	s7 =	simm.s32 $0x0;
	s20 =	sshll.u32 s5, $0x1;
	s5 =	sadd.s32 s21, s3  }
0x9d: {  	[timem:s7], [sflag:s22] =	dma.local [hbm:s5], s20  }
0x9e: {  	_ =	swait.ge [sflag:s22], s20  }
0x9f: {  	s4 =	ssub.s32 $0x0, s20;
	[sflag:s22] =	ssyncset.done $0x0  }
0xa0: {  	[sflag:s22] =	ssyncadd.s32 s4;
	_ =	sdelay $0x1  }
0xa1: {  	s23 =	simm.s32 $0x1B8B  }
0xa2: {  	_ =	swait.ge [sflag:s23], $0x1  }
0xa3: {  	[sflag:s23] =	ssyncset.done $0x0  }
0xa4: {  	s25 =	simm.s32 $0x1B8E;
	s24 =	sld [smem:$0x3FFE];
	[sflag:s23] =	ssyncadd.s32 $0xFFFFFFFF  }
0xa5: {  	s26 =	simm.s32 $execute0_lowered;
	[smem:$0x3FD2] =	sst s25  }
0xa6: {  	s5 =	sshll.u32 s26, $0x1;
	_ =	strace $0x80000049;
	[dreg:$0x1] =	wrdreg $0xFFFFFFFF  }
0xa7: {  	s28 =	simm.s32 $_size_execute0_lowered;
	s3 =	sadd.s32 s3, s5;
	[dreg:$0x0] =	wrdreg $0x0  }
0xa8: {  	s5 =	sshll.u32 s28, $0x1;
	[dreg:$0x2] =	wrdreg s3  }
0xa9: {  	[dreg:$0x3] =	wrdreg s5  }
0xaa: {  	[dreg:$0x4] =	wrdreg $0xC0  }
0xab: {  	_ =	task [dreg:s7], $0x5FFFF  }
0xac: {  	[dreg:$0x1] =	wrdreg $0xFFFFFFFF  }
0xad: {  	[dreg:$0x0] =	wrdreg $0x60  }
0xae: {  	[dreg:$0x2] =	wrdreg s2  }
0xaf: {  	[dreg:$0x3] =	wrdreg s24  }
0xb0: {  	[dreg:$0x4] =	wrdreg $0xA8000  }
0xb1: {  	[dreg:$0x5] =	wrdreg $0x9  }
0xb2: {  	_ =	task.clear_ibuf [dreg:s7], $0x6FFFF;
	_ =	strace $0x90000049  }
0xb3: {  	s29 =	simm.s32 $0x9;
	_ =	strace $0x8000004B  }
0xb4: {  	_ =	swait.ge [sflag:s29], $0x1  }
0xb5: {  	[sflag:s29] =	ssyncadd.s32 $0xFFFFFFFF  }
0xb6: {  	_ =	strace $0x9000004B  }
0xb7: {  	_ =	sfence  }
0xb8: {  	s30 =	sld [smem:$0x0];
	_ =	sdelay $0x2  }
0xb9: {  	s31 =	sshll.u32 s1, $0xD;
	s1 =	sshrl.u32 s1, $0x2  }
0xba: {  	s3 =	sand.u32 $0x4000, s31;
	s1 =	sadd.s32 s1, s30  }
0xbb: {  	s0 =	sor.u32 s3, s0;
	s1 =	sshll.u32 s1, $0x11  }
0xbc: {  	s0 =	sor.u32 s1, s0  }
0xbd: {  	s0 =	sadd.s32 $0x8F2B, s0  }
0xbe: {  	[sflag:s0] =	ssyncadd.remote.s32 $0x1  }
0xbf: {  	_ =	sfence.sel $0xFFFF  }
0xc0: {  	[dreg:$0x0] =	wrdreg $0xFFFFFFFF;
	(pc) =	sbr.abs _section_cstart, $3  }
0xc1: {  	[dreg:$0x1] =	wrdreg $0xFFFFFFFF  }
0xc2: {  	_ =	task.clear_ibuf [dreg:s7], $0x2FFFF;
	_ =	strace $0x9FFFFFFF  }
0xc3: {  	(tm) =	ssettm $0x7FFFFFFF  }
tec
execute0_lowered:
.L_overlay_start_1:
0x0: {  	(tag) =	ssettag $0x1  }
0x1: {  	s12 =	rddreg [dreg:$0x0]  }
0x2: {  	s5 =	rddreg [dreg:$0x1]  }
0x3: {  	s0 =	srdreg.scid;
	s2 =	rddreg [dreg:$0x2]  }
0x4: {  	s1 =	stileid.u32;
	s3 =	simm.s32 $0x0;
	s17 =	simm.s32 $0x3  }
0x5: {  	s18 =	simm.s32 $0x1400;
	s19 =	simm.s32 $0x7D;
	s20 =	simm.s32 $0x6800  }
0x6: {  	s21 =	simm.s32 $0x1;
	s22 =	simm.s32 $0x2;
	s23 =	simm.s32 $0x1380  }
0x7: {  	s24 =	simm.s32 $0x2700;
	s6 =	sand.u32 $0x1, s0;
	s0 =	rddreg [dreg:$0x3]  }
0x8: {  	s25 =	simm.s32 $0x2780;
	s7 =	smul.u32 $0x14000, s1;
	[smem:$0x7FF] =	sst s3  }
0x9: {  	s13 =	sadd.s32 $0x2A00, s5;
	s8 =	smul.u32 $0x50000, s1;
	s28 =	sshll.u32 s1, $0x1  }
0xa: {  	s4 =	smul.u32 $0x140000, s6;
	_ =	strace $0x8000004A;
	s9 =	sor.u32 s6, s28  }
0xb: {  	s29 =	ssub.s32 $0x2, s6;
	s30 =	sshrl.u32 s8, $0x2;
	s10 =	smul.u32 $0x2800, s9  }
0xc: {  	s31 =	sshrl.u32 s29, $0x1;
	s11 =	smul.u32 $0x500, s9;
	s4 =	sadd.s32 s7, s4  }
0xd: {  	s15 =	ssub.s32 s29, s31;
	s7 =	sshrl.u32 s4, $0x3;
	s4 =	sadd.s32 $0xCA00, s5  }
0xe: {  	s16 =	sshrl.u32 s10, $0x3;
	s10 =	sadd.s32 s12, s11;
	s11 =	sadd.s32 s13, s11  }
0xf: {  	s15 =	smax.u32 s15, $0x1;
	s14 =	sadd.s32 s7, s5;
	s5 =	sadd.s32 s30, s2  }
0x10: {  	s16 =	sadd.s32 $0x280, s16;
	s6 =	sadd.s32 $0x4000, s5;
	s7 =	sadd.s32 $0x8000, s5  }
0x11: {  	s8 =	sadd.s32 $0xC000, s5;
	s9 =	sadd.s32 $0x10000, s5;
	s12 =	sadd.s32 s12, s16  }
0x12: {  	v0 =	vimm.f32 $0.0e+00;
	s13 =	sadd.s32 s13, s16;
	s14 =	sadd.s32 $0x33C00, s14;
	s16 =	simm.s32 $0x2800  }
.LBB2_1:
0x13: {  	s26 =	simm.s32 $0x0;
	s28 =	simm.s32 $0x200  }
.LBB2_2:
0x14: {  	p0 =	sne.s32 s28, $0xFE00;
	[tilespmem:s26+$0x2870] =	vst v0  }
0x15: {  	[tilespmem:s26+$0x2800] =	vst v0  }
0x16: {  	[tilespmem:s26+$0x2810] =	vst v0  }
.Ltmp0:
0x17: {  	[tilespmem:s26+$0x2820] =	vst v0;
	(pc) =	sbr.rel @p0 .LBB2_2-.Ltmp0, $4  }
0x18: {  	[tilespmem:s26+$0x2830] =	vst v0  }
0x19: {  	[tilespmem:s26+$0x2840] =	vst v0  }
0x1a: {  	[tilespmem:s26+$0x2850] =	vst v0  }
0x1b: {  	[tilespmem:s26+$0x2860] =	vst v0;
	s26 =	sshra.s32 s28, $0x2;
	s28 =	sadd.s32 $0x200, s28  }
0x1c: {  	[tilespmem:s26+$0x2870] =	vst v0  }
0x1d: {  	[tilespmem:s26+$0x2800] =	vst v0  }
0x1e: {  	[tilespmem:s26+$0x2810] =	vst v0  }
0x1f: {  	[tilespmem:s26+$0x2820] =	vst v0  }
0x20: {  	[tilespmem:s26+$0x2830] =	vst v0  }
0x21: {  	[tilespmem:s26+$0x2840] =	vst v0  }
0x22: {  	[tilespmem:s26+$0x2850] =	vst v0  }
0x23: {  	[tilespmem:s26+$0x2860] =	vst v0  }
0x24: {  	[spmem:s5] =	stream.linear.scatter [tilespmem:s16], [sflag:$0x3], $0x4000, $0x38;
	[tilespmem:$0x1E800] =	vst v63  }
0x25: {  	_ =	swait.ge [sflag:s17], $0x4000  }
0x26: {  	[sflag:s17] =	ssyncset.done $0x0  }
0x27: {  	[sflag:s17] =	ssyncadd.s32 $0xFFFFC000  }
0x28: {  	[spmem:s6] =	stream.linear.scatter [tilespmem:s16], [sflag:$0x3], $0x4000, $0x38;
	[tilespmem:$0x1E800] =	vst v63  }
0x29: {  	_ =	swait.ge [sflag:s17], $0x4000  }
0x2a: {  	[sflag:s17] =	ssyncset.done $0x0  }
0x2b: {  	[sflag:s17] =	ssyncadd.s32 $0xFFFFC000  }
0x2c: {  	[spmem:s7] =	stream.linear.scatter [tilespmem:s16], [sflag:$0x3], $0x4000, $0x38;
	[tilespmem:$0x1E800] =	vst v63  }
0x2d: {  	_ =	swait.ge [sflag:s17], $0x4000  }
0x2e: {  	[sflag:s17] =	ssyncset.done $0x0  }
0x2f: {  	[sflag:s17] =	ssyncadd.s32 $0xFFFFC000  }
0x30: {  	[spmem:s8] =	stream.linear.scatter [tilespmem:s16], [sflag:$0x3], $0x4000, $0x38;
	[tilespmem:$0x1E800] =	vst v63  }
0x31: {  	_ =	swait.ge [sflag:s17], $0x4000  }
0x32: {  	[sflag:s17] =	ssyncset.done $0x0  }
0x33: {  	[sflag:s17] =	ssyncadd.s32 $0xFFFFC000  }
0x34: {  	[spmem:s9] =	stream.linear.scatter [tilespmem:s16], [sflag:$0x3], $0x4000, $0x38;
	[tilespmem:$0x1E800] =	vst v63  }
0x35: {  	_ =	swait.ge [sflag:s17], $0x4000  }
0x36: {  	[sflag:s17] =	ssyncset.done $0x0  }
0x37: {  	[sflag:s17] =	ssyncadd.s32 $0xFFFFC000  }
0x38: {  	s30 =	simm.s32 $0x0;
	[bflag:$0x0] =	sbarrier.arrive $0xFFFF  }
0x39: {  	[tilespmem:s30], [sflag:$0x3] =	stream.linear.gather [hbm4b:s10+s30], $0x1400, $0x38;
	[tilespmem:$0x1E800] =	vst v63  }
0x3a: {  	_ =	swait.ge [sflag:s17], $0x1400  }
0x3b: {  	[sflag:s17] =	ssyncset.done $0x0  }
0x3c: {  	[sflag:s17] =	ssyncadd.s32 $0xFFFFEC00  }
0x3d: {  	[tilespmem:s18], [sflag:$0x3] =	stream.linear.gather [hbm4b:s11+s30], $0x1400, $0x38;
	[tilespmem:$0x1E800] =	vst v63  }
0x3e: {  	_ =	swait.ge [sflag:s17], $0x1400  }
0x3f: {  	[sflag:s17] =	ssyncset.done $0x0  }
0x40: {  	[sflag:s17] =	ssyncadd.s32 $0xFFFFEC00  }
0x41: {  	[tilespmem:s16], [sflag:$0x1] =	stream.indirect.gather [hbm4b:s4+s19], $0x80, s30, s19, $0xb8;
	[tilespmem:$0x1E800] =	vst v63  }
0x42: {  	s31 =	simm.s32 $0x80  }
0x43: {  	[tilespmem:s20], [sflag:$0x2] =	stream.indirect.gather [hbm4b:s4+s19], $0x80, s31, s19, $0xb8;
	[tilespmem:$0x1E800] =	vst v63  }
0x44: {  	_ =	swait.ge [sflag:s21], $0x3E80  }
0x45: {  	[sflag:s21] =	ssyncset.done $0x0  }
0x46: {  	s29 =	simm.s32 $0x1400;
	[sflag:s21] =	ssyncadd.s32 $0xFFFFC180  }
0x47: {  	[spmem:s2] =	stream.indirect.scatter.add.f32 [tilespmem:s16], [sflag:$0x3], $0x80, s29, s19, $0xb8;
	[tilespmem:$0x1E800] =	vst v63  }
0x48: {  	_ =	swait.ge [sflag:s17], $0x3E80  }
0x49: {  	[sflag:s17] =	ssyncset.done $0x0  }
0x4a: {  	s30 =	simm.s32 $0x100;
	[sflag:s17] =	ssyncadd.s32 $0xFFFFC180  }
0x4b: {  	[tilespmem:s16], [sflag:$0x1] =	stream.indirect.gather [hbm4b:s4+s19], $0x80, s30, s19, $0xb8;
	[tilespmem:$0x1E800] =	vst v63  }
0x4c: {  	_ =	swait.ge [sflag:s22], $0x3E80  }
0x4d: {  	[sflag:s22] =	ssyncset.done $0x0  }
0x4e: {  	s31 =	simm.s32 $0x1480;
	[sflag:s22] =	ssyncadd.s32 $0xFFFFC180  }
0x4f: {  	[spmem:s2] =	stream.indirect.scatter.add.f32 [tilespmem:s20], [sflag:$0x3], $0x80, s31, s19, $0xb8;
	[tilespmem:$0x1E800] =	vst v63  }
0x50: {  	_ =	swait.ge [sflag:s17], $0x3E80  }
0x51: {  	s28 =	simm.s32 $0x800;
	s26 =	simm.s32 $0x100;
	[sflag:s17] =	ssyncset.done $0x0  }
.LBB2_4:
0x52: {  	s29 =	sadd.s32 $0x80, s26  }
0x53: {  	[sflag:s17] =	ssyncadd.s32 $0xFFFFC180;
	s30 =	smov.u32 s28;
	s31 =	sadd.s32 $0x400, s28  }
0x54: {  	[tilespmem:s20], [sflag:$0x2] =	stream.indirect.gather [hbm4b:s4+s19], $0x80, s29, s19, $0xb8;
	[tilespmem:$0x1E800] =	vst v63  }
0x55: {  	p0 =	sne.s32 s28, $0x4800;
	_ =	swait.ge [sflag:s21], $0x3E80  }
0x56: {  	[sflag:s21] =	ssyncset.done $0x0  }
0x57: {  	s28 =	sadd.s32 $0x1400, s26;
	[sflag:s21] =	ssyncadd.s32 $0xFFFFC180  }
0x58: {  	[spmem:s2] =	stream.indirect.scatter.add.f32 [tilespmem:s16], [sflag:$0x3], $0x80, s28, s19, $0xb8;
	[tilespmem:$0x1E800] =	vst v63  }
0x59: {  	_ =	swait.ge [sflag:s17], $0x3E80  }
0x5a: {  	[sflag:s17] =	ssyncset.done $0x0  }
0x5b: {  	s28 =	sadd.s32 $0x100, s26;
	[sflag:s17] =	ssyncadd.s32 $0xFFFFC180  }
0x5c: {  	[tilespmem:s16], [sflag:$0x1] =	stream.indirect.gather [hbm4b:s4+s19], $0x80, s28, s19, $0xb8;
	[tilespmem:$0x1E800] =	vst v63  }
0x5d: {  	_ =	swait.ge [sflag:s22], $0x3E80  }
.Ltmp1:
0x5e: {  	[sflag:s22] =	ssyncset.done $0x0;
	(pc) =	sbr.rel @p0 .LBB2_4-.Ltmp1, $4  }
0x5f: {  	s26 =	sadd.s32 $0x1480, s26;
	[sflag:s22] =	ssyncadd.s32 $0xFFFFC180  }
0x60: {  	[spmem:s2] =	stream.indirect.scatter.add.f32 [tilespmem:s20], [sflag:$0x3], $0x80, s26, s19, $0xb8;
	[tilespmem:$0x1E800] =	vst v63  }
0x61: {  	_ =	swait.ge [sflag:s17], $0x3E80  }
0x62: {  	s28 =	smov.u32 s31;
	s26 =	sshra.s32 s30, $0x2;
	[sflag:s17] =	ssyncset.done $0x0  }
0x63: {  	s28 =	sadd.s32 $0x80, s26;
	[sflag:s17] =	ssyncadd.s32 $0xFFFFC180  }
0x64: {  	[tilespmem:s20], [sflag:$0x2] =	stream.indirect.gather [hbm4b:s4+s19], $0x80, s28, s19, $0xb8;
	[tilespmem:$0x1E800] =	vst v63  }
0x65: {  	_ =	swait.ge [sflag:s21], $0x3E80  }
0x66: {  	[sflag:s21] =	ssyncset.done $0x0  }
0x67: {  	s28 =	sadd.s32 $0x1400, s26;
	[sflag:s21] =	ssyncadd.s32 $0xFFFFC180  }
0x68: {  	[spmem:s2] =	stream.indirect.scatter.add.f32 [tilespmem:s16], [sflag:$0x3], $0x80, s28, s19, $0xb8;
	[tilespmem:$0x1E800] =	vst v63  }
0x69: {  	_ =	swait.ge [sflag:s17], $0x3E80  }
0x6a: {  	[sflag:s17] =	ssyncset.done $0x0  }
0x6b: {  	s28 =	sadd.s32 $0x100, s26;
	[sflag:s17] =	ssyncadd.s32 $0xFFFFC180  }
0x6c: {  	[tilespmem:s16], [sflag:$0x1] =	stream.indirect.gather [hbm4b:s4+s19], $0x80, s28, s19, $0xb8;
	[tilespmem:$0x1E800] =	vst v63  }
0x6d: {  	_ =	swait.ge [sflag:s22], $0x3E80  }
0x6e: {  	[sflag:s22] =	ssyncset.done $0x0  }
0x6f: {  	s29 =	sadd.s32 $0x1480, s26;
	[sflag:s22] =	ssyncadd.s32 $0xFFFFC180  }
0x70: {  	[spmem:s2] =	stream.indirect.scatter.add.f32 [tilespmem:s20], [sflag:$0x3], $0x80, s29, s19, $0xb8;
	[tilespmem:$0x1E800] =	vst v63  }
0x71: {  	_ =	swait.ge [sflag:s17], $0x3E80  }
0x72: {  	[sflag:s17] =	ssyncset.done $0x0  }
0x73: {  	[sflag:s17] =	ssyncadd.s32 $0xFFFFC180  }
0x74: {  	[tilespmem:s20], [sflag:$0x2] =	stream.indirect.gather [hbm4b:s4+s19], $0x80, s23, s19, $0xb8;
	[tilespmem:$0x1E800] =	vst v63  }
0x75: {  	_ =	swait.ge [sflag:s21], $0x3E80  }
0x76: {  	[sflag:s21] =	ssyncset.done $0x0  }
0x77: {  	[sflag:s21] =	ssyncadd.s32 $0xFFFFC180  }
0x78: {  	[spmem:s2] =	stream.indirect.scatter.add.f32 [tilespmem:s16], [sflag:$0x3], $0x80, s24, s19, $0xb8;
	[tilespmem:$0x1E800] =	vst v63  }
0x79: {  	_ =	swait.ge [sflag:s17], $0x3E80  }
0x7a: {  	[sflag:s17] =	ssyncset.done $0x0  }
0x7b: {  	[sflag:s17] =	ssyncadd.s32 $0xFFFFC180  }
0x7c: {  	_ =	swait.ge [sflag:s22], $0x3E80  }
0x7d: {  	[sflag:s22] =	ssyncset.done $0x0  }
0x7e: {  	[sflag:s22] =	ssyncadd.s32 $0xFFFFC180  }
0x7f: {  	[spmem:s2] =	stream.indirect.scatter.add.f32 [tilespmem:s20], [sflag:$0x3], $0x80, s25, s19, $0xb8;
	[tilespmem:$0x1E800] =	vst v63  }
0x80: {  	_ =	swait.ge [sflag:s17], $0x3E80  }
0x81: {  	[sflag:s17] =	ssyncset.done $0x0  }
0x82: {  	s30 =	simm.s32 $0x0;
	[sflag:s17] =	ssyncadd.s32 $0xFFFFC180  }
0x83: {  	[tilespmem:s30], [sflag:$0x3] =	stream.linear.gather [hbm4b:s12+s30], $0x1400, $0x38;
	[tilespmem:$0x1E800] =	vst v63  }
0x84: {  	_ =	swait.ge [sflag:s17], $0x1400  }
0x85: {  	[sflag:s17] =	ssyncset.done $0x0  }
0x86: {  	[sflag:s17] =	ssyncadd.s32 $0xFFFFEC00  }
0x87: {  	[tilespmem:s18], [sflag:$0x3] =	stream.linear.gather [hbm4b:s13+s30], $0x1400, $0x38;
	[tilespmem:$0x1E800] =	vst v63  }
0x88: {  	_ =	swait.ge [sflag:s17], $0x1400  }
0x89: {  	[sflag:s17] =	ssyncset.done $0x0  }
0x8a: {  	[sflag:s17] =	ssyncadd.s32 $0xFFFFEC00  }
0x8b: {  	[tilespmem:s16], [sflag:$0x1] =	stream.indirect.gather [hbm4b:s4+s19], $0x80, s30, s19, $0xb8;
	[tilespmem:$0x1E800] =	vst v63  }
0x8c: {  	s31 =	simm.s32 $0x80  }
0x8d: {  	[tilespmem:s20], [sflag:$0x2] =	stream.indirect.gather [hbm4b:s4+s19], $0x80, s31, s19, $0xb8;
	[tilespmem:$0x1E800] =	vst v63  }
0x8e: {  	_ =	swait.ge [sflag:s21], $0x3E80  }
0x8f: {  	[sflag:s21] =	ssyncset.done $0x0  }
0x90: {  	s29 =	simm.s32 $0x1400;
	[sflag:s21] =	ssyncadd.s32 $0xFFFFC180  }
0x91: {  	[spmem:s2] =	stream.indirect.scatter.add.f32 [tilespmem:s16], [sflag:$0x3], $0x80, s29, s19, $0xb8;
	[tilespmem:$0x1E800] =	vst v63  }
0x92: {  	_ =	swait.ge [sflag:s17], $0x3E80  }
0x93: {  	[sflag:s17] =	ssyncset.done $0x0  }
0x94: {  	s30 =	simm.s32 $0x100;
	[sflag:s17] =	ssyncadd.s32 $0xFFFFC180  }
0x95: {  	[tilespmem:s16], [sflag:$0x1] =	stream.indirect.gather [hbm4b:s4+s19], $0x80, s30, s19, $0xb8;
	[tilespmem:$0x1E800] =	vst v63  }
0x96: {  	_ =	swait.ge [sflag:s22], $0x3E80  }
0x97: {  	[sflag:s22] =	ssyncset.done $0x0  }
0x98: {  	s31 =	simm.s32 $0x1480;
	[sflag:s22] =	ssyncadd.s32 $0xFFFFC180  }
0x99: {  	[spmem:s2] =	stream.indirect.scatter.add.f32 [tilespmem:s20], [sflag:$0x3], $0x80, s31, s19, $0xb8;
	[tilespmem:$0x1E800] =	vst v63  }
0x9a: {  	_ =	swait.ge [sflag:s17], $0x3E80  }
0x9b: {  	s26 =	simm.s32 $0x100;
	s28 =	simm.s32 $0x800;
	[sflag:s17] =	ssyncset.done $0x0  }
.LBB2_6:
0x9c: {  	s29 =	sadd.s32 $0x80, s26  }
0x9d: {  	[sflag:s17] =	ssyncadd.s32 $0xFFFFC180;
	s30 =	smov.u32 s28;
	s31 =	sadd.s32 $0x400, s28  }
0x9e: {  	[tilespmem:s20], [sflag:$0x2] =	stream.indirect.gather [hbm4b:s4+s19], $0x80, s29, s19, $0xb8;
	[tilespmem:$0x1E800] =	vst v63  }
0x9f: {  	p0 =	sne.s32 s28, $0x4800;
	_ =	swait.ge [sflag:s21], $0x3E80  }
0xa0: {  	[sflag:s21] =	ssyncset.done $0x0  }
0xa1: {  	s28 =	sadd.s32 $0x1400, s26;
	[sflag:s21] =	ssyncadd.s32 $0xFFFFC180  }
0xa2: {  	[spmem:s2] =	stream.indirect.scatter.add.f32 [tilespmem:s16], [sflag:$0x3], $0x80, s28, s19, $0xb8;
	[tilespmem:$0x1E800] =	vst v63  }
0xa3: {  	_ =	swait.ge [sflag:s17], $0x3E80  }
0xa4: {  	[sflag:s17] =	ssyncset.done $0x0  }
0xa5: {  	s28 =	sadd.s32 $0x100, s26;
	[sflag:s17] =	ssyncadd.s32 $0xFFFFC180  }
0xa6: {  	[tilespmem:s16], [sflag:$0x1] =	stream.indirect.gather [hbm4b:s4+s19], $0x80, s28, s19, $0xb8;
	[tilespmem:$0x1E800] =	vst v63  }
0xa7: {  	_ =	swait.ge [sflag:s22], $0x3E80  }
.Ltmp2:
0xa8: {  	[sflag:s22] =	ssyncset.done $0x0;
	(pc) =	sbr.rel @p0 .LBB2_6-.Ltmp2, $4  }
0xa9: {  	s26 =	sadd.s32 $0x1480, s26;
	[sflag:s22] =	ssyncadd.s32 $0xFFFFC180  }
0xaa: {  	[spmem:s2] =	stream.indirect.scatter.add.f32 [tilespmem:s20], [sflag:$0x3], $0x80, s26, s19, $0xb8;
	[tilespmem:$0x1E800] =	vst v63  }
0xab: {  	_ =	swait.ge [sflag:s17], $0x3E80  }
0xac: {  	s28 =	smov.u32 s31;
	s26 =	sshra.s32 s30, $0x2;
	[sflag:s17] =	ssyncset.done $0x0  }
0xad: {  	s28 =	sadd.s32 $0x80, s26;
	[sflag:s17] =	ssyncadd.s32 $0xFFFFC180  }
0xae: {  	[tilespmem:s20], [sflag:$0x2] =	stream.indirect.gather [hbm4b:s4+s19], $0x80, s28, s19, $0xb8;
	[tilespmem:$0x1E800] =	vst v63  }
0xaf: {  	_ =	swait.ge [sflag:s21], $0x3E80  }
0xb0: {  	[sflag:s21] =	ssyncset.done $0x0  }
0xb1: {  	s30 =	sadd.s32 $0x1400, s26;
	[sflag:s21] =	ssyncadd.s32 $0xFFFFC180  }
0xb2: {  	[spmem:s2] =	stream.indirect.scatter.add.f32 [tilespmem:s16], [sflag:$0x3], $0x80, s30, s19, $0xb8;
	[tilespmem:$0x1E800] =	vst v63  }
0xb3: {  	_ =	swait.ge [sflag:s17], $0x3E80  }
0xb4: {  	[sflag:s17] =	ssyncset.done $0x0  }
0xb5: {  	s31 =	sadd.s32 $0x100, s26;
	[sflag:s17] =	ssyncadd.s32 $0xFFFFC180  }
0xb6: {  	[tilespmem:s16], [sflag:$0x1] =	stream.indirect.gather [hbm4b:s4+s19], $0x80, s31, s19, $0xb8;
	[tilespmem:$0x1E800] =	vst v63  }
0xb7: {  	_ =	swait.ge [sflag:s22], $0x3E80  }
0xb8: {  	[sflag:s22] =	ssyncset.done $0x0  }
0xb9: {  	s29 =	sadd.s32 $0x1480, s26;
	[sflag:s22] =	ssyncadd.s32 $0xFFFFC180  }
0xba: {  	[spmem:s2] =	stream.indirect.scatter.add.f32 [tilespmem:s20], [sflag:$0x3], $0x80, s29, s19, $0xb8;
	[tilespmem:$0x1E800] =	vst v63  }
0xbb: {  	_ =	swait.ge [sflag:s17], $0x3E80  }
0xbc: {  	[sflag:s17] =	ssyncset.done $0x0  }
0xbd: {  	[sflag:s17] =	ssyncadd.s32 $0xFFFFC180  }
0xbe: {  	[tilespmem:s20], [sflag:$0x2] =	stream.indirect.gather [hbm4b:s4+s19], $0x80, s23, s19, $0xb8;
	[tilespmem:$0x1E800] =	vst v63  }
0xbf: {  	_ =	swait.ge [sflag:s21], $0x3E80  }
0xc0: {  	[sflag:s21] =	ssyncset.done $0x0  }
0xc1: {  	[sflag:s21] =	ssyncadd.s32 $0xFFFFC180  }
0xc2: {  	[spmem:s2] =	stream.indirect.scatter.add.f32 [tilespmem:s16], [sflag:$0x3], $0x80, s24, s19, $0xb8;
	[tilespmem:$0x1E800] =	vst v63  }
0xc3: {  	_ =	swait.ge [sflag:s17], $0x3E80  }
0xc4: {  	[sflag:s17] =	ssyncset.done $0x0  }
0xc5: {  	[sflag:s17] =	ssyncadd.s32 $0xFFFFC180  }
0xc6: {  	_ =	swait.ge [sflag:s22], $0x3E80  }
0xc7: {  	[sflag:s22] =	ssyncset.done $0x0  }
0xc8: {  	[sflag:s22] =	ssyncadd.s32 $0xFFFFC180  }
0xc9: {  	[spmem:s2] =	stream.indirect.scatter.add.f32 [tilespmem:s20], [sflag:$0x3], $0x80, s25, s19, $0xb8;
	[tilespmem:$0x1E800] =	vst v63  }
0xca: {  	_ =	swait.ge [sflag:s17], $0x3E80  }
0xcb: {  	s3 =	sadd.s32 $0x1, s3;
	s30 =	sshll.u32 s1, $0x6;
	[sflag:s17] =	ssyncset.done $0x0  }
0xcc: {  	p0 =	sne.s32 s3, s15;
	s26 =	sor.u32 $0x1C03, s30;
	[sflag:s17] =	ssyncadd.s32 $0xFFFFC180  }
.Ltmp3:
0xcd: {  	s31 =	sshrl.u32 s5, $0x3;
	[bflag:$0x0] =	sbarrier.arrive $0xFFFF;
	(pc) =	sbr.rel @p0 .LBB2_1-.Ltmp3, $4  }
0xce: {  	[hbm:s14], [sflag:s26] =	dma.local [spmem:s31], $0x2800  }
0xcf: {  	_ =	swait.ge [sflag:s17], $0x2800  }
0xd0: {  	[sflag:s17] =	ssyncset.done $0x0  }
0xd1: {  	[sflag:s17] =	ssyncadd.s32 $0xFFFFD800  }
0xd2: {  	_ =	sfence.sel $0x180000  }
0xd3: {  	[bflag:$0x0] =	sbarrier.arrive $0xFFFF  }
0xd4: {  	p0 =	sne.s32 s1, $0x0;
	_ =	strace $0x9000004A  }
0xd5: {  	s0 =	sadd.s32 @!p0 $0x100000, s0;
	[bflag:$0x2] =	sbarrier.arrive $0xFFFF  }
0xd6: {  	[sflag:s0] =	ssyncadd.tile.s32 @!p0 $0x1;
	_ =	shalt  }
.Lfunc_end2:
_tile_overlayer_lowered:
.L_overlay_start_2:
0xd7: {  	(tag) =	ssettag $0x2  }
0xd8: {  	s0 =	rddreg [dreg:$0x0];
	s2 =	stileid.u32  }
0xd9: {  	s1 =	rddreg [dreg:$0x1];
	p0 =	sne.s32 s2, $0x0  }
0xda: {  	s3 =	rddreg [dreg:$0x2];
	[bflag:$0x3] =	sbarrier.arrive $0xFFFF;
	s2 =	simm.s32 @!p0 $0x1C03  }
0xdb: {  	[timem:s3], [sflag:s2] =	dma.local @!p0 [hbm:s0], s1  }
0xdc: {  	s0 =	simm.s32 @!p0 $0x3  }
0xdd: {  	_ =	swait.ge @!p0 [sflag:s0], s1  }
0xde: {  	s1 =	ssub.s32 @!p0 $0x0, s1;
	[sflag:s0] =	ssyncset.done @!p0 $0x0  }
0xdf: {  	[sflag:s0] =	ssyncadd.s32 @!p0 s1  }
0xe0: {  	[bflag:$0x3] =	sbarrier.arrive $0xFFFF  }
0xe1: {  	_ =	shalt  }

// kernel: kernel.15.cloned.1.call-start
scs
__scs_entry_jumppad:
0x0: {  	(pc) =	sbr.rel $0x88, $3  }
0x1: {  	(tag) =	ssettag $0x0;
	lr =	simm.s32 $0x1  }
0x2: {  	[smem:$0x3F94] =	sst lr;
	_ =	strace $0xD0000000  }
0x3: {  	_ = 	snop  }
0x4: {  	_ = 	snop  }
0x5: {  	_ = 	snop  }
0x6: {  	_ = 	snop  }
0x7: {  	_ = 	snop  }
__scs_overlays_trampoline_lowered:
0x8: {  	[smem:$0x3FA3] =	sst s0  }
0x9: {  	[smem:$0x3FA4] =	sst s1  }
0xa: {  	[smem:$0x3FA5] =	sst s2  }
0xb: {  	[smem:$0x3FA6] =	sst s3  }
0xc: {  	[smem:$0x3FA7] =	sst s4  }
0xd: {  	[smem:$0x3FA8] =	sst s5  }
0xe: {  	[smem:$0x3FA9] =	sst s6  }
0xf: {  	[smem:$0x3FAA] =	sst s7  }
0x10: {  	[smem:$0x3FAB] =	sst s8  }
0x11: {  	[smem:$0x3FAC] =	sst s9;
	s0 =	simm.s32 @!p0 $0x0  }
0x12: {  	s1 =	sld [smem:$0x3F92];
	s0 =	simm.s32 @p0 $0x1  }
0x13: {  	[smem:$0x3FAD] =	sst s0;
	s0 =	simm.s32 @!p1 $0x0  }
0x14: {  	s2 =	sld [smem:$0x3F91];
	s0 =	simm.s32 @p1 $0x1  }
0x15: {  	[smem:$0x3FAE] =	sst s0;
	s0 =	simm.s32 @!p2 $0x0  }
0x16: {  	s3 =	sld [smem:$0x3FDB];
	s0 =	simm.s32 @p2 $0x1  }
0x17: {  	s4 =	simm.s32 $0x1BF5;
	[smem:$0x3FB0] =	sst s0  }
0x18: {  	s0 =	sld [smem:$0x3F93];
	_ =	swait.ge [sflag:s4], $0x0  }
0x19: {  	s7 =	sld [smem:$0x3F94]  }
0x1a: {  	s8 =	sadd.s32 $0xFFFFE003, lr  }
0x1b: {  	s9 =	sadd.s32 $0xFFFFFEF7, lr;
	s5 =	simm.s32 $0xFFFFFFFF;
	p2 =	slt.u32 s8, $0xFFFFF086  }
0x1c: {  	p1 =	slt.u32 s9, $0xF7A;
	s5 =	simm.s32 @!p2 $0x0  }
0x1d: {  	s5 =	simm.s32 @p1 $0x1;
	p0 =	seq.s32 s7, s2  }
0x1e: {  	s7 =	smul.u32 @!p0 $0xF7A, s2;
	p2 =	seq.s32 @!p0 s5, $0x0  }
0x1f: {  	s9 =	smul.u32 $0xF7A, s1;
	s8 =	simm.s32 @!p0 $0x1BF5;
	p2 =	por !p2, p0  }
0x20: {  	[sflag:s8] =	ssyncset.s32 @!p0 $0xFFFFF086;
	s6 =	sadd.s32 @!p0 s3, s7;
	s7 =	simm.s32 @!p0 $0x108  }
0x21: {  	s3 =	sadd.s32 s3, s9;
	s6 =	sadd.s32 @!p0 $0x88, s6;
	s7 =	simm.s32 @p2 $0x1082  }
0x22: {  	[simem:s7], [sflag:s8] =	dma.local @!p0 [hbm:s6], $0xF7A  }
0x23: {  	s9 =	sor.u32 $0xD0000000, s2;
	s6 =	simm.s32 $0x108;
	_ =	swait.ge @!p0 [sflag:s8], $0x0  }
0x24: {  	s3 =	sadd.s32 $0x88, s3;
	s6 =	simm.s32 @!p1 $0x1082;
	[sflag:s4] =	ssyncset.s32 $0xFFFFF086  }
0x25: {  	[simem:s6], [sflag:s4] =	dma.local [hbm:s3], $0xF7A  }
0x26: {  	[smem:$0x3F94] =	sst s1;
	(tag) =	ssettag s2;
	_ =	strace s9  }
0x27: {  	s1 =	sld [smem:$0x3FA4]  }
0x28: {  	s2 =	sld [smem:$0x3FA5]  }
0x29: {  	s4 =	sld [smem:$0x3FA7]  }
0x2a: {  	p0 =	seq.s32 s5, $0x0;
	s5 =	sld [smem:$0x3FA8]  }
0x2b: {  	s6 =	sld [smem:$0x3FA9]  }
0x2c: {  	s7 =	sld [smem:$0x3FAA]  }
0x2d: {  	s3 =	simm.s32 $0x108;
	s8 =	sld [smem:$0x3FAB]  }
0x2e: {  	s3 =	simm.s32 @!p0 $0x1082;
	s9 =	sld [smem:$0x3FAC]  }
0x2f: {  	lr =	sadd.s32 s0, s3;
	s0 =	sld [smem:$0x3FA3]  }
0x30: {  	s3 =	sld [smem:$0x3FA6]  }
0x31: {  	[smem:$0x3FAF] =	sst s10  }
0x32: {  	s10 =	sld [smem:$0x3FAD];
	_ =	sdelay $0x3  }
0x33: {  	p0 =	seq.s32 s10, $0x1;
	s10 =	sld [smem:$0x3FAF];
	_ =	sdelay $0x3  }
0x34: {  	[smem:$0x3FAF] =	sst s10  }
0x35: {  	s10 =	sld [smem:$0x3FAE];
	_ =	sdelay $0x3  }
0x36: {  	p1 =	seq.s32 s10, $0x1;
	s10 =	sld [smem:$0x3FAF];
	_ =	sdelay $0x3  }
0x37: {  	[smem:$0x3FAF] =	sst s10  }
0x38: {  	s10 =	sld [smem:$0x3FB0]  }
0x39: {  	_ = 	snop;
	(pc) =	sbr.ind lr, $3  }
0x3a: {  	_ = 	snop  }
0x3b: {  	_ = 	snop  }
0x3c: {  	p2 =	seq.s32 s10, $0x1;
	s10 =	sld [smem:$0x3FAF]  }
0x3d: {  	_ =	shalt  }
0x3e: {  	_ =	shalt  }
0x3f: {  	_ =	shalt  }
0x40: {  	_ =	shalt  }
0x41: {  	_ =	shalt  }
0x42: {  	_ =	shalt  }
0x43: {  	_ =	shalt  }
0x44: {  	_ =	shalt  }
0x45: {  	_ =	shalt  }
0x46: {  	_ =	shalt  }
0x47: {  	_ =	shalt  }
0x48: {  	_ =	shalt  }
0x49: {  	_ =	shalt  }
0x4a: {  	_ =	shalt  }
0x4b: {  	_ =	shalt  }
0x4c: {  	_ =	shalt  }
0x4d: {  	_ =	shalt  }
0x4e: {  	_ =	shalt  }
0x4f: {  	_ =	shalt  }
0x50: {  	_ =	shalt  }
0x51: {  	_ =	shalt  }
0x52: {  	_ =	shalt  }
0x53: {  	_ =	shalt  }
0x54: {  	_ =	shalt  }
0x55: {  	_ =	shalt  }
0x56: {  	_ =	shalt  }
0x57: {  	_ =	shalt  }
0x58: {  	_ =	shalt  }
0x59: {  	_ =	shalt  }
0x5a: {  	_ =	shalt  }
0x5b: {  	_ =	shalt  }
0x5c: {  	_ =	shalt  }
0x5d: {  	_ =	shalt  }
0x5e: {  	_ =	shalt  }
0x5f: {  	_ =	shalt  }
0x60: {  	_ =	shalt  }
0x61: {  	_ =	shalt  }
0x62: {  	_ =	shalt  }
0x63: {  	_ =	shalt  }
0x64: {  	_ =	shalt  }
0x65: {  	_ =	shalt  }
0x66: {  	_ =	shalt  }
0x67: {  	_ =	shalt  }
0x68: {  	_ =	shalt  }
0x69: {  	_ =	shalt  }
0x6a: {  	_ =	shalt  }
0x6b: {  	_ =	shalt  }
0x6c: {  	_ =	shalt  }
0x6d: {  	_ =	shalt  }
0x6e: {  	_ =	shalt  }
0x6f: {  	_ =	shalt  }
0x70: {  	_ =	shalt  }
0x71: {  	_ =	shalt  }
0x72: {  	_ =	shalt  }
0x73: {  	_ =	shalt  }
0x74: {  	_ =	shalt  }
0x75: {  	_ =	shalt  }
0x76: {  	_ =	shalt  }
0x77: {  	_ =	shalt  }
0x78: {  	_ =	shalt  }
0x79: {  	_ =	shalt  }
0x7a: {  	_ =	shalt  }
0x7b: {  	_ =	shalt  }
0x7c: {  	_ =	shalt  }
0x7d: {  	_ =	shalt  }
0x7e: {  	_ =	shalt  }
0x7f: {  	_ =	shalt  }
0x80: {  	_ =	shalt  }
0x81: {  	_ =	shalt  }
0x82: {  	_ =	shalt  }
0x83: {  	_ =	shalt  }
0x84: {  	_ =	shalt  }
0x85: {  	_ =	shalt  }
0x86: {  	_ =	shalt  }
0x87: {  	_ =	shalt  }
.Lfunc_end0:
.L_simem_size_0:
called_computation.2_lowered:
.L_overlay_start_0:
0x88: {  	s2 =	sld [smem:$0x3FD9]  }
0x89: {  	s3 =	sld [smem:$0x3FFE];
	_ =	sdelay $0x1  }
0x8a: {  	s1 =	srdreg.scid  }
0x8b: {  	s0 =	sand.u32 $0x1, s1  }
0x8c: {  	s17 =	sshll.u32 s0, $0xA;
	s2 =	sadd.s32 s3, s2  }
0x8d: {  	s2 =	sadd.s32 s2, s17  }
0x8e: {  	[smem:$0x3FBB] =	sst s2  }
0x8f: {  	_ = 	snop  }
0x90: {  	s2 =	sld [smem:$0x3FD0];
	(tm) =	ssettm $0x1  }
0x91: {  	s18 =	sld [smem:$0x3FFB];
	_ =	sdelay $0x3  }
0x92: {  	_ =	strace s18  }
0x93: {  	s3 =	sld [smem:$0x3FFC];
	_ =	sdelay $0x3  }
0x94: {  	_ =	strace s3  }
0x95: {  	s3 =	sld [smem:$0x3FFD];
	_ =	sdelay $0x3  }
0x96: {  	_ =	strace s3  }
0x97: {  	_ =	strace $0x8FFFFFFF  }
0x98: {  	s19 =	sld [smem:$0x3FDB];
	_ =	sdelay $0x1  }
0x99: {  	s4 =	simm.s32 $_scs_section_size  }
0x9a: {  	s5 =	simm.s32 $_size__tile_overlayer_lowered;
	s6 =	simm.s32 $_tile_overlayer_lowered  }
0x9b: {  	s22 =	simm.s32 $0x1BFF;
	s21 =	sshll.u32 s6, $0x1;
	s3 =	sadd.s32 s4, s19  }
0x9c: {  	s7 =	simm.s32 $0x0;
	s20 =	sshll.u32 s5, $0x1;
	s5 =	sadd.s32 s21, s3  }
0x9d: {  	[timem:s7], [sflag:s22] =	dma.local [hbm:s5], s20  }
0x9e: {  	_ =	swait.ge [sflag:s22], s20  }
0x9f: {  	s4 =	ssub.s32 $0x0, s20;
	[sflag:s22] =	ssyncset.done $0x0  }
0xa0: {  	[sflag:s22] =	ssyncadd.s32 s4;
	_ =	sdelay $0x1  }
0xa1: {  	s23 =	simm.s32 $0x1B8B  }
0xa2: {  	_ =	swait.ge [sflag:s23], $0x1  }
0xa3: {  	[sflag:s23] =	ssyncset.done $0x0  }
0xa4: {  	s25 =	simm.s32 $0x1B8E;
	s24 =	sld [smem:$0x3FFE];
	[sflag:s23] =	ssyncadd.s32 $0xFFFFFFFF  }
0xa5: {  	s26 =	simm.s32 $execute0_lowered;
	[smem:$0x3FD2] =	sst s25  }
0xa6: {  	s5 =	sshll.u32 s26, $0x1;
	_ =	strace $0x8000004C;
	[dreg:$0x1] =	wrdreg $0xFFFFFFFF  }
0xa7: {  	s28 =	simm.s32 $_size_execute0_lowered;
	s3 =	sadd.s32 s3, s5;
	[dreg:$0x0] =	wrdreg $0x0  }
0xa8: {  	s5 =	sshll.u32 s28, $0x1;
	[dreg:$0x2] =	wrdreg s3  }
0xa9: {  	[dreg:$0x3] =	wrdreg s5  }
0xaa: {  	[dreg:$0x4] =	wrdreg $0xC0  }
0xab: {  	_ =	task [dreg:s7], $0x5FFFF  }
0xac: {  	[dreg:$0x1] =	wrdreg $0xFFFFFFFF  }
0xad: {  	[dreg:$0x0] =	wrdreg $0x60  }
0xae: {  	[dreg:$0x2] =	wrdreg s2  }
0xaf: {  	[dreg:$0x3] =	wrdreg s24  }
0xb0: {  	[dreg:$0x4] =	wrdreg $0xA8000  }
0xb1: {  	[dreg:$0x5] =	wrdreg $0x9  }
0xb2: {  	_ =	task.clear_ibuf [dreg:s7], $0x6FFFF;
	_ =	strace $0x9000004C  }
0xb3: {  	s29 =	simm.s32 $0x9;
	_ =	strace $0x8000004E  }
0xb4: {  	_ =	swait.ge [sflag:s29], $0x1  }
0xb5: {  	[sflag:s29] =	ssyncadd.s32 $0xFFFFFFFF  }
0xb6: {  	_ =	strace $0x9000004E  }
0xb7: {  	_ =	sfence  }
0xb8: {  	s30 =	sld [smem:$0x0];
	_ =	sdelay $0x2  }
0xb9: {  	s31 =	sshll.u32 s1, $0xD;
	s1 =	sshrl.u32 s1, $0x2  }
0xba: {  	s3 =	sand.u32 $0x4000, s31;
	s1 =	sadd.s32 s1, s30  }
0xbb: {  	s0 =	sor.u32 s3, s0;
	s1 =	sshll.u32 s1, $0x11  }
0xbc: {  	s0 =	sor.u32 s1, s0  }
0xbd: {  	s0 =	sadd.s32 $0x8F2B, s0  }
0xbe: {  	[sflag:s0] =	ssyncadd.remote.s32 $0x1  }
0xbf: {  	_ =	sfence.sel $0xFFFF  }
0xc0: {  	[dreg:$0x0] =	wrdreg $0xFFFFFFFF;
	(pc) =	sbr.abs _section_cstart, $3  }
0xc1: {  	[dreg:$0x1] =	wrdreg $0xFFFFFFFF  }
0xc2: {  	_ =	task.clear_ibuf [dreg:s7], $0x2FFFF;
	_ =	strace $0x9FFFFFFF  }
0xc3: {  	(tm) =	ssettm $0x7FFFFFFF  }
tec
execute0_lowered:
.L_overlay_start_1:
0x0: {  	(tag) =	ssettag $0x1  }
0x1: {  	s12 =	rddreg [dreg:$0x0]  }
0x2: {  	s5 =	rddreg [dreg:$0x1]  }
0x3: {  	s0 =	srdreg.scid;
	s2 =	rddreg [dreg:$0x2]  }
0x4: {  	s1 =	stileid.u32;
	s3 =	simm.s32 $0x0;
	s17 =	simm.s32 $0x3  }
0x5: {  	s18 =	simm.s32 $0x1400;
	s19 =	simm.s32 $0x7D;
	s20 =	simm.s32 $0x6800  }
0x6: {  	s21 =	simm.s32 $0x1;
	s22 =	simm.s32 $0x2;
	s23 =	simm.s32 $0x1380  }
0x7: {  	s24 =	simm.s32 $0x2700;
	s6 =	sand.u32 $0x1, s0;
	s0 =	rddreg [dreg:$0x3]  }
0x8: {  	s25 =	simm.s32 $0x2780;
	s7 =	smul.u32 $0x14000, s1;
	[smem:$0x7FF] =	sst s3  }
0x9: {  	s13 =	sadd.s32 $0x2A00, s5;
	s8 =	smul.u32 $0x50000, s1;
	s28 =	sshll.u32 s1, $0x1  }
0xa: {  	s4 =	smul.u32 $0x140000, s6;
	_ =	strace $0x8000004D;
	s9 =	sor.u32 s6, s28  }
0xb: {  	s29 =	ssub.s32 $0x2, s6;
	s30 =	sshrl.u32 s8, $0x2;
	s10 =	smul.u32 $0x2800, s9  }
0xc: {  	s31 =	sshrl.u32 s29, $0x1;
	s11 =	smul.u32 $0x500, s9;
	s4 =	sadd.s32 s7, s4  }
0xd: {  	s15 =	ssub.s32 s29, s31;
	s7 =	sshrl.u32 s4, $0x3;
	s4 =	sadd.s32 $0xCA00, s5  }
0xe: {  	s16 =	sshrl.u32 s10, $0x3;
	s10 =	sadd.s32 s12, s11;
	s11 =	sadd.s32 s13, s11  }
0xf: {  	s15 =	smax.u32 s15, $0x1;
	s14 =	sadd.s32 s7, s5;
	s5 =	sadd.s32 s30, s2  }
0x10: {  	s16 =	sadd.s32 $0x280, s16;
	s6 =	sadd.s32 $0x4000, s5;
	s7 =	sadd.s32 $0x8000, s5  }
0x11: {  	s8 =	sadd.s32 $0xC000, s5;
	s9 =	sadd.s32 $0x10000, s5;
	s12 =	sadd.s32 s12, s16  }
0x12: {  	v0 =	vimm.f32 $0.0e+00;
	s13 =	sadd.s32 s13, s16;
	s14 =	sadd.s32 $0x33C00, s14;
	s16 =	simm.s32 $0x2800  }
.LBB2_1:
0x13: {  	s26 =	simm.s32 $0x0;
	s28 =	simm.s32 $0x200  }
.LBB2_2:
0x14: {  	p0 =	sne.s32 s28, $0xFE00;
	[tilespmem:s26+$0x2870] =	vst v0  }
0x15: {  	[tilespmem:s26+$0x2800] =	vst v0  }
0x16: {  	[tilespmem:s26+$0x2810] =	vst v0  }
.Ltmp0:
0x17: {  	[tilespmem:s26+$0x2820] =	vst v0;
	(pc) =	sbr.rel @p0 .LBB2_2-.Ltmp0, $4  }
0x18: {  	[tilespmem:s26+$0x2830] =	vst v0  }
0x19: {  	[tilespmem:s26+$0x2840] =	vst v0  }
0x1a: {  	[tilespmem:s26+$0x2850] =	vst v0  }
0x1b: {  	[tilespmem:s26+$0x2860] =	vst v0;
	s26 =	sshra.s32 s28, $0x2;
	s28 =	sadd.s32 $0x200, s28  }
0x1c: {  	[tilespmem:s26+$0x2870] =	vst v0  }
0x1d: {  	[tilespmem:s26+$0x2800] =	vst v0  }
0x1e: {  	[tilespmem:s26+$0x2810] =	vst v0  }
0x1f: {  	[tilespmem:s26+$0x2820] =	vst v0  }
0x20: {  	[tilespmem:s26+$0x2830] =	vst v0  }
0x21: {  	[tilespmem:s26+$0x2840] =	vst v0  }
0x22: {  	[tilespmem:s26+$0x2850] =	vst v0  }
0x23: {  	[tilespmem:s26+$0x2860] =	vst v0  }
0x24: {  	[spmem:s5] =	stream.linear.scatter [tilespmem:s16], [sflag:$0x3], $0x4000, $0x38;
	[tilespmem:$0x1E800] =	vst v63  }
0x25: {  	_ =	swait.ge [sflag:s17], $0x4000  }
0x26: {  	[sflag:s17] =	ssyncset.done $0x0  }
0x27: {  	[sflag:s17] =	ssyncadd.s32 $0xFFFFC000  }
0x28: {  	[spmem:s6] =	stream.linear.scatter [tilespmem:s16], [sflag:$0x3], $0x4000, $0x38;
	[tilespmem:$0x1E800] =	vst v63  }
0x29: {  	_ =	swait.ge [sflag:s17], $0x4000  }
0x2a: {  	[sflag:s17] =	ssyncset.done $0x0  }
0x2b: {  	[sflag:s17] =	ssyncadd.s32 $0xFFFFC000  }
0x2c: {  	[spmem:s7] =	stream.linear.scatter [tilespmem:s16], [sflag:$0x3], $0x4000, $0x38;
	[tilespmem:$0x1E800] =	vst v63  }
0x2d: {  	_ =	swait.ge [sflag:s17], $0x4000  }
0x2e: {  	[sflag:s17] =	ssyncset.done $0x0  }
0x2f: {  	[sflag:s17] =	ssyncadd.s32 $0xFFFFC000  }
0x30: {  	[spmem:s8] =	stream.linear.scatter [tilespmem:s16], [sflag:$0x3], $0x4000, $0x38;
	[tilespmem:$0x1E800] =	vst v63  }
0x31: {  	_ =	swait.ge [sflag:s17], $0x4000  }
0x32: {  	[sflag:s17] =	ssyncset.done $0x0  }
0x33: {  	[sflag:s17] =	ssyncadd.s32 $0xFFFFC000  }
0x34: {  	[spmem:s9] =	stream.linear.scatter [tilespmem:s16], [sflag:$0x3], $0x4000, $0x38;
	[tilespmem:$0x1E800] =	vst v63  }
0x35: {  	_ =	swait.ge [sflag:s17], $0x4000  }
0x36: {  	[sflag:s17] =	ssyncset.done $0x0  }
0x37: {  	[sflag:s17] =	ssyncadd.s32 $0xFFFFC000  }
0x38: {  	s30 =	simm.s32 $0x0;
	[bflag:$0x0] =	sbarrier.arrive $0xFFFF  }
0x39: {  	[tilespmem:s30], [sflag:$0x3] =	stream.linear.gather [hbm4b:s10+s30], $0x1400, $0x38;
	[tilespmem:$0x1E800] =	vst v63  }
0x3a: {  	_ =	swait.ge [sflag:s17], $0x1400  }
0x3b: {  	[sflag:s17] =	ssyncset.done $0x0  }
0x3c: {  	[sflag:s17] =	ssyncadd.s32 $0xFFFFEC00  }
0x3d: {  	[tilespmem:s18], [sflag:$0x3] =	stream.linear.gather [hbm4b:s11+s30], $0x1400, $0x38;
	[tilespmem:$0x1E800] =	vst v63  }
0x3e: {  	_ =	swait.ge [sflag:s17], $0x1400  }
0x3f: {  	[sflag:s17] =	ssyncset.done $0x0  }
0x40: {  	[sflag:s17] =	ssyncadd.s32 $0xFFFFEC00  }
0x41: {  	[tilespmem:s16], [sflag:$0x1] =	stream.indirect.gather [hbm4b:s4+s19], $0x80, s30, s19, $0xb8;
	[tilespmem:$0x1E800] =	vst v63  }
0x42: {  	s31 =	simm.s32 $0x80  }
0x43: {  	[tilespmem:s20], [sflag:$0x2] =	stream.indirect.gather [hbm4b:s4+s19], $0x80, s31, s19, $0xb8;
	[tilespmem:$0x1E800] =	vst v63  }
0x44: {  	_ =	swait.ge [sflag:s21], $0x3E80  }
0x45: {  	[sflag:s21] =	ssyncset.done $0x0  }
0x46: {  	s29 =	simm.s32 $0x1400;
	[sflag:s21] =	ssyncadd.s32 $0xFFFFC180  }
0x47: {  	[spmem:s2] =	stream.indirect.scatter.add.f32 [tilespmem:s16], [sflag:$0x3], $0x80, s29, s19, $0xb8;
	[tilespmem:$0x1E800] =	vst v63  }
0x48: {  	_ =	swait.ge [sflag:s17], $0x3E80  }
0x49: {  	[sflag:s17] =	ssyncset.done $0x0  }
0x4a: {  	s30 =	simm.s32 $0x100;
	[sflag:s17] =	ssyncadd.s32 $0xFFFFC180  }
0x4b: {  	[tilespmem:s16], [sflag:$0x1] =	stream.indirect.gather [hbm4b:s4+s19], $0x80, s30, s19, $0xb8;
	[tilespmem:$0x1E800] =	vst v63  }
0x4c: {  	_ =	swait.ge [sflag:s22], $0x3E80  }
0x4d: {  	[sflag:s22] =	ssyncset.done $0x0  }
0x4e: {  	s31 =	simm.s32 $0x1480;
	[sflag:s22] =	ssyncadd.s32 $0xFFFFC180  }
0x4f: {  	[spmem:s2] =	stream.indirect.scatter.add.f32 [tilespmem:s20], [sflag:$0x3], $0x80, s31, s19, $0xb8;
	[tilespmem:$0x1E800] =	vst v63  }
0x50: {  	_ =	swait.ge [sflag:s17], $0x3E80  }
0x51: {  	s28 =	simm.s32 $0x800;
	s26 =	simm.s32 $0x100;
	[sflag:s17] =	ssyncset.done $0x0  }
.LBB2_4:
0x52: {  	s29 =	sadd.s32 $0x80, s26  }
0x53: {  	[sflag:s17] =	ssyncadd.s32 $0xFFFFC180;
	s30 =	smov.u32 s28;
	s31 =	sadd.s32 $0x400, s28  }
0x54: {  	[tilespmem:s20], [sflag:$0x2] =	stream.indirect.gather [hbm4b:s4+s19], $0x80, s29, s19, $0xb8;
	[tilespmem:$0x1E800] =	vst v63  }
0x55: {  	p0 =	sne.s32 s28, $0x4800;
	_ =	swait.ge [sflag:s21], $0x3E80  }
0x56: {  	[sflag:s21] =	ssyncset.done $0x0  }
0x57: {  	s28 =	sadd.s32 $0x1400, s26;
	[sflag:s21] =	ssyncadd.s32 $0xFFFFC180  }
0x58: {  	[spmem:s2] =	stream.indirect.scatter.add.f32 [tilespmem:s16], [sflag:$0x3], $0x80, s28, s19, $0xb8;
	[tilespmem:$0x1E800] =	vst v63  }
0x59: {  	_ =	swait.ge [sflag:s17], $0x3E80  }
0x5a: {  	[sflag:s17] =	ssyncset.done $0x0  }
0x5b: {  	s28 =	sadd.s32 $0x100, s26;
	[sflag:s17] =	ssyncadd.s32 $0xFFFFC180  }
0x5c: {  	[tilespmem:s16], [sflag:$0x1] =	stream.indirect.gather [hbm4b:s4+s19], $0x80, s28, s19, $0xb8;
	[tilespmem:$0x1E800] =	vst v63  }
0x5d: {  	_ =	swait.ge [sflag:s22], $0x3E80  }
.Ltmp1:
0x5e: {  	[sflag:s22] =	ssyncset.done $0x0;
	(pc) =	sbr.rel @p0 .LBB2_4-.Ltmp1, $4  }
0x5f: {  	s26 =	sadd.s32 $0x1480, s26;
	[sflag:s22] =	ssyncadd.s32 $0xFFFFC180  }
0x60: {  	[spmem:s2] =	stream.indirect.scatter.add.f32 [tilespmem:s20], [sflag:$0x3], $0x80, s26, s19, $0xb8;
	[tilespmem:$0x1E800] =	vst v63  }
0x61: {  	_ =	swait.ge [sflag:s17], $0x3E80  }
0x62: {  	s28 =	smov.u32 s31;
	s26 =	sshra.s32 s30, $0x2;
	[sflag:s17] =	ssyncset.done $0x0  }
0x63: {  	s28 =	sadd.s32 $0x80, s26;
	[sflag:s17] =	ssyncadd.s32 $0xFFFFC180  }
0x64: {  	[tilespmem:s20], [sflag:$0x2] =	stream.indirect.gather [hbm4b:s4+s19], $0x80, s28, s19, $0xb8;
	[tilespmem:$0x1E800] =	vst v63  }
0x65: {  	_ =	swait.ge [sflag:s21], $0x3E80  }
0x66: {  	[sflag:s21] =	ssyncset.done $0x0  }
0x67: {  	s28 =	sadd.s32 $0x1400, s26;
	[sflag:s21] =	ssyncadd.s32 $0xFFFFC180  }
0x68: {  	[spmem:s2] =	stream.indirect.scatter.add.f32 [tilespmem:s16], [sflag:$0x3], $0x80, s28, s19, $0xb8;
	[tilespmem:$0x1E800] =	vst v63  }
0x69: {  	_ =	swait.ge [sflag:s17], $0x3E80  }
0x6a: {  	[sflag:s17] =	ssyncset.done $0x0  }
0x6b: {  	s28 =	sadd.s32 $0x100, s26;
	[sflag:s17] =	ssyncadd.s32 $0xFFFFC180  }
0x6c: {  	[tilespmem:s16], [sflag:$0x1] =	stream.indirect.gather [hbm4b:s4+s19], $0x80, s28, s19, $0xb8;
	[tilespmem:$0x1E800] =	vst v63  }
0x6d: {  	_ =	swait.ge [sflag:s22], $0x3E80  }
0x6e: {  	[sflag:s22] =	ssyncset.done $0x0  }
0x6f: {  	s29 =	sadd.s32 $0x1480, s26;
	[sflag:s22] =	ssyncadd.s32 $0xFFFFC180  }
0x70: {  	[spmem:s2] =	stream.indirect.scatter.add.f32 [tilespmem:s20], [sflag:$0x3], $0x80, s29, s19, $0xb8;
	[tilespmem:$0x1E800] =	vst v63  }
0x71: {  	_ =	swait.ge [sflag:s17], $0x3E80  }
0x72: {  	[sflag:s17] =	ssyncset.done $0x0  }
0x73: {  	[sflag:s17] =	ssyncadd.s32 $0xFFFFC180  }
0x74: {  	[tilespmem:s20], [sflag:$0x2] =	stream.indirect.gather [hbm4b:s4+s19], $0x80, s23, s19, $0xb8;
	[tilespmem:$0x1E800] =	vst v63  }
0x75: {  	_ =	swait.ge [sflag:s21], $0x3E80  }
0x76: {  	[sflag:s21] =	ssyncset.done $0x0  }
0x77: {  	[sflag:s21] =	ssyncadd.s32 $0xFFFFC180  }
0x78: {  	[spmem:s2] =	stream.indirect.scatter.add.f32 [tilespmem:s16], [sflag:$0x3], $0x80, s24, s19, $0xb8;
	[tilespmem:$0x1E800] =	vst v63  }
0x79: {  	_ =	swait.ge [sflag:s17], $0x3E80  }
0x7a: {  	[sflag:s17] =	ssyncset.done $0x0  }
0x7b: {  	[sflag:s17] =	ssyncadd.s32 $0xFFFFC180  }
0x7c: {  	_ =	swait.ge [sflag:s22], $0x3E80  }
0x7d: {  	[sflag:s22] =	ssyncset.done $0x0  }
0x7e: {  	[sflag:s22] =	ssyncadd.s32 $0xFFFFC180  }
0x7f: {  	[spmem:s2] =	stream.indirect.scatter.add.f32 [tilespmem:s20], [sflag:$0x3], $0x80, s25, s19, $0xb8;
	[tilespmem:$0x1E800] =	vst v63  }
0x80: {  	_ =	swait.ge [sflag:s17], $0x3E80  }
0x81: {  	[sflag:s17] =	ssyncset.done $0x0  }
0x82: {  	s30 =	simm.s32 $0x0;
	[sflag:s17] =	ssyncadd.s32 $0xFFFFC180  }
0x83: {  	[tilespmem:s30], [sflag:$0x3] =	stream.linear.gather [hbm4b:s12+s30], $0x1400, $0x38;
	[tilespmem:$0x1E800] =	vst v63  }
0x84: {  	_ =	swait.ge [sflag:s17], $0x1400  }
0x85: {  	[sflag:s17] =	ssyncset.done $0x0  }
0x86: {  	[sflag:s17] =	ssyncadd.s32 $0xFFFFEC00  }
0x87: {  	[tilespmem:s18], [sflag:$0x3] =	stream.linear.gather [hbm4b:s13+s30], $0x1400, $0x38;
	[tilespmem:$0x1E800] =	vst v63  }
0x88: {  	_ =	swait.ge [sflag:s17], $0x1400  }
0x89: {  	[sflag:s17] =	ssyncset.done $0x0  }
0x8a: {  	[sflag:s17] =	ssyncadd.s32 $0xFFFFEC00  }
0x8b: {  	[tilespmem:s16], [sflag:$0x1] =	stream.indirect.gather [hbm4b:s4+s19], $0x80, s30, s19, $0xb8;
	[tilespmem:$0x1E800] =	vst v63  }
0x8c: {  	s31 =	simm.s32 $0x80  }
0x8d: {  	[tilespmem:s20], [sflag:$0x2] =	stream.indirect.gather [hbm4b:s4+s19], $0x80, s31, s19, $0xb8;
	[tilespmem:$0x1E800] =	vst v63  }
0x8e: {  	_ =	swait.ge [sflag:s21], $0x3E80  }
0x8f: {  	[sflag:s21] =	ssyncset.done $0x0  }
0x90: {  	s29 =	simm.s32 $0x1400;
	[sflag:s21] =	ssyncadd.s32 $0xFFFFC180  }
0x91: {  	[spmem:s2] =	stream.indirect.scatter.add.f32 [tilespmem:s16], [sflag:$0x3], $0x80, s29, s19, $0xb8;
	[tilespmem:$0x1E800] =	vst v63  }
0x92: {  	_ =	swait.ge [sflag:s17], $0x3E80  }
0x93: {  	[sflag:s17] =	ssyncset.done $0x0  }
0x94: {  	s30 =	simm.s32 $0x100;
	[sflag:s17] =	ssyncadd.s32 $0xFFFFC180  }
0x95: {  	[tilespmem:s16], [sflag:$0x1] =	stream.indirect.gather [hbm4b:s4+s19], $0x80, s30, s19, $0xb8;
	[tilespmem:$0x1E800] =	vst v63  }
0x96: {  	_ =	swait.ge [sflag:s22], $0x3E80  }
0x97: {  	[sflag:s22] =	ssyncset.done $0x0  }
0x98: {  	s31 =	simm.s32 $0x1480;
	[sflag:s22] =	ssyncadd.s32 $0xFFFFC180  }
0x99: {  	[spmem:s2] =	stream.indirect.scatter.add.f32 [tilespmem:s20], [sflag:$0x3], $0x80, s31, s19, $0xb8;
	[tilespmem:$0x1E800] =	vst v63  }
0x9a: {  	_ =	swait.ge [sflag:s17], $0x3E80  }
0x9b: {  	s26 =	simm.s32 $0x100;
	s28 =	simm.s32 $0x800;
	[sflag:s17] =	ssyncset.done $0x0  }
.LBB2_6:
0x9c: {  	s29 =	sadd.s32 $0x80, s26  }
0x9d: {  	[sflag:s17] =	ssyncadd.s32 $0xFFFFC180;
	s30 =	smov.u32 s28;
	s31 =	sadd.s32 $0x400, s28  }
0x9e: {  	[tilespmem:s20], [sflag:$0x2] =	stream.indirect.gather [hbm4b:s4+s19], $0x80, s29, s19, $0xb8;
	[tilespmem:$0x1E800] =	vst v63  }
0x9f: {  	p0 =	sne.s32 s28, $0x4800;
	_ =	swait.ge [sflag:s21], $0x3E80  }
0xa0: {  	[sflag:s21] =	ssyncset.done $0x0  }
0xa1: {  	s28 =	sadd.s32 $0x1400, s26;
	[sflag:s21] =	ssyncadd.s32 $0xFFFFC180  }
0xa2: {  	[spmem:s2] =	stream.indirect.scatter.add.f32 [tilespmem:s16], [sflag:$0x3], $0x80, s28, s19, $0xb8;
	[tilespmem:$0x1E800] =	vst v63  }
0xa3: {  	_ =	swait.ge [sflag:s17], $0x3E80  }
0xa4: {  	[sflag:s17] =	ssyncset.done $0x0  }
0xa5: {  	s28 =	sadd.s32 $0x100, s26;
	[sflag:s17] =	ssyncadd.s32 $0xFFFFC180  }
0xa6: {  	[tilespmem:s16], [sflag:$0x1] =	stream.indirect.gather [hbm4b:s4+s19], $0x80, s28, s19, $0xb8;
	[tilespmem:$0x1E800] =	vst v63  }
0xa7: {  	_ =	swait.ge [sflag:s22], $0x3E80  }
.Ltmp2:
0xa8: {  	[sflag:s22] =	ssyncset.done $0x0;
	(pc) =	sbr.rel @p0 .LBB2_6-.Ltmp2, $4  }
0xa9: {  	s26 =	sadd.s32 $0x1480, s26;
	[sflag:s22] =	ssyncadd.s32 $0xFFFFC180  }
0xaa: {  	[spmem:s2] =	stream.indirect.scatter.add.f32 [tilespmem:s20], [sflag:$0x3], $0x80, s26, s19, $0xb8;
	[tilespmem:$0x1E800] =	vst v63  }
0xab: {  	_ =	swait.ge [sflag:s17], $0x3E80  }
0xac: {  	s28 =	smov.u32 s31;
	s26 =	sshra.s32 s30, $0x2;
	[sflag:s17] =	ssyncset.done $0x0  }
0xad: {  	s28 =	sadd.s32 $0x80, s26;
	[sflag:s17] =	ssyncadd.s32 $0xFFFFC180  }
0xae: {  	[tilespmem:s20], [sflag:$0x2] =	stream.indirect.gather [hbm4b:s4+s19], $0x80, s28, s19, $0xb8;
	[tilespmem:$0x1E800] =	vst v63  }
0xaf: {  	_ =	swait.ge [sflag:s21], $0x3E80  }
0xb0: {  	[sflag:s21] =	ssyncset.done $0x0  }
0xb1: {  	s30 =	sadd.s32 $0x1400, s26;
	[sflag:s21] =	ssyncadd.s32 $0xFFFFC180  }
0xb2: {  	[spmem:s2] =	stream.indirect.scatter.add.f32 [tilespmem:s16], [sflag:$0x3], $0x80, s30, s19, $0xb8;
	[tilespmem:$0x1E800] =	vst v63  }
0xb3: {  	_ =	swait.ge [sflag:s17], $0x3E80  }
0xb4: {  	[sflag:s17] =	ssyncset.done $0x0  }
0xb5: {  	s31 =	sadd.s32 $0x100, s26;
	[sflag:s17] =	ssyncadd.s32 $0xFFFFC180  }
0xb6: {  	[tilespmem:s16], [sflag:$0x1] =	stream.indirect.gather [hbm4b:s4+s19], $0x80, s31, s19, $0xb8;
	[tilespmem:$0x1E800] =	vst v63  }
0xb7: {  	_ =	swait.ge [sflag:s22], $0x3E80  }
0xb8: {  	[sflag:s22] =	ssyncset.done $0x0  }
0xb9: {  	s29 =	sadd.s32 $0x1480, s26;
	[sflag:s22] =	ssyncadd.s32 $0xFFFFC180  }
0xba: {  	[spmem:s2] =	stream.indirect.scatter.add.f32 [tilespmem:s20], [sflag:$0x3], $0x80, s29, s19, $0xb8;
	[tilespmem:$0x1E800] =	vst v63  }
0xbb: {  	_ =	swait.ge [sflag:s17], $0x3E80  }
0xbc: {  	[sflag:s17] =	ssyncset.done $0x0  }
0xbd: {  	[sflag:s17] =	ssyncadd.s32 $0xFFFFC180  }
0xbe: {  	[tilespmem:s20], [sflag:$0x2] =	stream.indirect.gather [hbm4b:s4+s19], $0x80, s23, s19, $0xb8;
	[tilespmem:$0x1E800] =	vst v63  }
0xbf: {  	_ =	swait.ge [sflag:s21], $0x3E80  }
0xc0: {  	[sflag:s21] =	ssyncset.done $0x0  }
0xc1: {  	[sflag:s21] =	ssyncadd.s32 $0xFFFFC180  }
0xc2: {  	[spmem:s2] =	stream.indirect.scatter.add.f32 [tilespmem:s16], [sflag:$0x3], $0x80, s24, s19, $0xb8;
	[tilespmem:$0x1E800] =	vst v63  }
0xc3: {  	_ =	swait.ge [sflag:s17], $0x3E80  }
0xc4: {  	[sflag:s17] =	ssyncset.done $0x0  }
0xc5: {  	[sflag:s17] =	ssyncadd.s32 $0xFFFFC180  }
0xc6: {  	_ =	swait.ge [sflag:s22], $0x3E80  }
0xc7: {  	[sflag:s22] =	ssyncset.done $0x0  }
0xc8: {  	[sflag:s22] =	ssyncadd.s32 $0xFFFFC180  }
0xc9: {  	[spmem:s2] =	stream.indirect.scatter.add.f32 [tilespmem:s20], [sflag:$0x3], $0x80, s25, s19, $0xb8;
	[tilespmem:$0x1E800] =	vst v63  }
0xca: {  	_ =	swait.ge [sflag:s17], $0x3E80  }
0xcb: {  	s3 =	sadd.s32 $0x1, s3;
	s30 =	sshll.u32 s1, $0x6;
	[sflag:s17] =	ssyncset.done $0x0  }
0xcc: {  	p0 =	sne.s32 s3, s15;
	s26 =	sor.u32 $0x1C03, s30;
	[sflag:s17] =	ssyncadd.s32 $0xFFFFC180  }
.Ltmp3:
0xcd: {  	s31 =	sshrl.u32 s5, $0x3;
	[bflag:$0x0] =	sbarrier.arrive $0xFFFF;
	(pc) =	sbr.rel @p0 .LBB2_1-.Ltmp3, $4  }
0xce: {  	[hbm:s14], [sflag:s26] =	dma.local [spmem:s31], $0x2800  }
0xcf: {  	_ =	swait.ge [sflag:s17], $0x2800  }
0xd0: {  	[sflag:s17] =	ssyncset.done $0x0  }
0xd1: {  	[sflag:s17] =	ssyncadd.s32 $0xFFFFD800  }
0xd2: {  	_ =	sfence.sel $0x180000  }
0xd3: {  	[bflag:$0x0] =	sbarrier.arrive $0xFFFF  }
0xd4: {  	p0 =	sne.s32 s1, $0x0;
	_ =	strace $0x9000004D  }
0xd5: {  	s0 =	sadd.s32 @!p0 $0x100000, s0;
	[bflag:$0x2] =	sbarrier.arrive $0xFFFF  }
0xd6: {  	[sflag:s0] =	ssyncadd.tile.s32 @!p0 $0x1;
	_ =	shalt  }
.Lfunc_end2:
_tile_overlayer_lowered:
.L_overlay_start_2:
0xd7: {  	(tag) =	ssettag $0x2  }
0xd8: {  	s0 =	rddreg [dreg:$0x0];
	s2 =	stileid.u32  }
0xd9: {  	s1 =	rddreg [dreg:$0x1];
	p0 =	sne.s32 s2, $0x0  }
0xda: {  	s3 =	rddreg [dreg:$0x2];
	[bflag:$0x3] =	sbarrier.arrive $0xFFFF;
	s2 =	simm.s32 @!p0 $0x1C03  }
0xdb: {  	[timem:s3], [sflag:s2] =	dma.local @!p0 [hbm:s0], s1  }
0xdc: {  	s0 =	simm.s32 @!p0 $0x3  }
0xdd: {  	_ =	swait.ge @!p0 [sflag:s0], s1  }
0xde: {  	s1 =	ssub.s32 @!p0 $0x0, s1;
	[sflag:s0] =	ssyncset.done @!p0 $0x0  }
0xdf: {  	[sflag:s0] =	ssyncadd.s32 @!p0 s1  }
0xe0: {  	[bflag:$0x3] =	sbarrier.arrive $0xFFFF  }
0xe1: {  	_ =	shalt  }

// kernel: kernel.9.cloned.1.call-start
scs
__scs_entry_jumppad:
0x0: {  	(pc) =	sbr.rel $0x88, $3  }
0x1: {  	(tag) =	ssettag $0x0;
	lr =	simm.s32 $0x1  }
0x2: {  	[smem:$0x3F94] =	sst lr;
	_ =	strace $0xD0000000  }
0x3: {  	_ = 	snop  }
0x4: {  	_ = 	snop  }
0x5: {  	_ = 	snop  }
0x6: {  	_ = 	snop  }
0x7: {  	_ = 	snop  }
__scs_overlays_trampoline_lowered:
0x8: {  	[smem:$0x3FA3] =	sst s0  }
0x9: {  	[smem:$0x3FA4] =	sst s1  }
0xa: {  	[smem:$0x3FA5] =	sst s2  }
0xb: {  	[smem:$0x3FA6] =	sst s3  }
0xc: {  	[smem:$0x3FA7] =	sst s4  }
0xd: {  	[smem:$0x3FA8] =	sst s5  }
0xe: {  	[smem:$0x3FA9] =	sst s6  }
0xf: {  	[smem:$0x3FAA] =	sst s7  }
0x10: {  	[smem:$0x3FAB] =	sst s8  }
0x11: {  	[smem:$0x3FAC] =	sst s9;
	s0 =	simm.s32 @!p0 $0x0  }
0x12: {  	s1 =	sld [smem:$0x3F92];
	s0 =	simm.s32 @p0 $0x1  }
0x13: {  	[smem:$0x3FAD] =	sst s0;
	s0 =	simm.s32 @!p1 $0x0  }
0x14: {  	s2 =	sld [smem:$0x3F91];
	s0 =	simm.s32 @p1 $0x1  }
0x15: {  	[smem:$0x3FAE] =	sst s0;
	s0 =	simm.s32 @!p2 $0x0  }
0x16: {  	s3 =	sld [smem:$0x3FDB];
	s0 =	simm.s32 @p2 $0x1  }
0x17: {  	s4 =	simm.s32 $0x1BF5;
	[smem:$0x3FB0] =	sst s0  }
0x18: {  	s0 =	sld [smem:$0x3F93];
	_ =	swait.ge [sflag:s4], $0x0  }
0x19: {  	s7 =	sld [smem:$0x3F94]  }
0x1a: {  	s8 =	sadd.s32 $0xFFFFE003, lr  }
0x1b: {  	s9 =	sadd.s32 $0xFFFFFEF7, lr;
	s5 =	simm.s32 $0xFFFFFFFF;
	p2 =	slt.u32 s8, $0xFFFFF086  }
0x1c: {  	p1 =	slt.u32 s9, $0xF7A;
	s5 =	simm.s32 @!p2 $0x0  }
0x1d: {  	s5 =	simm.s32 @p1 $0x1;
	p0 =	seq.s32 s7, s2  }
0x1e: {  	s7 =	smul.u32 @!p0 $0xF7A, s2;
	p2 =	seq.s32 @!p0 s5, $0x0  }
0x1f: {  	s9 =	smul.u32 $0xF7A, s1;
	s8 =	simm.s32 @!p0 $0x1BF5;
	p2 =	por !p2, p0  }
0x20: {  	[sflag:s8] =	ssyncset.s32 @!p0 $0xFFFFF086;
	s6 =	sadd.s32 @!p0 s3, s7;
	s7 =	simm.s32 @!p0 $0x108  }
0x21: {  	s3 =	sadd.s32 s3, s9;
	s6 =	sadd.s32 @!p0 $0x88, s6;
	s7 =	simm.s32 @p2 $0x1082  }
0x22: {  	[simem:s7], [sflag:s8] =	dma.local @!p0 [hbm:s6], $0xF7A  }
0x23: {  	s9 =	sor.u32 $0xD0000000, s2;
	s6 =	simm.s32 $0x108;
	_ =	swait.ge @!p0 [sflag:s8], $0x0  }
0x24: {  	s3 =	sadd.s32 $0x88, s3;
	s6 =	simm.s32 @!p1 $0x1082;
	[sflag:s4] =	ssyncset.s32 $0xFFFFF086  }
0x25: {  	[simem:s6], [sflag:s4] =	dma.local [hbm:s3], $0xF7A  }
0x26: {  	[smem:$0x3F94] =	sst s1;
	(tag) =	ssettag s2;
	_ =	strace s9  }
0x27: {  	s1 =	sld [smem:$0x3FA4]  }
0x28: {  	s2 =	sld [smem:$0x3FA5]  }
0x29: {  	s4 =	sld [smem:$0x3FA7]  }
0x2a: {  	p0 =	seq.s32 s5, $0x0;
	s5 =	sld [smem:$0x3FA8]  }
0x2b: {  	s6 =	sld [smem:$0x3FA9]  }
0x2c: {  	s7 =	sld [smem:$0x3FAA]  }
0x2d: {  	s3 =	simm.s32 $0x108;
	s8 =	sld [smem:$0x3FAB]  }
0x2e: {  	s3 =	simm.s32 @!p0 $0x1082;
	s9 =	sld [smem:$0x3FAC]  }
0x2f: {  	lr =	sadd.s32 s0, s3;
	s0 =	sld [smem:$0x3FA3]  }
0x30: {  	s3 =	sld [smem:$0x3FA6]  }
0x31: {  	[smem:$0x3FAF] =	sst s10  }
0x32: {  	s10 =	sld [smem:$0x3FAD];
	_ =	sdelay $0x3  }
0x33: {  	p0 =	seq.s32 s10, $0x1;
	s10 =	sld [smem:$0x3FAF];
	_ =	sdelay $0x3  }
0x34: {  	[smem:$0x3FAF] =	sst s10  }
0x35: {  	s10 =	sld [smem:$0x3FAE];
	_ =	sdelay $0x3  }
0x36: {  	p1 =	seq.s32 s10, $0x1;
	s10 =	sld [smem:$0x3FAF];
	_ =	sdelay $0x3  }
0x37: {  	[smem:$0x3FAF] =	sst s10  }
0x38: {  	s10 =	sld [smem:$0x3FB0]  }
0x39: {  	_ = 	snop;
	(pc) =	sbr.ind lr, $3  }
0x3a: {  	_ = 	snop  }
0x3b: {  	_ = 	snop  }
0x3c: {  	p2 =	seq.s32 s10, $0x1;
	s10 =	sld [smem:$0x3FAF]  }
0x3d: {  	_ =	shalt  }
0x3e: {  	_ =	shalt  }
0x3f: {  	_ =	shalt  }
0x40: {  	_ =	shalt  }
0x41: {  	_ =	shalt  }
0x42: {  	_ =	shalt  }
0x43: {  	_ =	shalt  }
0x44: {  	_ =	shalt  }
0x45: {  	_ =	shalt  }
0x46: {  	_ =	shalt  }
0x47: {  	_ =	shalt  }
0x48: {  	_ =	shalt  }
0x49: {  	_ =	shalt  }
0x4a: {  	_ =	shalt  }
0x4b: {  	_ =	shalt  }
0x4c: {  	_ =	shalt  }
0x4d: {  	_ =	shalt  }
0x4e: {  	_ =	shalt  }
0x4f: {  	_ =	shalt  }
0x50: {  	_ =	shalt  }
0x51: {  	_ =	shalt  }
0x52: {  	_ =	shalt  }
0x53: {  	_ =	shalt  }
0x54: {  	_ =	shalt  }
0x55: {  	_ =	shalt  }
0x56: {  	_ =	shalt  }
0x57: {  	_ =	shalt  }
0x58: {  	_ =	shalt  }
0x59: {  	_ =	shalt  }
0x5a: {  	_ =	shalt  }
0x5b: {  	_ =	shalt  }
0x5c: {  	_ =	shalt  }
0x5d: {  	_ =	shalt  }
0x5e: {  	_ =	shalt  }
0x5f: {  	_ =	shalt  }
0x60: {  	_ =	shalt  }
0x61: {  	_ =	shalt  }
0x62: {  	_ =	shalt  }
0x63: {  	_ =	shalt  }
0x64: {  	_ =	shalt  }
0x65: {  	_ =	shalt  }
0x66: {  	_ =	shalt  }
0x67: {  	_ =	shalt  }
0x68: {  	_ =	shalt  }
0x69: {  	_ =	shalt  }
0x6a: {  	_ =	shalt  }
0x6b: {  	_ =	shalt  }
0x6c: {  	_ =	shalt  }
0x6d: {  	_ =	shalt  }
0x6e: {  	_ =	shalt  }
0x6f: {  	_ =	shalt  }
0x70: {  	_ =	shalt  }
0x71: {  	_ =	shalt  }
0x72: {  	_ =	shalt  }
0x73: {  	_ =	shalt  }
0x74: {  	_ =	shalt  }
0x75: {  	_ =	shalt  }
0x76: {  	_ =	shalt  }
0x77: {  	_ =	shalt  }
0x78: {  	_ =	shalt  }
0x79: {  	_ =	shalt  }
0x7a: {  	_ =	shalt  }
0x7b: {  	_ =	shalt  }
0x7c: {  	_ =	shalt  }
0x7d: {  	_ =	shalt  }
0x7e: {  	_ =	shalt  }
0x7f: {  	_ =	shalt  }
0x80: {  	_ =	shalt  }
0x81: {  	_ =	shalt  }
0x82: {  	_ =	shalt  }
0x83: {  	_ =	shalt  }
0x84: {  	_ =	shalt  }
0x85: {  	_ =	shalt  }
0x86: {  	_ =	shalt  }
0x87: {  	_ =	shalt  }
.Lfunc_end0:
.L_simem_size_0:
called_computation_lowered:
.L_overlay_start_0:
0x88: {  	s2 =	sld [smem:$0x3FD9]  }
0x89: {  	s3 =	sld [smem:$0x3FFE];
	_ =	sdelay $0x1  }
0x8a: {  	s1 =	srdreg.scid  }
0x8b: {  	s0 =	sand.u32 $0x1, s1  }
0x8c: {  	s17 =	sshll.u32 s0, $0xA;
	s2 =	sadd.s32 s3, s2  }
0x8d: {  	s2 =	sadd.s32 s2, s17  }
0x8e: {  	[smem:$0x3FBB] =	sst s2  }
0x8f: {  	_ = 	snop  }
0x90: {  	s2 =	sld [smem:$0x3FC9]  }
0x91: {  	s18 =	sld [smem:$0x3FD0];
	(tm) =	ssettm $0x1  }
0x92: {  	s4 =	sld [smem:$0x3FFB];
	_ =	sdelay $0x3  }
0x93: {  	_ =	strace s4  }
0x94: {  	s4 =	sld [smem:$0x3FFC];
	_ =	sdelay $0x3  }
0x95: {  	_ =	strace s4  }
0x96: {  	s4 =	sld [smem:$0x3FFD];
	_ =	sdelay $0x3  }
0x97: {  	_ =	strace s4  }
0x98: {  	_ =	strace $0x8FFFFFFF  }
0x99: {  	s19 =	sld [smem:$0x3FDB];
	_ =	sdelay $0x1  }
0x9a: {  	s5 =	simm.s32 $_scs_section_size  }
0x9b: {  	s6 =	simm.s32 $_size__tile_overlayer_lowered;
	s7 =	simm.s32 $_tile_overlayer_lowered  }
0x9c: {  	s22 =	simm.s32 $0x1BFF;
	s21 =	sshll.u32 s7, $0x1;
	s4 =	sadd.s32 s5, s19  }
0x9d: {  	s8 =	simm.s32 $0x0;
	s20 =	sshll.u32 s6, $0x1;
	s6 =	sadd.s32 s21, s4  }
0x9e: {  	[timem:s8], [sflag:s22] =	dma.local [hbm:s6], s20  }
0x9f: {  	_ =	swait.ge [sflag:s22], s20  }
0xa0: {  	s5 =	ssub.s32 $0x0, s20;
	[sflag:s22] =	ssyncset.done $0x0  }
0xa1: {  	[sflag:s22] =	ssyncadd.s32 s5;
	_ =	sdelay $0x1  }
0xa2: {  	s23 =	simm.s32 $0x1B8B  }
0xa3: {  	_ =	swait.ge [sflag:s23], $0x1  }
0xa4: {  	[sflag:s23] =	ssyncset.done $0x0  }
0xa5: {  	s25 =	simm.s32 $0x1B8E;
	s24 =	sld [smem:$0x3FFE];
	[sflag:s23] =	ssyncadd.s32 $0xFFFFFFFF  }
0xa6: {  	s26 =	simm.s32 $execute0_lowered;
	[smem:$0x3FD2] =	sst s25  }
0xa7: {  	s6 =	sshll.u32 s26, $0x1;
	_ =	strace $0x80000046;
	[dreg:$0x1] =	wrdreg $0xFFFFFFFF  }
0xa8: {  	s28 =	simm.s32 $_size_execute0_lowered;
	s4 =	sadd.s32 s4, s6;
	[dreg:$0x0] =	wrdreg $0x0  }
0xa9: {  	s6 =	sshll.u32 s28, $0x1;
	[dreg:$0x2] =	wrdreg s4  }
0xaa: {  	[dreg:$0x3] =	wrdreg s6  }
0xab: {  	[dreg:$0x4] =	wrdreg $0xC0  }
0xac: {  	_ =	task [dreg:s8], $0x5FFFF  }
0xad: {  	[dreg:$0x1] =	wrdreg $0xFFFFFFFF  }
0xae: {  	[dreg:$0x0] =	wrdreg $0x60  }
0xaf: {  	[dreg:$0x2] =	wrdreg s18  }
0xb0: {  	[dreg:$0x3] =	wrdreg s24  }
0xb1: {  	[dreg:$0x4] =	wrdreg s2  }
0xb2: {  	[dreg:$0x5] =	wrdreg $0xA8000  }
0xb3: {  	[dreg:$0x6] =	wrdreg $0x9  }
0xb4: {  	_ =	task.clear_ibuf [dreg:s8], $0x7FFFF;
	_ =	strace $0x90000046  }
0xb5: {  	s29 =	simm.s32 $0x9;
	_ =	strace $0x80000048  }
0xb6: {  	_ =	swait.ge [sflag:s29], $0x1  }
0xb7: {  	[sflag:s29] =	ssyncadd.s32 $0xFFFFFFFF  }
0xb8: {  	_ =	strace $0x90000048  }
0xb9: {  	_ =	sfence  }
0xba: {  	s30 =	sld [smem:$0x0];
	_ =	sdelay $0x2  }
0xbb: {  	s31 =	sshll.u32 s1, $0xD;
	s1 =	sshrl.u32 s1, $0x2  }
0xbc: {  	s3 =	sand.u32 $0x4000, s31;
	s1 =	sadd.s32 s1, s30  }
0xbd: {  	s0 =	sor.u32 s3, s0;
	s1 =	sshll.u32 s1, $0x11  }
0xbe: {  	s0 =	sor.u32 s1, s0  }
0xbf: {  	s0 =	sadd.s32 $0x8F2B, s0  }
0xc0: {  	[sflag:s0] =	ssyncadd.remote.s32 $0x1  }
0xc1: {  	_ =	sfence.sel $0xFFFF  }
0xc2: {  	[dreg:$0x0] =	wrdreg $0xFFFFFFFF;
	(pc) =	sbr.abs _section_cstart, $3  }
0xc3: {  	[dreg:$0x1] =	wrdreg $0xFFFFFFFF  }
0xc4: {  	_ =	task.clear_ibuf [dreg:s8], $0x2FFFF;
	_ =	strace $0x9FFFFFFF  }
0xc5: {  	(tm) =	ssettm $0x7FFFFFFF  }
tec
execute0_lowered:
.L_overlay_start_1:
0x0: {  	(tag) =	ssettag $0x1  }
0x1: {  	s0 =	rddreg [dreg:$0x0]  }
0x2: {  	s1 =	rddreg [dreg:$0x1]  }
0x3: {  	s2 =	rddreg [dreg:$0x2];
	s4 =	srdreg.scid  }
0x4: {  	s3 =	rddreg [dreg:$0x3];
	s7 =	stileid.u32;
	s8 =	simm.s32 $0x0  }
0x5: {  	s17 =	simm.s32 $0x2800;
	s18 =	simm.s32 $0x4;
	s29 =	simm.s32 $0x0  }
0x6: {  	s28 =	simm.s32 $0x1780;
	s19 =	simm.s32 $0x1A00;
	s9 =	simm.s32 $0x1B00  }
0x7: {  	s4 =	sand.u32 $0x1, s4;
	s6 =	smul.u32 $0x14000, s7;
	[smem:$0x7FF] =	sst s8  }
0x8: {  	s10 =	sadd.s32 $0x2A00, s1;
	s20 =	smul.u32 $0x50000, s7;
	s7 =	sshll.u32 s7, $0x1  }
0x9: {  	s5 =	smul.u32 $0x140000, s4;
	s21 =	ssub.s32 $0x2, s4;
	s4 =	sor.u32 s4, s7  }
0xa: {  	s8 =	simm.s32 $0x1A80;
	_ =	strace $0x80000047;
	s11 =	smul.u32 $0x2800, s4  }
0xb: {  	s22 =	sshrl.u32 s21, $0x1;
	s4 =	smul.u32 $0x500, s4;
	s5 =	sadd.s32 s6, s5  }
0xc: {  	s6 =	sshrl.u32 s20, $0x2;
	s12 =	ssub.s32 s21, s22;
	s20 =	simm.s32 $0x7D  }
0xd: {  	s21 =	simm.s32 $0x6800;
	s22 =	simm.s32 $0x1;
	s23 =	sadd.s32 s0, s4  }
0xe: {  	s5 =	sshrl.u32 s5, $0x3;
	s4 =	sadd.s32 s10, s4;
	[dreg:$0x5] =	wrdreg s23  }
0xf: {  	s7 =	sadd.s32 s6, s3;
	s31 =	smax.u32 s12, $0x1;
	[dreg:$0xa] =	wrdreg s4  }
0x10: {  	s13 =	sshrl.u32 s11, $0x3;
	s12 =	simm.s32 $0x2780;
	[dreg:$0x9] =	wrdreg s31  }
0x11: {  	s11 =	simm.s32 $0x1B80;
	s6 =	sadd.s32 $0x4000, s7;
	[dreg:$0xd] =	wrdreg s7  }
0x12: {  	s1 =	sadd.s32 s5, s1;
	s14 =	sadd.s32 $0x8000, s7;
	[dreg:$0xc] =	wrdreg s6  }
0x13: {  	s15 =	sadd.s32 $0xC000, s7;
	s16 =	sadd.s32 $0x10000, s7;
	[dreg:$0xe] =	wrdreg s14  }
0x14: {  	s24 =	sadd.s32 $0x280, s13;
	s5 =	simm.s32 $0x1400;
	[dreg:$0xf] =	wrdreg s15  }
0x15: {  	s23 =	simm.s32 $0x2;
	s0 =	sadd.s32 s0, s24;
	[dreg:$0x10] =	wrdreg s16  }
0x16: {  	s13 =	simm.s32 $0x1900;
	s25 =	sadd.s32 s10, s24;
	[dreg:$0x6] =	wrdreg s0  }
0x17: {  	s26 =	sadd.s32 $0x5CA00, s1;
	s30 =	sadd.s32 $0xCA00, s1;
	[dreg:$0xb] =	wrdreg s25  }
0x18: {  	s10 =	simm.s32 $0x3;
	s24 =	simm.s32 $0x1600;
	[dreg:$0x7] =	wrdreg s26  }
0x19: {  	v0 =	vimm.f32 $0.0e+00;
	v1 =	vimm.f32 $1.000000000e+00;
	[dreg:$0x8] =	wrdreg s30;
	s25 =	simm.s32 $0x2700;
	s26 =	simm.s32 $0x1980  }
.LBB2_1:
0x1a: {  	s30 =	simm.s32 $0x0;
	s0 =	simm.s32 $0x200  }
.LBB2_2:
0x1b: {  	p0 =	sne.s32 s0, $0xFE00;
	[tilespmem:s30+$0x2870] =	vst v0  }
0x1c: {  	[tilespmem:s30+$0x2800] =	vst v0  }
0x1d: {  	[tilespmem:s30+$0x2810] =	vst v0  }
.Ltmp0:
0x1e: {  	[tilespmem:s30+$0x2820] =	vst v0;
	(pc) =	sbr.rel @p0 .LBB2_2-.Ltmp0, $4  }
0x1f: {  	[tilespmem:s30+$0x2830] =	vst v0  }
0x20: {  	[tilespmem:s30+$0x2840] =	vst v0  }
0x21: {  	[tilespmem:s30+$0x2850] =	vst v0  }
0x22: {  	[tilespmem:s30+$0x2860] =	vst v0;
	s30 =	sshra.s32 s0, $0x2;
	s0 =	sadd.s32 $0x200, s0  }
0x23: {  	[tilespmem:s30+$0x2870] =	vst v0  }
0x24: {  	[tilespmem:s30+$0x2800] =	vst v0  }
0x25: {  	[tilespmem:s30+$0x2810] =	vst v0  }
0x26: {  	[tilespmem:s30+$0x2820] =	vst v0  }
0x27: {  	[tilespmem:s30+$0x2830] =	vst v0  }
0x28: {  	[tilespmem:s30+$0x2840] =	vst v0  }
0x29: {  	[tilespmem:s30+$0x2850] =	vst v0  }
0x2a: {  	[tilespmem:s30+$0x2860] =	vst v0  }
0x2b: {  	[spmem:s7] =	stream.linear.scatter [tilespmem:s17], [sflag:$0x4], $0x4000, $0x38;
	[tilespmem:$0x1E800] =	vst v63  }
0x2c: {  	_ =	swait.ge [sflag:s18], $0x4000  }
0x2d: {  	[sflag:s18] =	ssyncset.done $0x0  }
0x2e: {  	[sflag:s18] =	ssyncadd.s32 $0xFFFFC000  }
0x2f: {  	[spmem:s6] =	stream.linear.scatter [tilespmem:s17], [sflag:$0x4], $0x4000, $0x38;
	[tilespmem:$0x1E800] =	vst v63  }
0x30: {  	_ =	swait.ge [sflag:s18], $0x4000  }
0x31: {  	[sflag:s18] =	ssyncset.done $0x0  }
0x32: {  	[sflag:s18] =	ssyncadd.s32 $0xFFFFC000  }
0x33: {  	[spmem:s14] =	stream.linear.scatter [tilespmem:s17], [sflag:$0x4], $0x4000, $0x38;
	[tilespmem:$0x1E800] =	vst v63  }
0x34: {  	_ =	swait.ge [sflag:s18], $0x4000  }
0x35: {  	[sflag:s18] =	ssyncset.done $0x0  }
0x36: {  	[sflag:s18] =	ssyncadd.s32 $0xFFFFC000  }
0x37: {  	[spmem:s15] =	stream.linear.scatter [tilespmem:s17], [sflag:$0x4], $0x4000, $0x38;
	[tilespmem:$0x1E800] =	vst v63  }
0x38: {  	_ =	swait.ge [sflag:s18], $0x4000  }
0x39: {  	[sflag:s18] =	ssyncset.done $0x0  }
0x3a: {  	[sflag:s18] =	ssyncadd.s32 $0xFFFFC000  }
0x3b: {  	[spmem:s16] =	stream.linear.scatter [tilespmem:s17], [sflag:$0x4], $0x4000, $0x38;
	[tilespmem:$0x1E800] =	vst v63  }
0x3c: {  	_ =	swait.ge [sflag:s18], $0x4000  }
0x3d: {  	[sflag:s18] =	ssyncset.done $0x0  }
0x3e: {  	[sflag:s18] =	ssyncadd.s32 $0xFFFFC000  }
0x3f: {  	[bflag:$0x0] =	sbarrier.arrive $0xFFFF  }
0x40: {  	s0 =	simm.s32 $0x0;
	s1 =	rddreg [dreg:$0x5]  }
0x41: {  	[tilespmem:s0], [sflag:$0x4] =	stream.linear.gather [hbm4b:s1+s0], $0x1400, $0x38;
	[tilespmem:$0x1E800] =	vst v63  }
0x42: {  	_ =	swait.ge [sflag:s18], $0x1400  }
0x43: {  	[sflag:s18] =	ssyncset.done $0x0  }
0x44: {  	s4 =	rddreg [dreg:$0xa];
	[sflag:s18] =	ssyncadd.s32 $0xFFFFEC00  }
0x45: {  	[tilespmem:s5], [sflag:$0x4] =	stream.linear.gather [hbm4b:s4+s0], $0x1400, $0x38;
	[tilespmem:$0x1E800] =	vst v63  }
0x46: {  	_ =	swait.ge [sflag:s18], $0x1400  }
0x47: {  	[sflag:s18] =	ssyncset.done $0x0  }
0x48: {  	[sflag:s18] =	ssyncadd.s32 $0xFFFFEC00  }
0x49: {  	[tilespmem:s17], [sflag:$0x1] =	stream.indirect.gather [hbm4b:s2+s20], $0x80, s0, s20, $0xb8;
	[tilespmem:$0x1E800] =	vst v63  }
0x4a: {  	s31 =	simm.s32 $0x80  }
0x4b: {  	[tilespmem:s21], [sflag:$0x2] =	stream.indirect.gather [hbm4b:s2+s20], $0x80, s31, s20, $0xb8;
	[tilespmem:$0x1E800] =	vst v63  }
0x4c: {  	_ =	swait.ge [sflag:s22], $0x3E80  }
0x4d: {  	[sflag:s22] =	ssyncset.done $0x0  }
0x4e: {  	s1 =	simm.s32 $0x1400;
	[sflag:s22] =	ssyncadd.s32 $0xFFFFC180  }
0x4f: {  	[spmem:s3] =	stream.indirect.scatter.add.f32 [tilespmem:s17], [sflag:$0x4], $0x80, s1, s20, $0xb8;
	[tilespmem:$0x1E800] =	vst v63  }
0x50: {  	_ =	swait.ge [sflag:s18], $0x3E80  }
0x51: {  	[sflag:s18] =	ssyncset.done $0x0  }
0x52: {  	s4 =	simm.s32 $0x100;
	[sflag:s18] =	ssyncadd.s32 $0xFFFFC180  }
0x53: {  	[tilespmem:s17], [sflag:$0x1] =	stream.indirect.gather [hbm4b:s2+s20], $0x80, s4, s20, $0xb8;
	[tilespmem:$0x1E800] =	vst v63  }
0x54: {  	_ =	swait.ge [sflag:s23], $0x3E80  }
0x55: {  	[sflag:s23] =	ssyncset.done $0x0  }
0x56: {  	s31 =	simm.s32 $0x1480;
	[sflag:s23] =	ssyncadd.s32 $0xFFFFC180  }
0x57: {  	[spmem:s3] =	stream.indirect.scatter.add.f32 [tilespmem:s21], [sflag:$0x4], $0x80, s31, s20, $0xb8;
	[tilespmem:$0x1E800] =	vst v63  }
0x58: {  	_ =	swait.ge [sflag:s18], $0x3E80  }
0x59: {  	s30 =	simm.s32 $0x100;
	s0 =	simm.s32 $0x800;
	[sflag:s18] =	ssyncset.done $0x0  }
.LBB2_4:
0x5a: {  	s1 =	sadd.s32 $0x80, s30  }
0x5b: {  	[sflag:s18] =	ssyncadd.s32 $0xFFFFC180;
	s31 =	smov.u32 s0;
	s4 =	sadd.s32 $0x400, s0  }
0x5c: {  	[tilespmem:s21], [sflag:$0x2] =	stream.indirect.gather [hbm4b:s2+s20], $0x80, s1, s20, $0xb8;
	[tilespmem:$0x1E800] =	vst v63  }
0x5d: {  	p0 =	sne.s32 s0, $0x4800;
	_ =	swait.ge [sflag:s22], $0x3E80  }
0x5e: {  	[sflag:s22] =	ssyncset.done $0x0  }
0x5f: {  	s0 =	sadd.s32 $0x1400, s30;
	[sflag:s22] =	ssyncadd.s32 $0xFFFFC180  }
0x60: {  	[spmem:s3] =	stream.indirect.scatter.add.f32 [tilespmem:s17], [sflag:$0x4], $0x80, s0, s20, $0xb8;
	[tilespmem:$0x1E800] =	vst v63  }
0x61: {  	_ =	swait.ge [sflag:s18], $0x3E80  }
0x62: {  	[sflag:s18] =	ssyncset.done $0x0  }
0x63: {  	s0 =	sadd.s32 $0x100, s30;
	[sflag:s18] =	ssyncadd.s32 $0xFFFFC180  }
0x64: {  	[tilespmem:s17], [sflag:$0x1] =	stream.indirect.gather [hbm4b:s2+s20], $0x80, s0, s20, $0xb8;
	[tilespmem:$0x1E800] =	vst v63  }
0x65: {  	_ =	swait.ge [sflag:s23], $0x3E80  }
.Ltmp1:
0x66: {  	[sflag:s23] =	ssyncset.done $0x0;
	(pc) =	sbr.rel @p0 .LBB2_4-.Ltmp1, $4  }
0x67: {  	s0 =	sadd.s32 $0x1480, s30;
	[sflag:s23] =	ssyncadd.s32 $0xFFFFC180  }
0x68: {  	[spmem:s3] =	stream.indirect.scatter.add.f32 [tilespmem:s21], [sflag:$0x4], $0x80, s0, s20, $0xb8;
	[tilespmem:$0x1E800] =	vst v63  }
0x69: {  	_ =	swait.ge [sflag:s18], $0x3E80  }
0x6a: {  	s30 =	sshra.s32 s31, $0x2;
	s0 =	smov.u32 s4;
	[sflag:s18] =	ssyncset.done $0x0  }
0x6b: {  	s0 =	sadd.s32 $0x80, s30;
	[sflag:s18] =	ssyncadd.s32 $0xFFFFC180  }
0x6c: {  	[tilespmem:s21], [sflag:$0x2] =	stream.indirect.gather [hbm4b:s2+s20], $0x80, s0, s20, $0xb8;
	[tilespmem:$0x1E800] =	vst v63  }
0x6d: {  	_ =	swait.ge [sflag:s22], $0x3E80  }
0x6e: {  	[sflag:s22] =	ssyncset.done $0x0  }
0x6f: {  	s1 =	sadd.s32 $0x1400, s30;
	[sflag:s22] =	ssyncadd.s32 $0xFFFFC180  }
0x70: {  	[spmem:s3] =	stream.indirect.scatter.add.f32 [tilespmem:s17], [sflag:$0x4], $0x80, s1, s20, $0xb8;
	[tilespmem:$0x1E800] =	vst v63  }
0x71: {  	_ =	swait.ge [sflag:s18], $0x3E80  }
0x72: {  	[sflag:s18] =	ssyncset.done $0x0  }
0x73: {  	s4 =	sadd.s32 $0x100, s30;
	[sflag:s18] =	ssyncadd.s32 $0xFFFFC180  }
0x74: {  	[tilespmem:s17], [sflag:$0x1] =	stream.indirect.gather [hbm4b:s2+s20], $0x80, s4, s20, $0xb8;
	[tilespmem:$0x1E800] =	vst v63  }
0x75: {  	_ =	swait.ge [sflag:s23], $0x3E80  }
0x76: {  	[sflag:s23] =	ssyncset.done $0x0  }
0x77: {  	s31 =	sadd.s32 $0x1480, s30;
	[sflag:s23] =	ssyncadd.s32 $0xFFFFC180  }
0x78: {  	[spmem:s3] =	stream.indirect.scatter.add.f32 [tilespmem:s21], [sflag:$0x4], $0x80, s31, s20, $0xb8;
	[tilespmem:$0x1E800] =	vst v63  }
0x79: {  	_ =	swait.ge [sflag:s18], $0x3E80  }
0x7a: {  	[sflag:s18] =	ssyncset.done $0x0  }
0x7b: {  	s1 =	simm.s32 $0x1380;
	[sflag:s18] =	ssyncadd.s32 $0xFFFFC180  }
0x7c: {  	[tilespmem:s21], [sflag:$0x2] =	stream.indirect.gather [hbm4b:s2+s20], $0x80, s1, s20, $0xb8;
	[tilespmem:$0x1E800] =	vst v63  }
0x7d: {  	_ =	swait.ge [sflag:s22], $0x3E80  }
0x7e: {  	[sflag:s22] =	ssyncset.done $0x0  }
0x7f: {  	[sflag:s22] =	ssyncadd.s32 $0xFFFFC180  }
0x80: {  	[spmem:s3] =	stream.indirect.scatter.add.f32 [tilespmem:s17], [sflag:$0x4], $0x80, s25, s20, $0xb8;
	[tilespmem:$0x1E800] =	vst v63  }
0x81: {  	_ =	swait.ge [sflag:s18], $0x3E80  }
0x82: {  	[sflag:s18] =	ssyncset.done $0x0  }
0x83: {  	[sflag:s18] =	ssyncadd.s32 $0xFFFFC180  }
0x84: {  	_ =	swait.ge [sflag:s23], $0x3E80  }
0x85: {  	[sflag:s23] =	ssyncset.done $0x0  }
0x86: {  	[sflag:s23] =	ssyncadd.s32 $0xFFFFC180  }
0x87: {  	[spmem:s3] =	stream.indirect.scatter.add.f32 [tilespmem:s21], [sflag:$0x4], $0x80, s12, s20, $0xb8;
	[tilespmem:$0x1E800] =	vst v63  }
0x88: {  	_ =	swait.ge [sflag:s18], $0x3E80  }
0x89: {  	[sflag:s18] =	ssyncset.done $0x0  }
0x8a: {  	s4 =	simm.s32 $0x0;
	s1 =	rddreg [dreg:$0x6];
	[sflag:s18] =	ssyncadd.s32 $0xFFFFC180  }
0x8b: {  	[tilespmem:s4], [sflag:$0x4] =	stream.linear.gather [hbm4b:s1+s4], $0x1400, $0x38;
	[tilespmem:$0x1E800] =	vst v63  }
0x8c: {  	_ =	swait.ge [sflag:s18], $0x1400  }
0x8d: {  	[sflag:s18] =	ssyncset.done $0x0  }
0x8e: {  	s31 =	rddreg [dreg:$0xb];
	[sflag:s18] =	ssyncadd.s32 $0xFFFFEC00  }
0x8f: {  	[tilespmem:s5], [sflag:$0x4] =	stream.linear.gather [hbm4b:s31+s4], $0x1400, $0x38;
	[tilespmem:$0x1E800] =	vst v63  }
0x90: {  	_ =	swait.ge [sflag:s18], $0x1400  }
0x91: {  	[sflag:s18] =	ssyncset.done $0x0  }
0x92: {  	[sflag:s18] =	ssyncadd.s32 $0xFFFFEC00  }
0x93: {  	[tilespmem:s17], [sflag:$0x1] =	stream.indirect.gather [hbm4b:s2+s20], $0x80, s4, s20, $0xb8;
	[tilespmem:$0x1E800] =	vst v63  }
0x94: {  	s1 =	simm.s32 $0x80  }
0x95: {  	[tilespmem:s21], [sflag:$0x2] =	stream.indirect.gather [hbm4b:s2+s20], $0x80, s1, s20, $0xb8;
	[tilespmem:$0x1E800] =	vst v63  }
0x96: {  	_ =	swait.ge [sflag:s22], $0x3E80  }
0x97: {  	[sflag:s22] =	ssyncset.done $0x0  }
0x98: {  	s4 =	simm.s32 $0x1400;
	[sflag:s22] =	ssyncadd.s32 $0xFFFFC180  }
0x99: {  	[spmem:s3] =	stream.indirect.scatter.add.f32 [tilespmem:s17], [sflag:$0x4], $0x80, s4, s20, $0xb8;
	[tilespmem:$0x1E800] =	vst v63  }
0x9a: {  	_ =	swait.ge [sflag:s18], $0x3E80  }
0x9b: {  	[sflag:s18] =	ssyncset.done $0x0  }
0x9c: {  	s5 =	simm.s32 $0x100;
	[sflag:s18] =	ssyncadd.s32 $0xFFFFC180  }
0x9d: {  	[tilespmem:s17], [sflag:$0x1] =	stream.indirect.gather [hbm4b:s2+s20], $0x80, s5, s20, $0xb8;
	[tilespmem:$0x1E800] =	vst v63  }
0x9e: {  	_ =	swait.ge [sflag:s23], $0x3E80  }
0x9f: {  	[sflag:s23] =	ssyncset.done $0x0  }
0xa0: {  	s31 =	simm.s32 $0x1480;
	[sflag:s23] =	ssyncadd.s32 $0xFFFFC180  }
0xa1: {  	[spmem:s3] =	stream.indirect.scatter.add.f32 [tilespmem:s21], [sflag:$0x4], $0x80, s31, s20, $0xb8;
	[tilespmem:$0x1E800] =	vst v63  }
0xa2: {  	_ =	swait.ge [sflag:s18], $0x3E80  }
0xa3: {  	s30 =	simm.s32 $0x100;
	s0 =	simm.s32 $0x800;
	[sflag:s18] =	ssyncset.done $0x0  }
.LBB2_6:
0xa4: {  	s1 =	sadd.s32 $0x80, s30  }
0xa5: {  	[sflag:s18] =	ssyncadd.s32 $0xFFFFC180;
	s4 =	smov.u32 s0;
	s31 =	sadd.s32 $0x400, s0  }
0xa6: {  	[tilespmem:s21], [sflag:$0x2] =	stream.indirect.gather [hbm4b:s2+s20], $0x80, s1, s20, $0xb8;
	[tilespmem:$0x1E800] =	vst v63  }
0xa7: {  	p0 =	sne.s32 s0, $0x4800;
	_ =	swait.ge [sflag:s22], $0x3E80  }
0xa8: {  	[sflag:s22] =	ssyncset.done $0x0  }
0xa9: {  	s0 =	sadd.s32 $0x1400, s30;
	[sflag:s22] =	ssyncadd.s32 $0xFFFFC180  }
0xaa: {  	[spmem:s3] =	stream.indirect.scatter.add.f32 [tilespmem:s17], [sflag:$0x4], $0x80, s0, s20, $0xb8;
	[tilespmem:$0x1E800] =	vst v63  }
0xab: {  	_ =	swait.ge [sflag:s18], $0x3E80  }
0xac: {  	[sflag:s18] =	ssyncset.done $0x0  }
0xad: {  	s0 =	sadd.s32 $0x100, s30;
	[sflag:s18] =	ssyncadd.s32 $0xFFFFC180  }
0xae: {  	[tilespmem:s17], [sflag:$0x1] =	stream.indirect.gather [hbm4b:s2+s20], $0x80, s0, s20, $0xb8;
	[tilespmem:$0x1E800] =	vst v63  }
0xaf: {  	_ =	swait.ge [sflag:s23], $0x3E80  }
.Ltmp2:
0xb0: {  	[sflag:s23] =	ssyncset.done $0x0;
	(pc) =	sbr.rel @p0 .LBB2_6-.Ltmp2, $4  }
0xb1: {  	s0 =	sadd.s32 $0x1480, s30;
	[sflag:s23] =	ssyncadd.s32 $0xFFFFC180  }
0xb2: {  	[spmem:s3] =	stream.indirect.scatter.add.f32 [tilespmem:s21], [sflag:$0x4], $0x80, s0, s20, $0xb8;
	[tilespmem:$0x1E800] =	vst v63  }
0xb3: {  	_ =	swait.ge [sflag:s18], $0x3E80  }
0xb4: {  	s30 =	sshra.s32 s4, $0x2;
	s0 =	smov.u32 s31;
	[sflag:s18] =	ssyncset.done $0x0  }
0xb5: {  	s0 =	sadd.s32 $0x80, s30;
	[sflag:s18] =	ssyncadd.s32 $0xFFFFC180  }
0xb6: {  	[tilespmem:s21], [sflag:$0x2] =	stream.indirect.gather [hbm4b:s2+s20], $0x80, s0, s20, $0xb8;
	[tilespmem:$0x1E800] =	vst v63  }
0xb7: {  	_ =	swait.ge [sflag:s22], $0x3E80  }
0xb8: {  	[sflag:s22] =	ssyncset.done $0x0  }
0xb9: {  	s31 =	sadd.s32 $0x1400, s30;
	[sflag:s22] =	ssyncadd.s32 $0xFFFFC180  }
0xba: {  	[spmem:s3] =	stream.indirect.scatter.add.f32 [tilespmem:s17], [sflag:$0x4], $0x80, s31, s20, $0xb8;
	[tilespmem:$0x1E800] =	vst v63  }
0xbb: {  	_ =	swait.ge [sflag:s18], $0x3E80  }
0xbc: {  	[sflag:s18] =	ssyncset.done $0x0  }
0xbd: {  	s1 =	sadd.s32 $0x100, s30;
	[sflag:s18] =	ssyncadd.s32 $0xFFFFC180  }
0xbe: {  	[tilespmem:s17], [sflag:$0x1] =	stream.indirect.gather [hbm4b:s2+s20], $0x80, s1, s20, $0xb8;
	[tilespmem:$0x1E800] =	vst v63  }
0xbf: {  	_ =	swait.ge [sflag:s23], $0x3E80  }
0xc0: {  	[sflag:s23] =	ssyncset.done $0x0  }
0xc1: {  	s4 =	sadd.s32 $0x1480, s30;
	[sflag:s23] =	ssyncadd.s32 $0xFFFFC180  }
0xc2: {  	[spmem:s3] =	stream.indirect.scatter.add.f32 [tilespmem:s21], [sflag:$0x4], $0x80, s4, s20, $0xb8;
	[tilespmem:$0x1E800] =	vst v63  }
0xc3: {  	_ =	swait.ge [sflag:s18], $0x3E80  }
0xc4: {  	[sflag:s18] =	ssyncset.done $0x0  }
0xc5: {  	s5 =	simm.s32 $0x1380;
	[sflag:s18] =	ssyncadd.s32 $0xFFFFC180  }
0xc6: {  	[tilespmem:s21], [sflag:$0x2] =	stream.indirect.gather [hbm4b:s2+s20], $0x80, s5, s20, $0xb8;
	[tilespmem:$0x1E800] =	vst v63  }
0xc7: {  	_ =	swait.ge [sflag:s22], $0x3E80  }
0xc8: {  	[sflag:s22] =	ssyncset.done $0x0  }
0xc9: {  	[sflag:s22] =	ssyncadd.s32 $0xFFFFC180  }
0xca: {  	[spmem:s3] =	stream.indirect.scatter.add.f32 [tilespmem:s17], [sflag:$0x4], $0x80, s25, s20, $0xb8;
	[tilespmem:$0x1E800] =	vst v63  }
0xcb: {  	_ =	swait.ge [sflag:s18], $0x3E80  }
0xcc: {  	[sflag:s18] =	ssyncset.done $0x0  }
0xcd: {  	[sflag:s18] =	ssyncadd.s32 $0xFFFFC180  }
0xce: {  	_ =	swait.ge [sflag:s23], $0x3E80  }
0xcf: {  	[sflag:s23] =	ssyncset.done $0x0  }
0xd0: {  	[sflag:s23] =	ssyncadd.s32 $0xFFFFC180  }
0xd1: {  	[spmem:s3] =	stream.indirect.scatter.add.f32 [tilespmem:s21], [sflag:$0x4], $0x80, s12, s20, $0xb8;
	[tilespmem:$0x1E800] =	vst v63  }
0xd2: {  	_ =	swait.ge [sflag:s18], $0x3E80  }
0xd3: {  	[sflag:s18] =	ssyncset.done $0x0  }
0xd4: {  	s30 =	stileid.u32;
	[sflag:s18] =	ssyncadd.s32 $0xFFFFC180  }
0xd5: {  	s0 =	sshll.u32 s30, $0x6;
	[bflag:$0x0] =	sbarrier.arrive $0xFFFF  }
0xd6: {  	s1 =	sor.u32 $0x1C04, s0;
	s31 =	rddreg [dreg:$0x7]  }
0xd7: {  	s4 =	sshrl.u32 s7, $0x3;
	[dreg:$0x11] =	wrdreg s1  }
0xd8: {  	[dreg:$0x12] =	wrdreg s4  }
0xd9: {  	[hbm:s31], [sflag:s1] =	dma.local [spmem:s4], $0x2800  }
0xda: {  	_ =	swait.ge [sflag:s18], $0x2800  }
0xdb: {  	[sflag:s18] =	ssyncset.done $0x0  }
0xdc: {  	s0 =	simm.s32 $0x0;
	s1 =	simm.s32 $0x200;
	[sflag:s18] =	ssyncadd.s32 $0xFFFFD800  }
.LBB2_8:
0xdd: {  	p0 =	sne.s32 s1, $0xFE00;
	[tilespmem:s0+$0x2870] =	vst v0  }
0xde: {  	[tilespmem:s0+$0x2800] =	vst v0  }
0xdf: {  	[tilespmem:s0+$0x2810] =	vst v0  }
.Ltmp3:
0xe0: {  	[tilespmem:s0+$0x2820] =	vst v0;
	(pc) =	sbr.rel @p0 .LBB2_8-.Ltmp3, $4  }
0xe1: {  	[tilespmem:s0+$0x2830] =	vst v0  }
0xe2: {  	[tilespmem:s0+$0x2840] =	vst v0  }
0xe3: {  	[tilespmem:s0+$0x2850] =	vst v0  }
0xe4: {  	[tilespmem:s0+$0x2860] =	vst v0;
	s0 =	sshra.s32 s1, $0x2;
	s1 =	sadd.s32 $0x200, s1  }
0xe5: {  	[tilespmem:s0+$0x2870] =	vst v0  }
0xe6: {  	[tilespmem:s0+$0x2800] =	vst v0  }
0xe7: {  	[tilespmem:s0+$0x2810] =	vst v0  }
0xe8: {  	[tilespmem:s0+$0x2820] =	vst v0  }
0xe9: {  	[tilespmem:s0+$0x2830] =	vst v0  }
0xea: {  	[tilespmem:s0+$0x2840] =	vst v0  }
0xeb: {  	[tilespmem:s0+$0x2850] =	vst v0  }
0xec: {  	[tilespmem:s0+$0x2860] =	vst v0  }
0xed: {  	[spmem:s7] =	stream.linear.scatter [tilespmem:s17], [sflag:$0x4], $0x4000, $0x38;
	[tilespmem:$0x1E800] =	vst v63  }
0xee: {  	_ =	swait.ge [sflag:s18], $0x4000  }
0xef: {  	[sflag:s18] =	ssyncset.done $0x0  }
0xf0: {  	[sflag:s18] =	ssyncadd.s32 $0xFFFFC000  }
0xf1: {  	[spmem:s6] =	stream.linear.scatter [tilespmem:s17], [sflag:$0x4], $0x4000, $0x38;
	[tilespmem:$0x1E800] =	vst v63  }
0xf2: {  	_ =	swait.ge [sflag:s18], $0x4000  }
0xf3: {  	[sflag:s18] =	ssyncset.done $0x0  }
0xf4: {  	[sflag:s18] =	ssyncadd.s32 $0xFFFFC000  }
0xf5: {  	[spmem:s14] =	stream.linear.scatter [tilespmem:s17], [sflag:$0x4], $0x4000, $0x38;
	[tilespmem:$0x1E800] =	vst v63  }
0xf6: {  	_ =	swait.ge [sflag:s18], $0x4000  }
0xf7: {  	[sflag:s18] =	ssyncset.done $0x0  }
0xf8: {  	[sflag:s18] =	ssyncadd.s32 $0xFFFFC000  }
0xf9: {  	[spmem:s15] =	stream.linear.scatter [tilespmem:s17], [sflag:$0x4], $0x4000, $0x38;
	[tilespmem:$0x1E800] =	vst v63  }
0xfa: {  	_ =	swait.ge [sflag:s18], $0x4000  }
0xfb: {  	[sflag:s18] =	ssyncset.done $0x0  }
0xfc: {  	[sflag:s18] =	ssyncadd.s32 $0xFFFFC000  }
0xfd: {  	[spmem:s16] =	stream.linear.scatter [tilespmem:s17], [sflag:$0x4], $0x4000, $0x38;
	[tilespmem:$0x1E800] =	vst v63  }
0xfe: {  	_ =	swait.ge [sflag:s18], $0x4000  }
0xff: {  	[sflag:s18] =	ssyncset.done $0x0  }
0x100: {  	s0 =	simm.s32 $0x0;
	s1 =	simm.s32 $0x200;
	[sflag:s18] =	ssyncadd.s32 $0xFFFFC000  }
.LBB2_10:
0x101: {  	p0 =	sne.s32 s1, $0xFE00;
	[tilespmem:s0+$0x2870] =	vst v1  }
0x102: {  	[tilespmem:s0+$0x2800] =	vst v1  }
0x103: {  	[tilespmem:s0+$0x2810] =	vst v1  }
.Ltmp4:
0x104: {  	[tilespmem:s0+$0x2820] =	vst v1;
	(pc) =	sbr.rel @p0 .LBB2_10-.Ltmp4, $4  }
0x105: {  	[tilespmem:s0+$0x2830] =	vst v1  }
0x106: {  	[tilespmem:s0+$0x2840] =	vst v1  }
0x107: {  	[tilespmem:s0+$0x2850] =	vst v1  }
0x108: {  	[tilespmem:s0+$0x2860] =	vst v1;
	s0 =	sshra.s32 s1, $0x2;
	s1 =	sadd.s32 $0x200, s1  }
0x109: {  	[tilespmem:s0+$0x2870] =	vst v1  }
0x10a: {  	[tilespmem:s0+$0x2800] =	vst v1  }
0x10b: {  	[tilespmem:s0+$0x2810] =	vst v1  }
0x10c: {  	[tilespmem:s0+$0x2820] =	vst v1  }
0x10d: {  	[tilespmem:s0+$0x2830] =	vst v1  }
0x10e: {  	[tilespmem:s0+$0x2840] =	vst v1  }
0x10f: {  	[tilespmem:s0+$0x2850] =	vst v1  }
0x110: {  	[tilespmem:s0+$0x2860] =	vst v1  }
0x111: {  	[bflag:$0x0] =	sbarrier.arrive $0xFFFF  }
0x112: {  	s0 =	simm.s32 $0x0;
	s7 =	simm.s32 $0x1400;
	s1 =	rddreg [dreg:$0xa]  }
0x113: {  	[tilespmem:s7], [sflag:$0x4] =	stream.linear.gather [hbm4b:s1+s0], $0x1400, $0x38;
	[tilespmem:$0x1E800] =	vst v63  }
0x114: {  	_ =	swait.ge [sflag:s18], $0x1400  }
0x115: {  	[sflag:s18] =	ssyncset.done $0x0  }
0x116: {  	[sflag:s18] =	ssyncadd.s32 $0xFFFFEC00  }
0x117: {  	[spmem:s3] =	stream.indirect.scatter.add.f32 [tilespmem:s17], [sflag:$0x3], $0x80, s7, s20, $0xb8;
	[tilespmem:$0x1E800] =	vst v63  }
0x118: {  	s1 =	simm.s32 $0x1480  }
0x119: {  	[spmem:s3] =	stream.indirect.scatter.add.f32 [tilespmem:s17], [sflag:$0x3], $0x80, s1, s20, $0xb8;
	[tilespmem:$0x1E800] =	vst v63  }
0x11a: {  	s4 =	simm.s32 $0x1500  }
0x11b: {  	[spmem:s3] =	stream.indirect.scatter.add.f32 [tilespmem:s17], [sflag:$0x3], $0x80, s4, s20, $0xb8;
	[tilespmem:$0x1E800] =	vst v63  }
0x11c: {  	s12 =	simm.s32 $0x1580  }
0x11d: {  	[spmem:s3] =	stream.indirect.scatter.add.f32 [tilespmem:s17], [sflag:$0x3], $0x80, s12, s20, $0xb8;
	[tilespmem:$0x1E800] =	vst v63  }
0x11e: {  	_ = 	snop  }
0x11f: {  	[spmem:s3] =	stream.indirect.scatter.add.f32 [tilespmem:s17], [sflag:$0x3], $0x80, s24, s20, $0xb8;
	[tilespmem:$0x1E800] =	vst v63  }
0x120: {  	s14 =	simm.s32 $0x1680  }
0x121: {  	[spmem:s3] =	stream.indirect.scatter.add.f32 [tilespmem:s17], [sflag:$0x3], $0x80, s14, s20, $0xb8;
	[tilespmem:$0x1E800] =	vst v63  }
0x122: {  	s15 =	simm.s32 $0x1700  }
0x123: {  	[spmem:s3] =	stream.indirect.scatter.add.f32 [tilespmem:s17], [sflag:$0x3], $0x80, s15, s20, $0xb8;
	[tilespmem:$0x1E800] =	vst v63  }
0x124: {  	_ = 	snop  }
0x125: {  	[spmem:s3] =	stream.indirect.scatter.add.f32 [tilespmem:s17], [sflag:$0x3], $0x80, s28, s20, $0xb8;
	[tilespmem:$0x1E800] =	vst v63  }
0x126: {  	_ =	swait.ge [sflag:s10], $0x3E80  }
0x127: {  	[sflag:s10] =	ssyncset.done $0x0  }
0x128: {  	[sflag:s10] =	ssyncadd.s32 $0xFFFFC180  }
0x129: {  	_ =	swait.ge [sflag:s10], $0x3E80  }
0x12a: {  	[sflag:s10] =	ssyncset.done $0x0  }
0x12b: {  	[sflag:s10] =	ssyncadd.s32 $0xFFFFC180  }
0x12c: {  	_ =	swait.ge [sflag:s10], $0x3E80  }
0x12d: {  	[sflag:s10] =	ssyncset.done $0x0  }
0x12e: {  	[sflag:s10] =	ssyncadd.s32 $0xFFFFC180  }
0x12f: {  	_ =	swait.ge [sflag:s10], $0x3E80  }
0x130: {  	[sflag:s10] =	ssyncset.done $0x0  }
0x131: {  	[sflag:s10] =	ssyncadd.s32 $0xFFFFC180  }
0x132: {  	_ =	swait.ge [sflag:s10], $0x3E80  }
0x133: {  	[sflag:s10] =	ssyncset.done $0x0  }
0x134: {  	[sflag:s10] =	ssyncadd.s32 $0xFFFFC180  }
0x135: {  	_ =	swait.ge [sflag:s10], $0x3E80  }
0x136: {  	[sflag:s10] =	ssyncset.done $0x0  }
0x137: {  	[sflag:s10] =	ssyncadd.s32 $0xFFFFC180  }
0x138: {  	_ =	swait.ge [sflag:s10], $0x3E80  }
0x139: {  	[sflag:s10] =	ssyncset.done $0x0  }
0x13a: {  	[sflag:s10] =	ssyncadd.s32 $0xFFFFC180  }
0x13b: {  	_ =	swait.ge [sflag:s10], $0x3E80  }
0x13c: {  	[sflag:s10] =	ssyncset.done $0x0  }
0x13d: {  	s16 =	simm.s32 $0x1800;
	[sflag:s10] =	ssyncadd.s32 $0xFFFFC180  }
0x13e: {  	[spmem:s3] =	stream.indirect.scatter.add.f32 [tilespmem:s17], [sflag:$0x3], $0x80, s16, s20, $0xb8;
	[tilespmem:$0x1E800] =	vst v63  }
0x13f: {  	s6 =	simm.s32 $0x1880  }
0x140: {  	[spmem:s3] =	stream.indirect.scatter.add.f32 [tilespmem:s17], [sflag:$0x3], $0x80, s6, s20, $0xb8;
	[tilespmem:$0x1E800] =	vst v63  }
0x141: {  	_ = 	snop  }
0x142: {  	[spmem:s3] =	stream.indirect.scatter.add.f32 [tilespmem:s17], [sflag:$0x3], $0x80, s13, s20, $0xb8;
	[tilespmem:$0x1E800] =	vst v63  }
0x143: {  	_ = 	snop  }
0x144: {  	[spmem:s3] =	stream.indirect.scatter.add.f32 [tilespmem:s17], [sflag:$0x3], $0x80, s26, s20, $0xb8;
	[tilespmem:$0x1E800] =	vst v63  }
0x145: {  	_ = 	snop  }
0x146: {  	[spmem:s3] =	stream.indirect.scatter.add.f32 [tilespmem:s17], [sflag:$0x3], $0x80, s19, s20, $0xb8;
	[tilespmem:$0x1E800] =	vst v63  }
0x147: {  	_ = 	snop  }
0x148: {  	[spmem:s3] =	stream.indirect.scatter.add.f32 [tilespmem:s17], [sflag:$0x3], $0x80, s8, s20, $0xb8;
	[tilespmem:$0x1E800] =	vst v63  }
0x149: {  	_ = 	snop  }
0x14a: {  	[spmem:s3] =	stream.indirect.scatter.add.f32 [tilespmem:s17], [sflag:$0x3], $0x80, s9, s20, $0xb8;
	[tilespmem:$0x1E800] =	vst v63  }
0x14b: {  	_ = 	snop  }
0x14c: {  	[spmem:s3] =	stream.indirect.scatter.add.f32 [tilespmem:s17], [sflag:$0x3], $0x80, s11, s20, $0xb8;
	[tilespmem:$0x1E800] =	vst v63  }
0x14d: {  	_ =	swait.ge [sflag:s10], $0x3E80  }
0x14e: {  	[sflag:s10] =	ssyncset.done $0x0  }
0x14f: {  	[sflag:s10] =	ssyncadd.s32 $0xFFFFC180  }
0x150: {  	_ =	swait.ge [sflag:s10], $0x3E80  }
0x151: {  	[sflag:s10] =	ssyncset.done $0x0  }
0x152: {  	[sflag:s10] =	ssyncadd.s32 $0xFFFFC180  }
0x153: {  	_ =	swait.ge [sflag:s10], $0x3E80  }
0x154: {  	[sflag:s10] =	ssyncset.done $0x0  }
0x155: {  	[sflag:s10] =	ssyncadd.s32 $0xFFFFC180  }
0x156: {  	_ =	swait.ge [sflag:s10], $0x3E80  }
0x157: {  	[sflag:s10] =	ssyncset.done $0x0  }
0x158: {  	[sflag:s10] =	ssyncadd.s32 $0xFFFFC180  }
0x159: {  	_ =	swait.ge [sflag:s10], $0x3E80  }
0x15a: {  	[sflag:s10] =	ssyncset.done $0x0  }
0x15b: {  	[sflag:s10] =	ssyncadd.s32 $0xFFFFC180  }
0x15c: {  	_ =	swait.ge [sflag:s10], $0x3E80  }
0x15d: {  	[sflag:s10] =	ssyncset.done $0x0  }
0x15e: {  	[sflag:s10] =	ssyncadd.s32 $0xFFFFC180  }
0x15f: {  	_ =	swait.ge [sflag:s10], $0x3E80  }
0x160: {  	[sflag:s10] =	ssyncset.done $0x0  }
0x161: {  	[sflag:s10] =	ssyncadd.s32 $0xFFFFC180  }
0x162: {  	_ =	swait.ge [sflag:s10], $0x3E80  }
0x163: {  	[sflag:s10] =	ssyncset.done $0x0  }
0x164: {  	s30 =	simm.s32 $0x1C00;
	[sflag:s10] =	ssyncadd.s32 $0xFFFFC180  }
0x165: {  	[spmem:s3] =	stream.indirect.scatter.add.f32 [tilespmem:s17], [sflag:$0x3], $0x80, s30, s20, $0xb8;
	[tilespmem:$0x1E800] =	vst v63  }
0x166: {  	s31 =	simm.s32 $0x1C80  }
0x167: {  	[spmem:s3] =	stream.indirect.scatter.add.f32 [tilespmem:s17], [sflag:$0x3], $0x80, s31, s20, $0xb8;
	[tilespmem:$0x1E800] =	vst v63  }
0x168: {  	s5 =	simm.s32 $0x1D00  }
0x169: {  	[spmem:s3] =	stream.indirect.scatter.add.f32 [tilespmem:s17], [sflag:$0x3], $0x80, s5, s20, $0xb8;
	[tilespmem:$0x1E800] =	vst v63  }
0x16a: {  	s5 =	simm.s32 $0x1D80  }
0x16b: {  	[spmem:s3] =	stream.indirect.scatter.add.f32 [tilespmem:s17], [sflag:$0x3], $0x80, s5, s20, $0xb8;
	[tilespmem:$0x1E800] =	vst v63  }
0x16c: {  	s5 =	simm.s32 $0x1E00  }
0x16d: {  	[spmem:s3] =	stream.indirect.scatter.add.f32 [tilespmem:s17], [sflag:$0x3], $0x80, s5, s20, $0xb8;
	[tilespmem:$0x1E800] =	vst v63  }
0x16e: {  	s5 =	simm.s32 $0x1E80  }
0x16f: {  	[spmem:s3] =	stream.indirect.scatter.add.f32 [tilespmem:s17], [sflag:$0x3], $0x80, s5, s20, $0xb8;
	[tilespmem:$0x1E800] =	vst v63  }
0x170: {  	s5 =	simm.s32 $0x1F00  }
0x171: {  	[spmem:s3] =	stream.indirect.scatter.add.f32 [tilespmem:s17], [sflag:$0x3], $0x80, s5, s20, $0xb8;
	[tilespmem:$0x1E800] =	vst v63  }
0x172: {  	s5 =	simm.s32 $0x1F80  }
0x173: {  	[spmem:s3] =	stream.indirect.scatter.add.f32 [tilespmem:s17], [sflag:$0x3], $0x80, s5, s20, $0xb8;
	[tilespmem:$0x1E800] =	vst v63  }
0x174: {  	_ =	swait.ge [sflag:s10], $0x3E80  }
0x175: {  	[sflag:s10] =	ssyncset.done $0x0  }
0x176: {  	[sflag:s10] =	ssyncadd.s32 $0xFFFFC180  }
0x177: {  	_ =	swait.ge [sflag:s10], $0x3E80  }
0x178: {  	[sflag:s10] =	ssyncset.done $0x0  }
0x179: {  	[sflag:s10] =	ssyncadd.s32 $0xFFFFC180  }
0x17a: {  	_ =	swait.ge [sflag:s10], $0x3E80  }
0x17b: {  	[sflag:s10] =	ssyncset.done $0x0  }
0x17c: {  	[sflag:s10] =	ssyncadd.s32 $0xFFFFC180  }
0x17d: {  	_ =	swait.ge [sflag:s10], $0x3E80  }
0x17e: {  	[sflag:s10] =	ssyncset.done $0x0  }
0x17f: {  	[sflag:s10] =	ssyncadd.s32 $0xFFFFC180  }
0x180: {  	_ =	swait.ge [sflag:s10], $0x3E80  }
0x181: {  	[sflag:s10] =	ssyncset.done $0x0  }
0x182: {  	[sflag:s10] =	ssyncadd.s32 $0xFFFFC180  }
0x183: {  	_ =	swait.ge [sflag:s10], $0x3E80  }
0x184: {  	[sflag:s10] =	ssyncset.done $0x0  }
0x185: {  	[sflag:s10] =	ssyncadd.s32 $0xFFFFC180  }
0x186: {  	_ =	swait.ge [sflag:s10], $0x3E80  }
0x187: {  	[sflag:s10] =	ssyncset.done $0x0  }
0x188: {  	[sflag:s10] =	ssyncadd.s32 $0xFFFFC180  }
0x189: {  	_ =	swait.ge [sflag:s10], $0x3E80  }
0x18a: {  	[sflag:s10] =	ssyncset.done $0x0  }
0x18b: {  	s5 =	simm.s32 $0x2000;
	[sflag:s10] =	ssyncadd.s32 $0xFFFFC180  }
0x18c: {  	[spmem:s3] =	stream.indirect.scatter.add.f32 [tilespmem:s17], [sflag:$0x3], $0x80, s5, s20, $0xb8;
	[tilespmem:$0x1E800] =	vst v63  }
0x18d: {  	s5 =	simm.s32 $0x2080  }
0x18e: {  	[spmem:s3] =	stream.indirect.scatter.add.f32 [tilespmem:s17], [sflag:$0x3], $0x80, s5, s20, $0xb8;
	[tilespmem:$0x1E800] =	vst v63  }
0x18f: {  	s5 =	simm.s32 $0x2100  }
0x190: {  	[spmem:s3] =	stream.indirect.scatter.add.f32 [tilespmem:s17], [sflag:$0x3], $0x80, s5, s20, $0xb8;
	[tilespmem:$0x1E800] =	vst v63  }
0x191: {  	s5 =	simm.s32 $0x2180  }
0x192: {  	[spmem:s3] =	stream.indirect.scatter.add.f32 [tilespmem:s17], [sflag:$0x3], $0x80, s5, s20, $0xb8;
	[tilespmem:$0x1E800] =	vst v63  }
0x193: {  	s5 =	simm.s32 $0x2200  }
0x194: {  	[spmem:s3] =	stream.indirect.scatter.add.f32 [tilespmem:s17], [sflag:$0x3], $0x80, s5, s20, $0xb8;
	[tilespmem:$0x1E800] =	vst v63  }
0x195: {  	s5 =	simm.s32 $0x2280  }
0x196: {  	[spmem:s3] =	stream.indirect.scatter.add.f32 [tilespmem:s17], [sflag:$0x3], $0x80, s5, s20, $0xb8;
	[tilespmem:$0x1E800] =	vst v63  }
0x197: {  	s5 =	simm.s32 $0x2300  }
0x198: {  	[spmem:s3] =	stream.indirect.scatter.add.f32 [tilespmem:s17], [sflag:$0x3], $0x80, s5, s20, $0xb8;
	[tilespmem:$0x1E800] =	vst v63  }
0x199: {  	s5 =	simm.s32 $0x2380  }
0x19a: {  	[spmem:s3] =	stream.indirect.scatter.add.f32 [tilespmem:s17], [sflag:$0x3], $0x80, s5, s20, $0xb8;
	[tilespmem:$0x1E800] =	vst v63  }
0x19b: {  	_ =	swait.ge [sflag:s10], $0x3E80  }
0x19c: {  	[sflag:s10] =	ssyncset.done $0x0  }
0x19d: {  	[sflag:s10] =	ssyncadd.s32 $0xFFFFC180  }
0x19e: {  	_ =	swait.ge [sflag:s10], $0x3E80  }
0x19f: {  	[sflag:s10] =	ssyncset.done $0x0  }
0x1a0: {  	[sflag:s10] =	ssyncadd.s32 $0xFFFFC180  }
0x1a1: {  	_ =	swait.ge [sflag:s10], $0x3E80  }
0x1a2: {  	[sflag:s10] =	ssyncset.done $0x0  }
0x1a3: {  	[sflag:s10] =	ssyncadd.s32 $0xFFFFC180  }
0x1a4: {  	_ =	swait.ge [sflag:s10], $0x3E80  }
0x1a5: {  	[sflag:s10] =	ssyncset.done $0x0  }
0x1a6: {  	[sflag:s10] =	ssyncadd.s32 $0xFFFFC180  }
0x1a7: {  	_ =	swait.ge [sflag:s10], $0x3E80  }
0x1a8: {  	[sflag:s10] =	ssyncset.done $0x0  }
0x1a9: {  	[sflag:s10] =	ssyncadd.s32 $0xFFFFC180  }
0x1aa: {  	_ =	swait.ge [sflag:s10], $0x3E80  }
0x1ab: {  	[sflag:s10] =	ssyncset.done $0x0  }
0x1ac: {  	[sflag:s10] =	ssyncadd.s32 $0xFFFFC180  }
0x1ad: {  	_ =	swait.ge [sflag:s10], $0x3E80  }
0x1ae: {  	[sflag:s10] =	ssyncset.done $0x0  }
0x1af: {  	[sflag:s10] =	ssyncadd.s32 $0xFFFFC180  }
0x1b0: {  	_ =	swait.ge [sflag:s10], $0x3E80  }
0x1b1: {  	[sflag:s10] =	ssyncset.done $0x0  }
0x1b2: {  	s5 =	simm.s32 $0x2400;
	[sflag:s10] =	ssyncadd.s32 $0xFFFFC180  }
0x1b3: {  	[spmem:s3] =	stream.indirect.scatter.add.f32 [tilespmem:s17], [sflag:$0x3], $0x80, s5, s20, $0xb8;
	[tilespmem:$0x1E800] =	vst v63  }
0x1b4: {  	s5 =	simm.s32 $0x2480  }
0x1b5: {  	[spmem:s3] =	stream.indirect.scatter.add.f32 [tilespmem:s17], [sflag:$0x3], $0x80, s5, s20, $0xb8;
	[tilespmem:$0x1E800] =	vst v63  }
0x1b6: {  	s5 =	simm.s32 $0x2500  }
0x1b7: {  	[spmem:s3] =	stream.indirect.scatter.add.f32 [tilespmem:s17], [sflag:$0x3], $0x80, s5, s20, $0xb8;
	[tilespmem:$0x1E800] =	vst v63  }
0x1b8: {  	s5 =	simm.s32 $0x2580  }
0x1b9: {  	[spmem:s3] =	stream.indirect.scatter.add.f32 [tilespmem:s17], [sflag:$0x3], $0x80, s5, s20, $0xb8;
	[tilespmem:$0x1E800] =	vst v63  }
0x1ba: {  	s5 =	simm.s32 $0x2600  }
0x1bb: {  	[spmem:s3] =	stream.indirect.scatter.add.f32 [tilespmem:s17], [sflag:$0x3], $0x80, s5, s20, $0xb8;
	[tilespmem:$0x1E800] =	vst v63  }
0x1bc: {  	s5 =	simm.s32 $0x2680  }
0x1bd: {  	[spmem:s3] =	stream.indirect.scatter.add.f32 [tilespmem:s17], [sflag:$0x3], $0x80, s5, s20, $0xb8;
	[tilespmem:$0x1E800] =	vst v63  }
0x1be: {  	_ = 	snop  }
0x1bf: {  	[spmem:s3] =	stream.indirect.scatter.add.f32 [tilespmem:s17], [sflag:$0x3], $0x80, s25, s20, $0xb8;
	[tilespmem:$0x1E800] =	vst v63  }
0x1c0: {  	s5 =	simm.s32 $0x2780  }
0x1c1: {  	[spmem:s3] =	stream.indirect.scatter.add.f32 [tilespmem:s17], [sflag:$0x3], $0x80, s5, s20, $0xb8;
	[tilespmem:$0x1E800] =	vst v63  }
0x1c2: {  	_ =	swait.ge [sflag:s10], $0x3E80  }
0x1c3: {  	[sflag:s10] =	ssyncset.done $0x0  }
0x1c4: {  	[sflag:s10] =	ssyncadd.s32 $0xFFFFC180  }
0x1c5: {  	_ =	swait.ge [sflag:s10], $0x3E80  }
0x1c6: {  	[sflag:s10] =	ssyncset.done $0x0  }
0x1c7: {  	[sflag:s10] =	ssyncadd.s32 $0xFFFFC180  }
0x1c8: {  	_ =	swait.ge [sflag:s10], $0x3E80  }
0x1c9: {  	[sflag:s10] =	ssyncset.done $0x0  }
0x1ca: {  	[sflag:s10] =	ssyncadd.s32 $0xFFFFC180  }
0x1cb: {  	_ =	swait.ge [sflag:s10], $0x3E80  }
0x1cc: {  	[sflag:s10] =	ssyncset.done $0x0  }
0x1cd: {  	[sflag:s10] =	ssyncadd.s32 $0xFFFFC180  }
0x1ce: {  	_ =	swait.ge [sflag:s10], $0x3E80  }
0x1cf: {  	[sflag:s10] =	ssyncset.done $0x0  }
0x1d0: {  	[sflag:s10] =	ssyncadd.s32 $0xFFFFC180  }
0x1d1: {  	_ =	swait.ge [sflag:s10], $0x3E80  }
0x1d2: {  	[sflag:s10] =	ssyncset.done $0x0  }
0x1d3: {  	[sflag:s10] =	ssyncadd.s32 $0xFFFFC180  }
0x1d4: {  	_ =	swait.ge [sflag:s10], $0x3E80  }
0x1d5: {  	[sflag:s10] =	ssyncset.done $0x0  }
0x1d6: {  	[sflag:s10] =	ssyncadd.s32 $0xFFFFC180  }
0x1d7: {  	_ =	swait.ge [sflag:s10], $0x3E80  }
0x1d8: {  	[sflag:s10] =	ssyncset.done $0x0  }
0x1d9: {  	s5 =	rddreg [dreg:$0xb];
	[sflag:s10] =	ssyncadd.s32 $0xFFFFC180  }
0x1da: {  	[tilespmem:s7], [sflag:$0x4] =	stream.linear.gather [hbm4b:s5+s0], $0x1400, $0x38;
	[tilespmem:$0x1E800] =	vst v63  }
0x1db: {  	_ =	swait.ge [sflag:s18], $0x1400  }
0x1dc: {  	[sflag:s18] =	ssyncset.done $0x0  }
0x1dd: {  	[sflag:s18] =	ssyncadd.s32 $0xFFFFEC00  }
0x1de: {  	[spmem:s3] =	stream.indirect.scatter.add.f32 [tilespmem:s17], [sflag:$0x3], $0x80, s7, s20, $0xb8;
	[tilespmem:$0x1E800] =	vst v63  }
0x1df: {  	_ = 	snop  }
0x1e0: {  	[spmem:s3] =	stream.indirect.scatter.add.f32 [tilespmem:s17], [sflag:$0x3], $0x80, s1, s20, $0xb8;
	[tilespmem:$0x1E800] =	vst v63  }
0x1e1: {  	_ = 	snop  }
0x1e2: {  	[spmem:s3] =	stream.indirect.scatter.add.f32 [tilespmem:s17], [sflag:$0x3], $0x80, s4, s20, $0xb8;
	[tilespmem:$0x1E800] =	vst v63  }
0x1e3: {  	_ = 	snop  }
0x1e4: {  	[spmem:s3] =	stream.indirect.scatter.add.f32 [tilespmem:s17], [sflag:$0x3], $0x80, s12, s20, $0xb8;
	[tilespmem:$0x1E800] =	vst v63  }
0x1e5: {  	_ = 	snop  }
0x1e6: {  	[spmem:s3] =	stream.indirect.scatter.add.f32 [tilespmem:s17], [sflag:$0x3], $0x80, s24, s20, $0xb8;
	[tilespmem:$0x1E800] =	vst v63  }
0x1e7: {  	_ = 	snop  }
0x1e8: {  	[spmem:s3] =	stream.indirect.scatter.add.f32 [tilespmem:s17], [sflag:$0x3], $0x80, s14, s20, $0xb8;
	[tilespmem:$0x1E800] =	vst v63  }
0x1e9: {  	_ = 	snop  }
0x1ea: {  	[spmem:s3] =	stream.indirect.scatter.add.f32 [tilespmem:s17], [sflag:$0x3], $0x80, s15, s20, $0xb8;
	[tilespmem:$0x1E800] =	vst v63  }
0x1eb: {  	_ = 	snop  }
0x1ec: {  	[spmem:s3] =	stream.indirect.scatter.add.f32 [tilespmem:s17], [sflag:$0x3], $0x80, s28, s20, $0xb8;
	[tilespmem:$0x1E800] =	vst v63  }
0x1ed: {  	_ =	swait.ge [sflag:s10], $0x3E80  }
0x1ee: {  	[sflag:s10] =	ssyncset.done $0x0  }
0x1ef: {  	[sflag:s10] =	ssyncadd.s32 $0xFFFFC180  }
0x1f0: {  	_ =	swait.ge [sflag:s10], $0x3E80  }
0x1f1: {  	[sflag:s10] =	ssyncset.done $0x0  }
0x1f2: {  	[sflag:s10] =	ssyncadd.s32 $0xFFFFC180  }
0x1f3: {  	_ =	swait.ge [sflag:s10], $0x3E80  }
0x1f4: {  	[sflag:s10] =	ssyncset.done $0x0  }
0x1f5: {  	[sflag:s10] =	ssyncadd.s32 $0xFFFFC180  }
0x1f6: {  	_ =	swait.ge [sflag:s10], $0x3E80  }
0x1f7: {  	[sflag:s10] =	ssyncset.done $0x0  }
0x1f8: {  	[sflag:s10] =	ssyncadd.s32 $0xFFFFC180  }
0x1f9: {  	_ =	swait.ge [sflag:s10], $0x3E80  }
0x1fa: {  	[sflag:s10] =	ssyncset.done $0x0  }
0x1fb: {  	[sflag:s10] =	ssyncadd.s32 $0xFFFFC180  }
0x1fc: {  	_ =	swait.ge [sflag:s10], $0x3E80  }
0x1fd: {  	[sflag:s10] =	ssyncset.done $0x0  }
0x1fe: {  	[sflag:s10] =	ssyncadd.s32 $0xFFFFC180  }
0x1ff: {  	_ =	swait.ge [sflag:s10], $0x3E80  }
0x200: {  	[sflag:s10] =	ssyncset.done $0x0  }
0x201: {  	[sflag:s10] =	ssyncadd.s32 $0xFFFFC180  }
0x202: {  	_ =	swait.ge [sflag:s10], $0x3E80  }
0x203: {  	[sflag:s10] =	ssyncset.done $0x0  }
0x204: {  	[sflag:s10] =	ssyncadd.s32 $0xFFFFC180  }
0x205: {  	[spmem:s3] =	stream.indirect.scatter.add.f32 [tilespmem:s17], [sflag:$0x3], $0x80, s16, s20, $0xb8;
	[tilespmem:$0x1E800] =	vst v63  }
0x206: {  	_ = 	snop  }
0x207: {  	[spmem:s3] =	stream.indirect.scatter.add.f32 [tilespmem:s17], [sflag:$0x3], $0x80, s6, s20, $0xb8;
	[tilespmem:$0x1E800] =	vst v63  }
0x208: {  	_ = 	snop  }
0x209: {  	[spmem:s3] =	stream.indirect.scatter.add.f32 [tilespmem:s17], [sflag:$0x3], $0x80, s13, s20, $0xb8;
	[tilespmem:$0x1E800] =	vst v63  }
0x20a: {  	_ = 	snop  }
0x20b: {  	[spmem:s3] =	stream.indirect.scatter.add.f32 [tilespmem:s17], [sflag:$0x3], $0x80, s26, s20, $0xb8;
	[tilespmem:$0x1E800] =	vst v63  }
0x20c: {  	_ = 	snop  }
0x20d: {  	[spmem:s3] =	stream.indirect.scatter.add.f32 [tilespmem:s17], [sflag:$0x3], $0x80, s19, s20, $0xb8;
	[tilespmem:$0x1E800] =	vst v63  }
0x20e: {  	_ = 	snop  }
0x20f: {  	[spmem:s3] =	stream.indirect.scatter.add.f32 [tilespmem:s17], [sflag:$0x3], $0x80, s8, s20, $0xb8;
	[tilespmem:$0x1E800] =	vst v63  }
0x210: {  	_ = 	snop  }
0x211: {  	[spmem:s3] =	stream.indirect.scatter.add.f32 [tilespmem:s17], [sflag:$0x3], $0x80, s9, s20, $0xb8;
	[tilespmem:$0x1E800] =	vst v63  }
0x212: {  	_ = 	snop  }
0x213: {  	[spmem:s3] =	stream.indirect.scatter.add.f32 [tilespmem:s17], [sflag:$0x3], $0x80, s11, s20, $0xb8;
	[tilespmem:$0x1E800] =	vst v63  }
0x214: {  	_ =	swait.ge [sflag:s10], $0x3E80  }
0x215: {  	[sflag:s10] =	ssyncset.done $0x0  }
0x216: {  	[sflag:s10] =	ssyncadd.s32 $0xFFFFC180  }
0x217: {  	_ =	swait.ge [sflag:s10], $0x3E80  }
0x218: {  	[sflag:s10] =	ssyncset.done $0x0  }
0x219: {  	[sflag:s10] =	ssyncadd.s32 $0xFFFFC180  }
0x21a: {  	_ =	swait.ge [sflag:s10], $0x3E80  }
0x21b: {  	[sflag:s10] =	ssyncset.done $0x0  }
0x21c: {  	[sflag:s10] =	ssyncadd.s32 $0xFFFFC180  }
0x21d: {  	_ =	swait.ge [sflag:s10], $0x3E80  }
0x21e: {  	[sflag:s10] =	ssyncset.done $0x0  }
0x21f: {  	[sflag:s10] =	ssyncadd.s32 $0xFFFFC180  }
0x220: {  	_ =	swait.ge [sflag:s10], $0x3E80  }
0x221: {  	[sflag:s10] =	ssyncset.done $0x0  }
0x222: {  	[sflag:s10] =	ssyncadd.s32 $0xFFFFC180  }
0x223: {  	_ =	swait.ge [sflag:s10], $0x3E80  }
0x224: {  	[sflag:s10] =	ssyncset.done $0x0  }
0x225: {  	[sflag:s10] =	ssyncadd.s32 $0xFFFFC180  }
0x226: {  	_ =	swait.ge [sflag:s10], $0x3E80  }
0x227: {  	[sflag:s10] =	ssyncset.done $0x0  }
0x228: {  	[sflag:s10] =	ssyncadd.s32 $0xFFFFC180  }
0x229: {  	_ =	swait.ge [sflag:s10], $0x3E80  }
0x22a: {  	[sflag:s10] =	ssyncset.done $0x0  }
0x22b: {  	[sflag:s10] =	ssyncadd.s32 $0xFFFFC180  }
0x22c: {  	[spmem:s3] =	stream.indirect.scatter.add.f32 [tilespmem:s17], [sflag:$0x3], $0x80, s30, s20, $0xb8;
	[tilespmem:$0x1E800] =	vst v63  }
0x22d: {  	_ = 	snop  }
0x22e: {  	[spmem:s3] =	stream.indirect.scatter.add.f32 [tilespmem:s17], [sflag:$0x3], $0x80, s31, s20, $0xb8;
	[tilespmem:$0x1E800] =	vst v63  }
0x22f: {  	s7 =	simm.s32 $0x1D00  }
0x230: {  	[spmem:s3] =	stream.indirect.scatter.add.f32 [tilespmem:s17], [sflag:$0x3], $0x80, s7, s20, $0xb8;
	[tilespmem:$0x1E800] =	vst v63  }
0x231: {  	s14 =	simm.s32 $0x1D80  }
0x232: {  	[spmem:s3] =	stream.indirect.scatter.add.f32 [tilespmem:s17], [sflag:$0x3], $0x80, s14, s20, $0xb8;
	[tilespmem:$0x1E800] =	vst v63  }
0x233: {  	s15 =	simm.s32 $0x1E00  }
0x234: {  	[spmem:s3] =	stream.indirect.scatter.add.f32 [tilespmem:s17], [sflag:$0x3], $0x80, s15, s20, $0xb8;
	[tilespmem:$0x1E800] =	vst v63  }
0x235: {  	s16 =	simm.s32 $0x1E80  }
0x236: {  	[spmem:s3] =	stream.indirect.scatter.add.f32 [tilespmem:s17], [sflag:$0x3], $0x80, s16, s20, $0xb8;
	[tilespmem:$0x1E800] =	vst v63  }
0x237: {  	s30 =	simm.s32 $0x1F00  }
0x238: {  	[spmem:s3] =	stream.indirect.scatter.add.f32 [tilespmem:s17], [sflag:$0x3], $0x80, s30, s20, $0xb8;
	[tilespmem:$0x1E800] =	vst v63  }
0x239: {  	s31 =	simm.s32 $0x1F80  }
0x23a: {  	[spmem:s3] =	stream.indirect.scatter.add.f32 [tilespmem:s17], [sflag:$0x3], $0x80, s31, s20, $0xb8;
	[tilespmem:$0x1E800] =	vst v63  }
0x23b: {  	_ =	swait.ge [sflag:s10], $0x3E80  }
0x23c: {  	[sflag:s10] =	ssyncset.done $0x0  }
0x23d: {  	[sflag:s10] =	ssyncadd.s32 $0xFFFFC180  }
0x23e: {  	_ =	swait.ge [sflag:s10], $0x3E80  }
0x23f: {  	[sflag:s10] =	ssyncset.done $0x0  }
0x240: {  	[sflag:s10] =	ssyncadd.s32 $0xFFFFC180  }
0x241: {  	_ =	swait.ge [sflag:s10], $0x3E80  }
0x242: {  	[sflag:s10] =	ssyncset.done $0x0  }
0x243: {  	[sflag:s10] =	ssyncadd.s32 $0xFFFFC180  }
0x244: {  	_ =	swait.ge [sflag:s10], $0x3E80  }
0x245: {  	[sflag:s10] =	ssyncset.done $0x0  }
0x246: {  	[sflag:s10] =	ssyncadd.s32 $0xFFFFC180  }
0x247: {  	_ =	swait.ge [sflag:s10], $0x3E80  }
0x248: {  	[sflag:s10] =	ssyncset.done $0x0  }
0x249: {  	[sflag:s10] =	ssyncadd.s32 $0xFFFFC180  }
0x24a: {  	_ =	swait.ge [sflag:s10], $0x3E80  }
0x24b: {  	[sflag:s10] =	ssyncset.done $0x0  }
0x24c: {  	[sflag:s10] =	ssyncadd.s32 $0xFFFFC180  }
0x24d: {  	_ =	swait.ge [sflag:s10], $0x3E80  }
0x24e: {  	[sflag:s10] =	ssyncset.done $0x0  }
0x24f: {  	[sflag:s10] =	ssyncadd.s32 $0xFFFFC180  }
0x250: {  	_ =	swait.ge [sflag:s10], $0x3E80  }
0x251: {  	[sflag:s10] =	ssyncset.done $0x0  }
0x252: {  	s1 =	simm.s32 $0x2000;
	[sflag:s10] =	ssyncadd.s32 $0xFFFFC180  }
0x253: {  	[spmem:s3] =	stream.indirect.scatter.add.f32 [tilespmem:s17], [sflag:$0x3], $0x80, s1, s20, $0xb8;
	[tilespmem:$0x1E800] =	vst v63  }
0x254: {  	s4 =	simm.s32 $0x2080  }
0x255: {  	[spmem:s3] =	stream.indirect.scatter.add.f32 [tilespmem:s17], [sflag:$0x3], $0x80, s4, s20, $0xb8;
	[tilespmem:$0x1E800] =	vst v63  }
0x256: {  	s6 =	simm.s32 $0x2100  }
0x257: {  	[spmem:s3] =	stream.indirect.scatter.add.f32 [tilespmem:s17], [sflag:$0x3], $0x80, s6, s20, $0xb8;
	[tilespmem:$0x1E800] =	vst v63  }
0x258: {  	s7 =	simm.s32 $0x2180  }
0x259: {  	[spmem:s3] =	stream.indirect.scatter.add.f32 [tilespmem:s17], [sflag:$0x3], $0x80, s7, s20, $0xb8;
	[tilespmem:$0x1E800] =	vst v63  }
0x25a: {  	s14 =	simm.s32 $0x2200  }
0x25b: {  	[spmem:s3] =	stream.indirect.scatter.add.f32 [tilespmem:s17], [sflag:$0x3], $0x80, s14, s20, $0xb8;
	[tilespmem:$0x1E800] =	vst v63  }
0x25c: {  	s15 =	simm.s32 $0x2280  }
0x25d: {  	[spmem:s3] =	stream.indirect.scatter.add.f32 [tilespmem:s17], [sflag:$0x3], $0x80, s15, s20, $0xb8;
	[tilespmem:$0x1E800] =	vst v63  }
0x25e: {  	s16 =	simm.s32 $0x2300  }
0x25f: {  	[spmem:s3] =	stream.indirect.scatter.add.f32 [tilespmem:s17], [sflag:$0x3], $0x80, s16, s20, $0xb8;
	[tilespmem:$0x1E800] =	vst v63  }
0x260: {  	s30 =	simm.s32 $0x2380  }
0x261: {  	[spmem:s3] =	stream.indirect.scatter.add.f32 [tilespmem:s17], [sflag:$0x3], $0x80, s30, s20, $0xb8;
	[tilespmem:$0x1E800] =	vst v63  }
0x262: {  	_ =	swait.ge [sflag:s10], $0x3E80  }
0x263: {  	[sflag:s10] =	ssyncset.done $0x0  }
0x264: {  	[sflag:s10] =	ssyncadd.s32 $0xFFFFC180  }
0x265: {  	_ =	swait.ge [sflag:s10], $0x3E80  }
0x266: {  	[sflag:s10] =	ssyncset.done $0x0  }
0x267: {  	[sflag:s10] =	ssyncadd.s32 $0xFFFFC180  }
0x268: {  	_ =	swait.ge [sflag:s10], $0x3E80  }
0x269: {  	[sflag:s10] =	ssyncset.done $0x0  }
0x26a: {  	[sflag:s10] =	ssyncadd.s32 $0xFFFFC180  }
0x26b: {  	_ =	swait.ge [sflag:s10], $0x3E80  }
0x26c: {  	[sflag:s10] =	ssyncset.done $0x0  }
0x26d: {  	[sflag:s10] =	ssyncadd.s32 $0xFFFFC180  }
0x26e: {  	_ =	swait.ge [sflag:s10], $0x3E80  }
0x26f: {  	[sflag:s10] =	ssyncset.done $0x0  }
0x270: {  	[sflag:s10] =	ssyncadd.s32 $0xFFFFC180  }
0x271: {  	_ =	swait.ge [sflag:s10], $0x3E80  }
0x272: {  	[sflag:s10] =	ssyncset.done $0x0  }
0x273: {  	[sflag:s10] =	ssyncadd.s32 $0xFFFFC180  }
0x274: {  	_ =	swait.ge [sflag:s10], $0x3E80  }
0x275: {  	[sflag:s10] =	ssyncset.done $0x0  }
0x276: {  	[sflag:s10] =	ssyncadd.s32 $0xFFFFC180  }
0x277: {  	_ =	swait.ge [sflag:s10], $0x3E80  }
0x278: {  	[sflag:s10] =	ssyncset.done $0x0  }
0x279: {  	s31 =	simm.s32 $0x2400;
	[sflag:s10] =	ssyncadd.s32 $0xFFFFC180  }
0x27a: {  	[spmem:s3] =	stream.indirect.scatter.add.f32 [tilespmem:s17], [sflag:$0x3], $0x80, s31, s20, $0xb8;
	[tilespmem:$0x1E800] =	vst v63  }
0x27b: {  	s1 =	simm.s32 $0x2480  }
0x27c: {  	[spmem:s3] =	stream.indirect.scatter.add.f32 [tilespmem:s17], [sflag:$0x3], $0x80, s1, s20, $0xb8;
	[tilespmem:$0x1E800] =	vst v63  }
0x27d: {  	s4 =	simm.s32 $0x2500  }
0x27e: {  	[spmem:s3] =	stream.indirect.scatter.add.f32 [tilespmem:s17], [sflag:$0x3], $0x80, s4, s20, $0xb8;
	[tilespmem:$0x1E800] =	vst v63  }
0x27f: {  	s6 =	simm.s32 $0x2580  }
0x280: {  	[spmem:s3] =	stream.indirect.scatter.add.f32 [tilespmem:s17], [sflag:$0x3], $0x80, s6, s20, $0xb8;
	[tilespmem:$0x1E800] =	vst v63  }
0x281: {  	s7 =	simm.s32 $0x2600  }
0x282: {  	[spmem:s3] =	stream.indirect.scatter.add.f32 [tilespmem:s17], [sflag:$0x3], $0x80, s7, s20, $0xb8;
	[tilespmem:$0x1E800] =	vst v63  }
0x283: {  	s14 =	simm.s32 $0x2680  }
0x284: {  	[spmem:s3] =	stream.indirect.scatter.add.f32 [tilespmem:s17], [sflag:$0x3], $0x80, s14, s20, $0xb8;
	[tilespmem:$0x1E800] =	vst v63  }
0x285: {  	s25 =	simm.s32 $0x2700  }
0x286: {  	[spmem:s3] =	stream.indirect.scatter.add.f32 [tilespmem:s17], [sflag:$0x3], $0x80, s25, s20, $0xb8;
	[tilespmem:$0x1E800] =	vst v63  }
0x287: {  	s12 =	simm.s32 $0x2780  }
0x288: {  	[spmem:s3] =	stream.indirect.scatter.add.f32 [tilespmem:s17], [sflag:$0x3], $0x80, s12, s20, $0xb8;
	[tilespmem:$0x1E800] =	vst v63  }
0x289: {  	_ =	swait.ge [sflag:s10], $0x3E80  }
0x28a: {  	[sflag:s10] =	ssyncset.done $0x0  }
0x28b: {  	[sflag:s10] =	ssyncadd.s32 $0xFFFFC180  }
0x28c: {  	_ =	swait.ge [sflag:s10], $0x3E80  }
0x28d: {  	[sflag:s10] =	ssyncset.done $0x0  }
0x28e: {  	[sflag:s10] =	ssyncadd.s32 $0xFFFFC180  }
0x28f: {  	_ =	swait.ge [sflag:s10], $0x3E80  }
0x290: {  	[sflag:s10] =	ssyncset.done $0x0  }
0x291: {  	[sflag:s10] =	ssyncadd.s32 $0xFFFFC180  }
0x292: {  	_ =	swait.ge [sflag:s10], $0x3E80  }
0x293: {  	[sflag:s10] =	ssyncset.done $0x0  }
0x294: {  	[sflag:s10] =	ssyncadd.s32 $0xFFFFC180  }
0x295: {  	_ =	swait.ge [sflag:s10], $0x3E80  }
0x296: {  	[sflag:s10] =	ssyncset.done $0x0  }
0x297: {  	[sflag:s10] =	ssyncadd.s32 $0xFFFFC180  }
0x298: {  	_ =	swait.ge [sflag:s10], $0x3E80  }
0x299: {  	[sflag:s10] =	ssyncset.done $0x0  }
0x29a: {  	[sflag:s10] =	ssyncadd.s32 $0xFFFFC180  }
0x29b: {  	_ =	swait.ge [sflag:s10], $0x3E80  }
0x29c: {  	[sflag:s10] =	ssyncset.done $0x0  }
0x29d: {  	[sflag:s10] =	ssyncadd.s32 $0xFFFFC180  }
0x29e: {  	_ =	swait.ge [sflag:s10], $0x3E80  }
0x29f: {  	[sflag:s10] =	ssyncset.done $0x0  }
0x2a0: {  	[sflag:s10] =	ssyncadd.s32 $0xFFFFC180  }
0x2a1: {  	[bflag:$0x0] =	sbarrier.arrive $0xFFFF  }
0x2a2: {  	s15 =	rddreg [dreg:$0x8]  }
0x2a3: {  	s16 =	rddreg [dreg:$0x11]  }
0x2a4: {  	s30 =	rddreg [dreg:$0x12]  }
0x2a5: {  	[hbm:s15], [sflag:s16] =	dma.local [spmem:s30], $0x2800  }
0x2a6: {  	_ =	swait.ge [sflag:s18], $0x2800  }
0x2a7: {  	s29 =	sadd.s32 $0x1, s29;
	s31 =	rddreg [dreg:$0x9]  }
0x2a8: {  	p0 =	sne.s32 s29, s31  }
.Ltmp5:
0x2a9: {  	s6 =	rddreg [dreg:$0xc];
	(pc) =	sbr.rel @p0 .LBB2_1-.Ltmp5, $4  }
0x2aa: {  	s14 =	rddreg [dreg:$0xe]  }
0x2ab: {  	s15 =	rddreg [dreg:$0xf]  }
0x2ac: {  	[sflag:s18] =	ssyncset.done $0x0;
	s16 =	rddreg [dreg:$0x10]  }
0x2ad: {  	s5 =	simm.s32 $0x1400;
	s7 =	rddreg [dreg:$0xd];
	[sflag:s18] =	ssyncadd.s32 $0xFFFFD800  }
0x2ae: {  	_ =	sfence.sel $0x180000  }
0x2af: {  	[bflag:$0x0] =	sbarrier.arrive $0xFFFF  }
0x2b0: {  	_ =	strace $0x90000047  }
0x2b1: {  	s0 =	stileid.u32;
	[bflag:$0x2] =	sbarrier.arrive $0xFFFF  }
0x2b2: {  	p0 =	sne.s32 s0, $0x0;
	s0 =	rddreg [dreg:$0x4]  }
0x2b3: {  	s0 =	sadd.s32 @!p0 $0x100000, s0  }
0x2b4: {  	[sflag:s0] =	ssyncadd.tile.s32 @!p0 $0x1;
	_ =	shalt  }
.Lfunc_end2:
_tile_overlayer_lowered:
.L_overlay_start_2:
0x2b5: {  	(tag) =	ssettag $0x2  }
0x2b6: {  	s0 =	rddreg [dreg:$0x0];
	s2 =	stileid.u32  }
0x2b7: {  	s1 =	rddreg [dreg:$0x1];
	p0 =	sne.s32 s2, $0x0  }
0x2b8: {  	s3 =	rddreg [dreg:$0x2];
	[bflag:$0x3] =	sbarrier.arrive $0xFFFF;
	s2 =	simm.s32 @!p0 $0x1C04  }
0x2b9: {  	[timem:s3], [sflag:s2] =	dma.local @!p0 [hbm:s0], s1  }
0x2ba: {  	s0 =	simm.s32 @!p0 $0x4  }
0x2bb: {  	_ =	swait.ge @!p0 [sflag:s0], s1  }
0x2bc: {  	s1 =	ssub.s32 @!p0 $0x0, s1;
	[sflag:s0] =	ssyncset.done @!p0 $0x0  }
0x2bd: {  	[sflag:s0] =	ssyncadd.s32 @!p0 s1  }
0x2be: {  	[bflag:$0x3] =	sbarrier.arrive $0xFFFF  }
0x2bf: {  	_ =	shalt  }

</sc_bundles>
